<compile_context>
chip_gen: v7x
topology: tpu7x:2x2x1
jax: 0.10.2.dev20260603
libtpu: 0.0.44.dev20260713+nightly
codegen_flags: <defaults>
</compile_context>

<pallas_src>
import functools

import jax
import jax.numpy as jnp
from jax import lax
from jax.experimental import pallas as pl
from jax.experimental.pallas import tpu as pltpu
from jax.experimental.pallas import tpu_sc as plsc

NC = 2
NS = 16
L = 16
CH = 128


def _ee_body(bpw, d, p, uidx_hbm, iidx_hbm, eu_hbm, ei_hbm, bu_hbm, bi_hbm,
             gm_hbm, out_hbm, uidx_v, iidx_v, upk_v, ipk_v, urows0_v,
             irows0_v, urows1_v, irows1_v, ubias_v, ibias_v, gm_v, out_v,
             bsem, sem0, sem1):
  wid = lax.axis_index("s") * NC + lax.axis_index("c")
  base = wid * bpw
  shift = p.bit_length() - 1
  dshift = d.bit_length() - 1
  nch = bpw // CH

  pltpu.sync_copy(uidx_hbm.at[pl.ds(base, bpw)], uidx_v)
  pltpu.sync_copy(iidx_hbm.at[pl.ds(base, bpw)], iidx_v)
  pltpu.sync_copy(gm_hbm, gm_v)

  cb1 = pltpu.async_copy(bu_hbm.at[uidx_v], ubias_v, bsem)
  cb2 = pltpu.async_copy(bi_hbm.at[iidx_v], ibias_v, bsem)

  def packrow(j, carry):
    s = pl.ds(j * L, L)
    upk_v[s] = lax.shift_right_logical(uidx_v[s], shift)
    ipk_v[s] = lax.shift_right_logical(iidx_v[s], shift)
    return carry

  lax.fori_loop(0, bpw // L, packrow, 0)

  gm = gm_v[...]
  lane = lax.iota(jnp.int32, L)
  submask = jnp.full((L,), p - 1, jnp.int32)
  bufs = ((urows0_v, irows0_v, sem0), (urows1_v, irows1_v, sem1))

  def fire(k):
    urows_v, irows_v, sem = bufs[k % 2]
    cbase = k * CH
    c1 = pltpu.async_copy(eu_hbm.at[upk_v.at[pl.ds(cbase, CH)]], urows_v, sem)
    c2 = pltpu.async_copy(ei_hbm.at[ipk_v.at[pl.ds(cbase, CH)]], irows_v, sem)
    return c1, c2

  def run_chunk(k):
    urows_v, irows_v, _ = bufs[k % 2]
    cbase = k * CH

    def group(g, carry2):
      lbase = cbase + g * L
      uvec = uidx_v[pl.ds(lbase, L)]
      ivec = iidx_v[pl.ds(lbase, L)]
      ucol = lax.shift_left(uvec & submask, dshift)
      icol = lax.shift_left(ivec & submask, dshift)
      row = lane + g * L
      acc = jnp.zeros((L,), jnp.float32)
      for dd in range(d):
        uv = plsc.load_gather(urows_v, [row, ucol + dd])
        iv = plsc.load_gather(irows_v, [row, icol + dd])
        df = uv - iv
        acc = acc + df * df
      accs = jnp.maximum(acc, jnp.float32(1e-30))
      yi = jnp.int32(0x5F3759DF) - lax.shift_right_logical(
          plsc.bitcast(accs, jnp.int32), 1)
      y = plsc.bitcast(yi, jnp.float32)
      for _ in range(3):
        y = y * (jnp.float32(1.5) - jnp.float32(0.5) * accs * y * y)
      dist = acc * y
      ub = ubias_v[pl.ds(lbase, L)]
      ib = ibias_v[pl.ds(lbase, L)]
      x = gm + ub + ib - dist
      out_v[pl.ds(lbase, L)] = jnp.float32(1.0) / (jnp.float32(1.0) +
                                                   jnp.exp(-x))
      return carry2

    lax.fori_loop(0, CH // L, group, 0)

  cb1.wait()
  cb2.wait()
  pending = fire(0)
  for k in range(nch):
    nxt = fire(k + 1) if k + 1 < nch else None
    pending[0].wait()
    pending[1].wait()
    run_chunk(k)
    pending = nxt
  pltpu.sync_copy(out_v, out_hbm.at[pl.ds(base, bpw)])


def kernel(user_indices, item_indices, embedding_user, embedding_item,
           bias_user, bias_item, global_mean=0.0):
  b = user_indices.shape[0]
  nu, d = embedding_user.shape
  ni = embedding_item.shape[0]
  p = 128 // d
  nw = NC * NS
  bpw = b // nw
  uidx = user_indices.astype(jnp.int32)
  iidx = item_indices.astype(jnp.int32)
  eu_pk = embedding_user.reshape(nu // p, d * p)
  ei_pk = embedding_item.reshape(ni // p, d * p)
  gm_arr = jnp.full((L,), global_mean, jnp.float32)

  mesh = plsc.VectorSubcoreMesh(core_axis_name="c", subcore_axis_name="s",
                                num_cores=NC, num_subcores=NS)
  run = pl.kernel(
      functools.partial(_ee_body, bpw, d, p),
      out_type=jax.ShapeDtypeStruct((b,), jnp.float32),
      mesh=mesh,
      compiler_params=pltpu.CompilerParams(needs_layout_passes=False),
      scratch_types=[
          pltpu.VMEM((bpw,), jnp.int32),
          pltpu.VMEM((bpw,), jnp.int32),
          pltpu.VMEM((bpw,), jnp.int32),
          pltpu.VMEM((bpw,), jnp.int32),
          pltpu.VMEM((CH, d * p), jnp.float32),
          pltpu.VMEM((CH, d * p), jnp.float32),
          pltpu.VMEM((CH, d * p), jnp.float32),
          pltpu.VMEM((CH, d * p), jnp.float32),
          pltpu.VMEM((bpw,), jnp.float32),
          pltpu.VMEM((bpw,), jnp.float32),
          pltpu.VMEM((L,), jnp.float32),
          pltpu.VMEM((bpw,), jnp.float32),
          pltpu.SemaphoreType.DMA,
          pltpu.SemaphoreType.DMA,
          pltpu.SemaphoreType.DMA,
      ],
  )
  return run(uidx, iidx, eu_pk, ei_pk,
             bias_user.astype(jnp.float32), bias_item.astype(jnp.float32),
             gm_arr)

# --- scband reference (transcript-rebuilt; emitter-appended) ---
"""Pipeline reference for scband-ee-34308198760677 (READ-ONLY COPY).

The authoritative reference and input builder live on the scoring server;
editing this copy changes nothing except your own understanding.
"""

import jax, jax.numpy as jnp
import numpy as np

NUM_USERS = 1000000
NUM_ITEMS = 100000
LATENT_DIM = 32
BATCH = 16384


def setup_inputs(seed: int = 0) -> dict:
    key = jax.random.key(seed)
    k1, k2, k3, k4, k5, k6 = jax.random.split(key, 6)
    user_indices = jax.random.randint(k1, (BATCH,), 0, NUM_USERS, dtype=jnp.int64 if jax.config.jax_enable_x64 else jnp.int32)
    item_indices = jax.random.randint(k2, (BATCH,), 0, NUM_ITEMS, dtype=jnp.int64 if jax.config.jax_enable_x64 else jnp.int32)
    embedding_user = jax.random.normal(k3, (NUM_USERS, LATENT_DIM), dtype=jnp.float32)
    embedding_item = jax.random.normal(k4, (NUM_ITEMS, LATENT_DIM), dtype=jnp.float32)
    bias_user = jax.random.normal(k5, (NUM_USERS,), dtype=jnp.float32)
    bias_item = jax.random.normal(k6, (NUM_ITEMS,), dtype=jnp.float32)
    return {
        "user_indices": user_indices,
        "item_indices": item_indices,
        "embedding_user": embedding_user,
        "embedding_item": embedding_item,
        "bias_user": bias_user,
        "bias_item": bias_item,
        "global_mean": jnp.asarray(0.0, dtype=jnp.float32),
    }


def reference(user_indices, item_indices, embedding_user, embedding_item, bias_user, bias_item, global_mean=0.0):
    u_emb = jnp.take(embedding_user, user_indices, axis=0)
    i_emb = jnp.take(embedding_item, item_indices, axis=0)
    u_bias = jnp.take(bias_user, user_indices, axis=0)
    i_bias = jnp.take(bias_item, item_indices, axis=0)
    distance = jnp.sqrt(jnp.sum((u_emb - i_emb) ** 2, axis=1))
    rating = global_mean + u_bias + i_bias - distance
    rating = jax.nn.sigmoid(rating)
    return rating

if __name__ == "__main__":
    import jax
    _d = setup_inputs()
    print(jax.jit(kernel)(*tuple(_d.values())))

</pallas_src>

<mosaic_0001>
#map = affine_map<(d0, d1) -> (0)>
#map1 = affine_map<(d0, d1) -> (0, 0)>
module attributes {stable_mosaic.version = 14 : i64} {
  func.func @_ee_body(%arg0: i32, %arg1: i32, %arg2: memref<16384xi32, #tpu.memory_space<hbm>>, %arg3: memref<16384xi32, #tpu.memory_space<hbm>>, %arg4: memref<250000x128xf32, #tpu.memory_space<hbm>>, %arg5: memref<25000x128xf32, #tpu.memory_space<hbm>>, %arg6: memref<1000000xf32, #tpu.memory_space<hbm>>, %arg7: memref<100000xf32, #tpu.memory_space<hbm>>, %arg8: memref<16xf32, #tpu.memory_space<hbm>>, %arg9: memref<16384xf32, #tpu.memory_space<hbm>>, %arg10: memref<512xi32, #tpu.memory_space<vmem>>, %arg11: memref<512xi32, #tpu.memory_space<vmem>>, %arg12: memref<512xi32, #tpu.memory_space<vmem>>, %arg13: memref<512xi32, #tpu.memory_space<vmem>>, %arg14: memref<128x128xf32, #tpu.memory_space<vmem>>, %arg15: memref<128x128xf32, #tpu.memory_space<vmem>>, %arg16: memref<128x128xf32, #tpu.memory_space<vmem>>, %arg17: memref<128x128xf32, #tpu.memory_space<vmem>>, %arg18: memref<512xf32, #tpu.memory_space<vmem>>, %arg19: memref<512xf32, #tpu.memory_space<vmem>>, %arg20: memref<16xf32, #tpu.memory_space<vmem>>, %arg21: memref<512xf32, #tpu.memory_space<vmem>>, %arg22: memref<!tpu.dma_semaphore, #tpu.memory_space<semaphore_mem>>, %arg23: memref<!tpu.dma_semaphore, #tpu.memory_space<semaphore_mem>>, %arg24: memref<!tpu.dma_semaphore, #tpu.memory_space<semaphore_mem>>) attributes {dimension_semantics = [#tpu.dimension_semantics<core_parallel>, #tpu.dimension_semantics<subcore_parallel>], iteration_bounds = array<i64: 2, 16>, scalar_prefetch = 0 : i64, scratch_operands = 15 : i64, tpu.core_type = #tpu.core_type<sc_vector_subcore>, window_params = [{transform_indices = #map}, {transform_indices = #map}, {transform_indices = #map1}, {transform_indices = #map1}, {transform_indices = #map}, {transform_indices = #map}, {transform_indices = #map}, {transform_indices = #map}]} {
    %mul3A = arith.constant 2 : i32
    %mul3A_0 = arith.muli %arg1, %mul3A : i32
    %add3A = arith.addi %mul3A_0, %arg0 : i32
    %mul3A_1 = arith.constant 512 : i32
    %mul3A_2 = arith.muli %add3A, %mul3A_1 : i32
    "tpu.region"() ({
      %run_scoped3A = tpu.sem_alloc : memref<!tpu.dma_semaphore, #tpu.memory_space<semaphore_mem>>
      %dma_start3A_120 = tpu.memref_slice %arg2[%mul3A_2] : memref<16384xi32, #tpu.memory_space<hbm>> -> memref<512xi32, #tpu.memory_space<hbm>>
      %dma_start3A_121 = tpu.memref_slice %arg2[%mul3A_2] : memref<16384xi32, #tpu.memory_space<hbm>> -> memref<512xi32, #tpu.memory_space<hbm>>
      tpu.enqueue_dma source(%dma_start3A_121 : memref<512xi32, #tpu.memory_space<hbm>>) target(%arg10 : memref<512xi32, #tpu.memory_space<vmem>>) target_semaphore(%run_scoped3A : memref<!tpu.dma_semaphore, #tpu.memory_space<semaphore_mem>>)
      %dma_wait3A_122 = tpu.memref_slice %arg2[%mul3A_2] : memref<16384xi32, #tpu.memory_space<hbm>> -> memref<512xi32, #tpu.memory_space<hbm>>
      %dma_wait3A_123 = tpu.memref_slice %arg2[%mul3A_2] : memref<16384xi32, #tpu.memory_space<hbm>> -> memref<512xi32, #tpu.memory_space<hbm>>
      tpu.wait_dma2 semaphore(%run_scoped3A : memref<!tpu.dma_semaphore, #tpu.memory_space<semaphore_mem>>) src(%dma_wait3A_123 : memref<512xi32, #tpu.memory_space<hbm>>) dst(%arg10 : memref<512xi32, #tpu.memory_space<vmem>>)
      tpu.yield
    }) : () -> ()
    "tpu.region"() ({
      %run_scoped3A = tpu.sem_alloc : memref<!tpu.dma_semaphore, #tpu.memory_space<semaphore_mem>>
      %dma_start3A_120 = tpu.memref_slice %arg3[%mul3A_2] : memref<16384xi32, #tpu.memory_space<hbm>> -> memref<512xi32, #tpu.memory_space<hbm>>
      %dma_start3A_121 = tpu.memref_slice %arg3[%mul3A_2] : memref<16384xi32, #tpu.memory_space<hbm>> -> memref<512xi32, #tpu.memory_space<hbm>>
      tpu.enqueue_dma source(%dma_start3A_121 : memref<512xi32, #tpu.memory_space<hbm>>) target(%arg11 : memref<512xi32, #tpu.memory_space<vmem>>) target_semaphore(%run_scoped3A : memref<!tpu.dma_semaphore, #tpu.memory_space<semaphore_mem>>)
      %dma_wait3A_122 = tpu.memref_slice %arg3[%mul3A_2] : memref<16384xi32, #tpu.memory_space<hbm>> -> memref<512xi32, #tpu.memory_space<hbm>>
      %dma_wait3A_123 = tpu.memref_slice %arg3[%mul3A_2] : memref<16384xi32, #tpu.memory_space<hbm>> -> memref<512xi32, #tpu.memory_space<hbm>>
      tpu.wait_dma2 semaphore(%run_scoped3A : memref<!tpu.dma_semaphore, #tpu.memory_space<semaphore_mem>>) src(%dma_wait3A_123 : memref<512xi32, #tpu.memory_space<hbm>>) dst(%arg11 : memref<512xi32, #tpu.memory_space<vmem>>)
      tpu.yield
    }) : () -> ()
    "tpu.region"() ({
      %run_scoped3A = tpu.sem_alloc : memref<!tpu.dma_semaphore, #tpu.memory_space<semaphore_mem>>
      tpu.enqueue_dma source(%arg8 : memref<16xf32, #tpu.memory_space<hbm>>) target(%arg20 : memref<16xf32, #tpu.memory_space<vmem>>) target_semaphore(%run_scoped3A : memref<!tpu.dma_semaphore, #tpu.memory_space<semaphore_mem>>)
      tpu.wait_dma2 semaphore(%run_scoped3A : memref<!tpu.dma_semaphore, #tpu.memory_space<semaphore_mem>>) src(%arg8 : memref<16xf32, #tpu.memory_space<hbm>>) dst(%arg20 : memref<16xf32, #tpu.memory_space<vmem>>)
      tpu.yield
    }) : () -> ()
    %dma_start3A = arith.constant 0 : i32
    %dma_start3A_3 = tpu.memref_slice %arg6[%dma_start3A] : memref<1000000xf32, #tpu.memory_space<hbm>> -> memref<1000000xf32, #tpu.memory_space<hbm>>
    tpu.enqueue_indirect_dma source(%dma_start3A_3 : memref<1000000xf32, #tpu.memory_space<hbm>>) target(%arg18 : memref<512xf32, #tpu.memory_space<vmem>>) offsets(%arg10 : memref<512xi32, #tpu.memory_space<vmem>>) semaphore(%arg22 : memref<!tpu.dma_semaphore, #tpu.memory_space<semaphore_mem>>)
    %dma_start3A_4 = arith.constant 0 : i32
    %dma_start3A_5 = tpu.memref_slice %arg7[%dma_start3A_4] : memref<100000xf32, #tpu.memory_space<hbm>> -> memref<100000xf32, #tpu.memory_space<hbm>>
    tpu.enqueue_indirect_dma source(%dma_start3A_5 : memref<100000xf32, #tpu.memory_space<hbm>>) target(%arg19 : memref<512xf32, #tpu.memory_space<vmem>>) offsets(%arg11 : memref<512xi32, #tpu.memory_space<vmem>>) semaphore(%arg22 : memref<!tpu.dma_semaphore, #tpu.memory_space<semaphore_mem>>)
    %scan3A = arith.constant 0 : i32
    %scan3A_6 = arith.constant 0 : i32
    %scan3A_7 = arith.constant 32 : i32
    %scan3A_8 = arith.addi %scan3A_6, %scan3A_7 : i32
    %scan3A_9 = arith.constant 1 : i32
    scf.for %scan3A_120 = %scan3A_6 to %scan3A_8 step %scan3A_9  : i32 {
      %mul3A_121 = arith.constant 16 : i32
      %mul3A_122 = arith.muli %scan3A_120, %mul3A_121 : i32
      %get3A_123 = arith.index_cast %mul3A_122 : i32 to index
      %get3A_124 = tpu.vector_load %arg10[%get3A_123] {strides = array<i32>} : memref<512xi32, #tpu.memory_space<vmem>>, vector<16xi32>,
      %shift_right_logical3A = arith.constant 2 : i32
      %shift_right_logical3A_125 = vector.broadcast %shift_right_logical3A : i32 to vector<16xi32>
      %shift_right_logical3A_126 = arith.shrui %get3A_124, %shift_right_logical3A_125 : vector<16xi32>
      %swap3A = arith.index_cast %mul3A_122 : i32 to index
      %swap3A_127 = tpu.vector_load %arg12[%swap3A] {strides = array<i32>} : memref<512xi32, #tpu.memory_space<vmem>>, vector<16xi32>,
      tpu.vector_store %arg12[%swap3A], %shift_right_logical3A_126 {strides = array<i32>} : memref<512xi32, #tpu.memory_space<vmem>>, vector<16xi32>,
      %get3A_128 = arith.index_cast %mul3A_122 : i32 to index
      %get3A_129 = tpu.vector_load %arg11[%get3A_128] {strides = array<i32>} : memref<512xi32, #tpu.memory_space<vmem>>, vector<16xi32>,
      %shift_right_logical3A_130 = arith.constant 2 : i32
      %shift_right_logical3A_131 = vector.broadcast %shift_right_logical3A_130 : i32 to vector<16xi32>
      %shift_right_logical3A_132 = arith.shrui %get3A_129, %shift_right_logical3A_131 : vector<16xi32>
      %swap3A_133 = arith.index_cast %mul3A_122 : i32 to index
      %swap3A_134 = tpu.vector_load %arg13[%swap3A_133] {strides = array<i32>} : memref<512xi32, #tpu.memory_space<vmem>>, vector<16xi32>,
      tpu.vector_store %arg13[%swap3A_133], %shift_right_logical3A_132 {strides = array<i32>} : memref<512xi32, #tpu.memory_space<vmem>>, vector<16xi32>,
    }
    %scan3A_10 = arith.constant 32 : i32
    %get3A = arith.constant 0 : index
    %get3A_11 = tpu.vector_load %arg20[%get3A] {strides = array<i32>} : memref<16xf32, #tpu.memory_space<vmem>>, vector<16xf32>,
    %iota3A = tpu.iota {dimensions = array<i32: 0>} : vector<16xi32>
    %broadcast_in_dim3A = arith.constant 3 : i32
    %broadcast_in_dim3A_12 = vector.broadcast %broadcast_in_dim3A : i32 to vector<16xi32>
    %dma_wait3A = arith.constant 0 : i32
    %dma_wait3A_13 = tpu.memref_slice %arg6[%dma_wait3A] : memref<1000000xf32, #tpu.memory_space<hbm>> -> memref<1000000xf32, #tpu.memory_space<hbm>>
    tpu.wait_indirect_dma semaphore(%arg22 : memref<!tpu.dma_semaphore, #tpu.memory_space<semaphore_mem>>) src(%dma_wait3A_13 : memref<1000000xf32, #tpu.memory_space<hbm>>) dst(%arg18 : memref<512xf32, #tpu.memory_space<vmem>>)
    %dma_wait3A_14 = arith.constant 0 : i32
    %dma_wait3A_15 = tpu.memref_slice %arg7[%dma_wait3A_14] : memref<100000xf32, #tpu.memory_space<hbm>> -> memref<100000xf32, #tpu.memory_space<hbm>>
    tpu.wait_indirect_dma semaphore(%arg22 : memref<!tpu.dma_semaphore, #tpu.memory_space<semaphore_mem>>) src(%dma_wait3A_15 : memref<100000xf32, #tpu.memory_space<hbm>>) dst(%arg19 : memref<512xf32, #tpu.memory_space<vmem>>)
    %dma_start3A_16 = arith.constant 0 : i32
    %dma_start3A_17 = tpu.memref_slice %arg12[%dma_start3A_16] : memref<512xi32, #tpu.memory_space<vmem>> -> memref<128xi32, #tpu.memory_space<vmem>>
    %dma_start3A_18 = arith.constant 0 : i32
    %dma_start3A_19 = arith.constant 0 : i32
    %dma_start3A_20 = tpu.memref_slice %arg4[%dma_start3A_18, %dma_start3A_19] : memref<250000x128xf32, #tpu.memory_space<hbm>> -> memref<250000x128xf32, #tpu.memory_space<hbm>>
    tpu.enqueue_indirect_dma source(%dma_start3A_20 : memref<250000x128xf32, #tpu.memory_space<hbm>>) target(%arg14 : memref<128x128xf32, #tpu.memory_space<vmem>>) offsets(%dma_start3A_17 : memref<128xi32, #tpu.memory_space<vmem>>) semaphore(%arg23 : memref<!tpu.dma_semaphore, #tpu.memory_space<semaphore_mem>>)
    %dma_start3A_21 = arith.constant 0 : i32
    %dma_start3A_22 = tpu.memref_slice %arg13[%dma_start3A_21] : memref<512xi32, #tpu.memory_space<vmem>> -> memref<128xi32, #tpu.memory_space<vmem>>
    %dma_start3A_23 = arith.constant 0 : i32
    %dma_start3A_24 = arith.constant 0 : i32
    %dma_start3A_25 = tpu.memref_slice %arg5[%dma_start3A_23, %dma_start3A_24] : memref<25000x128xf32, #tpu.memory_space<hbm>> -> memref<25000x128xf32, #tpu.memory_space<hbm>>
    tpu.enqueue_indirect_dma source(%dma_start3A_25 : memref<25000x128xf32, #tpu.memory_space<hbm>>) target(%arg15 : memref<128x128xf32, #tpu.memory_space<vmem>>) offsets(%dma_start3A_22 : memref<128xi32, #tpu.memory_space<vmem>>) semaphore(%arg23 : memref<!tpu.dma_semaphore, #tpu.memory_space<semaphore_mem>>)
    %dma_start3A_26 = arith.constant 128 : i32
    %dma_start3A_27 = tpu.memref_slice %arg12[%dma_start3A_26] : memref<512xi32, #tpu.memory_space<vmem>> -> memref<128xi32, #tpu.memory_space<vmem>>
    %dma_start3A_28 = arith.constant 0 : i32
    %dma_start3A_29 = arith.constant 0 : i32
    %dma_start3A_30 = tpu.memref_slice %arg4[%dma_start3A_28, %dma_start3A_29] : memref<250000x128xf32, #tpu.memory_space<hbm>> -> memref<250000x128xf32, #tpu.memory_space<hbm>>
    tpu.enqueue_indirect_dma source(%dma_start3A_30 : memref<250000x128xf32, #tpu.memory_space<hbm>>) target(%arg16 : memref<128x128xf32, #tpu.memory_space<vmem>>) offsets(%dma_start3A_27 : memref<128xi32, #tpu.memory_space<vmem>>) semaphore(%arg24 : memref<!tpu.dma_semaphore, #tpu.memory_space<semaphore_mem>>)
    %dma_start3A_31 = arith.constant 128 : i32
    %dma_start3A_32 = tpu.memref_slice %arg13[%dma_start3A_31] : memref<512xi32, #tpu.memory_space<vmem>> -> memref<128xi32, #tpu.memory_space<vmem>>
    %dma_start3A_33 = arith.constant 0 : i32
    %dma_start3A_34 = arith.constant 0 : i32
    %dma_start3A_35 = tpu.memref_slice %arg5[%dma_start3A_33, %dma_start3A_34] : memref<25000x128xf32, #tpu.memory_space<hbm>> -> memref<25000x128xf32, #tpu.memory_space<hbm>>
    tpu.enqueue_indirect_dma source(%dma_start3A_35 : memref<25000x128xf32, #tpu.memory_space<hbm>>) target(%arg17 : memref<128x128xf32, #tpu.memory_space<vmem>>) offsets(%dma_start3A_32 : memref<128xi32, #tpu.memory_space<vmem>>) semaphore(%arg24 : memref<!tpu.dma_semaphore, #tpu.memory_space<semaphore_mem>>)
    %dma_wait3A_36 = arith.constant 0 : i32
    %dma_wait3A_37 = tpu.memref_slice %arg12[%dma_wait3A_36] : memref<512xi32, #tpu.memory_space<vmem>> -> memref<128xi32, #tpu.memory_space<vmem>>
    %dma_wait3A_38 = arith.constant 0 : i32
    %dma_wait3A_39 = arith.constant 0 : i32
    %dma_wait3A_40 = tpu.memref_slice %arg4[%dma_wait3A_38, %dma_wait3A_39] : memref<250000x128xf32, #tpu.memory_space<hbm>> -> memref<250000x128xf32, #tpu.memory_space<hbm>>
    tpu.wait_indirect_dma semaphore(%arg23 : memref<!tpu.dma_semaphore, #tpu.memory_space<semaphore_mem>>) src(%dma_wait3A_40 : memref<250000x128xf32, #tpu.memory_space<hbm>>) dst(%arg14 : memref<128x128xf32, #tpu.memory_space<vmem>>)
    %dma_wait3A_41 = arith.constant 0 : i32
    %dma_wait3A_42 = tpu.memref_slice %arg13[%dma_wait3A_41] : memref<512xi32, #tpu.memory_space<vmem>> -> memref<128xi32, #tpu.memory_space<vmem>>
    %dma_wait3A_43 = arith.constant 0 : i32
    %dma_wait3A_44 = arith.constant 0 : i32
    %dma_wait3A_45 = tpu.memref_slice %arg5[%dma_wait3A_43, %dma_wait3A_44] : memref<25000x128xf32, #tpu.memory_space<hbm>> -> memref<25000x128xf32, #tpu.memory_space<hbm>>
    tpu.wait_indirect_dma semaphore(%arg23 : memref<!tpu.dma_semaphore, #tpu.memory_space<semaphore_mem>>) src(%dma_wait3A_45 : memref<25000x128xf32, #tpu.memory_space<hbm>>) dst(%arg15 : memref<128x128xf32, #tpu.memory_space<vmem>>)
    %scan3A_46 = arith.constant 0 : i32
    %scan3A_47 = arith.constant 0 : i32
    %scan3A_48 = arith.constant 8 : i32
    %scan3A_49 = arith.addi %scan3A_47, %scan3A_48 : i32
    %scan3A_50 = arith.constant 1 : i32
    scf.for %scan3A_120 = %scan3A_47 to %scan3A_49 step %scan3A_50  : i32 {
      %mul3A_121 = arith.constant 16 : i32
      %mul3A_122 = arith.muli %scan3A_120, %mul3A_121 : i32
      %add3A_123 = arith.constant 0 : i32
      %add3A_124 = arith.addi %add3A_123, %mul3A_122 : i32
      %get3A_125 = arith.index_cast %add3A_124 : i32 to index
      %get3A_126 = tpu.vector_load %arg10[%get3A_125] {strides = array<i32>} : memref<512xi32, #tpu.memory_space<vmem>>, vector<16xi32>,
      %get3A_127 = arith.index_cast %add3A_124 : i32 to index
      %get3A_128 = tpu.vector_load %arg11[%get3A_127] {strides = array<i32>} : memref<512xi32, #tpu.memory_space<vmem>>, vector<16xi32>,
      %and3A = arith.andi %get3A_126, %broadcast_in_dim3A_12 : vector<16xi32>
      %shift_left3A = arith.constant 5 : i32
      %shift_left3A_129 = vector.broadcast %shift_left3A : i32 to vector<16xi32>
      %shift_left3A_130 = arith.shli %and3A, %shift_left3A_129 : vector<16xi32>
      %and3A_131 = arith.andi %get3A_128, %broadcast_in_dim3A_12 : vector<16xi32>
      %shift_left3A_132 = arith.constant 5 : i32
      %shift_left3A_133 = vector.broadcast %shift_left3A_132 : i32 to vector<16xi32>
      %shift_left3A_134 = arith.shli %and3A_131, %shift_left3A_133 : vector<16xi32>
      %mul3A_135 = arith.constant 16 : i32
      %mul3A_136 = arith.muli %scan3A_120, %mul3A_135 : i32
      %add3A_137 = vector.broadcast %mul3A_136 : i32 to vector<16xi32>
      %add3A_138 = arith.addi %iota3A, %add3A_137 : vector<16xi32>
      %broadcast_in_dim3A_139 = arith.constant 0.000000e+00 : f32
      %broadcast_in_dim3A_140 = vector.broadcast %broadcast_in_dim3A_139 : f32 to vector<16xf32>
      %add3A_141 = arith.constant 0 : i32
      %add3A_142 = vector.broadcast %add3A_141 : i32 to vector<16xi32>
      %add3A_143 = arith.addi %shift_left3A_130, %add3A_142 : vector<16xi32>
      %gather3A = tpu.vector_load_idx %arg14[%add3A_138, %add3A_143] : memref<128x128xf32, #tpu.memory_space<vmem>>[vector<16xi32>, vector<16xi32>], vector<16xf32>,
      %add3A_144 = arith.constant 0 : i32
      %add3A_145 = vector.broadcast %add3A_144 : i32 to vector<16xi32>
      %add3A_146 = arith.addi %shift_left3A_134, %add3A_145 : vector<16xi32>
      %gather3A_147 = tpu.vector_load_idx %arg15[%add3A_138, %add3A_146] : memref<128x128xf32, #tpu.memory_space<vmem>>[vector<16xi32>, vector<16xi32>], vector<16xf32>,
      %sub3A = arith.subf %gather3A, %gather3A_147 : vector<16xf32>
      %mul3A_148 = arith.mulf %sub3A, %sub3A : vector<16xf32>
      %add3A_149 = arith.addf %broadcast_in_dim3A_140, %mul3A_148 : vector<16xf32>
      %add3A_150 = arith.constant 1 : i32
      %add3A_151 = vector.broadcast %add3A_150 : i32 to vector<16xi32>
      %add3A_152 = arith.addi %shift_left3A_130, %add3A_151 : vector<16xi32>
      %gather3A_153 = tpu.vector_load_idx %arg14[%add3A_138, %add3A_152] : memref<128x128xf32, #tpu.memory_space<vmem>>[vector<16xi32>, vector<16xi32>], vector<16xf32>,
      %add3A_154 = arith.constant 1 : i32
      %add3A_155 = vector.broadcast %add3A_154 : i32 to vector<16xi32>
      %add3A_156 = arith.addi %shift_left3A_134, %add3A_155 : vector<16xi32>
      %gather3A_157 = tpu.vector_load_idx %arg15[%add3A_138, %add3A_156] : memref<128x128xf32, #tpu.memory_space<vmem>>[vector<16xi32>, vector<16xi32>], vector<16xf32>,
      %sub3A_158 = arith.subf %gather3A_153, %gather3A_157 : vector<16xf32>
      %mul3A_159 = arith.mulf %sub3A_158, %sub3A_158 : vector<16xf32>
      %add3A_160 = arith.addf %add3A_149, %mul3A_159 : vector<16xf32>
      %add3A_161 = arith.constant 2 : i32
      %add3A_162 = vector.broadcast %add3A_161 : i32 to vector<16xi32>
      %add3A_163 = arith.addi %shift_left3A_130, %add3A_162 : vector<16xi32>
      %gather3A_164 = tpu.vector_load_idx %arg14[%add3A_138, %add3A_163] : memref<128x128xf32, #tpu.memory_space<vmem>>[vector<16xi32>, vector<16xi32>], vector<16xf32>,
      %add3A_165 = arith.constant 2 : i32
      %add3A_166 = vector.broadcast %add3A_165 : i32 to vector<16xi32>
      %add3A_167 = arith.addi %shift_left3A_134, %add3A_166 : vector<16xi32>
      %gather3A_168 = tpu.vector_load_idx %arg15[%add3A_138, %add3A_167] : memref<128x128xf32, #tpu.memory_space<vmem>>[vector<16xi32>, vector<16xi32>], vector<16xf32>,
      %sub3A_169 = arith.subf %gather3A_164, %gather3A_168 : vector<16xf32>
      %mul3A_170 = arith.mulf %sub3A_169, %sub3A_169 : vector<16xf32>
      %add3A_171 = arith.addf %add3A_160, %mul3A_170 : vector<16xf32>
      %add3A_172 = arith.constant 3 : i32
      %add3A_173 = vector.broadcast %add3A_172 : i32 to vector<16xi32>
      %add3A_174 = arith.addi %shift_left3A_130, %add3A_173 : vector<16xi32>
      %gather3A_175 = tpu.vector_load_idx %arg14[%add3A_138, %add3A_174] : memref<128x128xf32, #tpu.memory_space<vmem>>[vector<16xi32>, vector<16xi32>], vector<16xf32>,
      %add3A_176 = arith.constant 3 : i32
      %add3A_177 = vector.broadcast %add3A_176 : i32 to vector<16xi32>
      %add3A_178 = arith.addi %shift_left3A_134, %add3A_177 : vector<16xi32>
      %gather3A_179 = tpu.vector_load_idx %arg15[%add3A_138, %add3A_178] : memref<128x128xf32, #tpu.memory_space<vmem>>[vector<16xi32>, vector<16xi32>], vector<16xf32>,
      %sub3A_180 = arith.subf %gather3A_175, %gather3A_179 : vector<16xf32>
      %mul3A_181 = arith.mulf %sub3A_180, %sub3A_180 : vector<16xf32>
      %add3A_182 = arith.addf %add3A_171, %mul3A_181 : vector<16xf32>
      %add3A_183 = arith.constant 4 : i32
      %add3A_184 = vector.broadcast %add3A_183 : i32 to vector<16xi32>
      %add3A_185 = arith.addi %shift_left3A_130, %add3A_184 : vector<16xi32>
      %gather3A_186 = tpu.vector_load_idx %arg14[%add3A_138, %add3A_185] : memref<128x128xf32, #tpu.memory_space<vmem>>[vector<16xi32>, vector<16xi32>], vector<16xf32>,
      %add3A_187 = arith.constant 4 : i32
      %add3A_188 = vector.broadcast %add3A_187 : i32 to vector<16xi32>
      %add3A_189 = arith.addi %shift_left3A_134, %add3A_188 : vector<16xi32>
      %gather3A_190 = tpu.vector_load_idx %arg15[%add3A_138, %add3A_189] : memref<128x128xf32, #tpu.memory_space<vmem>>[vector<16xi32>, vector<16xi32>], vector<16xf32>,
      %sub3A_191 = arith.subf %gather3A_186, %gather3A_190 : vector<16xf32>
      %mul3A_192 = arith.mulf %sub3A_191, %sub3A_191 : vector<16xf32>
      %add3A_193 = arith.addf %add3A_182, %mul3A_192 : vector<16xf32>
      %add3A_194 = arith.constant 5 : i32
      %add3A_195 = vector.broadcast %add3A_194 : i32 to vector<16xi32>
      %add3A_196 = arith.addi %shift_left3A_130, %add3A_195 : vector<16xi32>
      %gather3A_197 = tpu.vector_load_idx %arg14[%add3A_138, %add3A_196] : memref<128x128xf32, #tpu.memory_space<vmem>>[vector<16xi32>, vector<16xi32>], vector<16xf32>,
      %add3A_198 = arith.constant 5 : i32
      %add3A_199 = vector.broadcast %add3A_198 : i32 to vector<16xi32>
      %add3A_200 = arith.addi %shift_left3A_134, %add3A_199 : vector<16xi32>
      %gather3A_201 = tpu.vector_load_idx %arg15[%add3A_138, %add3A_200] : memref<128x128xf32, #tpu.memory_space<vmem>>[vector<16xi32>, vector<16xi32>], vector<16xf32>,
      %sub3A_202 = arith.subf %gather3A_197, %gather3A_201 : vector<16xf32>
      %mul3A_203 = arith.mulf %sub3A_202, %sub3A_202 : vector<16xf32>
      %add3A_204 = arith.addf %add3A_193, %mul3A_203 : vector<16xf32>
      %add3A_205 = arith.constant 6 : i32
      %add3A_206 = vector.broadcast %add3A_205 : i32 to vector<16xi32>
      %add3A_207 = arith.addi %shift_left3A_130, %add3A_206 : vector<16xi32>
      %gather3A_208 = tpu.vector_load_idx %arg14[%add3A_138, %add3A_207] : memref<128x128xf32, #tpu.memory_space<vmem>>[vector<16xi32>, vector<16xi32>], vector<16xf32>,
      %add3A_209 = arith.constant 6 : i32
      %add3A_210 = vector.broadcast %add3A_209 : i32 to vector<16xi32>
      %add3A_211 = arith.addi %shift_left3A_134, %add3A_210 : vector<16xi32>
      %gather3A_212 = tpu.vector_load_idx %arg15[%add3A_138, %add3A_211] : memref<128x128xf32, #tpu.memory_space<vmem>>[vector<16xi32>, vector<16xi32>], vector<16xf32>,
      %sub3A_213 = arith.subf %gather3A_208, %gather3A_212 : vector<16xf32>
      %mul3A_214 = arith.mulf %sub3A_213, %sub3A_213 : vector<16xf32>
      %add3A_215 = arith.addf %add3A_204, %mul3A_214 : vector<16xf32>
      %add3A_216 = arith.constant 7 : i32
      %add3A_217 = vector.broadcast %add3A_216 : i32 to vector<16xi32>
      %add3A_218 = arith.addi %shift_left3A_130, %add3A_217 : vector<16xi32>
      %gather3A_219 = tpu.vector_load_idx %arg14[%add3A_138, %add3A_218] : memref<128x128xf32, #tpu.memory_space<vmem>>[vector<16xi32>, vector<16xi32>], vector<16xf32>,
      %add3A_220 = arith.constant 7 : i32
      %add3A_221 = vector.broadcast %add3A_220 : i32 to vector<16xi32>
      %add3A_222 = arith.addi %shift_left3A_134, %add3A_221 : vector<16xi32>
      %gather3A_223 = tpu.vector_load_idx %arg15[%add3A_138, %add3A_222] : memref<128x128xf32, #tpu.memory_space<vmem>>[vector<16xi32>, vector<16xi32>], vector<16xf32>,
      %sub3A_224 = arith.subf %gather3A_219, %gather3A_223 : vector<16xf32>
      %mul3A_225 = arith.mulf %sub3A_224, %sub3A_224 : vector<16xf32>
      %add3A_226 = arith.addf %add3A_215, %mul3A_225 : vector<16xf32>
      %add3A_227 = arith.constant 8 : i32
      %add3A_228 = vector.broadcast %add3A_227 : i32 to vector<16xi32>
      %add3A_229 = arith.addi %shift_left3A_130, %add3A_228 : vector<16xi32>
      %gather3A_230 = tpu.vector_load_idx %arg14[%add3A_138, %add3A_229] : memref<128x128xf32, #tpu.memory_space<vmem>>[vector<16xi32>, vector<16xi32>], vector<16xf32>,
      %add3A_231 = arith.constant 8 : i32
      %add3A_232 = vector.broadcast %add3A_231 : i32 to vector<16xi32>
      %add3A_233 = arith.addi %shift_left3A_134, %add3A_232 : vector<16xi32>
      %gather3A_234 = tpu.vector_load_idx %arg15[%add3A_138, %add3A_233] : memref<128x128xf32, #tpu.memory_space<vmem>>[vector<16xi32>, vector<16xi32>], vector<16xf32>,
      %sub3A_235 = arith.subf %gather3A_230, %gather3A_234 : vector<16xf32>
      %mul3A_236 = arith.mulf %sub3A_235, %sub3A_235 : vector<16xf32>
      %add3A_237 = arith.addf %add3A_226, %mul3A_236 : vector<16xf32>
      %add3A_238 = arith.constant 9 : i32
      %add3A_239 = vector.broadcast %add3A_238 : i32 to vector<16xi32>
      %add3A_240 = arith.addi %shift_left3A_130, %add3A_239 : vector<16xi32>
      %gather3A_241 = tpu.vector_load_idx %arg14[%add3A_138, %add3A_240] : memref<128x128xf32, #tpu.memory_space<vmem>>[vector<16xi32>, vector<16xi32>], vector<16xf32>,
      %add3A_242 = arith.constant 9 : i32
      %add3A_243 = vector.broadcast %add3A_242 : i32 to vector<16xi32>
      %add3A_244 = arith.addi %shift_left3A_134, %add3A_243 : vector<16xi32>
      %gather3A_245 = tpu.vector_load_idx %arg15[%add3A_138, %add3A_244] : memref<128x128xf32, #tpu.memory_space<vmem>>[vector<16xi32>, vector<16xi32>], vector<16xf32>,
      %sub3A_246 = arith.subf %gather3A_241, %gather3A_245 : vector<16xf32>
      %mul3A_247 = arith.mulf %sub3A_246, %sub3A_246 : vector<16xf32>
      %add3A_248 = arith.addf %add3A_237, %mul3A_247 : vector<16xf32>
      %add3A_249 = arith.constant 10 : i32
      %add3A_250 = vector.broadcast %add3A_249 : i32 to vector<16xi32>
      %add3A_251 = arith.addi %shift_left3A_130, %add3A_250 : vector<16xi32>
      %gather3A_252 = tpu.vector_load_idx %arg14[%add3A_138, %add3A_251] : memref<128x128xf32, #tpu.memory_space<vmem>>[vector<16xi32>, vector<16xi32>], vector<16xf32>,
      %add3A_253 = arith.constant 10 : i32
      %add3A_254 = vector.broadcast %add3A_253 : i32 to vector<16xi32>
      %add3A_255 = arith.addi %shift_left3A_134, %add3A_254 : vector<16xi32>
      %gather3A_256 = tpu.vector_load_idx %arg15[%add3A_138, %add3A_255] : memref<128x128xf32, #tpu.memory_space<vmem>>[vector<16xi32>, vector<16xi32>], vector<16xf32>,
      %sub3A_257 = arith.subf %gather3A_252, %gather3A_256 : vector<16xf32>
      %mul3A_258 = arith.mulf %sub3A_257, %sub3A_257 : vector<16xf32>
      %add3A_259 = arith.addf %add3A_248, %mul3A_258 : vector<16xf32>
      %add3A_260 = arith.constant 11 : i32
      %add3A_261 = vector.broadcast %add3A_260 : i32 to vector<16xi32>
      %add3A_262 = arith.addi %shift_left3A_130, %add3A_261 : vector<16xi32>
      %gather3A_263 = tpu.vector_load_idx %arg14[%add3A_138, %add3A_262] : memref<128x128xf32, #tpu.memory_space<vmem>>[vector<16xi32>, vector<16xi32>], vector<16xf32>,
      %add3A_264 = arith.constant 11 : i32
      %add3A_265 = vector.broadcast %add3A_264 : i32 to vector<16xi32>
      %add3A_266 = arith.addi %shift_left3A_134, %add3A_265 : vector<16xi32>
      %gather3A_267 = tpu.vector_load_idx %arg15[%add3A_138, %add3A_266] : memref<128x128xf32, #tpu.memory_space<vmem>>[vector<16xi32>, vector<16xi32>], vector<16xf32>,
      %sub3A_268 = arith.subf %gather3A_263, %gather3A_267 : vector<16xf32>
      %mul3A_269 = arith.mulf %sub3A_268, %sub3A_268 : vector<16xf32>
      %add3A_270 = arith.addf %add3A_259, %mul3A_269 : vector<16xf32>
      %add3A_271 = arith.constant 12 : i32
      %add3A_272 = vector.broadcast %add3A_271 : i32 to vector<16xi32>
      %add3A_273 = arith.addi %shift_left3A_130, %add3A_272 : vector<16xi32>
      %gather3A_274 = tpu.vector_load_idx %arg14[%add3A_138, %add3A_273] : memref<128x128xf32, #tpu.memory_space<vmem>>[vector<16xi32>, vector<16xi32>], vector<16xf32>,
      %add3A_275 = arith.constant 12 : i32
      %add3A_276 = vector.broadcast %add3A_275 : i32 to vector<16xi32>
      %add3A_277 = arith.addi %shift_left3A_134, %add3A_276 : vector<16xi32>
      %gather3A_278 = tpu.vector_load_idx %arg15[%add3A_138, %add3A_277] : memref<128x128xf32, #tpu.memory_space<vmem>>[vector<16xi32>, vector<16xi32>], vector<16xf32>,
      %sub3A_279 = arith.subf %gather3A_274, %gather3A_278 : vector<16xf32>
      %mul3A_280 = arith.mulf %sub3A_279, %sub3A_279 : vector<16xf32>
      %add3A_281 = arith.addf %add3A_270, %mul3A_280 : vector<16xf32>
      %add3A_282 = arith.constant 13 : i32
      %add3A_283 = vector.broadcast %add3A_282 : i32 to vector<16xi32>
      %add3A_284 = arith.addi %shift_left3A_130, %add3A_283 : vector<16xi32>
      %gather3A_285 = tpu.vector_load_idx %arg14[%add3A_138, %add3A_284] : memref<128x128xf32, #tpu.memory_space<vmem>>[vector<16xi32>, vector<16xi32>], vector<16xf32>,
      %add3A_286 = arith.constant 13 : i32
      %add3A_287 = vector.broadcast %add3A_286 : i32 to vector<16xi32>
      %add3A_288 = arith.addi %shift_left3A_134, %add3A_287 : vector<16xi32>
      %gather3A_289 = tpu.vector_load_idx %arg15[%add3A_138, %add3A_288] : memref<128x128xf32, #tpu.memory_space<vmem>>[vector<16xi32>, vector<16xi32>], vector<16xf32>,
      %sub3A_290 = arith.subf %gather3A_285, %gather3A_289 : vector<16xf32>
      %mul3A_291 = arith.mulf %sub3A_290, %sub3A_290 : vector<16xf32>
      %add3A_292 = arith.addf %add3A_281, %mul3A_291 : vector<16xf32>
      %add3A_293 = arith.constant 14 : i32
      %add3A_294 = vector.broadcast %add3A_293 : i32 to vector<16xi32>
      %add3A_295 = arith.addi %shift_left3A_130, %add3A_294 : vector<16xi32>
      %gather3A_296 = tpu.vector_load_idx %arg14[%add3A_138, %add3A_295] : memref<128x128xf32, #tpu.memory_space<vmem>>[vector<16xi32>, vector<16xi32>], vector<16xf32>,
      %add3A_297 = arith.constant 14 : i32
      %add3A_298 = vector.broadcast %add3A_297 : i32 to vector<16xi32>
      %add3A_299 = arith.addi %shift_left3A_134, %add3A_298 : vector<16xi32>
      %gather3A_300 = tpu.vector_load_idx %arg15[%add3A_138, %add3A_299] : memref<128x128xf32, #tpu.memory_space<vmem>>[vector<16xi32>, vector<16xi32>], vector<16xf32>,
      %sub3A_301 = arith.subf %gather3A_296, %gather3A_300 : vector<16xf32>
      %mul3A_302 = arith.mulf %sub3A_301, %sub3A_301 : vector<16xf32>
      %add3A_303 = arith.addf %add3A_292, %mul3A_302 : vector<16xf32>
      %add3A_304 = arith.constant 15 : i32
      %add3A_305 = vector.broadcast %add3A_304 : i32 to vector<16xi32>
      %add3A_306 = arith.addi %shift_left3A_130, %add3A_305 : vector<16xi32>
      %gather3A_307 = tpu.vector_load_idx %arg14[%add3A_138, %add3A_306] : memref<128x128xf32, #tpu.memory_space<vmem>>[vector<16xi32>, vector<16xi32>], vector<16xf32>,
      %add3A_308 = arith.constant 15 : i32
      %add3A_309 = vector.broadcast %add3A_308 : i32 to vector<16xi32>
      %add3A_310 = arith.addi %shift_left3A_134, %add3A_309 : vector<16xi32>
      %gather3A_311 = tpu.vector_load_idx %arg15[%add3A_138, %add3A_310] : memref<128x128xf32, #tpu.memory_space<vmem>>[vector<16xi32>, vector<16xi32>], vector<16xf32>,
      %sub3A_312 = arith.subf %gather3A_307, %gather3A_311 : vector<16xf32>
      %mul3A_313 = arith.mulf %sub3A_312, %sub3A_312 : vector<16xf32>
      %add3A_314 = arith.addf %add3A_303, %mul3A_313 : vector<16xf32>
      %add3A_315 = arith.constant 16 : i32
      %add3A_316 = vector.broadcast %add3A_315 : i32 to vector<16xi32>
      %add3A_317 = arith.addi %shift_left3A_130, %add3A_316 : vector<16xi32>
      %gather3A_318 = tpu.vector_load_idx %arg14[%add3A_138, %add3A_317] : memref<128x128xf32, #tpu.memory_space<vmem>>[vector<16xi32>, vector<16xi32>], vector<16xf32>,
      %add3A_319 = arith.constant 16 : i32
      %add3A_320 = vector.broadcast %add3A_319 : i32 to vector<16xi32>
      %add3A_321 = arith.addi %shift_left3A_134, %add3A_320 : vector<16xi32>
      %gather3A_322 = tpu.vector_load_idx %arg15[%add3A_138, %add3A_321] : memref<128x128xf32, #tpu.memory_space<vmem>>[vector<16xi32>, vector<16xi32>], vector<16xf32>,
      %sub3A_323 = arith.subf %gather3A_318, %gather3A_322 : vector<16xf32>
      %mul3A_324 = arith.mulf %sub3A_323, %sub3A_323 : vector<16xf32>
      %add3A_325 = arith.addf %add3A_314, %mul3A_324 : vector<16xf32>
      %add3A_326 = arith.constant 17 : i32
      %add3A_327 = vector.broadcast %add3A_326 : i32 to vector<16xi32>
      %add3A_328 = arith.addi %shift_left3A_130, %add3A_327 : vector<16xi32>
      %gather3A_329 = tpu.vector_load_idx %arg14[%add3A_138, %add3A_328] : memref<128x128xf32, #tpu.memory_space<vmem>>[vector<16xi32>, vector<16xi32>], vector<16xf32>,
      %add3A_330 = arith.constant 17 : i32
      %add3A_331 = vector.broadcast %add3A_330 : i32 to vector<16xi32>
      %add3A_332 = arith.addi %shift_left3A_134, %add3A_331 : vector<16xi32>
      %gather3A_333 = tpu.vector_load_idx %arg15[%add3A_138, %add3A_332] : memref<128x128xf32, #tpu.memory_space<vmem>>[vector<16xi32>, vector<16xi32>], vector<16xf32>,
      %sub3A_334 = arith.subf %gather3A_329, %gather3A_333 : vector<16xf32>
      %mul3A_335 = arith.mulf %sub3A_334, %sub3A_334 : vector<16xf32>
      %add3A_336 = arith.addf %add3A_325, %mul3A_335 : vector<16xf32>
      %add3A_337 = arith.constant 18 : i32
      %add3A_338 = vector.broadcast %add3A_337 : i32 to vector<16xi32>
      %add3A_339 = arith.addi %shift_left3A_130, %add3A_338 : vector<16xi32>
      %gather3A_340 = tpu.vector_load_idx %arg14[%add3A_138, %add3A_339] : memref<128x128xf32, #tpu.memory_space<vmem>>[vector<16xi32>, vector<16xi32>], vector<16xf32>,
      %add3A_341 = arith.constant 18 : i32
      %add3A_342 = vector.broadcast %add3A_341 : i32 to vector<16xi32>
      %add3A_343 = arith.addi %shift_left3A_134, %add3A_342 : vector<16xi32>
      %gather3A_344 = tpu.vector_load_idx %arg15[%add3A_138, %add3A_343] : memref<128x128xf32, #tpu.memory_space<vmem>>[vector<16xi32>, vector<16xi32>], vector<16xf32>,
      %sub3A_345 = arith.subf %gather3A_340, %gather3A_344 : vector<16xf32>
      %mul3A_346 = arith.mulf %sub3A_345, %sub3A_345 : vector<16xf32>
      %add3A_347 = arith.addf %add3A_336, %mul3A_346 : vector<16xf32>
      %add3A_348 = arith.constant 19 : i32
      %add3A_349 = vector.broadcast %add3A_348 : i32 to vector<16xi32>
      %add3A_350 = arith.addi %shift_left3A_130, %add3A_349 : vector<16xi32>
      %gather3A_351 = tpu.vector_load_idx %arg14[%add3A_138, %add3A_350] : memref<128x128xf32, #tpu.memory_space<vmem>>[vector<16xi32>, vector<16xi32>], vector<16xf32>,
      %add3A_352 = arith.constant 19 : i32
      %add3A_353 = vector.broadcast %add3A_352 : i32 to vector<16xi32>
      %add3A_354 = arith.addi %shift_left3A_134, %add3A_353 : vector<16xi32>
      %gather3A_355 = tpu.vector_load_idx %arg15[%add3A_138, %add3A_354] : memref<128x128xf32, #tpu.memory_space<vmem>>[vector<16xi32>, vector<16xi32>], vector<16xf32>,
      %sub3A_356 = arith.subf %gather3A_351, %gather3A_355 : vector<16xf32>
      %mul3A_357 = arith.mulf %sub3A_356, %sub3A_356 : vector<16xf32>
      %add3A_358 = arith.addf %add3A_347, %mul3A_357 : vector<16xf32>
      %add3A_359 = arith.constant 20 : i32
      %add3A_360 = vector.broadcast %add3A_359 : i32 to vector<16xi32>
      %add3A_361 = arith.addi %shift_left3A_130, %add3A_360 : vector<16xi32>
      %gather3A_362 = tpu.vector_load_idx %arg14[%add3A_138, %add3A_361] : memref<128x128xf32, #tpu.memory_space<vmem>>[vector<16xi32>, vector<16xi32>], vector<16xf32>,
      %add3A_363 = arith.constant 20 : i32
      %add3A_364 = vector.broadcast %add3A_363 : i32 to vector<16xi32>
      %add3A_365 = arith.addi %shift_left3A_134, %add3A_364 : vector<16xi32>
      %gather3A_366 = tpu.vector_load_idx %arg15[%add3A_138, %add3A_365] : memref<128x128xf32, #tpu.memory_space<vmem>>[vector<16xi32>, vector<16xi32>], vector<16xf32>,
      %sub3A_367 = arith.subf %gather3A_362, %gather3A_366 : vector<16xf32>
      %mul3A_368 = arith.mulf %sub3A_367, %sub3A_367 : vector<16xf32>
      %add3A_369 = arith.addf %add3A_358, %mul3A_368 : vector<16xf32>
      %add3A_370 = arith.constant 21 : i32
      %add3A_371 = vector.broadcast %add3A_370 : i32 to vector<16xi32>
      %add3A_372 = arith.addi %shift_left3A_130, %add3A_371 : vector<16xi32>
      %gather3A_373 = tpu.vector_load_idx %arg14[%add3A_138, %add3A_372] : memref<128x128xf32, #tpu.memory_space<vmem>>[vector<16xi32>, vector<16xi32>], vector<16xf32>,
      %add3A_374 = arith.constant 21 : i32
      %add3A_375 = vector.broadcast %add3A_374 : i32 to vector<16xi32>
      %add3A_376 = arith.addi %shift_left3A_134, %add3A_375 : vector<16xi32>
      %gather3A_377 = tpu.vector_load_idx %arg15[%add3A_138, %add3A_376] : memref<128x128xf32, #tpu.memory_space<vmem>>[vector<16xi32>, vector<16xi32>], vector<16xf32>,
      %sub3A_378 = arith.subf %gather3A_373, %gather3A_377 : vector<16xf32>
      %mul3A_379 = arith.mulf %sub3A_378, %sub3A_378 : vector<16xf32>
      %add3A_380 = arith.addf %add3A_369, %mul3A_379 : vector<16xf32>
      %add3A_381 = arith.constant 22 : i32
      %add3A_382 = vector.broadcast %add3A_381 : i32 to vector<16xi32>
      %add3A_383 = arith.addi %shift_left3A_130, %add3A_382 : vector<16xi32>
      %gather3A_384 = tpu.vector_load_idx %arg14[%add3A_138, %add3A_383] : memref<128x128xf32, #tpu.memory_space<vmem>>[vector<16xi32>, vector<16xi32>], vector<16xf32>,
      %add3A_385 = arith.constant 22 : i32
      %add3A_386 = vector.broadcast %add3A_385 : i32 to vector<16xi32>
      %add3A_387 = arith.addi %shift_left3A_134, %add3A_386 : vector<16xi32>
      %gather3A_388 = tpu.vector_load_idx %arg15[%add3A_138, %add3A_387] : memref<128x128xf32, #tpu.memory_space<vmem>>[vector<16xi32>, vector<16xi32>], vector<16xf32>,
      %sub3A_389 = arith.subf %gather3A_384, %gather3A_388 : vector<16xf32>
      %mul3A_390 = arith.mulf %sub3A_389, %sub3A_389 : vector<16xf32>
      %add3A_391 = arith.addf %add3A_380, %mul3A_390 : vector<16xf32>
      %add3A_392 = arith.constant 23 : i32
      %add3A_393 = vector.broadcast %add3A_392 : i32 to vector<16xi32>
      %add3A_394 = arith.addi %shift_left3A_130, %add3A_393 : vector<16xi32>
      %gather3A_395 = tpu.vector_load_idx %arg14[%add3A_138, %add3A_394] : memref<128x128xf32, #tpu.memory_space<vmem>>[vector<16xi32>, vector<16xi32>], vector<16xf32>,
      %add3A_396 = arith.constant 23 : i32
      %add3A_397 = vector.broadcast %add3A_396 : i32 to vector<16xi32>
      %add3A_398 = arith.addi %shift_left3A_134, %add3A_397 : vector<16xi32>
      %gather3A_399 = tpu.vector_load_idx %arg15[%add3A_138, %add3A_398] : memref<128x128xf32, #tpu.memory_space<vmem>>[vector<16xi32>, vector<16xi32>], vector<16xf32>,
      %sub3A_400 = arith.subf %gather3A_395, %gather3A_399 : vector<16xf32>
      %mul3A_401 = arith.mulf %sub3A_400, %sub3A_400 : vector<16xf32>
      %add3A_402 = arith.addf %add3A_391, %mul3A_401 : vector<16xf32>
      %add3A_403 = arith.constant 24 : i32
      %add3A_404 = vector.broadcast %add3A_403 : i32 to vector<16xi32>
      %add3A_405 = arith.addi %shift_left3A_130, %add3A_404 : vector<16xi32>
      %gather3A_406 = tpu.vector_load_idx %arg14[%add3A_138, %add3A_405] : memref<128x128xf32, #tpu.memory_space<vmem>>[vector<16xi32>, vector<16xi32>], vector<16xf32>,
      %add3A_407 = arith.constant 24 : i32
      %add3A_408 = vector.broadcast %add3A_407 : i32 to vector<16xi32>
      %add3A_409 = arith.addi %shift_left3A_134, %add3A_408 : vector<16xi32>
      %gather3A_410 = tpu.vector_load_idx %arg15[%add3A_138, %add3A_409] : memref<128x128xf32, #tpu.memory_space<vmem>>[vector<16xi32>, vector<16xi32>], vector<16xf32>,
      %sub3A_411 = arith.subf %gather3A_406, %gather3A_410 : vector<16xf32>
      %mul3A_412 = arith.mulf %sub3A_411, %sub3A_411 : vector<16xf32>
      %add3A_413 = arith.addf %add3A_402, %mul3A_412 : vector<16xf32>
      %add3A_414 = arith.constant 25 : i32
      %add3A_415 = vector.broadcast %add3A_414 : i32 to vector<16xi32>
      %add3A_416 = arith.addi %shift_left3A_130, %add3A_415 : vector<16xi32>
      %gather3A_417 = tpu.vector_load_idx %arg14[%add3A_138, %add3A_416] : memref<128x128xf32, #tpu.memory_space<vmem>>[vector<16xi32>, vector<16xi32>], vector<16xf32>,
      %add3A_418 = arith.constant 25 : i32
      %add3A_419 = vector.broadcast %add3A_418 : i32 to vector<16xi32>
      %add3A_420 = arith.addi %shift_left3A_134, %add3A_419 : vector<16xi32>
      %gather3A_421 = tpu.vector_load_idx %arg15[%add3A_138, %add3A_420] : memref<128x128xf32, #tpu.memory_space<vmem>>[vector<16xi32>, vector<16xi32>], vector<16xf32>,
      %sub3A_422 = arith.subf %gather3A_417, %gather3A_421 : vector<16xf32>
      %mul3A_423 = arith.mulf %sub3A_422, %sub3A_422 : vector<16xf32>
      %add3A_424 = arith.addf %add3A_413, %mul3A_423 : vector<16xf32>
      %add3A_425 = arith.constant 26 : i32
      %add3A_426 = vector.broadcast %add3A_425 : i32 to vector<16xi32>
      %add3A_427 = arith.addi %shift_left3A_130, %add3A_426 : vector<16xi32>
      %gather3A_428 = tpu.vector_load_idx %arg14[%add3A_138, %add3A_427] : memref<128x128xf32, #tpu.memory_space<vmem>>[vector<16xi32>, vector<16xi32>], vector<16xf32>,
      %add3A_429 = arith.constant 26 : i32
      %add3A_430 = vector.broadcast %add3A_429 : i32 to vector<16xi32>
      %add3A_431 = arith.addi %shift_left3A_134, %add3A_430 : vector<16xi32>
      %gather3A_432 = tpu.vector_load_idx %arg15[%add3A_138, %add3A_431] : memref<128x128xf32, #tpu.memory_space<vmem>>[vector<16xi32>, vector<16xi32>], vector<16xf32>,
      %sub3A_433 = arith.subf %gather3A_428, %gather3A_432 : vector<16xf32>
      %mul3A_434 = arith.mulf %sub3A_433, %sub3A_433 : vector<16xf32>
      %add3A_435 = arith.addf %add3A_424, %mul3A_434 : vector<16xf32>
      %add3A_436 = arith.constant 27 : i32
      %add3A_437 = vector.broadcast %add3A_436 : i32 to vector<16xi32>
      %add3A_438 = arith.addi %shift_left3A_130, %add3A_437 : vector<16xi32>
      %gather3A_439 = tpu.vector_load_idx %arg14[%add3A_138, %add3A_438] : memref<128x128xf32, #tpu.memory_space<vmem>>[vector<16xi32>, vector<16xi32>], vector<16xf32>,
      %add3A_440 = arith.constant 27 : i32
      %add3A_441 = vector.broadcast %add3A_440 : i32 to vector<16xi32>
      %add3A_442 = arith.addi %shift_left3A_134, %add3A_441 : vector<16xi32>
      %gather3A_443 = tpu.vector_load_idx %arg15[%add3A_138, %add3A_442] : memref<128x128xf32, #tpu.memory_space<vmem>>[vector<16xi32>, vector<16xi32>], vector<16xf32>,
      %sub3A_444 = arith.subf %gather3A_439, %gather3A_443 : vector<16xf32>
      %mul3A_445 = arith.mulf %sub3A_444, %sub3A_444 : vector<16xf32>
      %add3A_446 = arith.addf %add3A_435, %mul3A_445 : vector<16xf32>
      %add3A_447 = arith.constant 28 : i32
      %add3A_448 = vector.broadcast %add3A_447 : i32 to vector<16xi32>
      %add3A_449 = arith.addi %shift_left3A_130, %add3A_448 : vector<16xi32>
      %gather3A_450 = tpu.vector_load_idx %arg14[%add3A_138, %add3A_449] : memref<128x128xf32, #tpu.memory_space<vmem>>[vector<16xi32>, vector<16xi32>], vector<16xf32>,
      %add3A_451 = arith.constant 28 : i32
      %add3A_452 = vector.broadcast %add3A_451 : i32 to vector<16xi32>
      %add3A_453 = arith.addi %shift_left3A_134, %add3A_452 : vector<16xi32>
      %gather3A_454 = tpu.vector_load_idx %arg15[%add3A_138, %add3A_453] : memref<128x128xf32, #tpu.memory_space<vmem>>[vector<16xi32>, vector<16xi32>], vector<16xf32>,
      %sub3A_455 = arith.subf %gather3A_450, %gather3A_454 : vector<16xf32>
      %mul3A_456 = arith.mulf %sub3A_455, %sub3A_455 : vector<16xf32>
      %add3A_457 = arith.addf %add3A_446, %mul3A_456 : vector<16xf32>
      %add3A_458 = arith.constant 29 : i32
      %add3A_459 = vector.broadcast %add3A_458 : i32 to vector<16xi32>
      %add3A_460 = arith.addi %shift_left3A_130, %add3A_459 : vector<16xi32>
      %gather3A_461 = tpu.vector_load_idx %arg14[%add3A_138, %add3A_460] : memref<128x128xf32, #tpu.memory_space<vmem>>[vector<16xi32>, vector<16xi32>], vector<16xf32>,
      %add3A_462 = arith.constant 29 : i32
      %add3A_463 = vector.broadcast %add3A_462 : i32 to vector<16xi32>
      %add3A_464 = arith.addi %shift_left3A_134, %add3A_463 : vector<16xi32>
      %gather3A_465 = tpu.vector_load_idx %arg15[%add3A_138, %add3A_464] : memref<128x128xf32, #tpu.memory_space<vmem>>[vector<16xi32>, vector<16xi32>], vector<16xf32>,
      %sub3A_466 = arith.subf %gather3A_461, %gather3A_465 : vector<16xf32>
      %mul3A_467 = arith.mulf %sub3A_466, %sub3A_466 : vector<16xf32>
      %add3A_468 = arith.addf %add3A_457, %mul3A_467 : vector<16xf32>
      %add3A_469 = arith.constant 30 : i32
      %add3A_470 = vector.broadcast %add3A_469 : i32 to vector<16xi32>
      %add3A_471 = arith.addi %shift_left3A_130, %add3A_470 : vector<16xi32>
      %gather3A_472 = tpu.vector_load_idx %arg14[%add3A_138, %add3A_471] : memref<128x128xf32, #tpu.memory_space<vmem>>[vector<16xi32>, vector<16xi32>], vector<16xf32>,
      %add3A_473 = arith.constant 30 : i32
      %add3A_474 = vector.broadcast %add3A_473 : i32 to vector<16xi32>
      %add3A_475 = arith.addi %shift_left3A_134, %add3A_474 : vector<16xi32>
      %gather3A_476 = tpu.vector_load_idx %arg15[%add3A_138, %add3A_475] : memref<128x128xf32, #tpu.memory_space<vmem>>[vector<16xi32>, vector<16xi32>], vector<16xf32>,
      %sub3A_477 = arith.subf %gather3A_472, %gather3A_476 : vector<16xf32>
      %mul3A_478 = arith.mulf %sub3A_477, %sub3A_477 : vector<16xf32>
      %add3A_479 = arith.addf %add3A_468, %mul3A_478 : vector<16xf32>
      %add3A_480 = arith.constant 31 : i32
      %add3A_481 = vector.broadcast %add3A_480 : i32 to vector<16xi32>
      %add3A_482 = arith.addi %shift_left3A_130, %add3A_481 : vector<16xi32>
      %gather3A_483 = tpu.vector_load_idx %arg14[%add3A_138, %add3A_482] : memref<128x128xf32, #tpu.memory_space<vmem>>[vector<16xi32>, vector<16xi32>], vector<16xf32>,
      %add3A_484 = arith.constant 31 : i32
      %add3A_485 = vector.broadcast %add3A_484 : i32 to vector<16xi32>
      %add3A_486 = arith.addi %shift_left3A_134, %add3A_485 : vector<16xi32>
      %gather3A_487 = tpu.vector_load_idx %arg15[%add3A_138, %add3A_486] : memref<128x128xf32, #tpu.memory_space<vmem>>[vector<16xi32>, vector<16xi32>], vector<16xf32>,
      %sub3A_488 = arith.subf %gather3A_483, %gather3A_487 : vector<16xf32>
      %mul3A_489 = arith.mulf %sub3A_488, %sub3A_488 : vector<16xf32>
      %add3A_490 = arith.addf %add3A_479, %mul3A_489 : vector<16xf32>
      %max3A = arith.constant 1.000000e-30 : f32
      %max3A_491 = vector.broadcast %max3A : f32 to vector<16xf32>
      %max3A_492 = arith.maximumf %add3A_490, %max3A_491 : vector<16xf32>
      %bitcast3A = vector.bitcast %max3A_492 : vector<16xf32> to vector<16xi32>
      %shift_right_logical3A = arith.constant 1 : i32
      %shift_right_logical3A_493 = vector.broadcast %shift_right_logical3A : i32 to vector<16xi32>
      %shift_right_logical3A_494 = arith.shrui %bitcast3A, %shift_right_logical3A_493 : vector<16xi32>
      %sub3A_495 = arith.constant 1597463007 : i32
      %sub3A_496 = vector.broadcast %sub3A_495 : i32 to vector<16xi32>
      %sub3A_497 = arith.subi %sub3A_496, %shift_right_logical3A_494 : vector<16xi32>
      %bitcast3A_498 = vector.bitcast %sub3A_497 : vector<16xi32> to vector<16xf32>
      %mul3A_499 = arith.constant 5.000000e-01 : f32
      %mul3A_500 = vector.broadcast %mul3A_499 : f32 to vector<16xf32>
      %mul3A_501 = arith.mulf %mul3A_500, %max3A_492 : vector<16xf32>
      %mul3A_502 = arith.mulf %mul3A_501, %bitcast3A_498 : vector<16xf32>
      %mul3A_503 = arith.mulf %mul3A_502, %bitcast3A_498 : vector<16xf32>
      %sub3A_504 = arith.constant 1.500000e+00 : f32
      %sub3A_505 = vector.broadcast %sub3A_504 : f32 to vector<16xf32>
      %sub3A_506 = arith.subf %sub3A_505, %mul3A_503 : vector<16xf32>
      %mul3A_507 = arith.mulf %bitcast3A_498, %sub3A_506 : vector<16xf32>
      %mul3A_508 = arith.constant 5.000000e-01 : f32
      %mul3A_509 = vector.broadcast %mul3A_508 : f32 to vector<16xf32>
      %mul3A_510 = arith.mulf %mul3A_509, %max3A_492 : vector<16xf32>
      %mul3A_511 = arith.mulf %mul3A_510, %mul3A_507 : vector<16xf32>
      %mul3A_512 = arith.mulf %mul3A_511, %mul3A_507 : vector<16xf32>
      %sub3A_513 = arith.constant 1.500000e+00 : f32
      %sub3A_514 = vector.broadcast %sub3A_513 : f32 to vector<16xf32>
      %sub3A_515 = arith.subf %sub3A_514, %mul3A_512 : vector<16xf32>
      %mul3A_516 = arith.mulf %mul3A_507, %sub3A_515 : vector<16xf32>
      %mul3A_517 = arith.constant 5.000000e-01 : f32
      %mul3A_518 = vector.broadcast %mul3A_517 : f32 to vector<16xf32>
      %mul3A_519 = arith.mulf %mul3A_518, %max3A_492 : vector<16xf32>
      %mul3A_520 = arith.mulf %mul3A_519, %mul3A_516 : vector<16xf32>
      %mul3A_521 = arith.mulf %mul3A_520, %mul3A_516 : vector<16xf32>
      %sub3A_522 = arith.constant 1.500000e+00 : f32
      %sub3A_523 = vector.broadcast %sub3A_522 : f32 to vector<16xf32>
      %sub3A_524 = arith.subf %sub3A_523, %mul3A_521 : vector<16xf32>
      %mul3A_525 = arith.mulf %mul3A_516, %sub3A_524 : vector<16xf32>
      %mul3A_526 = arith.mulf %add3A_490, %mul3A_525 : vector<16xf32>
      %get3A_527 = arith.index_cast %add3A_124 : i32 to index
      %get3A_528 = tpu.vector_load %arg18[%get3A_527] {strides = array<i32>} : memref<512xf32, #tpu.memory_space<vmem>>, vector<16xf32>,
      %get3A_529 = arith.index_cast %add3A_124 : i32 to index
      %get3A_530 = tpu.vector_load %arg19[%get3A_529] {strides = array<i32>} : memref<512xf32, #tpu.memory_space<vmem>>, vector<16xf32>,
      %add3A_531 = arith.addf %get3A_11, %get3A_528 : vector<16xf32>
      %add3A_532 = arith.addf %add3A_531, %get3A_530 : vector<16xf32>
      %sub3A_533 = arith.subf %add3A_532, %mul3A_526 : vector<16xf32>
      %neg3A = arith.constant 0.000000e+00 : f32
      %neg3A_534 = vector.broadcast %neg3A : f32 to vector<16xf32>
      %neg3A_535 = arith.subf %neg3A_534, %sub3A_533 : vector<16xf32>
      %exp3A = math.exp %neg3A_535 : vector<16xf32>
      %add3A_536 = arith.constant 1.000000e+00 : f32
      %add3A_537 = vector.broadcast %add3A_536 : f32 to vector<16xf32>
      %add3A_538 = arith.addf %add3A_537, %exp3A : vector<16xf32>
      %div3A = arith.constant 1.000000e+00 : f32
      %div3A_539 = vector.broadcast %div3A : f32 to vector<16xf32>
      %div3A_540 = arith.divf %div3A_539, %add3A_538 : vector<16xf32>
      %swap3A = arith.index_cast %add3A_124 : i32 to index
      %swap3A_541 = tpu.vector_load %arg21[%swap3A] {strides = array<i32>} : memref<512xf32, #tpu.memory_space<vmem>>, vector<16xf32>,
      tpu.vector_store %arg21[%swap3A], %div3A_540 {strides = array<i32>} : memref<512xf32, #tpu.memory_space<vmem>>, vector<16xf32>,
    }
    %scan3A_51 = arith.constant 8 : i32
    %dma_start3A_52 = arith.constant 256 : i32
    %dma_start3A_53 = tpu.memref_slice %arg12[%dma_start3A_52] : memref<512xi32, #tpu.memory_space<vmem>> -> memref<128xi32, #tpu.memory_space<vmem>>
    %dma_start3A_54 = arith.constant 0 : i32
    %dma_start3A_55 = arith.constant 0 : i32
    %dma_start3A_56 = tpu.memref_slice %arg4[%dma_start3A_54, %dma_start3A_55] : memref<250000x128xf32, #tpu.memory_space<hbm>> -> memref<250000x128xf32, #tpu.memory_space<hbm>>
    tpu.enqueue_indirect_dma source(%dma_start3A_56 : memref<250000x128xf32, #tpu.memory_space<hbm>>) target(%arg14 : memref<128x128xf32, #tpu.memory_space<vmem>>) offsets(%dma_start3A_53 : memref<128xi32, #tpu.memory_space<vmem>>) semaphore(%arg23 : memref<!tpu.dma_semaphore, #tpu.memory_space<semaphore_mem>>)
    %dma_start3A_57 = arith.constant 256 : i32
    %dma_start3A_58 = tpu.memref_slice %arg13[%dma_start3A_57] : memref<512xi32, #tpu.memory_space<vmem>> -> memref<128xi32, #tpu.memory_space<vmem>>
    %dma_start3A_59 = arith.constant 0 : i32
    %dma_start3A_60 = arith.constant 0 : i32
    %dma_start3A_61 = tpu.memref_slice %arg5[%dma_start3A_59, %dma_start3A_60] : memref<25000x128xf32, #tpu.memory_space<hbm>> -> memref<25000x128xf32, #tpu.memory_space<hbm>>
    tpu.enqueue_indirect_dma source(%dma_start3A_61 : memref<25000x128xf32, #tpu.memory_space<hbm>>) target(%arg15 : memref<128x128xf32, #tpu.memory_space<vmem>>) offsets(%dma_start3A_58 : memref<128xi32, #tpu.memory_space<vmem>>) semaphore(%arg23 : memref<!tpu.dma_semaphore, #tpu.memory_space<semaphore_mem>>)
    %dma_wait3A_62 = arith.constant 128 : i32
    %dma_wait3A_63 = tpu.memref_slice %arg12[%dma_wait3A_62] : memref<512xi32, #tpu.memory_space<vmem>> -> memref<128xi32, #tpu.memory_space<vmem>>
    %dma_wait3A_64 = arith.constant 0 : i32
    %dma_wait3A_65 = arith.constant 0 : i32
    %dma_wait3A_66 = tpu.memref_slice %arg4[%dma_wait3A_64, %dma_wait3A_65] : memref<250000x128xf32, #tpu.memory_space<hbm>> -> memref<250000x128xf32, #tpu.memory_space<hbm>>
    tpu.wait_indirect_dma semaphore(%arg24 : memref<!tpu.dma_semaphore, #tpu.memory_space<semaphore_mem>>) src(%dma_wait3A_66 : memref<250000x128xf32, #tpu.memory_space<hbm>>) dst(%arg16 : memref<128x128xf32, #tpu.memory_space<vmem>>)
    %dma_wait3A_67 = arith.constant 128 : i32
    %dma_wait3A_68 = tpu.memref_slice %arg13[%dma_wait3A_67] : memref<512xi32, #tpu.memory_space<vmem>> -> memref<128xi32, #tpu.memory_space<vmem>>
    %dma_wait3A_69 = arith.constant 0 : i32
    %dma_wait3A_70 = arith.constant 0 : i32
    %dma_wait3A_71 = tpu.memref_slice %arg5[%dma_wait3A_69, %dma_wait3A_70] : memref<25000x128xf32, #tpu.memory_space<hbm>> -> memref<25000x128xf32, #tpu.memory_space<hbm>>
    tpu.wait_indirect_dma semaphore(%arg24 : memref<!tpu.dma_semaphore, #tpu.memory_space<semaphore_mem>>) src(%dma_wait3A_71 : memref<25000x128xf32, #tpu.memory_space<hbm>>) dst(%arg17 : memref<128x128xf32, #tpu.memory_space<vmem>>)
    %scan3A_72 = arith.constant 0 : i32
    %scan3A_73 = arith.constant 0 : i32
    %scan3A_74 = arith.constant 8 : i32
    %scan3A_75 = arith.addi %scan3A_73, %scan3A_74 : i32
    %scan3A_76 = arith.constant 1 : i32
    scf.for %scan3A_120 = %scan3A_73 to %scan3A_75 step %scan3A_76  : i32 {
      %mul3A_121 = arith.constant 16 : i32
      %mul3A_122 = arith.muli %scan3A_120, %mul3A_121 : i32
      %add3A_123 = arith.constant 128 : i32
      %add3A_124 = arith.addi %add3A_123, %mul3A_122 : i32
      %get3A_125 = arith.index_cast %add3A_124 : i32 to index
      %get3A_126 = tpu.vector_load %arg10[%get3A_125] {strides = array<i32>} : memref<512xi32, #tpu.memory_space<vmem>>, vector<16xi32>,
      %get3A_127 = arith.index_cast %add3A_124 : i32 to index
      %get3A_128 = tpu.vector_load %arg11[%get3A_127] {strides = array<i32>} : memref<512xi32, #tpu.memory_space<vmem>>, vector<16xi32>,
      %and3A = arith.andi %get3A_126, %broadcast_in_dim3A_12 : vector<16xi32>
      %shift_left3A = arith.constant 5 : i32
      %shift_left3A_129 = vector.broadcast %shift_left3A : i32 to vector<16xi32>
      %shift_left3A_130 = arith.shli %and3A, %shift_left3A_129 : vector<16xi32>
      %and3A_131 = arith.andi %get3A_128, %broadcast_in_dim3A_12 : vector<16xi32>
      %shift_left3A_132 = arith.constant 5 : i32
      %shift_left3A_133 = vector.broadcast %shift_left3A_132 : i32 to vector<16xi32>
      %shift_left3A_134 = arith.shli %and3A_131, %shift_left3A_133 : vector<16xi32>
      %mul3A_135 = arith.constant 16 : i32
      %mul3A_136 = arith.muli %scan3A_120, %mul3A_135 : i32
      %add3A_137 = vector.broadcast %mul3A_136 : i32 to vector<16xi32>
      %add3A_138 = arith.addi %iota3A, %add3A_137 : vector<16xi32>
      %broadcast_in_dim3A_139 = arith.constant 0.000000e+00 : f32
      %broadcast_in_dim3A_140 = vector.broadcast %broadcast_in_dim3A_139 : f32 to vector<16xf32>
      %add3A_141 = arith.constant 0 : i32
      %add3A_142 = vector.broadcast %add3A_141 : i32 to vector<16xi32>
      %add3A_143 = arith.addi %shift_left3A_130, %add3A_142 : vector<16xi32>
      %gather3A = tpu.vector_load_idx %arg16[%add3A_138, %add3A_143] : memref<128x128xf32, #tpu.memory_space<vmem>>[vector<16xi32>, vector<16xi32>], vector<16xf32>,
      %add3A_144 = arith.constant 0 : i32
      %add3A_145 = vector.broadcast %add3A_144 : i32 to vector<16xi32>
      %add3A_146 = arith.addi %shift_left3A_134, %add3A_145 : vector<16xi32>
      %gather3A_147 = tpu.vector_load_idx %arg17[%add3A_138, %add3A_146] : memref<128x128xf32, #tpu.memory_space<vmem>>[vector<16xi32>, vector<16xi32>], vector<16xf32>,
      %sub3A = arith.subf %gather3A, %gather3A_147 : vector<16xf32>
      %mul3A_148 = arith.mulf %sub3A, %sub3A : vector<16xf32>
      %add3A_149 = arith.addf %broadcast_in_dim3A_140, %mul3A_148 : vector<16xf32>
      %add3A_150 = arith.constant 1 : i32
      %add3A_151 = vector.broadcast %add3A_150 : i32 to vector<16xi32>
      %add3A_152 = arith.addi %shift_left3A_130, %add3A_151 : vector<16xi32>
      %gather3A_153 = tpu.vector_load_idx %arg16[%add3A_138, %add3A_152] : memref<128x128xf32, #tpu.memory_space<vmem>>[vector<16xi32>, vector<16xi32>], vector<16xf32>,
      %add3A_154 = arith.constant 1 : i32
      %add3A_155 = vector.broadcast %add3A_154 : i32 to vector<16xi32>
      %add3A_156 = arith.addi %shift_left3A_134, %add3A_155 : vector<16xi32>
      %gather3A_157 = tpu.vector_load_idx %arg17[%add3A_138, %add3A_156] : memref<128x128xf32, #tpu.memory_space<vmem>>[vector<16xi32>, vector<16xi32>], vector<16xf32>,
      %sub3A_158 = arith.subf %gather3A_153, %gather3A_157 : vector<16xf32>
      %mul3A_159 = arith.mulf %sub3A_158, %sub3A_158 : vector<16xf32>
      %add3A_160 = arith.addf %add3A_149, %mul3A_159 : vector<16xf32>
      %add3A_161 = arith.constant 2 : i32
      %add3A_162 = vector.broadcast %add3A_161 : i32 to vector<16xi32>
      %add3A_163 = arith.addi %shift_left3A_130, %add3A_162 : vector<16xi32>
      %gather3A_164 = tpu.vector_load_idx %arg16[%add3A_138, %add3A_163] : memref<128x128xf32, #tpu.memory_space<vmem>>[vector<16xi32>, vector<16xi32>], vector<16xf32>,
      %add3A_165 = arith.constant 2 : i32
      %add3A_166 = vector.broadcast %add3A_165 : i32 to vector<16xi32>
      %add3A_167 = arith.addi %shift_left3A_134, %add3A_166 : vector<16xi32>
      %gather3A_168 = tpu.vector_load_idx %arg17[%add3A_138, %add3A_167] : memref<128x128xf32, #tpu.memory_space<vmem>>[vector<16xi32>, vector<16xi32>], vector<16xf32>,
      %sub3A_169 = arith.subf %gather3A_164, %gather3A_168 : vector<16xf32>
      %mul3A_170 = arith.mulf %sub3A_169, %sub3A_169 : vector<16xf32>
      %add3A_171 = arith.addf %add3A_160, %mul3A_170 : vector<16xf32>
      %add3A_172 = arith.constant 3 : i32
      %add3A_173 = vector.broadcast %add3A_172 : i32 to vector<16xi32>
      %add3A_174 = arith.addi %shift_left3A_130, %add3A_173 : vector<16xi32>
      %gather3A_175 = tpu.vector_load_idx %arg16[%add3A_138, %add3A_174] : memref<128x128xf32, #tpu.memory_space<vmem>>[vector<16xi32>, vector<16xi32>], vector<16xf32>,
      %add3A_176 = arith.constant 3 : i32
      %add3A_177 = vector.broadcast %add3A_176 : i32 to vector<16xi32>
      %add3A_178 = arith.addi %shift_left3A_134, %add3A_177 : vector<16xi32>
      %gather3A_179 = tpu.vector_load_idx %arg17[%add3A_138, %add3A_178] : memref<128x128xf32, #tpu.memory_space<vmem>>[vector<16xi32>, vector<16xi32>], vector<16xf32>,
      %sub3A_180 = arith.subf %gather3A_175, %gather3A_179 : vector<16xf32>
      %mul3A_181 = arith.mulf %sub3A_180, %sub3A_180 : vector<16xf32>
      %add3A_182 = arith.addf %add3A_171, %mul3A_181 : vector<16xf32>
      %add3A_183 = arith.constant 4 : i32
      %add3A_184 = vector.broadcast %add3A_183 : i32 to vector<16xi32>
      %add3A_185 = arith.addi %shift_left3A_130, %add3A_184 : vector<16xi32>
      %gather3A_186 = tpu.vector_load_idx %arg16[%add3A_138, %add3A_185] : memref<128x128xf32, #tpu.memory_space<vmem>>[vector<16xi32>, vector<16xi32>], vector<16xf32>,
      %add3A_187 = arith.constant 4 : i32
      %add3A_188 = vector.broadcast %add3A_187 : i32 to vector<16xi32>
      %add3A_189 = arith.addi %shift_left3A_134, %add3A_188 : vector<16xi32>
      %gather3A_190 = tpu.vector_load_idx %arg17[%add3A_138, %add3A_189] : memref<128x128xf32, #tpu.memory_space<vmem>>[vector<16xi32>, vector<16xi32>], vector<16xf32>,
      %sub3A_191 = arith.subf %gather3A_186, %gather3A_190 : vector<16xf32>
      %mul3A_192 = arith.mulf %sub3A_191, %sub3A_191 : vector<16xf32>
      %add3A_193 = arith.addf %add3A_182, %mul3A_192 : vector<16xf32>
      %add3A_194 = arith.constant 5 : i32
      %add3A_195 = vector.broadcast %add3A_194 : i32 to vector<16xi32>
      %add3A_196 = arith.addi %shift_left3A_130, %add3A_195 : vector<16xi32>
      %gather3A_197 = tpu.vector_load_idx %arg16[%add3A_138, %add3A_196] : memref<128x128xf32, #tpu.memory_space<vmem>>[vector<16xi32>, vector<16xi32>], vector<16xf32>,
      %add3A_198 = arith.constant 5 : i32
      %add3A_199 = vector.broadcast %add3A_198 : i32 to vector<16xi32>
      %add3A_200 = arith.addi %shift_left3A_134, %add3A_199 : vector<16xi32>
      %gather3A_201 = tpu.vector_load_idx %arg17[%add3A_138, %add3A_200] : memref<128x128xf32, #tpu.memory_space<vmem>>[vector<16xi32>, vector<16xi32>], vector<16xf32>,
      %sub3A_202 = arith.subf %gather3A_197, %gather3A_201 : vector<16xf32>
      %mul3A_203 = arith.mulf %sub3A_202, %sub3A_202 : vector<16xf32>
      %add3A_204 = arith.addf %add3A_193, %mul3A_203 : vector<16xf32>
      %add3A_205 = arith.constant 6 : i32
      %add3A_206 = vector.broadcast %add3A_205 : i32 to vector<16xi32>
      %add3A_207 = arith.addi %shift_left3A_130, %add3A_206 : vector<16xi32>
      %gather3A_208 = tpu.vector_load_idx %arg16[%add3A_138, %add3A_207] : memref<128x128xf32, #tpu.memory_space<vmem>>[vector<16xi32>, vector<16xi32>], vector<16xf32>,
      %add3A_209 = arith.constant 6 : i32
      %add3A_210 = vector.broadcast %add3A_209 : i32 to vector<16xi32>
      %add3A_211 = arith.addi %shift_left3A_134, %add3A_210 : vector<16xi32>
      %gather3A_212 = tpu.vector_load_idx %arg17[%add3A_138, %add3A_211] : memref<128x128xf32, #tpu.memory_space<vmem>>[vector<16xi32>, vector<16xi32>], vector<16xf32>,
      %sub3A_213 = arith.subf %gather3A_208, %gather3A_212 : vector<16xf32>
      %mul3A_214 = arith.mulf %sub3A_213, %sub3A_213 : vector<16xf32>
      %add3A_215 = arith.addf %add3A_204, %mul3A_214 : vector<16xf32>
      %add3A_216 = arith.constant 7 : i32
      %add3A_217 = vector.broadcast %add3A_216 : i32 to vector<16xi32>
      %add3A_218 = arith.addi %shift_left3A_130, %add3A_217 : vector<16xi32>
      %gather3A_219 = tpu.vector_load_idx %arg16[%add3A_138, %add3A_218] : memref<128x128xf32, #tpu.memory_space<vmem>>[vector<16xi32>, vector<16xi32>], vector<16xf32>,
      %add3A_220 = arith.constant 7 : i32
      %add3A_221 = vector.broadcast %add3A_220 : i32 to vector<16xi32>
      %add3A_222 = arith.addi %shift_left3A_134, %add3A_221 : vector<16xi32>
      %gather3A_223 = tpu.vector_load_idx %arg17[%add3A_138, %add3A_222] : memref<128x128xf32, #tpu.memory_space<vmem>>[vector<16xi32>, vector<16xi32>], vector<16xf32>,
      %sub3A_224 = arith.subf %gather3A_219, %gather3A_223 : vector<16xf32>
      %mul3A_225 = arith.mulf %sub3A_224, %sub3A_224 : vector<16xf32>
      %add3A_226 = arith.addf %add3A_215, %mul3A_225 : vector<16xf32>
      %add3A_227 = arith.constant 8 : i32
      %add3A_228 = vector.broadcast %add3A_227 : i32 to vector<16xi32>
      %add3A_229 = arith.addi %shift_left3A_130, %add3A_228 : vector<16xi32>
      %gather3A_230 = tpu.vector_load_idx %arg16[%add3A_138, %add3A_229] : memref<128x128xf32, #tpu.memory_space<vmem>>[vector<16xi32>, vector<16xi32>], vector<16xf32>,
      %add3A_231 = arith.constant 8 : i32
      %add3A_232 = vector.broadcast %add3A_231 : i32 to vector<16xi32>
      %add3A_233 = arith.addi %shift_left3A_134, %add3A_232 : vector<16xi32>
      %gather3A_234 = tpu.vector_load_idx %arg17[%add3A_138, %add3A_233] : memref<128x128xf32, #tpu.memory_space<vmem>>[vector<16xi32>, vector<16xi32>], vector<16xf32>,
      %sub3A_235 = arith.subf %gather3A_230, %gather3A_234 : vector<16xf32>
      %mul3A_236 = arith.mulf %sub3A_235, %sub3A_235 : vector<16xf32>
      %add3A_237 = arith.addf %add3A_226, %mul3A_236 : vector<16xf32>
      %add3A_238 = arith.constant 9 : i32
      %add3A_239 = vector.broadcast %add3A_238 : i32 to vector<16xi32>
      %add3A_240 = arith.addi %shift_left3A_130, %add3A_239 : vector<16xi32>
      %gather3A_241 = tpu.vector_load_idx %arg16[%add3A_138, %add3A_240] : memref<128x128xf32, #tpu.memory_space<vmem>>[vector<16xi32>, vector<16xi32>], vector<16xf32>,
      %add3A_242 = arith.constant 9 : i32
      %add3A_243 = vector.broadcast %add3A_242 : i32 to vector<16xi32>
      %add3A_244 = arith.addi %shift_left3A_134, %add3A_243 : vector<16xi32>
      %gather3A_245 = tpu.vector_load_idx %arg17[%add3A_138, %add3A_244] : memref<128x128xf32, #tpu.memory_space<vmem>>[vector<16xi32>, vector<16xi32>], vector<16xf32>,
      %sub3A_246 = arith.subf %gather3A_241, %gather3A_245 : vector<16xf32>
      %mul3A_247 = arith.mulf %sub3A_246, %sub3A_246 : vector<16xf32>
      %add3A_248 = arith.addf %add3A_237, %mul3A_247 : vector<16xf32>
      %add3A_249 = arith.constant 10 : i32
      %add3A_250 = vector.broadcast %add3A_249 : i32 to vector<16xi32>
      %add3A_251 = arith.addi %shift_left3A_130, %add3A_250 : vector<16xi32>
      %gather3A_252 = tpu.vector_load_idx %arg16[%add3A_138, %add3A_251] : memref<128x128xf32, #tpu.memory_space<vmem>>[vector<16xi32>, vector<16xi32>], vector<16xf32>,
      %add3A_253 = arith.constant 10 : i32
      %add3A_254 = vector.broadcast %add3A_253 : i32 to vector<16xi32>
      %add3A_255 = arith.addi %shift_left3A_134, %add3A_254 : vector<16xi32>
      %gather3A_256 = tpu.vector_load_idx %arg17[%add3A_138, %add3A_255] : memref<128x128xf32, #tpu.memory_space<vmem>>[vector<16xi32>, vector<16xi32>], vector<16xf32>,
      %sub3A_257 = arith.subf %gather3A_252, %gather3A_256 : vector<16xf32>
      %mul3A_258 = arith.mulf %sub3A_257, %sub3A_257 : vector<16xf32>
      %add3A_259 = arith.addf %add3A_248, %mul3A_258 : vector<16xf32>
      %add3A_260 = arith.constant 11 : i32
      %add3A_261 = vector.broadcast %add3A_260 : i32 to vector<16xi32>
      %add3A_262 = arith.addi %shift_left3A_130, %add3A_261 : vector<16xi32>
      %gather3A_263 = tpu.vector_load_idx %arg16[%add3A_138, %add3A_262] : memref<128x128xf32, #tpu.memory_space<vmem>>[vector<16xi32>, vector<16xi32>], vector<16xf32>,
      %add3A_264 = arith.constant 11 : i32
      %add3A_265 = vector.broadcast %add3A_264 : i32 to vector<16xi32>
      %add3A_266 = arith.addi %shift_left3A_134, %add3A_265 : vector<16xi32>
      %gather3A_267 = tpu.vector_load_idx %arg17[%add3A_138, %add3A_266] : memref<128x128xf32, #tpu.memory_space<vmem>>[vector<16xi32>, vector<16xi32>], vector<16xf32>,
      %sub3A_268 = arith.subf %gather3A_263, %gather3A_267 : vector<16xf32>
      %mul3A_269 = arith.mulf %sub3A_268, %sub3A_268 : vector<16xf32>
      %add3A_270 = arith.addf %add3A_259, %mul3A_269 : vector<16xf32>
      %add3A_271 = arith.constant 12 : i32
      %add3A_272 = vector.broadcast %add3A_271 : i32 to vector<16xi32>
      %add3A_273 = arith.addi %shift_left3A_130, %add3A_272 : vector<16xi32>
      %gather3A_274 = tpu.vector_load_idx %arg16[%add3A_138, %add3A_273] : memref<128x128xf32, #tpu.memory_space<vmem>>[vector<16xi32>, vector<16xi32>], vector<16xf32>,
      %add3A_275 = arith.constant 12 : i32
      %add3A_276 = vector.broadcast %add3A_275 : i32 to vector<16xi32>
      %add3A_277 = arith.addi %shift_left3A_134, %add3A_276 : vector<16xi32>
      %gather3A_278 = tpu.vector_load_idx %arg17[%add3A_138, %add3A_277] : memref<128x128xf32, #tpu.memory_space<vmem>>[vector<16xi32>, vector<16xi32>], vector<16xf32>,
      %sub3A_279 = arith.subf %gather3A_274, %gather3A_278 : vector<16xf32>
      %mul3A_280 = arith.mulf %sub3A_279, %sub3A_279 : vector<16xf32>
      %add3A_281 = arith.addf %add3A_270, %mul3A_280 : vector<16xf32>
      %add3A_282 = arith.constant 13 : i32
      %add3A_283 = vector.broadcast %add3A_282 : i32 to vector<16xi32>
      %add3A_284 = arith.addi %shift_left3A_130, %add3A_283 : vector<16xi32>
      %gather3A_285 = tpu.vector_load_idx %arg16[%add3A_138, %add3A_284] : memref<128x128xf32, #tpu.memory_space<vmem>>[vector<16xi32>, vector<16xi32>], vector<16xf32>,
      %add3A_286 = arith.constant 13 : i32
      %add3A_287 = vector.broadcast %add3A_286 : i32 to vector<16xi32>
      %add3A_288 = arith.addi %shift_left3A_134, %add3A_287 : vector<16xi32>
      %gather3A_289 = tpu.vector_load_idx %arg17[%add3A_138, %add3A_288] : memref<128x128xf32, #tpu.memory_space<vmem>>[vector<16xi32>, vector<16xi32>], vector<16xf32>,
      %sub3A_290 = arith.subf %gather3A_285, %gather3A_289 : vector<16xf32>
      %mul3A_291 = arith.mulf %sub3A_290, %sub3A_290 : vector<16xf32>
      %add3A_292 = arith.addf %add3A_281, %mul3A_291 : vector<16xf32>
      %add3A_293 = arith.constant 14 : i32
      %add3A_294 = vector.broadcast %add3A_293 : i32 to vector<16xi32>
      %add3A_295 = arith.addi %shift_left3A_130, %add3A_294 : vector<16xi32>
      %gather3A_296 = tpu.vector_load_idx %arg16[%add3A_138, %add3A_295] : memref<128x128xf32, #tpu.memory_space<vmem>>[vector<16xi32>, vector<16xi32>], vector<16xf32>,
      %add3A_297 = arith.constant 14 : i32
      %add3A_298 = vector.broadcast %add3A_297 : i32 to vector<16xi32>
      %add3A_299 = arith.addi %shift_left3A_134, %add3A_298 : vector<16xi32>
      %gather3A_300 = tpu.vector_load_idx %arg17[%add3A_138, %add3A_299] : memref<128x128xf32, #tpu.memory_space<vmem>>[vector<16xi32>, vector<16xi32>], vector<16xf32>,
      %sub3A_301 = arith.subf %gather3A_296, %gather3A_300 : vector<16xf32>
      %mul3A_302 = arith.mulf %sub3A_301, %sub3A_301 : vector<16xf32>
      %add3A_303 = arith.addf %add3A_292, %mul3A_302 : vector<16xf32>
      %add3A_304 = arith.constant 15 : i32
      %add3A_305 = vector.broadcast %add3A_304 : i32 to vector<16xi32>
      %add3A_306 = arith.addi %shift_left3A_130, %add3A_305 : vector<16xi32>
      %gather3A_307 = tpu.vector_load_idx %arg16[%add3A_138, %add3A_306] : memref<128x128xf32, #tpu.memory_space<vmem>>[vector<16xi32>, vector<16xi32>], vector<16xf32>,
      %add3A_308 = arith.constant 15 : i32
      %add3A_309 = vector.broadcast %add3A_308 : i32 to vector<16xi32>
      %add3A_310 = arith.addi %shift_left3A_134, %add3A_309 : vector<16xi32>
      %gather3A_311 = tpu.vector_load_idx %arg17[%add3A_138, %add3A_310] : memref<128x128xf32, #tpu.memory_space<vmem>>[vector<16xi32>, vector<16xi32>], vector<16xf32>,
      %sub3A_312 = arith.subf %gather3A_307, %gather3A_311 : vector<16xf32>
      %mul3A_313 = arith.mulf %sub3A_312, %sub3A_312 : vector<16xf32>
      %add3A_314 = arith.addf %add3A_303, %mul3A_313 : vector<16xf32>
      %add3A_315 = arith.constant 16 : i32
      %add3A_316 = vector.broadcast %add3A_315 : i32 to vector<16xi32>
      %add3A_317 = arith.addi %shift_left3A_130, %add3A_316 : vector<16xi32>
      %gather3A_318 = tpu.vector_load_idx %arg16[%add3A_138, %add3A_317] : memref<128x128xf32, #tpu.memory_space<vmem>>[vector<16xi32>, vector<16xi32>], vector<16xf32>,
      %add3A_319 = arith.constant 16 : i32
      %add3A_320 = vector.broadcast %add3A_319 : i32 to vector<16xi32>
      %add3A_321 = arith.addi %shift_left3A_134, %add3A_320 : vector<16xi32>
      %gather3A_322 = tpu.vector_load_idx %arg17[%add3A_138, %add3A_321] : memref<128x128xf32, #tpu.memory_space<vmem>>[vector<16xi32>, vector<16xi32>], vector<16xf32>,
      %sub3A_323 = arith.subf %gather3A_318, %gather3A_322 : vector<16xf32>
      %mul3A_324 = arith.mulf %sub3A_323, %sub3A_323 : vector<16xf32>
      %add3A_325 = arith.addf %add3A_314, %mul3A_324 : vector<16xf32>
      %add3A_326 = arith.constant 17 : i32
      %add3A_327 = vector.broadcast %add3A_326 : i32 to vector<16xi32>
      %add3A_328 = arith.addi %shift_left3A_130, %add3A_327 : vector<16xi32>
      %gather3A_329 = tpu.vector_load_idx %arg16[%add3A_138, %add3A_328] : memref<128x128xf32, #tpu.memory_space<vmem>>[vector<16xi32>, vector<16xi32>], vector<16xf32>,
      %add3A_330 = arith.constant 17 : i32
      %add3A_331 = vector.broadcast %add3A_330 : i32 to vector<16xi32>
      %add3A_332 = arith.addi %shift_left3A_134, %add3A_331 : vector<16xi32>
      %gather3A_333 = tpu.vector_load_idx %arg17[%add3A_138, %add3A_332] : memref<128x128xf32, #tpu.memory_space<vmem>>[vector<16xi32>, vector<16xi32>], vector<16xf32>,
      %sub3A_334 = arith.subf %gather3A_329, %gather3A_333 : vector<16xf32>
      %mul3A_335 = arith.mulf %sub3A_334, %sub3A_334 : vector<16xf32>
      %add3A_336 = arith.addf %add3A_325, %mul3A_335 : vector<16xf32>
      %add3A_337 = arith.constant 18 : i32
      %add3A_338 = vector.broadcast %add3A_337 : i32 to vector<16xi32>
      %add3A_339 = arith.addi %shift_left3A_130, %add3A_338 : vector<16xi32>
      %gather3A_340 = tpu.vector_load_idx %arg16[%add3A_138, %add3A_339] : memref<128x128xf32, #tpu.memory_space<vmem>>[vector<16xi32>, vector<16xi32>], vector<16xf32>,
      %add3A_341 = arith.constant 18 : i32
      %add3A_342 = vector.broadcast %add3A_341 : i32 to vector<16xi32>
      %add3A_343 = arith.addi %shift_left3A_134, %add3A_342 : vector<16xi32>
      %gather3A_344 = tpu.vector_load_idx %arg17[%add3A_138, %add3A_343] : memref<128x128xf32, #tpu.memory_space<vmem>>[vector<16xi32>, vector<16xi32>], vector<16xf32>,
      %sub3A_345 = arith.subf %gather3A_340, %gather3A_344 : vector<16xf32>
      %mul3A_346 = arith.mulf %sub3A_345, %sub3A_345 : vector<16xf32>
      %add3A_347 = arith.addf %add3A_336, %mul3A_346 : vector<16xf32>
      %add3A_348 = arith.constant 19 : i32
      %add3A_349 = vector.broadcast %add3A_348 : i32 to vector<16xi32>
      %add3A_350 = arith.addi %shift_left3A_130, %add3A_349 : vector<16xi32>
      %gather3A_351 = tpu.vector_load_idx %arg16[%add3A_138, %add3A_350] : memref<128x128xf32, #tpu.memory_space<vmem>>[vector<16xi32>, vector<16xi32>], vector<16xf32>,
      %add3A_352 = arith.constant 19 : i32
      %add3A_353 = vector.broadcast %add3A_352 : i32 to vector<16xi32>
      %add3A_354 = arith.addi %shift_left3A_134, %add3A_353 : vector<16xi32>
      %gather3A_355 = tpu.vector_load_idx %arg17[%add3A_138, %add3A_354] : memref<128x128xf32, #tpu.memory_space<vmem>>[vector<16xi32>, vector<16xi32>], vector<16xf32>,
      %sub3A_356 = arith.subf %gather3A_351, %gather3A_355 : vector<16xf32>
      %mul3A_357 = arith.mulf %sub3A_356, %sub3A_356 : vector<16xf32>
      %add3A_358 = arith.addf %add3A_347, %mul3A_357 : vector<16xf32>
      %add3A_359 = arith.constant 20 : i32
      %add3A_360 = vector.broadcast %add3A_359 : i32 to vector<16xi32>
      %add3A_361 = arith.addi %shift_left3A_130, %add3A_360 : vector<16xi32>
      %gather3A_362 = tpu.vector_load_idx %arg16[%add3A_138, %add3A_361] : memref<128x128xf32, #tpu.memory_space<vmem>>[vector<16xi32>, vector<16xi32>], vector<16xf32>,
      %add3A_363 = arith.constant 20 : i32
      %add3A_364 = vector.broadcast %add3A_363 : i32 to vector<16xi32>
      %add3A_365 = arith.addi %shift_left3A_134, %add3A_364 : vector<16xi32>
      %gather3A_366 = tpu.vector_load_idx %arg17[%add3A_138, %add3A_365] : memref<128x128xf32, #tpu.memory_space<vmem>>[vector<16xi32>, vector<16xi32>], vector<16xf32>,
      %sub3A_367 = arith.subf %gather3A_362, %gather3A_366 : vector<16xf32>
      %mul3A_368 = arith.mulf %sub3A_367, %sub3A_367 : vector<16xf32>
      %add3A_369 = arith.addf %add3A_358, %mul3A_368 : vector<16xf32>
      %add3A_370 = arith.constant 21 : i32
      %add3A_371 = vector.broadcast %add3A_370 : i32 to vector<16xi32>
      %add3A_372 = arith.addi %shift_left3A_130, %add3A_371 : vector<16xi32>
      %gather3A_373 = tpu.vector_load_idx %arg16[%add3A_138, %add3A_372] : memref<128x128xf32, #tpu.memory_space<vmem>>[vector<16xi32>, vector<16xi32>], vector<16xf32>,
      %add3A_374 = arith.constant 21 : i32
      %add3A_375 = vector.broadcast %add3A_374 : i32 to vector<16xi32>
      %add3A_376 = arith.addi %shift_left3A_134, %add3A_375 : vector<16xi32>
      %gather3A_377 = tpu.vector_load_idx %arg17[%add3A_138, %add3A_376] : memref<128x128xf32, #tpu.memory_space<vmem>>[vector<16xi32>, vector<16xi32>], vector<16xf32>,
      %sub3A_378 = arith.subf %gather3A_373, %gather3A_377 : vector<16xf32>
      %mul3A_379 = arith.mulf %sub3A_378, %sub3A_378 : vector<16xf32>
      %add3A_380 = arith.addf %add3A_369, %mul3A_379 : vector<16xf32>
      %add3A_381 = arith.constant 22 : i32
      %add3A_382 = vector.broadcast %add3A_381 : i32 to vector<16xi32>
      %add3A_383 = arith.addi %shift_left3A_130, %add3A_382 : vector<16xi32>
      %gather3A_384 = tpu.vector_load_idx %arg16[%add3A_138, %add3A_383] : memref<128x128xf32, #tpu.memory_space<vmem>>[vector<16xi32>, vector<16xi32>], vector<16xf32>,
      %add3A_385 = arith.constant 22 : i32
      %add3A_386 = vector.broadcast %add3A_385 : i32 to vector<16xi32>
      %add3A_387 = arith.addi %shift_left3A_134, %add3A_386 : vector<16xi32>
      %gather3A_388 = tpu.vector_load_idx %arg17[%add3A_138, %add3A_387] : memref<128x128xf32, #tpu.memory_space<vmem>>[vector<16xi32>, vector<16xi32>], vector<16xf32>,
      %sub3A_389 = arith.subf %gather3A_384, %gather3A_388 : vector<16xf32>
      %mul3A_390 = arith.mulf %sub3A_389, %sub3A_389 : vector<16xf32>
      %add3A_391 = arith.addf %add3A_380, %mul3A_390 : vector<16xf32>
      %add3A_392 = arith.constant 23 : i32
      %add3A_393 = vector.broadcast %add3A_392 : i32 to vector<16xi32>
      %add3A_394 = arith.addi %shift_left3A_130, %add3A_393 : vector<16xi32>
      %gather3A_395 = tpu.vector_load_idx %arg16[%add3A_138, %add3A_394] : memref<128x128xf32, #tpu.memory_space<vmem>>[vector<16xi32>, vector<16xi32>], vector<16xf32>,
      %add3A_396 = arith.constant 23 : i32
      %add3A_397 = vector.broadcast %add3A_396 : i32 to vector<16xi32>
      %add3A_398 = arith.addi %shift_left3A_134, %add3A_397 : vector<16xi32>
      %gather3A_399 = tpu.vector_load_idx %arg17[%add3A_138, %add3A_398] : memref<128x128xf32, #tpu.memory_space<vmem>>[vector<16xi32>, vector<16xi32>], vector<16xf32>,
      %sub3A_400 = arith.subf %gather3A_395, %gather3A_399 : vector<16xf32>
      %mul3A_401 = arith.mulf %sub3A_400, %sub3A_400 : vector<16xf32>
      %add3A_402 = arith.addf %add3A_391, %mul3A_401 : vector<16xf32>
      %add3A_403 = arith.constant 24 : i32
      %add3A_404 = vector.broadcast %add3A_403 : i32 to vector<16xi32>
      %add3A_405 = arith.addi %shift_left3A_130, %add3A_404 : vector<16xi32>
      %gather3A_406 = tpu.vector_load_idx %arg16[%add3A_138, %add3A_405] : memref<128x128xf32, #tpu.memory_space<vmem>>[vector<16xi32>, vector<16xi32>], vector<16xf32>,
      %add3A_407 = arith.constant 24 : i32
      %add3A_408 = vector.broadcast %add3A_407 : i32 to vector<16xi32>
      %add3A_409 = arith.addi %shift_left3A_134, %add3A_408 : vector<16xi32>
      %gather3A_410 = tpu.vector_load_idx %arg17[%add3A_138, %add3A_409] : memref<128x128xf32, #tpu.memory_space<vmem>>[vector<16xi32>, vector<16xi32>], vector<16xf32>,
      %sub3A_411 = arith.subf %gather3A_406, %gather3A_410 : vector<16xf32>
      %mul3A_412 = arith.mulf %sub3A_411, %sub3A_411 : vector<16xf32>
      %add3A_413 = arith.addf %add3A_402, %mul3A_412 : vector<16xf32>
      %add3A_414 = arith.constant 25 : i32
      %add3A_415 = vector.broadcast %add3A_414 : i32 to vector<16xi32>
      %add3A_416 = arith.addi %shift_left3A_130, %add3A_415 : vector<16xi32>
      %gather3A_417 = tpu.vector_load_idx %arg16[%add3A_138, %add3A_416] : memref<128x128xf32, #tpu.memory_space<vmem>>[vector<16xi32>, vector<16xi32>], vector<16xf32>,
      %add3A_418 = arith.constant 25 : i32
      %add3A_419 = vector.broadcast %add3A_418 : i32 to vector<16xi32>
      %add3A_420 = arith.addi %shift_left3A_134, %add3A_419 : vector<16xi32>
      %gather3A_421 = tpu.vector_load_idx %arg17[%add3A_138, %add3A_420] : memref<128x128xf32, #tpu.memory_space<vmem>>[vector<16xi32>, vector<16xi32>], vector<16xf32>,
      %sub3A_422 = arith.subf %gather3A_417, %gather3A_421 : vector<16xf32>
      %mul3A_423 = arith.mulf %sub3A_422, %sub3A_422 : vector<16xf32>
      %add3A_424 = arith.addf %add3A_413, %mul3A_423 : vector<16xf32>
      %add3A_425 = arith.constant 26 : i32
      %add3A_426 = vector.broadcast %add3A_425 : i32 to vector<16xi32>
      %add3A_427 = arith.addi %shift_left3A_130, %add3A_426 : vector<16xi32>
      %gather3A_428 = tpu.vector_load_idx %arg16[%add3A_138, %add3A_427] : memref<128x128xf32, #tpu.memory_space<vmem>>[vector<16xi32>, vector<16xi32>], vector<16xf32>,
      %add3A_429 = arith.constant 26 : i32
      %add3A_430 = vector.broadcast %add3A_429 : i32 to vector<16xi32>
      %add3A_431 = arith.addi %shift_left3A_134, %add3A_430 : vector<16xi32>
      %gather3A_432 = tpu.vector_load_idx %arg17[%add3A_138, %add3A_431] : memref<128x128xf32, #tpu.memory_space<vmem>>[vector<16xi32>, vector<16xi32>], vector<16xf32>,
      %sub3A_433 = arith.subf %gather3A_428, %gather3A_432 : vector<16xf32>
      %mul3A_434 = arith.mulf %sub3A_433, %sub3A_433 : vector<16xf32>
      %add3A_435 = arith.addf %add3A_424, %mul3A_434 : vector<16xf32>
      %add3A_436 = arith.constant 27 : i32
      %add3A_437 = vector.broadcast %add3A_436 : i32 to vector<16xi32>
      %add3A_438 = arith.addi %shift_left3A_130, %add3A_437 : vector<16xi32>
      %gather3A_439 = tpu.vector_load_idx %arg16[%add3A_138, %add3A_438] : memref<128x128xf32, #tpu.memory_space<vmem>>[vector<16xi32>, vector<16xi32>], vector<16xf32>,
      %add3A_440 = arith.constant 27 : i32
      %add3A_441 = vector.broadcast %add3A_440 : i32 to vector<16xi32>
      %add3A_442 = arith.addi %shift_left3A_134, %add3A_441 : vector<16xi32>
      %gather3A_443 = tpu.vector_load_idx %arg17[%add3A_138, %add3A_442] : memref<128x128xf32, #tpu.memory_space<vmem>>[vector<16xi32>, vector<16xi32>], vector<16xf32>,
      %sub3A_444 = arith.subf %gather3A_439, %gather3A_443 : vector<16xf32>
      %mul3A_445 = arith.mulf %sub3A_444, %sub3A_444 : vector<16xf32>
      %add3A_446 = arith.addf %add3A_435, %mul3A_445 : vector<16xf32>
      %add3A_447 = arith.constant 28 : i32
      %add3A_448 = vector.broadcast %add3A_447 : i32 to vector<16xi32>
      %add3A_449 = arith.addi %shift_left3A_130, %add3A_448 : vector<16xi32>
      %gather3A_450 = tpu.vector_load_idx %arg16[%add3A_138, %add3A_449] : memref<128x128xf32, #tpu.memory_space<vmem>>[vector<16xi32>, vector<16xi32>], vector<16xf32>,
      %add3A_451 = arith.constant 28 : i32
      %add3A_452 = vector.broadcast %add3A_451 : i32 to vector<16xi32>
      %add3A_453 = arith.addi %shift_left3A_134, %add3A_452 : vector<16xi32>
      %gather3A_454 = tpu.vector_load_idx %arg17[%add3A_138, %add3A_453] : memref<128x128xf32, #tpu.memory_space<vmem>>[vector<16xi32>, vector<16xi32>], vector<16xf32>,
      %sub3A_455 = arith.subf %gather3A_450, %gather3A_454 : vector<16xf32>
      %mul3A_456 = arith.mulf %sub3A_455, %sub3A_455 : vector<16xf32>
      %add3A_457 = arith.addf %add3A_446, %mul3A_456 : vector<16xf32>
      %add3A_458 = arith.constant 29 : i32
      %add3A_459 = vector.broadcast %add3A_458 : i32 to vector<16xi32>
      %add3A_460 = arith.addi %shift_left3A_130, %add3A_459 : vector<16xi32>
      %gather3A_461 = tpu.vector_load_idx %arg16[%add3A_138, %add3A_460] : memref<128x128xf32, #tpu.memory_space<vmem>>[vector<16xi32>, vector<16xi32>], vector<16xf32>,
      %add3A_462 = arith.constant 29 : i32
      %add3A_463 = vector.broadcast %add3A_462 : i32 to vector<16xi32>
      %add3A_464 = arith.addi %shift_left3A_134, %add3A_463 : vector<16xi32>
      %gather3A_465 = tpu.vector_load_idx %arg17[%add3A_138, %add3A_464] : memref<128x128xf32, #tpu.memory_space<vmem>>[vector<16xi32>, vector<16xi32>], vector<16xf32>,
      %sub3A_466 = arith.subf %gather3A_461, %gather3A_465 : vector<16xf32>
      %mul3A_467 = arith.mulf %sub3A_466, %sub3A_466 : vector<16xf32>
      %add3A_468 = arith.addf %add3A_457, %mul3A_467 : vector<16xf32>
      %add3A_469 = arith.constant 30 : i32
      %add3A_470 = vector.broadcast %add3A_469 : i32 to vector<16xi32>
      %add3A_471 = arith.addi %shift_left3A_130, %add3A_470 : vector<16xi32>
      %gather3A_472 = tpu.vector_load_idx %arg16[%add3A_138, %add3A_471] : memref<128x128xf32, #tpu.memory_space<vmem>>[vector<16xi32>, vector<16xi32>], vector<16xf32>,
      %add3A_473 = arith.constant 30 : i32
      %add3A_474 = vector.broadcast %add3A_473 : i32 to vector<16xi32>
      %add3A_475 = arith.addi %shift_left3A_134, %add3A_474 : vector<16xi32>
      %gather3A_476 = tpu.vector_load_idx %arg17[%add3A_138, %add3A_475] : memref<128x128xf32, #tpu.memory_space<vmem>>[vector<16xi32>, vector<16xi32>], vector<16xf32>,
      %sub3A_477 = arith.subf %gather3A_472, %gather3A_476 : vector<16xf32>
      %mul3A_478 = arith.mulf %sub3A_477, %sub3A_477 : vector<16xf32>
      %add3A_479 = arith.addf %add3A_468, %mul3A_478 : vector<16xf32>
      %add3A_480 = arith.constant 31 : i32
      %add3A_481 = vector.broadcast %add3A_480 : i32 to vector<16xi32>
      %add3A_482 = arith.addi %shift_left3A_130, %add3A_481 : vector<16xi32>
      %gather3A_483 = tpu.vector_load_idx %arg16[%add3A_138, %add3A_482] : memref<128x128xf32, #tpu.memory_space<vmem>>[vector<16xi32>, vector<16xi32>], vector<16xf32>,
      %add3A_484 = arith.constant 31 : i32
      %add3A_485 = vector.broadcast %add3A_484 : i32 to vector<16xi32>
      %add3A_486 = arith.addi %shift_left3A_134, %add3A_485 : vector<16xi32>
      %gather3A_487 = tpu.vector_load_idx %arg17[%add3A_138, %add3A_486] : memref<128x128xf32, #tpu.memory_space<vmem>>[vector<16xi32>, vector<16xi32>], vector<16xf32>,
      %sub3A_488 = arith.subf %gather3A_483, %gather3A_487 : vector<16xf32>
      %mul3A_489 = arith.mulf %sub3A_488, %sub3A_488 : vector<16xf32>
      %add3A_490 = arith.addf %add3A_479, %mul3A_489 : vector<16xf32>
      %max3A = arith.constant 1.000000e-30 : f32
      %max3A_491 = vector.broadcast %max3A : f32 to vector<16xf32>
      %max3A_492 = arith.maximumf %add3A_490, %max3A_491 : vector<16xf32>
      %bitcast3A = vector.bitcast %max3A_492 : vector<16xf32> to vector<16xi32>
      %shift_right_logical3A = arith.constant 1 : i32
      %shift_right_logical3A_493 = vector.broadcast %shift_right_logical3A : i32 to vector<16xi32>
      %shift_right_logical3A_494 = arith.shrui %bitcast3A, %shift_right_logical3A_493 : vector<16xi32>
      %sub3A_495 = arith.constant 1597463007 : i32
      %sub3A_496 = vector.broadcast %sub3A_495 : i32 to vector<16xi32>
      %sub3A_497 = arith.subi %sub3A_496, %shift_right_logical3A_494 : vector<16xi32>
      %bitcast3A_498 = vector.bitcast %sub3A_497 : vector<16xi32> to vector<16xf32>
      %mul3A_499 = arith.constant 5.000000e-01 : f32
      %mul3A_500 = vector.broadcast %mul3A_499 : f32 to vector<16xf32>
      %mul3A_501 = arith.mulf %mul3A_500, %max3A_492 : vector<16xf32>
      %mul3A_502 = arith.mulf %mul3A_501, %bitcast3A_498 : vector<16xf32>
      %mul3A_503 = arith.mulf %mul3A_502, %bitcast3A_498 : vector<16xf32>
      %sub3A_504 = arith.constant 1.500000e+00 : f32
      %sub3A_505 = vector.broadcast %sub3A_504 : f32 to vector<16xf32>
      %sub3A_506 = arith.subf %sub3A_505, %mul3A_503 : vector<16xf32>
      %mul3A_507 = arith.mulf %bitcast3A_498, %sub3A_506 : vector<16xf32>
      %mul3A_508 = arith.constant 5.000000e-01 : f32
      %mul3A_509 = vector.broadcast %mul3A_508 : f32 to vector<16xf32>
      %mul3A_510 = arith.mulf %mul3A_509, %max3A_492 : vector<16xf32>
      %mul3A_511 = arith.mulf %mul3A_510, %mul3A_507 : vector<16xf32>
      %mul3A_512 = arith.mulf %mul3A_511, %mul3A_507 : vector<16xf32>
      %sub3A_513 = arith.constant 1.500000e+00 : f32
      %sub3A_514 = vector.broadcast %sub3A_513 : f32 to vector<16xf32>
      %sub3A_515 = arith.subf %sub3A_514, %mul3A_512 : vector<16xf32>
      %mul3A_516 = arith.mulf %mul3A_507, %sub3A_515 : vector<16xf32>
      %mul3A_517 = arith.constant 5.000000e-01 : f32
      %mul3A_518 = vector.broadcast %mul3A_517 : f32 to vector<16xf32>
      %mul3A_519 = arith.mulf %mul3A_518, %max3A_492 : vector<16xf32>
      %mul3A_520 = arith.mulf %mul3A_519, %mul3A_516 : vector<16xf32>
      %mul3A_521 = arith.mulf %mul3A_520, %mul3A_516 : vector<16xf32>
      %sub3A_522 = arith.constant 1.500000e+00 : f32
      %sub3A_523 = vector.broadcast %sub3A_522 : f32 to vector<16xf32>
      %sub3A_524 = arith.subf %sub3A_523, %mul3A_521 : vector<16xf32>
      %mul3A_525 = arith.mulf %mul3A_516, %sub3A_524 : vector<16xf32>
      %mul3A_526 = arith.mulf %add3A_490, %mul3A_525 : vector<16xf32>
      %get3A_527 = arith.index_cast %add3A_124 : i32 to index
      %get3A_528 = tpu.vector_load %arg18[%get3A_527] {strides = array<i32>} : memref<512xf32, #tpu.memory_space<vmem>>, vector<16xf32>,
      %get3A_529 = arith.index_cast %add3A_124 : i32 to index
      %get3A_530 = tpu.vector_load %arg19[%get3A_529] {strides = array<i32>} : memref<512xf32, #tpu.memory_space<vmem>>, vector<16xf32>,
      %add3A_531 = arith.addf %get3A_11, %get3A_528 : vector<16xf32>
      %add3A_532 = arith.addf %add3A_531, %get3A_530 : vector<16xf32>
      %sub3A_533 = arith.subf %add3A_532, %mul3A_526 : vector<16xf32>
      %neg3A = arith.constant 0.000000e+00 : f32
      %neg3A_534 = vector.broadcast %neg3A : f32 to vector<16xf32>
      %neg3A_535 = arith.subf %neg3A_534, %sub3A_533 : vector<16xf32>
      %exp3A = math.exp %neg3A_535 : vector<16xf32>
      %add3A_536 = arith.constant 1.000000e+00 : f32
      %add3A_537 = vector.broadcast %add3A_536 : f32 to vector<16xf32>
      %add3A_538 = arith.addf %add3A_537, %exp3A : vector<16xf32>
      %div3A = arith.constant 1.000000e+00 : f32
      %div3A_539 = vector.broadcast %div3A : f32 to vector<16xf32>
      %div3A_540 = arith.divf %div3A_539, %add3A_538 : vector<16xf32>
      %swap3A = arith.index_cast %add3A_124 : i32 to index
      %swap3A_541 = tpu.vector_load %arg21[%swap3A] {strides = array<i32>} : memref<512xf32, #tpu.memory_space<vmem>>, vector<16xf32>,
      tpu.vector_store %arg21[%swap3A], %div3A_540 {strides = array<i32>} : memref<512xf32, #tpu.memory_space<vmem>>, vector<16xf32>,
    }
    %scan3A_77 = arith.constant 8 : i32
    %dma_start3A_78 = arith.constant 384 : i32
    %dma_start3A_79 = tpu.memref_slice %arg12[%dma_start3A_78] : memref<512xi32, #tpu.memory_space<vmem>> -> memref<128xi32, #tpu.memory_space<vmem>>
    %dma_start3A_80 = arith.constant 0 : i32
    %dma_start3A_81 = arith.constant 0 : i32
    %dma_start3A_82 = tpu.memref_slice %arg4[%dma_start3A_80, %dma_start3A_81] : memref<250000x128xf32, #tpu.memory_space<hbm>> -> memref<250000x128xf32, #tpu.memory_space<hbm>>
    tpu.enqueue_indirect_dma source(%dma_start3A_82 : memref<250000x128xf32, #tpu.memory_space<hbm>>) target(%arg16 : memref<128x128xf32, #tpu.memory_space<vmem>>) offsets(%dma_start3A_79 : memref<128xi32, #tpu.memory_space<vmem>>) semaphore(%arg24 : memref<!tpu.dma_semaphore, #tpu.memory_space<semaphore_mem>>)
    %dma_start3A_83 = arith.constant 384 : i32
    %dma_start3A_84 = tpu.memref_slice %arg13[%dma_start3A_83] : memref<512xi32, #tpu.memory_space<vmem>> -> memref<128xi32, #tpu.memory_space<vmem>>
    %dma_start3A_85 = arith.constant 0 : i32
    %dma_start3A_86 = arith.constant 0 : i32
    %dma_start3A_87 = tpu.memref_slice %arg5[%dma_start3A_85, %dma_start3A_86] : memref<25000x128xf32, #tpu.memory_space<hbm>> -> memref<25000x128xf32, #tpu.memory_space<hbm>>
    tpu.enqueue_indirect_dma source(%dma_start3A_87 : memref<25000x128xf32, #tpu.memory_space<hbm>>) target(%arg17 : memref<128x128xf32, #tpu.memory_space<vmem>>) offsets(%dma_start3A_84 : memref<128xi32, #tpu.memory_space<vmem>>) semaphore(%arg24 : memref<!tpu.dma_semaphore, #tpu.memory_space<semaphore_mem>>)
    %dma_wait3A_88 = arith.constant 256 : i32
    %dma_wait3A_89 = tpu.memref_slice %arg12[%dma_wait3A_88] : memref<512xi32, #tpu.memory_space<vmem>> -> memref<128xi32, #tpu.memory_space<vmem>>
    %dma_wait3A_90 = arith.constant 0 : i32
    %dma_wait3A_91 = arith.constant 0 : i32
    %dma_wait3A_92 = tpu.memref_slice %arg4[%dma_wait3A_90, %dma_wait3A_91] : memref<250000x128xf32, #tpu.memory_space<hbm>> -> memref<250000x128xf32, #tpu.memory_space<hbm>>
    tpu.wait_indirect_dma semaphore(%arg23 : memref<!tpu.dma_semaphore, #tpu.memory_space<semaphore_mem>>) src(%dma_wait3A_92 : memref<250000x128xf32, #tpu.memory_space<hbm>>) dst(%arg14 : memref<128x128xf32, #tpu.memory_space<vmem>>)
    %dma_wait3A_93 = arith.constant 256 : i32
    %dma_wait3A_94 = tpu.memref_slice %arg13[%dma_wait3A_93] : memref<512xi32, #tpu.memory_space<vmem>> -> memref<128xi32, #tpu.memory_space<vmem>>
    %dma_wait3A_95 = arith.constant 0 : i32
    %dma_wait3A_96 = arith.constant 0 : i32
    %dma_wait3A_97 = tpu.memref_slice %arg5[%dma_wait3A_95, %dma_wait3A_96] : memref<25000x128xf32, #tpu.memory_space<hbm>> -> memref<25000x128xf32, #tpu.memory_space<hbm>>
    tpu.wait_indirect_dma semaphore(%arg23 : memref<!tpu.dma_semaphore, #tpu.memory_space<semaphore_mem>>) src(%dma_wait3A_97 : memref<25000x128xf32, #tpu.memory_space<hbm>>) dst(%arg15 : memref<128x128xf32, #tpu.memory_space<vmem>>)
    %scan3A_98 = arith.constant 0 : i32
    %scan3A_99 = arith.constant 0 : i32
    %scan3A_100 = arith.constant 8 : i32
    %scan3A_101 = arith.addi %scan3A_99, %scan3A_100 : i32
    %scan3A_102 = arith.constant 1 : i32
    scf.for %scan3A_120 = %scan3A_99 to %scan3A_101 step %scan3A_102  : i32 {
      %mul3A_121 = arith.constant 16 : i32
      %mul3A_122 = arith.muli %scan3A_120, %mul3A_121 : i32
      %add3A_123 = arith.constant 256 : i32
      %add3A_124 = arith.addi %add3A_123, %mul3A_122 : i32
      %get3A_125 = arith.index_cast %add3A_124 : i32 to index
      %get3A_126 = tpu.vector_load %arg10[%get3A_125] {strides = array<i32>} : memref<512xi32, #tpu.memory_space<vmem>>, vector<16xi32>,
      %get3A_127 = arith.index_cast %add3A_124 : i32 to index
      %get3A_128 = tpu.vector_load %arg11[%get3A_127] {strides = array<i32>} : memref<512xi32, #tpu.memory_space<vmem>>, vector<16xi32>,
      %and3A = arith.andi %get3A_126, %broadcast_in_dim3A_12 : vector<16xi32>
      %shift_left3A = arith.constant 5 : i32
      %shift_left3A_129 = vector.broadcast %shift_left3A : i32 to vector<16xi32>
      %shift_left3A_130 = arith.shli %and3A, %shift_left3A_129 : vector<16xi32>
      %and3A_131 = arith.andi %get3A_128, %broadcast_in_dim3A_12 : vector<16xi32>
      %shift_left3A_132 = arith.constant 5 : i32
      %shift_left3A_133 = vector.broadcast %shift_left3A_132 : i32 to vector<16xi32>
      %shift_left3A_134 = arith.shli %and3A_131, %shift_left3A_133 : vector<16xi32>
      %mul3A_135 = arith.constant 16 : i32
      %mul3A_136 = arith.muli %scan3A_120, %mul3A_135 : i32
      %add3A_137 = vector.broadcast %mul3A_136 : i32 to vector<16xi32>
      %add3A_138 = arith.addi %iota3A, %add3A_137 : vector<16xi32>
      %broadcast_in_dim3A_139 = arith.constant 0.000000e+00 : f32
      %broadcast_in_dim3A_140 = vector.broadcast %broadcast_in_dim3A_139 : f32 to vector<16xf32>
      %add3A_141 = arith.constant 0 : i32
      %add3A_142 = vector.broadcast %add3A_141 : i32 to vector<16xi32>
      %add3A_143 = arith.addi %shift_left3A_130, %add3A_142 : vector<16xi32>
      %gather3A = tpu.vector_load_idx %arg14[%add3A_138, %add3A_143] : memref<128x128xf32, #tpu.memory_space<vmem>>[vector<16xi32>, vector<16xi32>], vector<16xf32>,
      %add3A_144 = arith.constant 0 : i32
      %add3A_145 = vector.broadcast %add3A_144 : i32 to vector<16xi32>
      %add3A_146 = arith.addi %shift_left3A_134, %add3A_145 : vector<16xi32>
      %gather3A_147 = tpu.vector_load_idx %arg15[%add3A_138, %add3A_146] : memref<128x128xf32, #tpu.memory_space<vmem>>[vector<16xi32>, vector<16xi32>], vector<16xf32>,
      %sub3A = arith.subf %gather3A, %gather3A_147 : vector<16xf32>
      %mul3A_148 = arith.mulf %sub3A, %sub3A : vector<16xf32>
      %add3A_149 = arith.addf %broadcast_in_dim3A_140, %mul3A_148 : vector<16xf32>
      %add3A_150 = arith.constant 1 : i32
      %add3A_151 = vector.broadcast %add3A_150 : i32 to vector<16xi32>
      %add3A_152 = arith.addi %shift_left3A_130, %add3A_151 : vector<16xi32>
      %gather3A_153 = tpu.vector_load_idx %arg14[%add3A_138, %add3A_152] : memref<128x128xf32, #tpu.memory_space<vmem>>[vector<16xi32>, vector<16xi32>], vector<16xf32>,
      %add3A_154 = arith.constant 1 : i32
      %add3A_155 = vector.broadcast %add3A_154 : i32 to vector<16xi32>
      %add3A_156 = arith.addi %shift_left3A_134, %add3A_155 : vector<16xi32>
      %gather3A_157 = tpu.vector_load_idx %arg15[%add3A_138, %add3A_156] : memref<128x128xf32, #tpu.memory_space<vmem>>[vector<16xi32>, vector<16xi32>], vector<16xf32>,
      %sub3A_158 = arith.subf %gather3A_153, %gather3A_157 : vector<16xf32>
      %mul3A_159 = arith.mulf %sub3A_158, %sub3A_158 : vector<16xf32>
      %add3A_160 = arith.addf %add3A_149, %mul3A_159 : vector<16xf32>
      %add3A_161 = arith.constant 2 : i32
      %add3A_162 = vector.broadcast %add3A_161 : i32 to vector<16xi32>
      %add3A_163 = arith.addi %shift_left3A_130, %add3A_162 : vector<16xi32>
      %gather3A_164 = tpu.vector_load_idx %arg14[%add3A_138, %add3A_163] : memref<128x128xf32, #tpu.memory_space<vmem>>[vector<16xi32>, vector<16xi32>], vector<16xf32>,
      %add3A_165 = arith.constant 2 : i32
      %add3A_166 = vector.broadcast %add3A_165 : i32 to vector<16xi32>
      %add3A_167 = arith.addi %shift_left3A_134, %add3A_166 : vector<16xi32>
      %gather3A_168 = tpu.vector_load_idx %arg15[%add3A_138, %add3A_167] : memref<128x128xf32, #tpu.memory_space<vmem>>[vector<16xi32>, vector<16xi32>], vector<16xf32>,
      %sub3A_169 = arith.subf %gather3A_164, %gather3A_168 : vector<16xf32>
      %mul3A_170 = arith.mulf %sub3A_169, %sub3A_169 : vector<16xf32>
      %add3A_171 = arith.addf %add3A_160, %mul3A_170 : vector<16xf32>
      %add3A_172 = arith.constant 3 : i32
      %add3A_173 = vector.broadcast %add3A_172 : i32 to vector<16xi32>
      %add3A_174 = arith.addi %shift_left3A_130, %add3A_173 : vector<16xi32>
      %gather3A_175 = tpu.vector_load_idx %arg14[%add3A_138, %add3A_174] : memref<128x128xf32, #tpu.memory_space<vmem>>[vector<16xi32>, vector<16xi32>], vector<16xf32>,
      %add3A_176 = arith.constant 3 : i32
      %add3A_177 = vector.broadcast %add3A_176 : i32 to vector<16xi32>
      %add3A_178 = arith.addi %shift_left3A_134, %add3A_177 : vector<16xi32>
      %gather3A_179 = tpu.vector_load_idx %arg15[%add3A_138, %add3A_178] : memref<128x128xf32, #tpu.memory_space<vmem>>[vector<16xi32>, vector<16xi32>], vector<16xf32>,
      %sub3A_180 = arith.subf %gather3A_175, %gather3A_179 : vector<16xf32>
      %mul3A_181 = arith.mulf %sub3A_180, %sub3A_180 : vector<16xf32>
      %add3A_182 = arith.addf %add3A_171, %mul3A_181 : vector<16xf32>
      %add3A_183 = arith.constant 4 : i32
      %add3A_184 = vector.broadcast %add3A_183 : i32 to vector<16xi32>
      %add3A_185 = arith.addi %shift_left3A_130, %add3A_184 : vector<16xi32>
      %gather3A_186 = tpu.vector_load_idx %arg14[%add3A_138, %add3A_185] : memref<128x128xf32, #tpu.memory_space<vmem>>[vector<16xi32>, vector<16xi32>], vector<16xf32>,
      %add3A_187 = arith.constant 4 : i32
      %add3A_188 = vector.broadcast %add3A_187 : i32 to vector<16xi32>
      %add3A_189 = arith.addi %shift_left3A_134, %add3A_188 : vector<16xi32>
      %gather3A_190 = tpu.vector_load_idx %arg15[%add3A_138, %add3A_189] : memref<128x128xf32, #tpu.memory_space<vmem>>[vector<16xi32>, vector<16xi32>], vector<16xf32>,
      %sub3A_191 = arith.subf %gather3A_186, %gather3A_190 : vector<16xf32>
      %mul3A_192 = arith.mulf %sub3A_191, %sub3A_191 : vector<16xf32>
      %add3A_193 = arith.addf %add3A_182, %mul3A_192 : vector<16xf32>
      %add3A_194 = arith.constant 5 : i32
      %add3A_195 = vector.broadcast %add3A_194 : i32 to vector<16xi32>
      %add3A_196 = arith.addi %shift_left3A_130, %add3A_195 : vector<16xi32>
      %gather3A_197 = tpu.vector_load_idx %arg14[%add3A_138, %add3A_196] : memref<128x128xf32, #tpu.memory_space<vmem>>[vector<16xi32>, vector<16xi32>], vector<16xf32>,
      %add3A_198 = arith.constant 5 : i32
      %add3A_199 = vector.broadcast %add3A_198 : i32 to vector<16xi32>
      %add3A_200 = arith.addi %shift_left3A_134, %add3A_199 : vector<16xi32>
      %gather3A_201 = tpu.vector_load_idx %arg15[%add3A_138, %add3A_200] : memref<128x128xf32, #tpu.memory_space<vmem>>[vector<16xi32>, vector<16xi32>], vector<16xf32>,
      %sub3A_202 = arith.subf %gather3A_197, %gather3A_201 : vector<16xf32>
      %mul3A_203 = arith.mulf %sub3A_202, %sub3A_202 : vector<16xf32>
      %add3A_204 = arith.addf %add3A_193, %mul3A_203 : vector<16xf32>
      %add3A_205 = arith.constant 6 : i32
      %add3A_206 = vector.broadcast %add3A_205 : i32 to vector<16xi32>
      %add3A_207 = arith.addi %shift_left3A_130, %add3A_206 : vector<16xi32>
      %gather3A_208 = tpu.vector_load_idx %arg14[%add3A_138, %add3A_207] : memref<128x128xf32, #tpu.memory_space<vmem>>[vector<16xi32>, vector<16xi32>], vector<16xf32>,
      %add3A_209 = arith.constant 6 : i32
      %add3A_210 = vector.broadcast %add3A_209 : i32 to vector<16xi32>
      %add3A_211 = arith.addi %shift_left3A_134, %add3A_210 : vector<16xi32>
      %gather3A_212 = tpu.vector_load_idx %arg15[%add3A_138, %add3A_211] : memref<128x128xf32, #tpu.memory_space<vmem>>[vector<16xi32>, vector<16xi32>], vector<16xf32>,
      %sub3A_213 = arith.subf %gather3A_208, %gather3A_212 : vector<16xf32>
      %mul3A_214 = arith.mulf %sub3A_213, %sub3A_213 : vector<16xf32>
      %add3A_215 = arith.addf %add3A_204, %mul3A_214 : vector<16xf32>
      %add3A_216 = arith.constant 7 : i32
      %add3A_217 = vector.broadcast %add3A_216 : i32 to vector<16xi32>
      %add3A_218 = arith.addi %shift_left3A_130, %add3A_217 : vector<16xi32>
      %gather3A_219 = tpu.vector_load_idx %arg14[%add3A_138, %add3A_218] : memref<128x128xf32, #tpu.memory_space<vmem>>[vector<16xi32>, vector<16xi32>], vector<16xf32>,
      %add3A_220 = arith.constant 7 : i32
      %add3A_221 = vector.broadcast %add3A_220 : i32 to vector<16xi32>
      %add3A_222 = arith.addi %shift_left3A_134, %add3A_221 : vector<16xi32>
      %gather3A_223 = tpu.vector_load_idx %arg15[%add3A_138, %add3A_222] : memref<128x128xf32, #tpu.memory_space<vmem>>[vector<16xi32>, vector<16xi32>], vector<16xf32>,
      %sub3A_224 = arith.subf %gather3A_219, %gather3A_223 : vector<16xf32>
      %mul3A_225 = arith.mulf %sub3A_224, %sub3A_224 : vector<16xf32>
      %add3A_226 = arith.addf %add3A_215, %mul3A_225 : vector<16xf32>
      %add3A_227 = arith.constant 8 : i32
      %add3A_228 = vector.broadcast %add3A_227 : i32 to vector<16xi32>
      %add3A_229 = arith.addi %shift_left3A_130, %add3A_228 : vector<16xi32>
      %gather3A_230 = tpu.vector_load_idx %arg14[%add3A_138, %add3A_229] : memref<128x128xf32, #tpu.memory_space<vmem>>[vector<16xi32>, vector<16xi32>], vector<16xf32>,
      %add3A_231 = arith.constant 8 : i32
      %add3A_232 = vector.broadcast %add3A_231 : i32 to vector<16xi32>
      %add3A_233 = arith.addi %shift_left3A_134, %add3A_232 : vector<16xi32>
      %gather3A_234 = tpu.vector_load_idx %arg15[%add3A_138, %add3A_233] : memref<128x128xf32, #tpu.memory_space<vmem>>[vector<16xi32>, vector<16xi32>], vector<16xf32>,
      %sub3A_235 = arith.subf %gather3A_230, %gather3A_234 : vector<16xf32>
      %mul3A_236 = arith.mulf %sub3A_235, %sub3A_235 : vector<16xf32>
      %add3A_237 = arith.addf %add3A_226, %mul3A_236 : vector<16xf32>
      %add3A_238 = arith.constant 9 : i32
      %add3A_239 = vector.broadcast %add3A_238 : i32 to vector<16xi32>
      %add3A_240 = arith.addi %shift_left3A_130, %add3A_239 : vector<16xi32>
      %gather3A_241 = tpu.vector_load_idx %arg14[%add3A_138, %add3A_240] : memref<128x128xf32, #tpu.memory_space<vmem>>[vector<16xi32>, vector<16xi32>], vector<16xf32>,
      %add3A_242 = arith.constant 9 : i32
      %add3A_243 = vector.broadcast %add3A_242 : i32 to vector<16xi32>
      %add3A_244 = arith.addi %shift_left3A_134, %add3A_243 : vector<16xi32>
      %gather3A_245 = tpu.vector_load_idx %arg15[%add3A_138, %add3A_244] : memref<128x128xf32, #tpu.memory_space<vmem>>[vector<16xi32>, vector<16xi32>], vector<16xf32>,
      %sub3A_246 = arith.subf %gather3A_241, %gather3A_245 : vector<16xf32>
      %mul3A_247 = arith.mulf %sub3A_246, %sub3A_246 : vector<16xf32>
      %add3A_248 = arith.addf %add3A_237, %mul3A_247 : vector<16xf32>
      %add3A_249 = arith.constant 10 : i32
      %add3A_250 = vector.broadcast %add3A_249 : i32 to vector<16xi32>
      %add3A_251 = arith.addi %shift_left3A_130, %add3A_250 : vector<16xi32>
      %gather3A_252 = tpu.vector_load_idx %arg14[%add3A_138, %add3A_251] : memref<128x128xf32, #tpu.memory_space<vmem>>[vector<16xi32>, vector<16xi32>], vector<16xf32>,
      %add3A_253 = arith.constant 10 : i32
      %add3A_254 = vector.broadcast %add3A_253 : i32 to vector<16xi32>
      %add3A_255 = arith.addi %shift_left3A_134, %add3A_254 : vector<16xi32>
      %gather3A_256 = tpu.vector_load_idx %arg15[%add3A_138, %add3A_255] : memref<128x128xf32, #tpu.memory_space<vmem>>[vector<16xi32>, vector<16xi32>], vector<16xf32>,
      %sub3A_257 = arith.subf %gather3A_252, %gather3A_256 : vector<16xf32>
      %mul3A_258 = arith.mulf %sub3A_257, %sub3A_257 : vector<16xf32>
      %add3A_259 = arith.addf %add3A_248, %mul3A_258 : vector<16xf32>
      %add3A_260 = arith.constant 11 : i32
      %add3A_261 = vector.broadcast %add3A_260 : i32 to vector<16xi32>
      %add3A_262 = arith.addi %shift_left3A_130, %add3A_261 : vector<16xi32>
      %gather3A_263 = tpu.vector_load_idx %arg14[%add3A_138, %add3A_262] : memref<128x128xf32, #tpu.memory_space<vmem>>[vector<16xi32>, vector<16xi32>], vector<16xf32>,
      %add3A_264 = arith.constant 11 : i32
      %add3A_265 = vector.broadcast %add3A_264 : i32 to vector<16xi32>
      %add3A_266 = arith.addi %shift_left3A_134, %add3A_265 : vector<16xi32>
      %gather3A_267 = tpu.vector_load_idx %arg15[%add3A_138, %add3A_266] : memref<128x128xf32, #tpu.memory_space<vmem>>[vector<16xi32>, vector<16xi32>], vector<16xf32>,
      %sub3A_268 = arith.subf %gather3A_263, %gather3A_267 : vector<16xf32>
      %mul3A_269 = arith.mulf %sub3A_268, %sub3A_268 : vector<16xf32>
      %add3A_270 = arith.addf %add3A_259, %mul3A_269 : vector<16xf32>
      %add3A_271 = arith.constant 12 : i32
      %add3A_272 = vector.broadcast %add3A_271 : i32 to vector<16xi32>
      %add3A_273 = arith.addi %shift_left3A_130, %add3A_272 : vector<16xi32>
      %gather3A_274 = tpu.vector_load_idx %arg14[%add3A_138, %add3A_273] : memref<128x128xf32, #tpu.memory_space<vmem>>[vector<16xi32>, vector<16xi32>], vector<16xf32>,
      %add3A_275 = arith.constant 12 : i32
      %add3A_276 = vector.broadcast %add3A_275 : i32 to vector<16xi32>
      %add3A_277 = arith.addi %shift_left3A_134, %add3A_276 : vector<16xi32>
      %gather3A_278 = tpu.vector_load_idx %arg15[%add3A_138, %add3A_277] : memref<128x128xf32, #tpu.memory_space<vmem>>[vector<16xi32>, vector<16xi32>], vector<16xf32>,
      %sub3A_279 = arith.subf %gather3A_274, %gather3A_278 : vector<16xf32>
      %mul3A_280 = arith.mulf %sub3A_279, %sub3A_279 : vector<16xf32>
      %add3A_281 = arith.addf %add3A_270, %mul3A_280 : vector<16xf32>
      %add3A_282 = arith.constant 13 : i32
      %add3A_283 = vector.broadcast %add3A_282 : i32 to vector<16xi32>
      %add3A_284 = arith.addi %shift_left3A_130, %add3A_283 : vector<16xi32>
      %gather3A_285 = tpu.vector_load_idx %arg14[%add3A_138, %add3A_284] : memref<128x128xf32, #tpu.memory_space<vmem>>[vector<16xi32>, vector<16xi32>], vector<16xf32>,
      %add3A_286 = arith.constant 13 : i32
      %add3A_287 = vector.broadcast %add3A_286 : i32 to vector<16xi32>
      %add3A_288 = arith.addi %shift_left3A_134, %add3A_287 : vector<16xi32>
      %gather3A_289 = tpu.vector_load_idx %arg15[%add3A_138, %add3A_288] : memref<128x128xf32, #tpu.memory_space<vmem>>[vector<16xi32>, vector<16xi32>], vector<16xf32>,
      %sub3A_290 = arith.subf %gather3A_285, %gather3A_289 : vector<16xf32>
      %mul3A_291 = arith.mulf %sub3A_290, %sub3A_290 : vector<16xf32>
      %add3A_292 = arith.addf %add3A_281, %mul3A_291 : vector<16xf32>
      %add3A_293 = arith.constant 14 : i32
      %add3A_294 = vector.broadcast %add3A_293 : i32 to vector<16xi32>
      %add3A_295 = arith.addi %shift_left3A_130, %add3A_294 : vector<16xi32>
      %gather3A_296 = tpu.vector_load_idx %arg14[%add3A_138, %add3A_295] : memref<128x128xf32, #tpu.memory_space<vmem>>[vector<16xi32>, vector<16xi32>], vector<16xf32>,
      %add3A_297 = arith.constant 14 : i32
      %add3A_298 = vector.broadcast %add3A_297 : i32 to vector<16xi32>
      %add3A_299 = arith.addi %shift_left3A_134, %add3A_298 : vector<16xi32>
      %gather3A_300 = tpu.vector_load_idx %arg15[%add3A_138, %add3A_299] : memref<128x128xf32, #tpu.memory_space<vmem>>[vector<16xi32>, vector<16xi32>], vector<16xf32>,
      %sub3A_301 = arith.subf %gather3A_296, %gather3A_300 : vector<16xf32>
      %mul3A_302 = arith.mulf %sub3A_301, %sub3A_301 : vector<16xf32>
      %add3A_303 = arith.addf %add3A_292, %mul3A_302 : vector<16xf32>
      %add3A_304 = arith.constant 15 : i32
      %add3A_305 = vector.broadcast %add3A_304 : i32 to vector<16xi32>
      %add3A_306 = arith.addi %shift_left3A_130, %add3A_305 : vector<16xi32>
      %gather3A_307 = tpu.vector_load_idx %arg14[%add3A_138, %add3A_306] : memref<128x128xf32, #tpu.memory_space<vmem>>[vector<16xi32>, vector<16xi32>], vector<16xf32>,
      %add3A_308 = arith.constant 15 : i32
      %add3A_309 = vector.broadcast %add3A_308 : i32 to vector<16xi32>
      %add3A_310 = arith.addi %shift_left3A_134, %add3A_309 : vector<16xi32>
      %gather3A_311 = tpu.vector_load_idx %arg15[%add3A_138, %add3A_310] : memref<128x128xf32, #tpu.memory_space<vmem>>[vector<16xi32>, vector<16xi32>], vector<16xf32>,
      %sub3A_312 = arith.subf %gather3A_307, %gather3A_311 : vector<16xf32>
      %mul3A_313 = arith.mulf %sub3A_312, %sub3A_312 : vector<16xf32>
      %add3A_314 = arith.addf %add3A_303, %mul3A_313 : vector<16xf32>
      %add3A_315 = arith.constant 16 : i32
      %add3A_316 = vector.broadcast %add3A_315 : i32 to vector<16xi32>
      %add3A_317 = arith.addi %shift_left3A_130, %add3A_316 : vector<16xi32>
      %gather3A_318 = tpu.vector_load_idx %arg14[%add3A_138, %add3A_317] : memref<128x128xf32, #tpu.memory_space<vmem>>[vector<16xi32>, vector<16xi32>], vector<16xf32>,
      %add3A_319 = arith.constant 16 : i32
      %add3A_320 = vector.broadcast %add3A_319 : i32 to vector<16xi32>
      %add3A_321 = arith.addi %shift_left3A_134, %add3A_320 : vector<16xi32>
      %gather3A_322 = tpu.vector_load_idx %arg15[%add3A_138, %add3A_321] : memref<128x128xf32, #tpu.memory_space<vmem>>[vector<16xi32>, vector<16xi32>], vector<16xf32>,
      %sub3A_323 = arith.subf %gather3A_318, %gather3A_322 : vector<16xf32>
      %mul3A_324 = arith.mulf %sub3A_323, %sub3A_323 : vector<16xf32>
      %add3A_325 = arith.addf %add3A_314, %mul3A_324 : vector<16xf32>
      %add3A_326 = arith.constant 17 : i32
      %add3A_327 = vector.broadcast %add3A_326 : i32 to vector<16xi32>
      %add3A_328 = arith.addi %shift_left3A_130, %add3A_327 : vector<16xi32>
      %gather3A_329 = tpu.vector_load_idx %arg14[%add3A_138, %add3A_328] : memref<128x128xf32, #tpu.memory_space<vmem>>[vector<16xi32>, vector<16xi32>], vector<16xf32>,
      %add3A_330 = arith.constant 17 : i32
      %add3A_331 = vector.broadcast %add3A_330 : i32 to vector<16xi32>
      %add3A_332 = arith.addi %shift_left3A_134, %add3A_331 : vector<16xi32>
      %gather3A_333 = tpu.vector_load_idx %arg15[%add3A_138, %add3A_332] : memref<128x128xf32, #tpu.memory_space<vmem>>[vector<16xi32>, vector<16xi32>], vector<16xf32>,
      %sub3A_334 = arith.subf %gather3A_329, %gather3A_333 : vector<16xf32>
      %mul3A_335 = arith.mulf %sub3A_334, %sub3A_334 : vector<16xf32>
      %add3A_336 = arith.addf %add3A_325, %mul3A_335 : vector<16xf32>
      %add3A_337 = arith.constant 18 : i32
      %add3A_338 = vector.broadcast %add3A_337 : i32 to vector<16xi32>
      %add3A_339 = arith.addi %shift_left3A_130, %add3A_338 : vector<16xi32>
      %gather3A_340 = tpu.vector_load_idx %arg14[%add3A_138, %add3A_339] : memref<128x128xf32, #tpu.memory_space<vmem>>[vector<16xi32>, vector<16xi32>], vector<16xf32>,
      %add3A_341 = arith.constant 18 : i32
      %add3A_342 = vector.broadcast %add3A_341 : i32 to vector<16xi32>
      %add3A_343 = arith.addi %shift_left3A_134, %add3A_342 : vector<16xi32>
      %gather3A_344 = tpu.vector_load_idx %arg15[%add3A_138, %add3A_343] : memref<128x128xf32, #tpu.memory_space<vmem>>[vector<16xi32>, vector<16xi32>], vector<16xf32>,
      %sub3A_345 = arith.subf %gather3A_340, %gather3A_344 : vector<16xf32>
      %mul3A_346 = arith.mulf %sub3A_345, %sub3A_345 : vector<16xf32>
      %add3A_347 = arith.addf %add3A_336, %mul3A_346 : vector<16xf32>
      %add3A_348 = arith.constant 19 : i32
      %add3A_349 = vector.broadcast %add3A_348 : i32 to vector<16xi32>
      %add3A_350 = arith.addi %shift_left3A_130, %add3A_349 : vector<16xi32>
      %gather3A_351 = tpu.vector_load_idx %arg14[%add3A_138, %add3A_350] : memref<128x128xf32, #tpu.memory_space<vmem>>[vector<16xi32>, vector<16xi32>], vector<16xf32>,
      %add3A_352 = arith.constant 19 : i32
      %add3A_353 = vector.broadcast %add3A_352 : i32 to vector<16xi32>
      %add3A_354 = arith.addi %shift_left3A_134, %add3A_353 : vector<16xi32>
      %gather3A_355 = tpu.vector_load_idx %arg15[%add3A_138, %add3A_354] : memref<128x128xf32, #tpu.memory_space<vmem>>[vector<16xi32>, vector<16xi32>], vector<16xf32>,
      %sub3A_356 = arith.subf %gather3A_351, %gather3A_355 : vector<16xf32>
      %mul3A_357 = arith.mulf %sub3A_356, %sub3A_356 : vector<16xf32>
      %add3A_358 = arith.addf %add3A_347, %mul3A_357 : vector<16xf32>
      %add3A_359 = arith.constant 20 : i32
      %add3A_360 = vector.broadcast %add3A_359 : i32 to vector<16xi32>
      %add3A_361 = arith.addi %shift_left3A_130, %add3A_360 : vector<16xi32>
      %gather3A_362 = tpu.vector_load_idx %arg14[%add3A_138, %add3A_361] : memref<128x128xf32, #tpu.memory_space<vmem>>[vector<16xi32>, vector<16xi32>], vector<16xf32>,
      %add3A_363 = arith.constant 20 : i32
      %add3A_364 = vector.broadcast %add3A_363 : i32 to vector<16xi32>
      %add3A_365 = arith.addi %shift_left3A_134, %add3A_364 : vector<16xi32>
      %gather3A_366 = tpu.vector_load_idx %arg15[%add3A_138, %add3A_365] : memref<128x128xf32, #tpu.memory_space<vmem>>[vector<16xi32>, vector<16xi32>], vector<16xf32>,
      %sub3A_367 = arith.subf %gather3A_362, %gather3A_366 : vector<16xf32>
      %mul3A_368 = arith.mulf %sub3A_367, %sub3A_367 : vector<16xf32>
      %add3A_369 = arith.addf %add3A_358, %mul3A_368 : vector<16xf32>
      %add3A_370 = arith.constant 21 : i32
      %add3A_371 = vector.broadcast %add3A_370 : i32 to vector<16xi32>
      %add3A_372 = arith.addi %shift_left3A_130, %add3A_371 : vector<16xi32>
      %gather3A_373 = tpu.vector_load_idx %arg14[%add3A_138, %add3A_372] : memref<128x128xf32, #tpu.memory_space<vmem>>[vector<16xi32>, vector<16xi32>], vector<16xf32>,
      %add3A_374 = arith.constant 21 : i32
      %add3A_375 = vector.broadcast %add3A_374 : i32 to vector<16xi32>
      %add3A_376 = arith.addi %shift_left3A_134, %add3A_375 : vector<16xi32>
      %gather3A_377 = tpu.vector_load_idx %arg15[%add3A_138, %add3A_376] : memref<128x128xf32, #tpu.memory_space<vmem>>[vector<16xi32>, vector<16xi32>], vector<16xf32>,
      %sub3A_378 = arith.subf %gather3A_373, %gather3A_377 : vector<16xf32>
      %mul3A_379 = arith.mulf %sub3A_378, %sub3A_378 : vector<16xf32>
      %add3A_380 = arith.addf %add3A_369, %mul3A_379 : vector<16xf32>
      %add3A_381 = arith.constant 22 : i32
      %add3A_382 = vector.broadcast %add3A_381 : i32 to vector<16xi32>
      %add3A_383 = arith.addi %shift_left3A_130, %add3A_382 : vector<16xi32>
      %gather3A_384 = tpu.vector_load_idx %arg14[%add3A_138, %add3A_383] : memref<128x128xf32, #tpu.memory_space<vmem>>[vector<16xi32>, vector<16xi32>], vector<16xf32>,
      %add3A_385 = arith.constant 22 : i32
      %add3A_386 = vector.broadcast %add3A_385 : i32 to vector<16xi32>
      %add3A_387 = arith.addi %shift_left3A_134, %add3A_386 : vector<16xi32>
      %gather3A_388 = tpu.vector_load_idx %arg15[%add3A_138, %add3A_387] : memref<128x128xf32, #tpu.memory_space<vmem>>[vector<16xi32>, vector<16xi32>], vector<16xf32>,
      %sub3A_389 = arith.subf %gather3A_384, %gather3A_388 : vector<16xf32>
      %mul3A_390 = arith.mulf %sub3A_389, %sub3A_389 : vector<16xf32>
      %add3A_391 = arith.addf %add3A_380, %mul3A_390 : vector<16xf32>
      %add3A_392 = arith.constant 23 : i32
      %add3A_393 = vector.broadcast %add3A_392 : i32 to vector<16xi32>
      %add3A_394 = arith.addi %shift_left3A_130, %add3A_393 : vector<16xi32>
      %gather3A_395 = tpu.vector_load_idx %arg14[%add3A_138, %add3A_394] : memref<128x128xf32, #tpu.memory_space<vmem>>[vector<16xi32>, vector<16xi32>], vector<16xf32>,
      %add3A_396 = arith.constant 23 : i32
      %add3A_397 = vector.broadcast %add3A_396 : i32 to vector<16xi32>
      %add3A_398 = arith.addi %shift_left3A_134, %add3A_397 : vector<16xi32>
      %gather3A_399 = tpu.vector_load_idx %arg15[%add3A_138, %add3A_398] : memref<128x128xf32, #tpu.memory_space<vmem>>[vector<16xi32>, vector<16xi32>], vector<16xf32>,
      %sub3A_400 = arith.subf %gather3A_395, %gather3A_399 : vector<16xf32>
      %mul3A_401 = arith.mulf %sub3A_400, %sub3A_400 : vector<16xf32>
      %add3A_402 = arith.addf %add3A_391, %mul3A_401 : vector<16xf32>
      %add3A_403 = arith.constant 24 : i32
      %add3A_404 = vector.broadcast %add3A_403 : i32 to vector<16xi32>
      %add3A_405 = arith.addi %shift_left3A_130, %add3A_404 : vector<16xi32>
      %gather3A_406 = tpu.vector_load_idx %arg14[%add3A_138, %add3A_405] : memref<128x128xf32, #tpu.memory_space<vmem>>[vector<16xi32>, vector<16xi32>], vector<16xf32>,
      %add3A_407 = arith.constant 24 : i32
      %add3A_408 = vector.broadcast %add3A_407 : i32 to vector<16xi32>
      %add3A_409 = arith.addi %shift_left3A_134, %add3A_408 : vector<16xi32>
      %gather3A_410 = tpu.vector_load_idx %arg15[%add3A_138, %add3A_409] : memref<128x128xf32, #tpu.memory_space<vmem>>[vector<16xi32>, vector<16xi32>], vector<16xf32>,
      %sub3A_411 = arith.subf %gather3A_406, %gather3A_410 : vector<16xf32>
      %mul3A_412 = arith.mulf %sub3A_411, %sub3A_411 : vector<16xf32>
      %add3A_413 = arith.addf %add3A_402, %mul3A_412 : vector<16xf32>
      %add3A_414 = arith.constant 25 : i32
      %add3A_415 = vector.broadcast %add3A_414 : i32 to vector<16xi32>
      %add3A_416 = arith.addi %shift_left3A_130, %add3A_415 : vector<16xi32>
      %gather3A_417 = tpu.vector_load_idx %arg14[%add3A_138, %add3A_416] : memref<128x128xf32, #tpu.memory_space<vmem>>[vector<16xi32>, vector<16xi32>], vector<16xf32>,
      %add3A_418 = arith.constant 25 : i32
      %add3A_419 = vector.broadcast %add3A_418 : i32 to vector<16xi32>
      %add3A_420 = arith.addi %shift_left3A_134, %add3A_419 : vector<16xi32>
      %gather3A_421 = tpu.vector_load_idx %arg15[%add3A_138, %add3A_420] : memref<128x128xf32, #tpu.memory_space<vmem>>[vector<16xi32>, vector<16xi32>], vector<16xf32>,
      %sub3A_422 = arith.subf %gather3A_417, %gather3A_421 : vector<16xf32>
      %mul3A_423 = arith.mulf %sub3A_422, %sub3A_422 : vector<16xf32>
      %add3A_424 = arith.addf %add3A_413, %mul3A_423 : vector<16xf32>
      %add3A_425 = arith.constant 26 : i32
      %add3A_426 = vector.broadcast %add3A_425 : i32 to vector<16xi32>
      %add3A_427 = arith.addi %shift_left3A_130, %add3A_426 : vector<16xi32>
      %gather3A_428 = tpu.vector_load_idx %arg14[%add3A_138, %add3A_427] : memref<128x128xf32, #tpu.memory_space<vmem>>[vector<16xi32>, vector<16xi32>], vector<16xf32>,
      %add3A_429 = arith.constant 26 : i32
      %add3A_430 = vector.broadcast %add3A_429 : i32 to vector<16xi32>
      %add3A_431 = arith.addi %shift_left3A_134, %add3A_430 : vector<16xi32>
      %gather3A_432 = tpu.vector_load_idx %arg15[%add3A_138, %add3A_431] : memref<128x128xf32, #tpu.memory_space<vmem>>[vector<16xi32>, vector<16xi32>], vector<16xf32>,
      %sub3A_433 = arith.subf %gather3A_428, %gather3A_432 : vector<16xf32>
      %mul3A_434 = arith.mulf %sub3A_433, %sub3A_433 : vector<16xf32>
      %add3A_435 = arith.addf %add3A_424, %mul3A_434 : vector<16xf32>
      %add3A_436 = arith.constant 27 : i32
      %add3A_437 = vector.broadcast %add3A_436 : i32 to vector<16xi32>
      %add3A_438 = arith.addi %shift_left3A_130, %add3A_437 : vector<16xi32>
      %gather3A_439 = tpu.vector_load_idx %arg14[%add3A_138, %add3A_438] : memref<128x128xf32, #tpu.memory_space<vmem>>[vector<16xi32>, vector<16xi32>], vector<16xf32>,
      %add3A_440 = arith.constant 27 : i32
      %add3A_441 = vector.broadcast %add3A_440 : i32 to vector<16xi32>
      %add3A_442 = arith.addi %shift_left3A_134, %add3A_441 : vector<16xi32>
      %gather3A_443 = tpu.vector_load_idx %arg15[%add3A_138, %add3A_442] : memref<128x128xf32, #tpu.memory_space<vmem>>[vector<16xi32>, vector<16xi32>], vector<16xf32>,
      %sub3A_444 = arith.subf %gather3A_439, %gather3A_443 : vector<16xf32>
      %mul3A_445 = arith.mulf %sub3A_444, %sub3A_444 : vector<16xf32>
      %add3A_446 = arith.addf %add3A_435, %mul3A_445 : vector<16xf32>
      %add3A_447 = arith.constant 28 : i32
      %add3A_448 = vector.broadcast %add3A_447 : i32 to vector<16xi32>
      %add3A_449 = arith.addi %shift_left3A_130, %add3A_448 : vector<16xi32>
      %gather3A_450 = tpu.vector_load_idx %arg14[%add3A_138, %add3A_449] : memref<128x128xf32, #tpu.memory_space<vmem>>[vector<16xi32>, vector<16xi32>], vector<16xf32>,
      %add3A_451 = arith.constant 28 : i32
      %add3A_452 = vector.broadcast %add3A_451 : i32 to vector<16xi32>
      %add3A_453 = arith.addi %shift_left3A_134, %add3A_452 : vector<16xi32>
      %gather3A_454 = tpu.vector_load_idx %arg15[%add3A_138, %add3A_453] : memref<128x128xf32, #tpu.memory_space<vmem>>[vector<16xi32>, vector<16xi32>], vector<16xf32>,
      %sub3A_455 = arith.subf %gather3A_450, %gather3A_454 : vector<16xf32>
      %mul3A_456 = arith.mulf %sub3A_455, %sub3A_455 : vector<16xf32>
      %add3A_457 = arith.addf %add3A_446, %mul3A_456 : vector<16xf32>
      %add3A_458 = arith.constant 29 : i32
      %add3A_459 = vector.broadcast %add3A_458 : i32 to vector<16xi32>
      %add3A_460 = arith.addi %shift_left3A_130, %add3A_459 : vector<16xi32>
      %gather3A_461 = tpu.vector_load_idx %arg14[%add3A_138, %add3A_460] : memref<128x128xf32, #tpu.memory_space<vmem>>[vector<16xi32>, vector<16xi32>], vector<16xf32>,
      %add3A_462 = arith.constant 29 : i32
      %add3A_463 = vector.broadcast %add3A_462 : i32 to vector<16xi32>
      %add3A_464 = arith.addi %shift_left3A_134, %add3A_463 : vector<16xi32>
      %gather3A_465 = tpu.vector_load_idx %arg15[%add3A_138, %add3A_464] : memref<128x128xf32, #tpu.memory_space<vmem>>[vector<16xi32>, vector<16xi32>], vector<16xf32>,
      %sub3A_466 = arith.subf %gather3A_461, %gather3A_465 : vector<16xf32>
      %mul3A_467 = arith.mulf %sub3A_466, %sub3A_466 : vector<16xf32>
      %add3A_468 = arith.addf %add3A_457, %mul3A_467 : vector<16xf32>
      %add3A_469 = arith.constant 30 : i32
      %add3A_470 = vector.broadcast %add3A_469 : i32 to vector<16xi32>
      %add3A_471 = arith.addi %shift_left3A_130, %add3A_470 : vector<16xi32>
      %gather3A_472 = tpu.vector_load_idx %arg14[%add3A_138, %add3A_471] : memref<128x128xf32, #tpu.memory_space<vmem>>[vector<16xi32>, vector<16xi32>], vector<16xf32>,
      %add3A_473 = arith.constant 30 : i32
      %add3A_474 = vector.broadcast %add3A_473 : i32 to vector<16xi32>
      %add3A_475 = arith.addi %shift_left3A_134, %add3A_474 : vector<16xi32>
      %gather3A_476 = tpu.vector_load_idx %arg15[%add3A_138, %add3A_475] : memref<128x128xf32, #tpu.memory_space<vmem>>[vector<16xi32>, vector<16xi32>], vector<16xf32>,
      %sub3A_477 = arith.subf %gather3A_472, %gather3A_476 : vector<16xf32>
      %mul3A_478 = arith.mulf %sub3A_477, %sub3A_477 : vector<16xf32>
      %add3A_479 = arith.addf %add3A_468, %mul3A_478 : vector<16xf32>
      %add3A_480 = arith.constant 31 : i32
      %add3A_481 = vector.broadcast %add3A_480 : i32 to vector<16xi32>
      %add3A_482 = arith.addi %shift_left3A_130, %add3A_481 : vector<16xi32>
      %gather3A_483 = tpu.vector_load_idx %arg14[%add3A_138, %add3A_482] : memref<128x128xf32, #tpu.memory_space<vmem>>[vector<16xi32>, vector<16xi32>], vector<16xf32>,
      %add3A_484 = arith.constant 31 : i32
      %add3A_485 = vector.broadcast %add3A_484 : i32 to vector<16xi32>
      %add3A_486 = arith.addi %shift_left3A_134, %add3A_485 : vector<16xi32>
      %gather3A_487 = tpu.vector_load_idx %arg15[%add3A_138, %add3A_486] : memref<128x128xf32, #tpu.memory_space<vmem>>[vector<16xi32>, vector<16xi32>], vector<16xf32>,
      %sub3A_488 = arith.subf %gather3A_483, %gather3A_487 : vector<16xf32>
      %mul3A_489 = arith.mulf %sub3A_488, %sub3A_488 : vector<16xf32>
      %add3A_490 = arith.addf %add3A_479, %mul3A_489 : vector<16xf32>
      %max3A = arith.constant 1.000000e-30 : f32
      %max3A_491 = vector.broadcast %max3A : f32 to vector<16xf32>
      %max3A_492 = arith.maximumf %add3A_490, %max3A_491 : vector<16xf32>
      %bitcast3A = vector.bitcast %max3A_492 : vector<16xf32> to vector<16xi32>
      %shift_right_logical3A = arith.constant 1 : i32
      %shift_right_logical3A_493 = vector.broadcast %shift_right_logical3A : i32 to vector<16xi32>
      %shift_right_logical3A_494 = arith.shrui %bitcast3A, %shift_right_logical3A_493 : vector<16xi32>
      %sub3A_495 = arith.constant 1597463007 : i32
      %sub3A_496 = vector.broadcast %sub3A_495 : i32 to vector<16xi32>
      %sub3A_497 = arith.subi %sub3A_496, %shift_right_logical3A_494 : vector<16xi32>
      %bitcast3A_498 = vector.bitcast %sub3A_497 : vector<16xi32> to vector<16xf32>
      %mul3A_499 = arith.constant 5.000000e-01 : f32
      %mul3A_500 = vector.broadcast %mul3A_499 : f32 to vector<16xf32>
      %mul3A_501 = arith.mulf %mul3A_500, %max3A_492 : vector<16xf32>
      %mul3A_502 = arith.mulf %mul3A_501, %bitcast3A_498 : vector<16xf32>
      %mul3A_503 = arith.mulf %mul3A_502, %bitcast3A_498 : vector<16xf32>
      %sub3A_504 = arith.constant 1.500000e+00 : f32
      %sub3A_505 = vector.broadcast %sub3A_504 : f32 to vector<16xf32>
      %sub3A_506 = arith.subf %sub3A_505, %mul3A_503 : vector<16xf32>
      %mul3A_507 = arith.mulf %bitcast3A_498, %sub3A_506 : vector<16xf32>
      %mul3A_508 = arith.constant 5.000000e-01 : f32
      %mul3A_509 = vector.broadcast %mul3A_508 : f32 to vector<16xf32>
      %mul3A_510 = arith.mulf %mul3A_509, %max3A_492 : vector<16xf32>
      %mul3A_511 = arith.mulf %mul3A_510, %mul3A_507 : vector<16xf32>
      %mul3A_512 = arith.mulf %mul3A_511, %mul3A_507 : vector<16xf32>
      %sub3A_513 = arith.constant 1.500000e+00 : f32
      %sub3A_514 = vector.broadcast %sub3A_513 : f32 to vector<16xf32>
      %sub3A_515 = arith.subf %sub3A_514, %mul3A_512 : vector<16xf32>
      %mul3A_516 = arith.mulf %mul3A_507, %sub3A_515 : vector<16xf32>
      %mul3A_517 = arith.constant 5.000000e-01 : f32
      %mul3A_518 = vector.broadcast %mul3A_517 : f32 to vector<16xf32>
      %mul3A_519 = arith.mulf %mul3A_518, %max3A_492 : vector<16xf32>
      %mul3A_520 = arith.mulf %mul3A_519, %mul3A_516 : vector<16xf32>
      %mul3A_521 = arith.mulf %mul3A_520, %mul3A_516 : vector<16xf32>
      %sub3A_522 = arith.constant 1.500000e+00 : f32
      %sub3A_523 = vector.broadcast %sub3A_522 : f32 to vector<16xf32>
      %sub3A_524 = arith.subf %sub3A_523, %mul3A_521 : vector<16xf32>
      %mul3A_525 = arith.mulf %mul3A_516, %sub3A_524 : vector<16xf32>
      %mul3A_526 = arith.mulf %add3A_490, %mul3A_525 : vector<16xf32>
      %get3A_527 = arith.index_cast %add3A_124 : i32 to index
      %get3A_528 = tpu.vector_load %arg18[%get3A_527] {strides = array<i32>} : memref<512xf32, #tpu.memory_space<vmem>>, vector<16xf32>,
      %get3A_529 = arith.index_cast %add3A_124 : i32 to index
      %get3A_530 = tpu.vector_load %arg19[%get3A_529] {strides = array<i32>} : memref<512xf32, #tpu.memory_space<vmem>>, vector<16xf32>,
      %add3A_531 = arith.addf %get3A_11, %get3A_528 : vector<16xf32>
      %add3A_532 = arith.addf %add3A_531, %get3A_530 : vector<16xf32>
      %sub3A_533 = arith.subf %add3A_532, %mul3A_526 : vector<16xf32>
      %neg3A = arith.constant 0.000000e+00 : f32
      %neg3A_534 = vector.broadcast %neg3A : f32 to vector<16xf32>
      %neg3A_535 = arith.subf %neg3A_534, %sub3A_533 : vector<16xf32>
      %exp3A = math.exp %neg3A_535 : vector<16xf32>
      %add3A_536 = arith.constant 1.000000e+00 : f32
      %add3A_537 = vector.broadcast %add3A_536 : f32 to vector<16xf32>
      %add3A_538 = arith.addf %add3A_537, %exp3A : vector<16xf32>
      %div3A = arith.constant 1.000000e+00 : f32
      %div3A_539 = vector.broadcast %div3A : f32 to vector<16xf32>
      %div3A_540 = arith.divf %div3A_539, %add3A_538 : vector<16xf32>
      %swap3A = arith.index_cast %add3A_124 : i32 to index
      %swap3A_541 = tpu.vector_load %arg21[%swap3A] {strides = array<i32>} : memref<512xf32, #tpu.memory_space<vmem>>, vector<16xf32>,
      tpu.vector_store %arg21[%swap3A], %div3A_540 {strides = array<i32>} : memref<512xf32, #tpu.memory_space<vmem>>, vector<16xf32>,
    }
    %scan3A_103 = arith.constant 8 : i32
    %dma_wait3A_104 = arith.constant 384 : i32
    %dma_wait3A_105 = tpu.memref_slice %arg12[%dma_wait3A_104] : memref<512xi32, #tpu.memory_space<vmem>> -> memref<128xi32, #tpu.memory_space<vmem>>
    %dma_wait3A_106 = arith.constant 0 : i32
    %dma_wait3A_107 = arith.constant 0 : i32
    %dma_wait3A_108 = tpu.memref_slice %arg4[%dma_wait3A_106, %dma_wait3A_107] : memref<250000x128xf32, #tpu.memory_space<hbm>> -> memref<250000x128xf32, #tpu.memory_space<hbm>>
    tpu.wait_indirect_dma semaphore(%arg24 : memref<!tpu.dma_semaphore, #tpu.memory_space<semaphore_mem>>) src(%dma_wait3A_108 : memref<250000x128xf32, #tpu.memory_space<hbm>>) dst(%arg16 : memref<128x128xf32, #tpu.memory_space<vmem>>)
    %dma_wait3A_109 = arith.constant 384 : i32
    %dma_wait3A_110 = tpu.memref_slice %arg13[%dma_wait3A_109] : memref<512xi32, #tpu.memory_space<vmem>> -> memref<128xi32, #tpu.memory_space<vmem>>
    %dma_wait3A_111 = arith.constant 0 : i32
    %dma_wait3A_112 = arith.constant 0 : i32
    %dma_wait3A_113 = tpu.memref_slice %arg5[%dma_wait3A_111, %dma_wait3A_112] : memref<25000x128xf32, #tpu.memory_space<hbm>> -> memref<25000x128xf32, #tpu.memory_space<hbm>>
    tpu.wait_indirect_dma semaphore(%arg24 : memref<!tpu.dma_semaphore, #tpu.memory_space<semaphore_mem>>) src(%dma_wait3A_113 : memref<25000x128xf32, #tpu.memory_space<hbm>>) dst(%arg17 : memref<128x128xf32, #tpu.memory_space<vmem>>)
    %scan3A_114 = arith.constant 0 : i32
    %scan3A_115 = arith.constant 0 : i32
    %scan3A_116 = arith.constant 8 : i32
    %scan3A_117 = arith.addi %scan3A_115, %scan3A_116 : i32
    %scan3A_118 = arith.constant 1 : i32
    scf.for %scan3A_120 = %scan3A_115 to %scan3A_117 step %scan3A_118  : i32 {
      %mul3A_121 = arith.constant 16 : i32
      %mul3A_122 = arith.muli %scan3A_120, %mul3A_121 : i32
      %add3A_123 = arith.constant 384 : i32
      %add3A_124 = arith.addi %add3A_123, %mul3A_122 : i32
      %get3A_125 = arith.index_cast %add3A_124 : i32 to index
      %get3A_126 = tpu.vector_load %arg10[%get3A_125] {strides = array<i32>} : memref<512xi32, #tpu.memory_space<vmem>>, vector<16xi32>,
      %get3A_127 = arith.index_cast %add3A_124 : i32 to index
      %get3A_128 = tpu.vector_load %arg11[%get3A_127] {strides = array<i32>} : memref<512xi32, #tpu.memory_space<vmem>>, vector<16xi32>,
      %and3A = arith.andi %get3A_126, %broadcast_in_dim3A_12 : vector<16xi32>
      %shift_left3A = arith.constant 5 : i32
      %shift_left3A_129 = vector.broadcast %shift_left3A : i32 to vector<16xi32>
      %shift_left3A_130 = arith.shli %and3A, %shift_left3A_129 : vector<16xi32>
      %and3A_131 = arith.andi %get3A_128, %broadcast_in_dim3A_12 : vector<16xi32>
      %shift_left3A_132 = arith.constant 5 : i32
      %shift_left3A_133 = vector.broadcast %shift_left3A_132 : i32 to vector<16xi32>
      %shift_left3A_134 = arith.shli %and3A_131, %shift_left3A_133 : vector<16xi32>
      %mul3A_135 = arith.constant 16 : i32
      %mul3A_136 = arith.muli %scan3A_120, %mul3A_135 : i32
      %add3A_137 = vector.broadcast %mul3A_136 : i32 to vector<16xi32>
      %add3A_138 = arith.addi %iota3A, %add3A_137 : vector<16xi32>
      %broadcast_in_dim3A_139 = arith.constant 0.000000e+00 : f32
      %broadcast_in_dim3A_140 = vector.broadcast %broadcast_in_dim3A_139 : f32 to vector<16xf32>
      %add3A_141 = arith.constant 0 : i32
      %add3A_142 = vector.broadcast %add3A_141 : i32 to vector<16xi32>
      %add3A_143 = arith.addi %shift_left3A_130, %add3A_142 : vector<16xi32>
      %gather3A = tpu.vector_load_idx %arg16[%add3A_138, %add3A_143] : memref<128x128xf32, #tpu.memory_space<vmem>>[vector<16xi32>, vector<16xi32>], vector<16xf32>,
      %add3A_144 = arith.constant 0 : i32
      %add3A_145 = vector.broadcast %add3A_144 : i32 to vector<16xi32>
      %add3A_146 = arith.addi %shift_left3A_134, %add3A_145 : vector<16xi32>
      %gather3A_147 = tpu.vector_load_idx %arg17[%add3A_138, %add3A_146] : memref<128x128xf32, #tpu.memory_space<vmem>>[vector<16xi32>, vector<16xi32>], vector<16xf32>,
      %sub3A = arith.subf %gather3A, %gather3A_147 : vector<16xf32>
      %mul3A_148 = arith.mulf %sub3A, %sub3A : vector<16xf32>
      %add3A_149 = arith.addf %broadcast_in_dim3A_140, %mul3A_148 : vector<16xf32>
      %add3A_150 = arith.constant 1 : i32
      %add3A_151 = vector.broadcast %add3A_150 : i32 to vector<16xi32>
      %add3A_152 = arith.addi %shift_left3A_130, %add3A_151 : vector<16xi32>
      %gather3A_153 = tpu.vector_load_idx %arg16[%add3A_138, %add3A_152] : memref<128x128xf32, #tpu.memory_space<vmem>>[vector<16xi32>, vector<16xi32>], vector<16xf32>,
      %add3A_154 = arith.constant 1 : i32
      %add3A_155 = vector.broadcast %add3A_154 : i32 to vector<16xi32>
      %add3A_156 = arith.addi %shift_left3A_134, %add3A_155 : vector<16xi32>
      %gather3A_157 = tpu.vector_load_idx %arg17[%add3A_138, %add3A_156] : memref<128x128xf32, #tpu.memory_space<vmem>>[vector<16xi32>, vector<16xi32>], vector<16xf32>,
      %sub3A_158 = arith.subf %gather3A_153, %gather3A_157 : vector<16xf32>
      %mul3A_159 = arith.mulf %sub3A_158, %sub3A_158 : vector<16xf32>
      %add3A_160 = arith.addf %add3A_149, %mul3A_159 : vector<16xf32>
      %add3A_161 = arith.constant 2 : i32
      %add3A_162 = vector.broadcast %add3A_161 : i32 to vector<16xi32>
      %add3A_163 = arith.addi %shift_left3A_130, %add3A_162 : vector<16xi32>
      %gather3A_164 = tpu.vector_load_idx %arg16[%add3A_138, %add3A_163] : memref<128x128xf32, #tpu.memory_space<vmem>>[vector<16xi32>, vector<16xi32>], vector<16xf32>,
      %add3A_165 = arith.constant 2 : i32
      %add3A_166 = vector.broadcast %add3A_165 : i32 to vector<16xi32>
      %add3A_167 = arith.addi %shift_left3A_134, %add3A_166 : vector<16xi32>
      %gather3A_168 = tpu.vector_load_idx %arg17[%add3A_138, %add3A_167] : memref<128x128xf32, #tpu.memory_space<vmem>>[vector<16xi32>, vector<16xi32>], vector<16xf32>,
      %sub3A_169 = arith.subf %gather3A_164, %gather3A_168 : vector<16xf32>
      %mul3A_170 = arith.mulf %sub3A_169, %sub3A_169 : vector<16xf32>
      %add3A_171 = arith.addf %add3A_160, %mul3A_170 : vector<16xf32>
      %add3A_172 = arith.constant 3 : i32
      %add3A_173 = vector.broadcast %add3A_172 : i32 to vector<16xi32>
      %add3A_174 = arith.addi %shift_left3A_130, %add3A_173 : vector<16xi32>
      %gather3A_175 = tpu.vector_load_idx %arg16[%add3A_138, %add3A_174] : memref<128x128xf32, #tpu.memory_space<vmem>>[vector<16xi32>, vector<16xi32>], vector<16xf32>,
      %add3A_176 = arith.constant 3 : i32
      %add3A_177 = vector.broadcast %add3A_176 : i32 to vector<16xi32>
      %add3A_178 = arith.addi %shift_left3A_134, %add3A_177 : vector<16xi32>
      %gather3A_179 = tpu.vector_load_idx %arg17[%add3A_138, %add3A_178] : memref<128x128xf32, #tpu.memory_space<vmem>>[vector<16xi32>, vector<16xi32>], vector<16xf32>,
      %sub3A_180 = arith.subf %gather3A_175, %gather3A_179 : vector<16xf32>
      %mul3A_181 = arith.mulf %sub3A_180, %sub3A_180 : vector<16xf32>
      %add3A_182 = arith.addf %add3A_171, %mul3A_181 : vector<16xf32>
      %add3A_183 = arith.constant 4 : i32
      %add3A_184 = vector.broadcast %add3A_183 : i32 to vector<16xi32>
      %add3A_185 = arith.addi %shift_left3A_130, %add3A_184 : vector<16xi32>
      %gather3A_186 = tpu.vector_load_idx %arg16[%add3A_138, %add3A_185] : memref<128x128xf32, #tpu.memory_space<vmem>>[vector<16xi32>, vector<16xi32>], vector<16xf32>,
      %add3A_187 = arith.constant 4 : i32
      %add3A_188 = vector.broadcast %add3A_187 : i32 to vector<16xi32>
      %add3A_189 = arith.addi %shift_left3A_134, %add3A_188 : vector<16xi32>
      %gather3A_190 = tpu.vector_load_idx %arg17[%add3A_138, %add3A_189] : memref<128x128xf32, #tpu.memory_space<vmem>>[vector<16xi32>, vector<16xi32>], vector<16xf32>,
      %sub3A_191 = arith.subf %gather3A_186, %gather3A_190 : vector<16xf32>
      %mul3A_192 = arith.mulf %sub3A_191, %sub3A_191 : vector<16xf32>
      %add3A_193 = arith.addf %add3A_182, %mul3A_192 : vector<16xf32>
      %add3A_194 = arith.constant 5 : i32
      %add3A_195 = vector.broadcast %add3A_194 : i32 to vector<16xi32>
      %add3A_196 = arith.addi %shift_left3A_130, %add3A_195 : vector<16xi32>
      %gather3A_197 = tpu.vector_load_idx %arg16[%add3A_138, %add3A_196] : memref<128x128xf32, #tpu.memory_space<vmem>>[vector<16xi32>, vector<16xi32>], vector<16xf32>,
      %add3A_198 = arith.constant 5 : i32
      %add3A_199 = vector.broadcast %add3A_198 : i32 to vector<16xi32>
      %add3A_200 = arith.addi %shift_left3A_134, %add3A_199 : vector<16xi32>
      %gather3A_201 = tpu.vector_load_idx %arg17[%add3A_138, %add3A_200] : memref<128x128xf32, #tpu.memory_space<vmem>>[vector<16xi32>, vector<16xi32>], vector<16xf32>,
      %sub3A_202 = arith.subf %gather3A_197, %gather3A_201 : vector<16xf32>
      %mul3A_203 = arith.mulf %sub3A_202, %sub3A_202 : vector<16xf32>
      %add3A_204 = arith.addf %add3A_193, %mul3A_203 : vector<16xf32>
      %add3A_205 = arith.constant 6 : i32
      %add3A_206 = vector.broadcast %add3A_205 : i32 to vector<16xi32>
      %add3A_207 = arith.addi %shift_left3A_130, %add3A_206 : vector<16xi32>
      %gather3A_208 = tpu.vector_load_idx %arg16[%add3A_138, %add3A_207] : memref<128x128xf32, #tpu.memory_space<vmem>>[vector<16xi32>, vector<16xi32>], vector<16xf32>,
      %add3A_209 = arith.constant 6 : i32
      %add3A_210 = vector.broadcast %add3A_209 : i32 to vector<16xi32>
      %add3A_211 = arith.addi %shift_left3A_134, %add3A_210 : vector<16xi32>
      %gather3A_212 = tpu.vector_load_idx %arg17[%add3A_138, %add3A_211] : memref<128x128xf32, #tpu.memory_space<vmem>>[vector<16xi32>, vector<16xi32>], vector<16xf32>,
      %sub3A_213 = arith.subf %gather3A_208, %gather3A_212 : vector<16xf32>
      %mul3A_214 = arith.mulf %sub3A_213, %sub3A_213 : vector<16xf32>
      %add3A_215 = arith.addf %add3A_204, %mul3A_214 : vector<16xf32>
      %add3A_216 = arith.constant 7 : i32
      %add3A_217 = vector.broadcast %add3A_216 : i32 to vector<16xi32>
      %add3A_218 = arith.addi %shift_left3A_130, %add3A_217 : vector<16xi32>
      %gather3A_219 = tpu.vector_load_idx %arg16[%add3A_138, %add3A_218] : memref<128x128xf32, #tpu.memory_space<vmem>>[vector<16xi32>, vector<16xi32>], vector<16xf32>,
      %add3A_220 = arith.constant 7 : i32
      %add3A_221 = vector.broadcast %add3A_220 : i32 to vector<16xi32>
      %add3A_222 = arith.addi %shift_left3A_134, %add3A_221 : vector<16xi32>
      %gather3A_223 = tpu.vector_load_idx %arg17[%add3A_138, %add3A_222] : memref<128x128xf32, #tpu.memory_space<vmem>>[vector<16xi32>, vector<16xi32>], vector<16xf32>,
      %sub3A_224 = arith.subf %gather3A_219, %gather3A_223 : vector<16xf32>
      %mul3A_225 = arith.mulf %sub3A_224, %sub3A_224 : vector<16xf32>
      %add3A_226 = arith.addf %add3A_215, %mul3A_225 : vector<16xf32>
      %add3A_227 = arith.constant 8 : i32
      %add3A_228 = vector.broadcast %add3A_227 : i32 to vector<16xi32>
      %add3A_229 = arith.addi %shift_left3A_130, %add3A_228 : vector<16xi32>
      %gather3A_230 = tpu.vector_load_idx %arg16[%add3A_138, %add3A_229] : memref<128x128xf32, #tpu.memory_space<vmem>>[vector<16xi32>, vector<16xi32>], vector<16xf32>,
      %add3A_231 = arith.constant 8 : i32
      %add3A_232 = vector.broadcast %add3A_231 : i32 to vector<16xi32>
      %add3A_233 = arith.addi %shift_left3A_134, %add3A_232 : vector<16xi32>
      %gather3A_234 = tpu.vector_load_idx %arg17[%add3A_138, %add3A_233] : memref<128x128xf32, #tpu.memory_space<vmem>>[vector<16xi32>, vector<16xi32>], vector<16xf32>,
      %sub3A_235 = arith.subf %gather3A_230, %gather3A_234 : vector<16xf32>
      %mul3A_236 = arith.mulf %sub3A_235, %sub3A_235 : vector<16xf32>
      %add3A_237 = arith.addf %add3A_226, %mul3A_236 : vector<16xf32>
      %add3A_238 = arith.constant 9 : i32
      %add3A_239 = vector.broadcast %add3A_238 : i32 to vector<16xi32>
      %add3A_240 = arith.addi %shift_left3A_130, %add3A_239 : vector<16xi32>
      %gather3A_241 = tpu.vector_load_idx %arg16[%add3A_138, %add3A_240] : memref<128x128xf32, #tpu.memory_space<vmem>>[vector<16xi32>, vector<16xi32>], vector<16xf32>,
      %add3A_242 = arith.constant 9 : i32
      %add3A_243 = vector.broadcast %add3A_242 : i32 to vector<16xi32>
      %add3A_244 = arith.addi %shift_left3A_134, %add3A_243 : vector<16xi32>
      %gather3A_245 = tpu.vector_load_idx %arg17[%add3A_138, %add3A_244] : memref<128x128xf32, #tpu.memory_space<vmem>>[vector<16xi32>, vector<16xi32>], vector<16xf32>,
      %sub3A_246 = arith.subf %gather3A_241, %gather3A_245 : vector<16xf32>
      %mul3A_247 = arith.mulf %sub3A_246, %sub3A_246 : vector<16xf32>
      %add3A_248 = arith.addf %add3A_237, %mul3A_247 : vector<16xf32>
      %add3A_249 = arith.constant 10 : i32
      %add3A_250 = vector.broadcast %add3A_249 : i32 to vector<16xi32>
      %add3A_251 = arith.addi %shift_left3A_130, %add3A_250 : vector<16xi32>
      %gather3A_252 = tpu.vector_load_idx %arg16[%add3A_138, %add3A_251] : memref<128x128xf32, #tpu.memory_space<vmem>>[vector<16xi32>, vector<16xi32>], vector<16xf32>,
      %add3A_253 = arith.constant 10 : i32
      %add3A_254 = vector.broadcast %add3A_253 : i32 to vector<16xi32>
      %add3A_255 = arith.addi %shift_left3A_134, %add3A_254 : vector<16xi32>
      %gather3A_256 = tpu.vector_load_idx %arg17[%add3A_138, %add3A_255] : memref<128x128xf32, #tpu.memory_space<vmem>>[vector<16xi32>, vector<16xi32>], vector<16xf32>,
      %sub3A_257 = arith.subf %gather3A_252, %gather3A_256 : vector<16xf32>
      %mul3A_258 = arith.mulf %sub3A_257, %sub3A_257 : vector<16xf32>
      %add3A_259 = arith.addf %add3A_248, %mul3A_258 : vector<16xf32>
      %add3A_260 = arith.constant 11 : i32
      %add3A_261 = vector.broadcast %add3A_260 : i32 to vector<16xi32>
      %add3A_262 = arith.addi %shift_left3A_130, %add3A_261 : vector<16xi32>
      %gather3A_263 = tpu.vector_load_idx %arg16[%add3A_138, %add3A_262] : memref<128x128xf32, #tpu.memory_space<vmem>>[vector<16xi32>, vector<16xi32>], vector<16xf32>,
      %add3A_264 = arith.constant 11 : i32
      %add3A_265 = vector.broadcast %add3A_264 : i32 to vector<16xi32>
      %add3A_266 = arith.addi %shift_left3A_134, %add3A_265 : vector<16xi32>
      %gather3A_267 = tpu.vector_load_idx %arg17[%add3A_138, %add3A_266] : memref<128x128xf32, #tpu.memory_space<vmem>>[vector<16xi32>, vector<16xi32>], vector<16xf32>,
      %sub3A_268 = arith.subf %gather3A_263, %gather3A_267 : vector<16xf32>
      %mul3A_269 = arith.mulf %sub3A_268, %sub3A_268 : vector<16xf32>
      %add3A_270 = arith.addf %add3A_259, %mul3A_269 : vector<16xf32>
      %add3A_271 = arith.constant 12 : i32
      %add3A_272 = vector.broadcast %add3A_271 : i32 to vector<16xi32>
      %add3A_273 = arith.addi %shift_left3A_130, %add3A_272 : vector<16xi32>
      %gather3A_274 = tpu.vector_load_idx %arg16[%add3A_138, %add3A_273] : memref<128x128xf32, #tpu.memory_space<vmem>>[vector<16xi32>, vector<16xi32>], vector<16xf32>,
      %add3A_275 = arith.constant 12 : i32
      %add3A_276 = vector.broadcast %add3A_275 : i32 to vector<16xi32>
      %add3A_277 = arith.addi %shift_left3A_134, %add3A_276 : vector<16xi32>
      %gather3A_278 = tpu.vector_load_idx %arg17[%add3A_138, %add3A_277] : memref<128x128xf32, #tpu.memory_space<vmem>>[vector<16xi32>, vector<16xi32>], vector<16xf32>,
      %sub3A_279 = arith.subf %gather3A_274, %gather3A_278 : vector<16xf32>
      %mul3A_280 = arith.mulf %sub3A_279, %sub3A_279 : vector<16xf32>
      %add3A_281 = arith.addf %add3A_270, %mul3A_280 : vector<16xf32>
      %add3A_282 = arith.constant 13 : i32
      %add3A_283 = vector.broadcast %add3A_282 : i32 to vector<16xi32>
      %add3A_284 = arith.addi %shift_left3A_130, %add3A_283 : vector<16xi32>
      %gather3A_285 = tpu.vector_load_idx %arg16[%add3A_138, %add3A_284] : memref<128x128xf32, #tpu.memory_space<vmem>>[vector<16xi32>, vector<16xi32>], vector<16xf32>,
      %add3A_286 = arith.constant 13 : i32
      %add3A_287 = vector.broadcast %add3A_286 : i32 to vector<16xi32>
      %add3A_288 = arith.addi %shift_left3A_134, %add3A_287 : vector<16xi32>
      %gather3A_289 = tpu.vector_load_idx %arg17[%add3A_138, %add3A_288] : memref<128x128xf32, #tpu.memory_space<vmem>>[vector<16xi32>, vector<16xi32>], vector<16xf32>,
      %sub3A_290 = arith.subf %gather3A_285, %gather3A_289 : vector<16xf32>
      %mul3A_291 = arith.mulf %sub3A_290, %sub3A_290 : vector<16xf32>
      %add3A_292 = arith.addf %add3A_281, %mul3A_291 : vector<16xf32>
      %add3A_293 = arith.constant 14 : i32
      %add3A_294 = vector.broadcast %add3A_293 : i32 to vector<16xi32>
      %add3A_295 = arith.addi %shift_left3A_130, %add3A_294 : vector<16xi32>
      %gather3A_296 = tpu.vector_load_idx %arg16[%add3A_138, %add3A_295] : memref<128x128xf32, #tpu.memory_space<vmem>>[vector<16xi32>, vector<16xi32>], vector<16xf32>,
      %add3A_297 = arith.constant 14 : i32
      %add3A_298 = vector.broadcast %add3A_297 : i32 to vector<16xi32>
      %add3A_299 = arith.addi %shift_left3A_134, %add3A_298 : vector<16xi32>
      %gather3A_300 = tpu.vector_load_idx %arg17[%add3A_138, %add3A_299] : memref<128x128xf32, #tpu.memory_space<vmem>>[vector<16xi32>, vector<16xi32>], vector<16xf32>,
      %sub3A_301 = arith.subf %gather3A_296, %gather3A_300 : vector<16xf32>
      %mul3A_302 = arith.mulf %sub3A_301, %sub3A_301 : vector<16xf32>
      %add3A_303 = arith.addf %add3A_292, %mul3A_302 : vector<16xf32>
      %add3A_304 = arith.constant 15 : i32
      %add3A_305 = vector.broadcast %add3A_304 : i32 to vector<16xi32>
      %add3A_306 = arith.addi %shift_left3A_130, %add3A_305 : vector<16xi32>
      %gather3A_307 = tpu.vector_load_idx %arg16[%add3A_138, %add3A_306] : memref<128x128xf32, #tpu.memory_space<vmem>>[vector<16xi32>, vector<16xi32>], vector<16xf32>,
      %add3A_308 = arith.constant 15 : i32
      %add3A_309 = vector.broadcast %add3A_308 : i32 to vector<16xi32>
      %add3A_310 = arith.addi %shift_left3A_134, %add3A_309 : vector<16xi32>
      %gather3A_311 = tpu.vector_load_idx %arg17[%add3A_138, %add3A_310] : memref<128x128xf32, #tpu.memory_space<vmem>>[vector<16xi32>, vector<16xi32>], vector<16xf32>,
      %sub3A_312 = arith.subf %gather3A_307, %gather3A_311 : vector<16xf32>
      %mul3A_313 = arith.mulf %sub3A_312, %sub3A_312 : vector<16xf32>
      %add3A_314 = arith.addf %add3A_303, %mul3A_313 : vector<16xf32>
      %add3A_315 = arith.constant 16 : i32
      %add3A_316 = vector.broadcast %add3A_315 : i32 to vector<16xi32>
      %add3A_317 = arith.addi %shift_left3A_130, %add3A_316 : vector<16xi32>
      %gather3A_318 = tpu.vector_load_idx %arg16[%add3A_138, %add3A_317] : memref<128x128xf32, #tpu.memory_space<vmem>>[vector<16xi32>, vector<16xi32>], vector<16xf32>,
      %add3A_319 = arith.constant 16 : i32
      %add3A_320 = vector.broadcast %add3A_319 : i32 to vector<16xi32>
      %add3A_321 = arith.addi %shift_left3A_134, %add3A_320 : vector<16xi32>
      %gather3A_322 = tpu.vector_load_idx %arg17[%add3A_138, %add3A_321] : memref<128x128xf32, #tpu.memory_space<vmem>>[vector<16xi32>, vector<16xi32>], vector<16xf32>,
      %sub3A_323 = arith.subf %gather3A_318, %gather3A_322 : vector<16xf32>
      %mul3A_324 = arith.mulf %sub3A_323, %sub3A_323 : vector<16xf32>
      %add3A_325 = arith.addf %add3A_314, %mul3A_324 : vector<16xf32>
      %add3A_326 = arith.constant 17 : i32
      %add3A_327 = vector.broadcast %add3A_326 : i32 to vector<16xi32>
      %add3A_328 = arith.addi %shift_left3A_130, %add3A_327 : vector<16xi32>
      %gather3A_329 = tpu.vector_load_idx %arg16[%add3A_138, %add3A_328] : memref<128x128xf32, #tpu.memory_space<vmem>>[vector<16xi32>, vector<16xi32>], vector<16xf32>,
      %add3A_330 = arith.constant 17 : i32
      %add3A_331 = vector.broadcast %add3A_330 : i32 to vector<16xi32>
      %add3A_332 = arith.addi %shift_left3A_134, %add3A_331 : vector<16xi32>
      %gather3A_333 = tpu.vector_load_idx %arg17[%add3A_138, %add3A_332] : memref<128x128xf32, #tpu.memory_space<vmem>>[vector<16xi32>, vector<16xi32>], vector<16xf32>,
      %sub3A_334 = arith.subf %gather3A_329, %gather3A_333 : vector<16xf32>
      %mul3A_335 = arith.mulf %sub3A_334, %sub3A_334 : vector<16xf32>
      %add3A_336 = arith.addf %add3A_325, %mul3A_335 : vector<16xf32>
      %add3A_337 = arith.constant 18 : i32
      %add3A_338 = vector.broadcast %add3A_337 : i32 to vector<16xi32>
      %add3A_339 = arith.addi %shift_left3A_130, %add3A_338 : vector<16xi32>
      %gather3A_340 = tpu.vector_load_idx %arg16[%add3A_138, %add3A_339] : memref<128x128xf32, #tpu.memory_space<vmem>>[vector<16xi32>, vector<16xi32>], vector<16xf32>,
      %add3A_341 = arith.constant 18 : i32
      %add3A_342 = vector.broadcast %add3A_341 : i32 to vector<16xi32>
      %add3A_343 = arith.addi %shift_left3A_134, %add3A_342 : vector<16xi32>
      %gather3A_344 = tpu.vector_load_idx %arg17[%add3A_138, %add3A_343] : memref<128x128xf32, #tpu.memory_space<vmem>>[vector<16xi32>, vector<16xi32>], vector<16xf32>,
      %sub3A_345 = arith.subf %gather3A_340, %gather3A_344 : vector<16xf32>
      %mul3A_346 = arith.mulf %sub3A_345, %sub3A_345 : vector<16xf32>
      %add3A_347 = arith.addf %add3A_336, %mul3A_346 : vector<16xf32>
      %add3A_348 = arith.constant 19 : i32
      %add3A_349 = vector.broadcast %add3A_348 : i32 to vector<16xi32>
      %add3A_350 = arith.addi %shift_left3A_130, %add3A_349 : vector<16xi32>
      %gather3A_351 = tpu.vector_load_idx %arg16[%add3A_138, %add3A_350] : memref<128x128xf32, #tpu.memory_space<vmem>>[vector<16xi32>, vector<16xi32>], vector<16xf32>,
      %add3A_352 = arith.constant 19 : i32
      %add3A_353 = vector.broadcast %add3A_352 : i32 to vector<16xi32>
      %add3A_354 = arith.addi %shift_left3A_134, %add3A_353 : vector<16xi32>
      %gather3A_355 = tpu.vector_load_idx %arg17[%add3A_138, %add3A_354] : memref<128x128xf32, #tpu.memory_space<vmem>>[vector<16xi32>, vector<16xi32>], vector<16xf32>,
      %sub3A_356 = arith.subf %gather3A_351, %gather3A_355 : vector<16xf32>
      %mul3A_357 = arith.mulf %sub3A_356, %sub3A_356 : vector<16xf32>
      %add3A_358 = arith.addf %add3A_347, %mul3A_357 : vector<16xf32>
      %add3A_359 = arith.constant 20 : i32
      %add3A_360 = vector.broadcast %add3A_359 : i32 to vector<16xi32>
      %add3A_361 = arith.addi %shift_left3A_130, %add3A_360 : vector<16xi32>
      %gather3A_362 = tpu.vector_load_idx %arg16[%add3A_138, %add3A_361] : memref<128x128xf32, #tpu.memory_space<vmem>>[vector<16xi32>, vector<16xi32>], vector<16xf32>,
      %add3A_363 = arith.constant 20 : i32
      %add3A_364 = vector.broadcast %add3A_363 : i32 to vector<16xi32>
      %add3A_365 = arith.addi %shift_left3A_134, %add3A_364 : vector<16xi32>
      %gather3A_366 = tpu.vector_load_idx %arg17[%add3A_138, %add3A_365] : memref<128x128xf32, #tpu.memory_space<vmem>>[vector<16xi32>, vector<16xi32>], vector<16xf32>,
      %sub3A_367 = arith.subf %gather3A_362, %gather3A_366 : vector<16xf32>
      %mul3A_368 = arith.mulf %sub3A_367, %sub3A_367 : vector<16xf32>
      %add3A_369 = arith.addf %add3A_358, %mul3A_368 : vector<16xf32>
      %add3A_370 = arith.constant 21 : i32
      %add3A_371 = vector.broadcast %add3A_370 : i32 to vector<16xi32>
      %add3A_372 = arith.addi %shift_left3A_130, %add3A_371 : vector<16xi32>
      %gather3A_373 = tpu.vector_load_idx %arg16[%add3A_138, %add3A_372] : memref<128x128xf32, #tpu.memory_space<vmem>>[vector<16xi32>, vector<16xi32>], vector<16xf32>,
      %add3A_374 = arith.constant 21 : i32
      %add3A_375 = vector.broadcast %add3A_374 : i32 to vector<16xi32>
      %add3A_376 = arith.addi %shift_left3A_134, %add3A_375 : vector<16xi32>
      %gather3A_377 = tpu.vector_load_idx %arg17[%add3A_138, %add3A_376] : memref<128x128xf32, #tpu.memory_space<vmem>>[vector<16xi32>, vector<16xi32>], vector<16xf32>,
      %sub3A_378 = arith.subf %gather3A_373, %gather3A_377 : vector<16xf32>
      %mul3A_379 = arith.mulf %sub3A_378, %sub3A_378 : vector<16xf32>
      %add3A_380 = arith.addf %add3A_369, %mul3A_379 : vector<16xf32>
      %add3A_381 = arith.constant 22 : i32
      %add3A_382 = vector.broadcast %add3A_381 : i32 to vector<16xi32>
      %add3A_383 = arith.addi %shift_left3A_130, %add3A_382 : vector<16xi32>
      %gather3A_384 = tpu.vector_load_idx %arg16[%add3A_138, %add3A_383] : memref<128x128xf32, #tpu.memory_space<vmem>>[vector<16xi32>, vector<16xi32>], vector<16xf32>,
      %add3A_385 = arith.constant 22 : i32
      %add3A_386 = vector.broadcast %add3A_385 : i32 to vector<16xi32>
      %add3A_387 = arith.addi %shift_left3A_134, %add3A_386 : vector<16xi32>
      %gather3A_388 = tpu.vector_load_idx %arg17[%add3A_138, %add3A_387] : memref<128x128xf32, #tpu.memory_space<vmem>>[vector<16xi32>, vector<16xi32>], vector<16xf32>,
      %sub3A_389 = arith.subf %gather3A_384, %gather3A_388 : vector<16xf32>
      %mul3A_390 = arith.mulf %sub3A_389, %sub3A_389 : vector<16xf32>
      %add3A_391 = arith.addf %add3A_380, %mul3A_390 : vector<16xf32>
      %add3A_392 = arith.constant 23 : i32
      %add3A_393 = vector.broadcast %add3A_392 : i32 to vector<16xi32>
      %add3A_394 = arith.addi %shift_left3A_130, %add3A_393 : vector<16xi32>
      %gather3A_395 = tpu.vector_load_idx %arg16[%add3A_138, %add3A_394] : memref<128x128xf32, #tpu.memory_space<vmem>>[vector<16xi32>, vector<16xi32>], vector<16xf32>,
      %add3A_396 = arith.constant 23 : i32
      %add3A_397 = vector.broadcast %add3A_396 : i32 to vector<16xi32>
      %add3A_398 = arith.addi %shift_left3A_134, %add3A_397 : vector<16xi32>
      %gather3A_399 = tpu.vector_load_idx %arg17[%add3A_138, %add3A_398] : memref<128x128xf32, #tpu.memory_space<vmem>>[vector<16xi32>, vector<16xi32>], vector<16xf32>,
      %sub3A_400 = arith.subf %gather3A_395, %gather3A_399 : vector<16xf32>
      %mul3A_401 = arith.mulf %sub3A_400, %sub3A_400 : vector<16xf32>
      %add3A_402 = arith.addf %add3A_391, %mul3A_401 : vector<16xf32>
      %add3A_403 = arith.constant 24 : i32
      %add3A_404 = vector.broadcast %add3A_403 : i32 to vector<16xi32>
      %add3A_405 = arith.addi %shift_left3A_130, %add3A_404 : vector<16xi32>
      %gather3A_406 = tpu.vector_load_idx %arg16[%add3A_138, %add3A_405] : memref<128x128xf32, #tpu.memory_space<vmem>>[vector<16xi32>, vector<16xi32>], vector<16xf32>,
      %add3A_407 = arith.constant 24 : i32
      %add3A_408 = vector.broadcast %add3A_407 : i32 to vector<16xi32>
      %add3A_409 = arith.addi %shift_left3A_134, %add3A_408 : vector<16xi32>
      %gather3A_410 = tpu.vector_load_idx %arg17[%add3A_138, %add3A_409] : memref<128x128xf32, #tpu.memory_space<vmem>>[vector<16xi32>, vector<16xi32>], vector<16xf32>,
      %sub3A_411 = arith.subf %gather3A_406, %gather3A_410 : vector<16xf32>
      %mul3A_412 = arith.mulf %sub3A_411, %sub3A_411 : vector<16xf32>
      %add3A_413 = arith.addf %add3A_402, %mul3A_412 : vector<16xf32>
      %add3A_414 = arith.constant 25 : i32
      %add3A_415 = vector.broadcast %add3A_414 : i32 to vector<16xi32>
      %add3A_416 = arith.addi %shift_left3A_130, %add3A_415 : vector<16xi32>
      %gather3A_417 = tpu.vector_load_idx %arg16[%add3A_138, %add3A_416] : memref<128x128xf32, #tpu.memory_space<vmem>>[vector<16xi32>, vector<16xi32>], vector<16xf32>,
      %add3A_418 = arith.constant 25 : i32
      %add3A_419 = vector.broadcast %add3A_418 : i32 to vector<16xi32>
      %add3A_420 = arith.addi %shift_left3A_134, %add3A_419 : vector<16xi32>
      %gather3A_421 = tpu.vector_load_idx %arg17[%add3A_138, %add3A_420] : memref<128x128xf32, #tpu.memory_space<vmem>>[vector<16xi32>, vector<16xi32>], vector<16xf32>,
      %sub3A_422 = arith.subf %gather3A_417, %gather3A_421 : vector<16xf32>
      %mul3A_423 = arith.mulf %sub3A_422, %sub3A_422 : vector<16xf32>
      %add3A_424 = arith.addf %add3A_413, %mul3A_423 : vector<16xf32>
      %add3A_425 = arith.constant 26 : i32
      %add3A_426 = vector.broadcast %add3A_425 : i32 to vector<16xi32>
      %add3A_427 = arith.addi %shift_left3A_130, %add3A_426 : vector<16xi32>
      %gather3A_428 = tpu.vector_load_idx %arg16[%add3A_138, %add3A_427] : memref<128x128xf32, #tpu.memory_space<vmem>>[vector<16xi32>, vector<16xi32>], vector<16xf32>,
      %add3A_429 = arith.constant 26 : i32
      %add3A_430 = vector.broadcast %add3A_429 : i32 to vector<16xi32>
      %add3A_431 = arith.addi %shift_left3A_134, %add3A_430 : vector<16xi32>
      %gather3A_432 = tpu.vector_load_idx %arg17[%add3A_138, %add3A_431] : memref<128x128xf32, #tpu.memory_space<vmem>>[vector<16xi32>, vector<16xi32>], vector<16xf32>,
      %sub3A_433 = arith.subf %gather3A_428, %gather3A_432 : vector<16xf32>
      %mul3A_434 = arith.mulf %sub3A_433, %sub3A_433 : vector<16xf32>
      %add3A_435 = arith.addf %add3A_424, %mul3A_434 : vector<16xf32>
      %add3A_436 = arith.constant 27 : i32
      %add3A_437 = vector.broadcast %add3A_436 : i32 to vector<16xi32>
      %add3A_438 = arith.addi %shift_left3A_130, %add3A_437 : vector<16xi32>
      %gather3A_439 = tpu.vector_load_idx %arg16[%add3A_138, %add3A_438] : memref<128x128xf32, #tpu.memory_space<vmem>>[vector<16xi32>, vector<16xi32>], vector<16xf32>,
      %add3A_440 = arith.constant 27 : i32
      %add3A_441 = vector.broadcast %add3A_440 : i32 to vector<16xi32>
      %add3A_442 = arith.addi %shift_left3A_134, %add3A_441 : vector<16xi32>
      %gather3A_443 = tpu.vector_load_idx %arg17[%add3A_138, %add3A_442] : memref<128x128xf32, #tpu.memory_space<vmem>>[vector<16xi32>, vector<16xi32>], vector<16xf32>,
      %sub3A_444 = arith.subf %gather3A_439, %gather3A_443 : vector<16xf32>
      %mul3A_445 = arith.mulf %sub3A_444, %sub3A_444 : vector<16xf32>
      %add3A_446 = arith.addf %add3A_435, %mul3A_445 : vector<16xf32>
      %add3A_447 = arith.constant 28 : i32
      %add3A_448 = vector.broadcast %add3A_447 : i32 to vector<16xi32>
      %add3A_449 = arith.addi %shift_left3A_130, %add3A_448 : vector<16xi32>
      %gather3A_450 = tpu.vector_load_idx %arg16[%add3A_138, %add3A_449] : memref<128x128xf32, #tpu.memory_space<vmem>>[vector<16xi32>, vector<16xi32>], vector<16xf32>,
      %add3A_451 = arith.constant 28 : i32
      %add3A_452 = vector.broadcast %add3A_451 : i32 to vector<16xi32>
      %add3A_453 = arith.addi %shift_left3A_134, %add3A_452 : vector<16xi32>
      %gather3A_454 = tpu.vector_load_idx %arg17[%add3A_138, %add3A_453] : memref<128x128xf32, #tpu.memory_space<vmem>>[vector<16xi32>, vector<16xi32>], vector<16xf32>,
      %sub3A_455 = arith.subf %gather3A_450, %gather3A_454 : vector<16xf32>
      %mul3A_456 = arith.mulf %sub3A_455, %sub3A_455 : vector<16xf32>
      %add3A_457 = arith.addf %add3A_446, %mul3A_456 : vector<16xf32>
      %add3A_458 = arith.constant 29 : i32
      %add3A_459 = vector.broadcast %add3A_458 : i32 to vector<16xi32>
      %add3A_460 = arith.addi %shift_left3A_130, %add3A_459 : vector<16xi32>
      %gather3A_461 = tpu.vector_load_idx %arg16[%add3A_138, %add3A_460] : memref<128x128xf32, #tpu.memory_space<vmem>>[vector<16xi32>, vector<16xi32>], vector<16xf32>,
      %add3A_462 = arith.constant 29 : i32
      %add3A_463 = vector.broadcast %add3A_462 : i32 to vector<16xi32>
      %add3A_464 = arith.addi %shift_left3A_134, %add3A_463 : vector<16xi32>
      %gather3A_465 = tpu.vector_load_idx %arg17[%add3A_138, %add3A_464] : memref<128x128xf32, #tpu.memory_space<vmem>>[vector<16xi32>, vector<16xi32>], vector<16xf32>,
      %sub3A_466 = arith.subf %gather3A_461, %gather3A_465 : vector<16xf32>
      %mul3A_467 = arith.mulf %sub3A_466, %sub3A_466 : vector<16xf32>
      %add3A_468 = arith.addf %add3A_457, %mul3A_467 : vector<16xf32>
      %add3A_469 = arith.constant 30 : i32
      %add3A_470 = vector.broadcast %add3A_469 : i32 to vector<16xi32>
      %add3A_471 = arith.addi %shift_left3A_130, %add3A_470 : vector<16xi32>
      %gather3A_472 = tpu.vector_load_idx %arg16[%add3A_138, %add3A_471] : memref<128x128xf32, #tpu.memory_space<vmem>>[vector<16xi32>, vector<16xi32>], vector<16xf32>,
      %add3A_473 = arith.constant 30 : i32
      %add3A_474 = vector.broadcast %add3A_473 : i32 to vector<16xi32>
      %add3A_475 = arith.addi %shift_left3A_134, %add3A_474 : vector<16xi32>
      %gather3A_476 = tpu.vector_load_idx %arg17[%add3A_138, %add3A_475] : memref<128x128xf32, #tpu.memory_space<vmem>>[vector<16xi32>, vector<16xi32>], vector<16xf32>,
      %sub3A_477 = arith.subf %gather3A_472, %gather3A_476 : vector<16xf32>
      %mul3A_478 = arith.mulf %sub3A_477, %sub3A_477 : vector<16xf32>
      %add3A_479 = arith.addf %add3A_468, %mul3A_478 : vector<16xf32>
      %add3A_480 = arith.constant 31 : i32
      %add3A_481 = vector.broadcast %add3A_480 : i32 to vector<16xi32>
      %add3A_482 = arith.addi %shift_left3A_130, %add3A_481 : vector<16xi32>
      %gather3A_483 = tpu.vector_load_idx %arg16[%add3A_138, %add3A_482] : memref<128x128xf32, #tpu.memory_space<vmem>>[vector<16xi32>, vector<16xi32>], vector<16xf32>,
      %add3A_484 = arith.constant 31 : i32
      %add3A_485 = vector.broadcast %add3A_484 : i32 to vector<16xi32>
      %add3A_486 = arith.addi %shift_left3A_134, %add3A_485 : vector<16xi32>
      %gather3A_487 = tpu.vector_load_idx %arg17[%add3A_138, %add3A_486] : memref<128x128xf32, #tpu.memory_space<vmem>>[vector<16xi32>, vector<16xi32>], vector<16xf32>,
      %sub3A_488 = arith.subf %gather3A_483, %gather3A_487 : vector<16xf32>
      %mul3A_489 = arith.mulf %sub3A_488, %sub3A_488 : vector<16xf32>
      %add3A_490 = arith.addf %add3A_479, %mul3A_489 : vector<16xf32>
      %max3A = arith.constant 1.000000e-30 : f32
      %max3A_491 = vector.broadcast %max3A : f32 to vector<16xf32>
      %max3A_492 = arith.maximumf %add3A_490, %max3A_491 : vector<16xf32>
      %bitcast3A = vector.bitcast %max3A_492 : vector<16xf32> to vector<16xi32>
      %shift_right_logical3A = arith.constant 1 : i32
      %shift_right_logical3A_493 = vector.broadcast %shift_right_logical3A : i32 to vector<16xi32>
      %shift_right_logical3A_494 = arith.shrui %bitcast3A, %shift_right_logical3A_493 : vector<16xi32>
      %sub3A_495 = arith.constant 1597463007 : i32
      %sub3A_496 = vector.broadcast %sub3A_495 : i32 to vector<16xi32>
      %sub3A_497 = arith.subi %sub3A_496, %shift_right_logical3A_494 : vector<16xi32>
      %bitcast3A_498 = vector.bitcast %sub3A_497 : vector<16xi32> to vector<16xf32>
      %mul3A_499 = arith.constant 5.000000e-01 : f32
      %mul3A_500 = vector.broadcast %mul3A_499 : f32 to vector<16xf32>
      %mul3A_501 = arith.mulf %mul3A_500, %max3A_492 : vector<16xf32>
      %mul3A_502 = arith.mulf %mul3A_501, %bitcast3A_498 : vector<16xf32>
      %mul3A_503 = arith.mulf %mul3A_502, %bitcast3A_498 : vector<16xf32>
      %sub3A_504 = arith.constant 1.500000e+00 : f32
      %sub3A_505 = vector.broadcast %sub3A_504 : f32 to vector<16xf32>
      %sub3A_506 = arith.subf %sub3A_505, %mul3A_503 : vector<16xf32>
      %mul3A_507 = arith.mulf %bitcast3A_498, %sub3A_506 : vector<16xf32>
      %mul3A_508 = arith.constant 5.000000e-01 : f32
      %mul3A_509 = vector.broadcast %mul3A_508 : f32 to vector<16xf32>
      %mul3A_510 = arith.mulf %mul3A_509, %max3A_492 : vector<16xf32>
      %mul3A_511 = arith.mulf %mul3A_510, %mul3A_507 : vector<16xf32>
      %mul3A_512 = arith.mulf %mul3A_511, %mul3A_507 : vector<16xf32>
      %sub3A_513 = arith.constant 1.500000e+00 : f32
      %sub3A_514 = vector.broadcast %sub3A_513 : f32 to vector<16xf32>
      %sub3A_515 = arith.subf %sub3A_514, %mul3A_512 : vector<16xf32>
      %mul3A_516 = arith.mulf %mul3A_507, %sub3A_515 : vector<16xf32>
      %mul3A_517 = arith.constant 5.000000e-01 : f32
      %mul3A_518 = vector.broadcast %mul3A_517 : f32 to vector<16xf32>
      %mul3A_519 = arith.mulf %mul3A_518, %max3A_492 : vector<16xf32>
      %mul3A_520 = arith.mulf %mul3A_519, %mul3A_516 : vector<16xf32>
      %mul3A_521 = arith.mulf %mul3A_520, %mul3A_516 : vector<16xf32>
      %sub3A_522 = arith.constant 1.500000e+00 : f32
      %sub3A_523 = vector.broadcast %sub3A_522 : f32 to vector<16xf32>
      %sub3A_524 = arith.subf %sub3A_523, %mul3A_521 : vector<16xf32>
      %mul3A_525 = arith.mulf %mul3A_516, %sub3A_524 : vector<16xf32>
      %mul3A_526 = arith.mulf %add3A_490, %mul3A_525 : vector<16xf32>
      %get3A_527 = arith.index_cast %add3A_124 : i32 to index
      %get3A_528 = tpu.vector_load %arg18[%get3A_527] {strides = array<i32>} : memref<512xf32, #tpu.memory_space<vmem>>, vector<16xf32>,
      %get3A_529 = arith.index_cast %add3A_124 : i32 to index
      %get3A_530 = tpu.vector_load %arg19[%get3A_529] {strides = array<i32>} : memref<512xf32, #tpu.memory_space<vmem>>, vector<16xf32>,
      %add3A_531 = arith.addf %get3A_11, %get3A_528 : vector<16xf32>
      %add3A_532 = arith.addf %add3A_531, %get3A_530 : vector<16xf32>
      %sub3A_533 = arith.subf %add3A_532, %mul3A_526 : vector<16xf32>
      %neg3A = arith.constant 0.000000e+00 : f32
      %neg3A_534 = vector.broadcast %neg3A : f32 to vector<16xf32>
      %neg3A_535 = arith.subf %neg3A_534, %sub3A_533 : vector<16xf32>
      %exp3A = math.exp %neg3A_535 : vector<16xf32>
      %add3A_536 = arith.constant 1.000000e+00 : f32
      %add3A_537 = vector.broadcast %add3A_536 : f32 to vector<16xf32>
      %add3A_538 = arith.addf %add3A_537, %exp3A : vector<16xf32>
      %div3A = arith.constant 1.000000e+00 : f32
      %div3A_539 = vector.broadcast %div3A : f32 to vector<16xf32>
      %div3A_540 = arith.divf %div3A_539, %add3A_538 : vector<16xf32>
      %swap3A = arith.index_cast %add3A_124 : i32 to index
      %swap3A_541 = tpu.vector_load %arg21[%swap3A] {strides = array<i32>} : memref<512xf32, #tpu.memory_space<vmem>>, vector<16xf32>,
      tpu.vector_store %arg21[%swap3A], %div3A_540 {strides = array<i32>} : memref<512xf32, #tpu.memory_space<vmem>>, vector<16xf32>,
    }
    %scan3A_119 = arith.constant 8 : i32
    "tpu.region"() ({
      %run_scoped3A = tpu.sem_alloc : memref<!tpu.dma_semaphore, #tpu.memory_space<semaphore_mem>>
      %dma_start3A_120 = tpu.memref_slice %arg9[%mul3A_2] : memref<16384xf32, #tpu.memory_space<hbm>> -> memref<512xf32, #tpu.memory_space<hbm>>
      %dma_start3A_121 = tpu.memref_slice %arg9[%mul3A_2] : memref<16384xf32, #tpu.memory_space<hbm>> -> memref<512xf32, #tpu.memory_space<hbm>>
      tpu.enqueue_dma source(%arg21 : memref<512xf32, #tpu.memory_space<vmem>>) target(%dma_start3A_121 : memref<512xf32, #tpu.memory_space<hbm>>) target_semaphore(%run_scoped3A : memref<!tpu.dma_semaphore, #tpu.memory_space<semaphore_mem>>)
      %dma_wait3A_122 = tpu.memref_slice %arg9[%mul3A_2] : memref<16384xf32, #tpu.memory_space<hbm>> -> memref<512xf32, #tpu.memory_space<hbm>>
      %dma_wait3A_123 = tpu.memref_slice %arg9[%mul3A_2] : memref<16384xf32, #tpu.memory_space<hbm>> -> memref<512xf32, #tpu.memory_space<hbm>>
      tpu.wait_dma2 semaphore(%run_scoped3A : memref<!tpu.dma_semaphore, #tpu.memory_space<semaphore_mem>>) src(%arg21 : memref<512xf32, #tpu.memory_space<vmem>>) dst(%dma_wait3A_123 : memref<512xf32, #tpu.memory_space<hbm>>)
      tpu.yield
    }) : () -> ()
    return
  }
}

</mosaic_0001>

<sc_bundles>
// kernel: kernel.3.cloned.1.call-start
scs
__scs_entry_jumppad:
0x0: {  	(pc) =	sbr.rel $0x88, $3  }
0x1: {  	(tag) =	ssettag $0x0;
	lr =	simm.s32 $0x1  }
0x2: {  	[smem:$0x3F9A] =	sst lr;
	_ =	strace $0xD0000000  }
0x3: {  	_ = 	snop  }
0x4: {  	_ = 	snop  }
0x5: {  	_ = 	snop  }
0x6: {  	_ = 	snop  }
0x7: {  	_ = 	snop  }
__scs_overlays_trampoline_lowered:
0x8: {  	[smem:$0x3FA9] =	sst s0  }
0x9: {  	[smem:$0x3FAA] =	sst s1  }
0xa: {  	[smem:$0x3FAB] =	sst s2  }
0xb: {  	[smem:$0x3FAC] =	sst s3  }
0xc: {  	[smem:$0x3FAD] =	sst s4  }
0xd: {  	[smem:$0x3FAE] =	sst s5  }
0xe: {  	[smem:$0x3FAF] =	sst s6  }
0xf: {  	[smem:$0x3FB0] =	sst s7  }
0x10: {  	[smem:$0x3FB1] =	sst s8  }
0x11: {  	[smem:$0x3FB2] =	sst s9;
	s0 =	simm.s32 @!p0 $0x0  }
0x12: {  	s1 =	sld [smem:$0x3F98];
	s0 =	simm.s32 @p0 $0x1  }
0x13: {  	[smem:$0x3FB3] =	sst s0;
	s0 =	simm.s32 @!p1 $0x0  }
0x14: {  	s2 =	sld [smem:$0x3F97];
	s0 =	simm.s32 @p1 $0x1  }
0x15: {  	[smem:$0x3FB4] =	sst s0;
	s0 =	simm.s32 @!p2 $0x0  }
0x16: {  	s3 =	sld [smem:$0x3FDB];
	s0 =	simm.s32 @p2 $0x1  }
0x17: {  	s4 =	simm.s32 $0x1BF5;
	[smem:$0x3FB6] =	sst s0  }
0x18: {  	s0 =	sld [smem:$0x3F99];
	_ =	swait.ge [sflag:s4], $0x0  }
0x19: {  	s7 =	sld [smem:$0x3F9A]  }
0x1a: {  	s8 =	sadd.s32 $0xFFFFE003, lr  }
0x1b: {  	s9 =	sadd.s32 $0xFFFFFEF7, lr;
	s5 =	simm.s32 $0xFFFFFFFF;
	p2 =	slt.u32 s8, $0xFFFFF086  }
0x1c: {  	p1 =	slt.u32 s9, $0xF7A;
	s5 =	simm.s32 @!p2 $0x0  }
0x1d: {  	s5 =	simm.s32 @p1 $0x1;
	p0 =	seq.s32 s7, s2  }
0x1e: {  	s7 =	smul.u32 @!p0 $0xF7A, s2;
	p2 =	seq.s32 @!p0 s5, $0x0  }
0x1f: {  	s9 =	smul.u32 $0xF7A, s1;
	s8 =	simm.s32 @!p0 $0x1BF5;
	p2 =	por !p2, p0  }
0x20: {  	[sflag:s8] =	ssyncset.s32 @!p0 $0xFFFFF086;
	s6 =	sadd.s32 @!p0 s3, s7;
	s7 =	simm.s32 @!p0 $0x108  }
0x21: {  	s3 =	sadd.s32 s3, s9;
	s6 =	sadd.s32 @!p0 $0x88, s6;
	s7 =	simm.s32 @p2 $0x1082  }
0x22: {  	[simem:s7], [sflag:s8] =	dma.local @!p0 [hbm:s6], $0xF7A  }
0x23: {  	s9 =	sor.u32 $0xD0000000, s2;
	s6 =	simm.s32 $0x108;
	_ =	swait.ge @!p0 [sflag:s8], $0x0  }
0x24: {  	s3 =	sadd.s32 $0x88, s3;
	s6 =	simm.s32 @!p1 $0x1082;
	[sflag:s4] =	ssyncset.s32 $0xFFFFF086  }
0x25: {  	[simem:s6], [sflag:s4] =	dma.local [hbm:s3], $0xF7A  }
0x26: {  	[smem:$0x3F9A] =	sst s1;
	(tag) =	ssettag s2;
	_ =	strace s9  }
0x27: {  	s1 =	sld [smem:$0x3FAA]  }
0x28: {  	s2 =	sld [smem:$0x3FAB]  }
0x29: {  	s4 =	sld [smem:$0x3FAD]  }
0x2a: {  	p0 =	seq.s32 s5, $0x0;
	s5 =	sld [smem:$0x3FAE]  }
0x2b: {  	s6 =	sld [smem:$0x3FAF]  }
0x2c: {  	s7 =	sld [smem:$0x3FB0]  }
0x2d: {  	s3 =	simm.s32 $0x108;
	s8 =	sld [smem:$0x3FB1]  }
0x2e: {  	s3 =	simm.s32 @!p0 $0x1082;
	s9 =	sld [smem:$0x3FB2]  }
0x2f: {  	lr =	sadd.s32 s0, s3;
	s0 =	sld [smem:$0x3FA9]  }
0x30: {  	s3 =	sld [smem:$0x3FAC]  }
0x31: {  	[smem:$0x3FB5] =	sst s10  }
0x32: {  	s10 =	sld [smem:$0x3FB3];
	_ =	sdelay $0x3  }
0x33: {  	p0 =	seq.s32 s10, $0x1;
	s10 =	sld [smem:$0x3FB5];
	_ =	sdelay $0x3  }
0x34: {  	[smem:$0x3FB5] =	sst s10  }
0x35: {  	s10 =	sld [smem:$0x3FB4];
	_ =	sdelay $0x3  }
0x36: {  	p1 =	seq.s32 s10, $0x1;
	s10 =	sld [smem:$0x3FB5];
	_ =	sdelay $0x3  }
0x37: {  	[smem:$0x3FB5] =	sst s10  }
0x38: {  	s10 =	sld [smem:$0x3FB6]  }
0x39: {  	_ = 	snop;
	(pc) =	sbr.ind lr, $3  }
0x3a: {  	_ = 	snop  }
0x3b: {  	_ = 	snop  }
0x3c: {  	p2 =	seq.s32 s10, $0x1;
	s10 =	sld [smem:$0x3FB5]  }
0x3d: {  	_ =	shalt  }
0x3e: {  	_ =	shalt  }
0x3f: {  	_ =	shalt  }
0x40: {  	_ =	shalt  }
0x41: {  	_ =	shalt  }
0x42: {  	_ =	shalt  }
0x43: {  	_ =	shalt  }
0x44: {  	_ =	shalt  }
0x45: {  	_ =	shalt  }
0x46: {  	_ =	shalt  }
0x47: {  	_ =	shalt  }
0x48: {  	_ =	shalt  }
0x49: {  	_ =	shalt  }
0x4a: {  	_ =	shalt  }
0x4b: {  	_ =	shalt  }
0x4c: {  	_ =	shalt  }
0x4d: {  	_ =	shalt  }
0x4e: {  	_ =	shalt  }
0x4f: {  	_ =	shalt  }
0x50: {  	_ =	shalt  }
0x51: {  	_ =	shalt  }
0x52: {  	_ =	shalt  }
0x53: {  	_ =	shalt  }
0x54: {  	_ =	shalt  }
0x55: {  	_ =	shalt  }
0x56: {  	_ =	shalt  }
0x57: {  	_ =	shalt  }
0x58: {  	_ =	shalt  }
0x59: {  	_ =	shalt  }
0x5a: {  	_ =	shalt  }
0x5b: {  	_ =	shalt  }
0x5c: {  	_ =	shalt  }
0x5d: {  	_ =	shalt  }
0x5e: {  	_ =	shalt  }
0x5f: {  	_ =	shalt  }
0x60: {  	_ =	shalt  }
0x61: {  	_ =	shalt  }
0x62: {  	_ =	shalt  }
0x63: {  	_ =	shalt  }
0x64: {  	_ =	shalt  }
0x65: {  	_ =	shalt  }
0x66: {  	_ =	shalt  }
0x67: {  	_ =	shalt  }
0x68: {  	_ =	shalt  }
0x69: {  	_ =	shalt  }
0x6a: {  	_ =	shalt  }
0x6b: {  	_ =	shalt  }
0x6c: {  	_ =	shalt  }
0x6d: {  	_ =	shalt  }
0x6e: {  	_ =	shalt  }
0x6f: {  	_ =	shalt  }
0x70: {  	_ =	shalt  }
0x71: {  	_ =	shalt  }
0x72: {  	_ =	shalt  }
0x73: {  	_ =	shalt  }
0x74: {  	_ =	shalt  }
0x75: {  	_ =	shalt  }
0x76: {  	_ =	shalt  }
0x77: {  	_ =	shalt  }
0x78: {  	_ =	shalt  }
0x79: {  	_ =	shalt  }
0x7a: {  	_ =	shalt  }
0x7b: {  	_ =	shalt  }
0x7c: {  	_ =	shalt  }
0x7d: {  	_ =	shalt  }
0x7e: {  	_ =	shalt  }
0x7f: {  	_ =	shalt  }
0x80: {  	_ =	shalt  }
0x81: {  	_ =	shalt  }
0x82: {  	_ =	shalt  }
0x83: {  	_ =	shalt  }
0x84: {  	_ =	shalt  }
0x85: {  	_ =	shalt  }
0x86: {  	_ =	shalt  }
0x87: {  	_ =	shalt  }
.Lfunc_end0:
.L_simem_size_0:
called_computation_lowered:
.L_overlay_start_0:
0x88: {  	s2 =	sld [smem:$0x3FD9]  }
0x89: {  	s3 =	sld [smem:$0x3FFE];
	_ =	sdelay $0x1  }
0x8a: {  	s1 =	srdreg.scid  }
0x8b: {  	s0 =	sand.u32 $0x1, s1  }
0x8c: {  	s17 =	sshll.u32 s0, $0xA;
	s2 =	sadd.s32 s3, s2  }
0x8d: {  	s2 =	sadd.s32 s2, s17  }
0x8e: {  	[smem:$0x3FC1] =	sst s2  }
0x8f: {  	_ = 	snop  }
0x90: {  	s2 =	sld [smem:$0x3FC9]  }
0x91: {  	s18 =	sld [smem:$0x3FC8]  }
0x92: {  	s4 =	sld [smem:$0x3FC5]  }
0x93: {  	s5 =	sld [smem:$0x3FC4]  }
0x94: {  	s6 =	sld [smem:$0x3FD0];
	(tm) =	ssettm $0x1  }
0x95: {  	s7 =	sld [smem:$0x3FFB];
	_ =	sdelay $0x3  }
0x96: {  	_ =	strace s7  }
0x97: {  	s7 =	sld [smem:$0x3FFC];
	_ =	sdelay $0x3  }
0x98: {  	_ =	strace s7  }
0x99: {  	s7 =	sld [smem:$0x3FFD];
	_ =	sdelay $0x3  }
0x9a: {  	_ =	strace s7  }
0x9b: {  	_ =	strace $0x8FFFFFFF  }
0x9c: {  	s19 =	sld [smem:$0x3FDB];
	_ =	sdelay $0x1  }
0x9d: {  	s8 =	simm.s32 $_scs_section_size  }
0x9e: {  	s9 =	simm.s32 $_size__tile_overlayer_lowered;
	s10 =	simm.s32 $_tile_overlayer_lowered  }
0x9f: {  	s22 =	simm.s32 $0x1BFF;
	s21 =	sshll.u32 s10, $0x1;
	s7 =	sadd.s32 s8, s19  }
0xa0: {  	s11 =	simm.s32 $0x0;
	s20 =	sshll.u32 s9, $0x1;
	s9 =	sadd.s32 s21, s7  }
0xa1: {  	[timem:s11], [sflag:s22] =	dma.local [hbm:s9], s20  }
0xa2: {  	_ =	swait.ge [sflag:s22], s20  }
0xa3: {  	s8 =	ssub.s32 $0x0, s20;
	[sflag:s22] =	ssyncset.done $0x0  }
0xa4: {  	[sflag:s22] =	ssyncadd.s32 s8;
	_ =	sdelay $0x1  }
0xa5: {  	s23 =	simm.s32 $0x1B8B  }
0xa6: {  	_ =	swait.ge [sflag:s23], $0x1  }
0xa7: {  	[sflag:s23] =	ssyncset.done $0x0  }
0xa8: {  	s25 =	simm.s32 $0x1B8E;
	s24 =	sld [smem:$0x3FFE];
	[sflag:s23] =	ssyncadd.s32 $0xFFFFFFFF  }
0xa9: {  	s26 =	simm.s32 $execute0_lowered;
	[smem:$0x3FD2] =	sst s25  }
0xaa: {  	s9 =	sshll.u32 s26, $0x1;
	_ =	strace $0x80000046;
	[dreg:$0x1] =	wrdreg $0xFFFFFFFF  }
0xab: {  	s28 =	simm.s32 $_size_execute0_lowered;
	s7 =	sadd.s32 s7, s9;
	[dreg:$0x0] =	wrdreg $0x0  }
0xac: {  	s9 =	sshll.u32 s28, $0x1;
	[dreg:$0x2] =	wrdreg s7  }
0xad: {  	[dreg:$0x3] =	wrdreg s9  }
0xae: {  	[dreg:$0x4] =	wrdreg $0xC0  }
0xaf: {  	_ =	task [dreg:s11], $0x5FFFF  }
0xb0: {  	[dreg:$0x1] =	wrdreg $0xFFFFFFFF  }
0xb1: {  	[dreg:$0x0] =	wrdreg $0x60  }
0xb2: {  	[dreg:$0x2] =	wrdreg s2  }
0xb3: {  	[dreg:$0x3] =	wrdreg s18  }
0xb4: {  	[dreg:$0x4] =	wrdreg s24  }
0xb5: {  	[dreg:$0x5] =	wrdreg s4  }
0xb6: {  	[dreg:$0x6] =	wrdreg s5  }
0xb7: {  	[dreg:$0x7] =	wrdreg s6  }
0xb8: {  	[dreg:$0x8] =	wrdreg $0x9  }
0xb9: {  	_ =	task.clear_ibuf [dreg:s11], $0x9FFFF;
	_ =	strace $0x90000046  }
0xba: {  	s29 =	simm.s32 $0x9;
	_ =	strace $0x80000048  }
0xbb: {  	_ =	swait.ge [sflag:s29], $0x1  }
0xbc: {  	[sflag:s29] =	ssyncadd.s32 $0xFFFFFFFF  }
0xbd: {  	_ =	strace $0x90000048  }
0xbe: {  	_ =	sfence  }
0xbf: {  	s30 =	sld [smem:$0x0];
	_ =	sdelay $0x2  }
0xc0: {  	s31 =	sshll.u32 s1, $0xD;
	s1 =	sshrl.u32 s1, $0x2  }
0xc1: {  	s3 =	sand.u32 $0x4000, s31;
	s1 =	sadd.s32 s1, s30  }
0xc2: {  	s0 =	sor.u32 s3, s0;
	s1 =	sshll.u32 s1, $0x11  }
0xc3: {  	s0 =	sor.u32 s1, s0  }
0xc4: {  	s0 =	sadd.s32 $0x8F2B, s0  }
0xc5: {  	[sflag:s0] =	ssyncadd.remote.s32 $0x1  }
0xc6: {  	_ =	sfence.sel $0xFFFF  }
0xc7: {  	[dreg:$0x0] =	wrdreg $0xFFFFFFFF;
	(pc) =	sbr.abs _section_cstart, $3  }
0xc8: {  	[dreg:$0x1] =	wrdreg $0xFFFFFFFF  }
0xc9: {  	_ =	task.clear_ibuf [dreg:s11], $0x2FFFF;
	_ =	strace $0x9FFFFFFF  }
0xca: {  	(tm) =	ssettm $0x7FFFFFFF  }
0xcb: {  	_ =	shalt  }
tec
execute0_lowered:
.L_overlay_start_1:
0x0: {  	(tag) =	ssettag $0x1  }
0x1: {  	s0 =	rddreg [dreg:$0x0]  }
0x2: {  	s1 =	rddreg [dreg:$0x1]  }
0x3: {  	s2 =	rddreg [dreg:$0x2]  }
0x4: {  	s4 =	rddreg [dreg:$0x5];
	s3 =	simm.s32 $0x0;
	s6 =	srdreg.scid  }
0x5: {  	s10 =	stileid.u32;
	s12 =	simm.s32 $0x4;
	s13 =	simm.s32 $0x200  }
0x6: {  	s17 =	simm.s32 $0x1;
	s18 =	simm.s32 $0x80;
	s20 =	simm.s32 $0x800  }
0x7: {  	s22 =	simm.s32 $0x4800;
	s24 =	simm.s32 $0x8800;
	s28 =	simm.s32 $0x2  }
0x8: {  	s29 =	simm.s32 $0x500;
	s30 =	simm.s32 $0x700;
	s31 =	simm.s32 $0x3  }
0x9: {  	[smem:$0x7FF] =	sst s3;
	s5 =	sadd.s32 $0xF42A00, s2;
	s7 =	sand.u32 $0x1, s6  }
0xa: {  	s6 =	sadd.s32 $0x187000, s2;
	s10 =	sshll.u32 s10, $0x7;
	_ =	strace $0x80000047  }
0xb: {  	s8 =	ssub.s32 $0x2, s7;
	s11 =	sshll.u32 s7, $0x6;
	s7 =	sadd.s32 $0x600, s2  }
0xc: {  	s2 =	simm.s32 $0x0;
	s9 =	sshrl.u32 s8, $0x1;
	s10 =	sor.u32 s11, s10  }
0xd: {  	s26 =	ssub.s32 s8, s9;
	s8 =	sadd.s32 s0, s10;
	s9 =	sadd.s32 s1, s10  }
0xe: {  	v0 =	vlaneseq.u32;
	s10 =	sadd.s32 s4, s10;
	s0 =	simm.s32 $0x580;
	s4 =	simm.s32 $0x780  }
0xf: {  	v0 =	vmul.u32 $0x80, v0;
	s1 =	simm.s32 $0x10C80;
	s11 =	smax.u32 s26, $0x1;
	s26 =	simm.s32 $0xC800  }
.LBB2_1:
0x10: {  	[tilespmem:s3], [sflag:$0x4] =	stream.linear.gather [hbm4b:s8+s3], $0x200, $0x38;
	[tilespmem:$0x10E80] =	vst v63  }
0x11: {  	_ =	swait.ge [sflag:s12], $0x200  }
0x12: {  	[sflag:s12] =	ssyncset.done $0x0  }
0x13: {  	[sflag:s12] =	ssyncadd.s32 $0xFFFFFE00  }
0x14: {  	[tilespmem:s13], [sflag:$0x4] =	stream.linear.gather [hbm4b:s9+s3], $0x200, $0x38;
	[tilespmem:$0x10E80] =	vst v63  }
0x15: {  	_ =	swait.ge [sflag:s12], $0x200  }
0x16: {  	[sflag:s12] =	ssyncset.done $0x0  }
0x17: {  	s14 =	simm.s32 $0x10C00;
	[sflag:s12] =	ssyncadd.s32 $0xFFFFFE00  }
0x18: {  	[tilespmem:s14], [sflag:$0x4] =	stream.linear.gather [hbm4b:s7+s3], $0x80, $0x38;
	[tilespmem:$0x10E80] =	vst v63  }
0x19: {  	_ =	swait.ge [sflag:s12], $0x80  }
0x1a: {  	[sflag:s12] =	ssyncset.done $0x0  }
0x1b: {  	[sflag:s12] =	ssyncadd.s32 $0xFFFFFF80  }
0x1c: {  	s15 =	simm.s32 $0x10800;
	s21 =	rddreg [dreg:$0x3]  }
0x1d: {  	[tilespmem:s15], [sflag:$0x1] =	stream.indirect.gather [hbm4b:s21+s13], $0x1, s3, s13, $0xb8;
	[tilespmem:$0x10E80] =	vst v63  }
0x1e: {  	s25 =	simm.s32 $0x10A00;
	s14 =	simm.s32 $0x0;
	s23 =	rddreg [dreg:$0x4]  }
0x1f: {  	[tilespmem:s25], [sflag:$0x1] =	stream.indirect.gather [hbm4b:s23+s13], $0x1, s13, s13, $0xb8;
	[tilespmem:$0x10E80] =	vst v63  }
0x20: {  	v1 =	vld [tilespmem:s14+$0x200]  }
0x21: {  	s15 =	simm.s32 $0x40;
	v2 =	vld [tilespmem:s14+$0x0]  }
.LBB2_2:
0x22: {  	p0 =	sne.s32 s15, $0x7C0  }
.Ltmp0:
0x23: {  	_ = 	snop;
	(pc) =	sbr.rel @p0 .LBB2_2-.Ltmp0, $4  }
0x24: {  	_ = 	snop  }
0x25: {  	s16 =	sshra.s32 s15, $0x2;
	s15 =	sadd.s32 $0x40, s15;
	v3 =	vshrl.u32 v1, $0x2  }
0x26: {  	v1 =	vld [tilespmem:s16+$0x200];
	v4 =	vshrl.u32 v2, $0x2;
	[tilespmem:s14+$0x600] =	vst v3  }
0x27: {  	v2 =	vld [tilespmem:s16+$0x0];
	[tilespmem:s14+$0x400] =	vst v4;
	s14 =	smov.u32 s16  }
0x28: {  	_ =	sdelay $0x2  }
0x29: {  	v1 =	vshrl.u32 v1, $0x2  }
0x2a: {  	v2 =	vshrl.u32 v2, $0x2;
	[tilespmem:s14+$0x600] =	vst v1  }
0x2b: {  	[tilespmem:s14+$0x400] =	vst v2  }
0x2c: {  	v1 =	vld [tilespmem:$0x10C00];
	_ =	swait.ge [sflag:s17], $0x200  }
0x2d: {  	[sflag:s17] =	ssyncset.done $0x0  }
0x2e: {  	[sflag:s17] =	ssyncadd.s32 $0xFFFFFE00  }
0x2f: {  	_ =	swait.ge [sflag:s17], $0x200  }
0x30: {  	[sflag:s17] =	ssyncset.done $0x0  }
0x31: {  	s15 =	simm.s32 $0x400;
	[sflag:s17] =	ssyncadd.s32 $0xFFFFFE00  }
0x32: {  	[tilespmem:s20], [sflag:$0x2] =	stream.indirect.gather [hbm4b:s5+s18], $0x80, s15, s18, $0xb8;
	[tilespmem:$0x10E80] =	vst v63  }
0x33: {  	s16 =	simm.s32 $0x600  }
0x34: {  	[tilespmem:s22], [sflag:$0x2] =	stream.indirect.gather [hbm4b:s6+s18], $0x80, s16, s18, $0xb8;
	[tilespmem:$0x10E80] =	vst v63  }
0x35: {  	s19 =	simm.s32 $0x480  }
0x36: {  	[tilespmem:s24], [sflag:$0x3] =	stream.indirect.gather [hbm4b:s5+s18], $0x80, s19, s18, $0xb8;
	[tilespmem:$0x10E80] =	vst v63  }
0x37: {  	s21 =	simm.s32 $0x680  }
0x38: {  	[tilespmem:s26], [sflag:$0x3] =	stream.indirect.gather [hbm4b:s6+s18], $0x80, s21, s18, $0xb8;
	[tilespmem:$0x10E80] =	vst v63  }
0x39: {  	_ =	swait.ge [sflag:s28], $0x4000  }
0x3a: {  	[sflag:s28] =	ssyncset.done $0x0  }
0x3b: {  	[sflag:s28] =	ssyncadd.s32 $0xFFFFC000  }
0x3c: {  	_ =	swait.ge [sflag:s28], $0x4000  }
0x3d: {  	[sflag:s28] =	ssyncset.done $0x0  }
0x3e: {  	s23 =	simm.s32 $0x200;
	[sflag:s28] =	ssyncadd.s32 $0xFFFFC000  }
0x3f: {  	s25 =	simm.s32 $0x0;
	v2 =	vld [tilespmem:s23+$0x0]  }
0x40: {  	v3 =	vld [tilespmem:s25+$0x0];
	_ =	sdelay $0x2  }
0x41: {  	v4 =	vmov s25  }
0x42: {  	v4 =	vshll.u32 v4, $0x7;
	v2 =	vshll.u32 v2, $0x5  }
0x43: {  	v4 =	vor.u32 v0, v4;
	v3 =	vshll.u32 v3, $0x5;
	v2 =	vand.u32 $0x60, v2  }
0x44: {  	v3 =	vand.u32 $0x60, v3;
	v2 =	vor.u32 v4, v2  }
0x45: {  	v3 =	vor.u32 v4, v3  }
0x46: {  	v5 =	vor.u32 $0x1, v2  }
0x47: {  	v4 =	vor.u32 $0x1, v3  }
0x48: {  	v6 =	vor.u32 $0x2, v2  }
0x49: {  	v8 =	vor.u32 $0x2, v3;
	v7 =	vld.idx.msk [tilespmem:v2+s22+$0x0], $0xffff  }
0x4a: {  	v9 =	vor.u32 $0x3, v2;
	v10 =	vld.idx.msk [tilespmem:v3+s20+$0x0], $0xffff  }
0x4b: {  	v11 =	vor.u32 $0x3, v3;
	v5 =	vld.idx.msk [tilespmem:v5+s22+$0x0], $0xffff  }
0x4c: {  	v12 =	vor.u32 $0x4, v2;
	v4 =	vld.idx.msk [tilespmem:v4+s20+$0x0], $0xffff  }
0x4d: {  	v14 =	vor.u32 $0x5, v2;
	v6 =	vld.idx.msk [tilespmem:v6+s22+$0x0], $0xffff  }
0x4e: {  	v13 =	vor.u32 $0x4, v3;
	v8 =	vld.idx.msk [tilespmem:v8+s20+$0x0], $0xffff  }
0x4f: {  	v15 =	vor.u32 $0x5, v3;
	v9 =	vld.idx.msk [tilespmem:v9+s22+$0x0], $0xffff  }
0x50: {  	v16 =	vor.u32 $0x6, v2;
	v11 =	vld.idx.msk [tilespmem:v11+s20+$0x0], $0xffff  }
0x51: {  	v17 =	vor.u32 $0x6, v3;
	v12 =	vld.idx.msk [tilespmem:v12+s22+$0x0], $0xffff  }
0x52: {  	v50 =	vor.u32 $0x7, v3;
	v14 =	vld.idx.msk [tilespmem:v14+s22+$0x0], $0xffff;
	v7 =	vsub.f32 v10, v7;
	v4 =	vsub.f32 v4, v5  }
0x53: {  	v49 =	vor.u32 $0x7, v2;
	v18 =	vor.u32 $0x8, v3;
	v5 =	vld.idx.msk [tilespmem:v13+s20+$0x0], $0xffff  }
0x54: {  	v15 =	vld.idx.msk [tilespmem:v15+s20+$0x0], $0xffff;
	v6 =	vsub.f32 v8, v6;
	v7 =	vmul.f32 v7, v7;
	v4 =	vmul.f32 v4, v4  }
0x55: {  	v51 =	vor.u32 $0x8, v2;
	v55 =	vor.u32 $0x9, v3;
	v16 =	vld.idx.msk [tilespmem:v16+s22+$0x0], $0xffff  }
0x56: {  	v54 =	vld.idx.msk [tilespmem:v17+s20+$0x0], $0xffff;
	v52 =	vsub.f32 v11, v9;
	v6 =	vmul.f32 v6, v6;
	v4 =	vadd.f32 v4, v7  }
0x57: {  	v53 =	vor.u32 $0x9, v2;
	v59 =	vor.u32 $0xA, v3;
	v58 =	vld.idx.msk [tilespmem:v50+s20+$0x0], $0xffff  }
0x58: {  	v62 =	vld.idx.msk [tilespmem:v18+s20+$0x0], $0xffff;
	v56 =	vmul.f32 v52, v52;
	v5 =	vsub.f32 v5, v12;
	v4 =	vadd.f32 v6, v4  }
0x59: {  	v57 =	vor.u32 $0xA, v2;
	v63 =	vor.u32 $0xB, v3;
	v10 =	vld.idx.msk [tilespmem:v49+s22+$0x0], $0xffff  }
0x5a: {  	v22 =	vld.idx.msk [tilespmem:v55+s20+$0x0], $0xffff;
	v60 =	vsub.f32 v15, v14;
	v5 =	vmul.f32 v5, v5;
	v4 =	vadd.f32 v56, v4  }
0x5b: {  	v61 =	vor.u32 $0xB, v2;
	v23 =	vor.u32 $0xC, v3;
	v8 =	vld.idx.msk [tilespmem:v51+s22+$0x0], $0xffff  }
0x5c: {  	v26 =	vld.idx.msk [tilespmem:v59+s20+$0x0], $0xffff;
	v20 =	vsub.f32 v54, v16;
	v4 =	vadd.f32 v5, v4;
	v5 =	vmul.f32 v60, v60  }
0x5d: {  	v21 =	vor.u32 $0xC, v2;
	v27 =	vor.u32 $0xD, v3;
	v9 =	vld.idx.msk [tilespmem:v53+s22+$0x0], $0xffff  }
0x5e: {  	v30 =	vld.idx.msk [tilespmem:v63+s20+$0x0], $0xffff;
	v24 =	vsub.f32 v58, v10;
	v4 =	vadd.f32 v5, v4;
	v5 =	vmul.f32 v20, v20  }
0x5f: {  	v25 =	vor.u32 $0xD, v2;
	v31 =	vor.u32 $0xE, v3;
	v7 =	vld.idx.msk [tilespmem:v57+s22+$0x0], $0xffff  }
0x60: {  	v34 =	vld.idx.msk [tilespmem:v23+s20+$0x0], $0xffff;
	v28 =	vsub.f32 v62, v8;
	v4 =	vadd.f32 v5, v4;
	v5 =	vmul.f32 v24, v24  }
0x61: {  	v29 =	vor.u32 $0xE, v2;
	v35 =	vor.u32 $0xF, v3;
	v14 =	vld.idx.msk [tilespmem:v61+s22+$0x0], $0xffff  }
0x62: {  	v38 =	vld.idx.msk [tilespmem:v27+s20+$0x0], $0xffff;
	v32 =	vsub.f32 v22, v9;
	v4 =	vadd.f32 v5, v4;
	v5 =	vmul.f32 v28, v28  }
0x63: {  	v33 =	vor.u32 $0xF, v2;
	v39 =	vor.u32 $0x10, v3;
	v11 =	vld.idx.msk [tilespmem:v21+s22+$0x0], $0xffff  }
0x64: {  	v42 =	vld.idx.msk [tilespmem:v31+s20+$0x0], $0xffff;
	v36 =	vsub.f32 v26, v7;
	v4 =	vadd.f32 v5, v4;
	v5 =	vmul.f32 v32, v32  }
0x65: {  	v37 =	vor.u32 $0x10, v2;
	v43 =	vor.u32 $0x11, v3;
	v10 =	vld.idx.msk [tilespmem:v25+s22+$0x0], $0xffff  }
0x66: {  	v46 =	vld.idx.msk [tilespmem:v35+s20+$0x0], $0xffff;
	v40 =	vsub.f32 v30, v14;
	v4 =	vadd.f32 v5, v4;
	v5 =	vmul.f32 v36, v36  }
0x67: {  	v41 =	vor.u32 $0x11, v2;
	v47 =	vor.u32 $0x12, v3;
	v8 =	vld.idx.msk [tilespmem:v29+s22+$0x0], $0xffff  }
0x68: {  	v50 =	vld.idx.msk [tilespmem:v39+s20+$0x0], $0xffff;
	v44 =	vsub.f32 v34, v11;
	v4 =	vadd.f32 v5, v4;
	v5 =	vmul.f32 v40, v40  }
0x69: {  	v45 =	vor.u32 $0x12, v2;
	v51 =	vor.u32 $0x13, v3;
	v9 =	vld.idx.msk [tilespmem:v33+s22+$0x0], $0xffff  }
0x6a: {  	v54 =	vld.idx.msk [tilespmem:v43+s20+$0x0], $0xffff;
	v48 =	vsub.f32 v38, v10;
	v4 =	vadd.f32 v5, v4;
	v5 =	vmul.f32 v44, v44  }
0x6b: {  	v55 =	vor.u32 $0x14, v3;
	v49 =	vor.u32 $0x13, v2;
	v7 =	vld.idx.msk [tilespmem:v37+s22+$0x0], $0xffff  }
0x6c: {  	v58 =	vld.idx.msk [tilespmem:v47+s20+$0x0], $0xffff;
	v52 =	vsub.f32 v42, v8;
	v4 =	vadd.f32 v5, v4;
	v5 =	vmul.f32 v48, v48  }
0x6d: {  	v59 =	vor.u32 $0x15, v3;
	v53 =	vor.u32 $0x14, v2;
	v14 =	vld.idx.msk [tilespmem:v41+s22+$0x0], $0xffff  }
0x6e: {  	v11 =	vld.idx.msk [tilespmem:v45+s22+$0x0], $0xffff;
	v56 =	vsub.f32 v46, v9;
	v4 =	vadd.f32 v5, v4;
	v5 =	vmul.f32 v52, v52  }
0x6f: {  	v63 =	vor.u32 $0x16, v3;
	v57 =	vor.u32 $0x15, v2;
	v62 =	vld.idx.msk [tilespmem:v51+s20+$0x0], $0xffff  }
0x70: {  	v10 =	vld.idx.msk [tilespmem:v49+s22+$0x0], $0xffff;
	v60 =	vsub.f32 v50, v7;
	v4 =	vadd.f32 v5, v4;
	v5 =	vmul.f32 v56, v56  }
0x71: {  	v61 =	vor.u32 $0x16, v2;
	v23 =	vld.idx.msk [tilespmem:v55+s20+$0x0], $0xffff  }
0x72: {  	v8 =	vld.idx.msk [tilespmem:v53+s22+$0x0], $0xffff;
	v21 =	vsub.f32 v54, v14;
	v4 =	vadd.f32 v5, v4;
	v5 =	vmul.f32 v60, v60  }
0x73: {  	v27 =	vld.idx.msk [tilespmem:v59+s20+$0x0], $0xffff;
	v22 =	vor.u32 $0x17, v2;
	v25 =	vsub.f32 v58, v11  }
0x74: {  	v9 =	vld.idx.msk [tilespmem:v57+s22+$0x0], $0xffff;
	v24 =	vor.u32 $0x17, v3;
	v4 =	vadd.f32 v5, v4;
	v5 =	vmul.f32 v21, v21  }
0x75: {  	v31 =	vld.idx.msk [tilespmem:v63+s20+$0x0], $0xffff;
	v26 =	vor.u32 $0x18, v2;
	v29 =	vsub.f32 v62, v10  }
0x76: {  	v7 =	vld.idx.msk [tilespmem:v61+s22+$0x0], $0xffff;
	v28 =	vor.u32 $0x18, v3;
	v4 =	vadd.f32 v5, v4;
	v5 =	vmul.f32 v25, v25  }
0x77: {  	v30 =	vor.u32 $0x19, v2;
	v33 =	vsub.f32 v23, v8  }
0x78: {  	v14 =	vld.idx.msk [tilespmem:v22+s22+$0x0], $0xffff;
	v32 =	vor.u32 $0x19, v3;
	v4 =	vadd.f32 v5, v4;
	v5 =	vmul.f32 v29, v29  }
0x79: {  	v34 =	vor.u32 $0x1A, v2;
	v37 =	vsub.f32 v27, v9;
	v35 =	vld.idx.msk [tilespmem:v24+s20+$0x0], $0xffff  }
0x7a: {  	v11 =	vld.idx.msk [tilespmem:v26+s22+$0x0], $0xffff;
	v36 =	vor.u32 $0x1A, v3;
	v4 =	vadd.f32 v5, v4;
	v5 =	vmul.f32 v33, v33  }
0x7b: {  	v38 =	vor.u32 $0x1B, v2;
	v41 =	vsub.f32 v31, v7;
	v39 =	vld.idx.msk [tilespmem:v28+s20+$0x0], $0xffff  }
0x7c: {  	v10 =	vld.idx.msk [tilespmem:v30+s22+$0x0], $0xffff;
	v40 =	vor.u32 $0x1B, v3;
	v4 =	vadd.f32 v5, v4;
	v5 =	vmul.f32 v37, v37  }
0x7d: {  	v42 =	vor.u32 $0x1C, v2;
	v43 =	vld.idx.msk [tilespmem:v32+s20+$0x0], $0xffff;
	v44 =	vor.u32 $0x1C, v3  }
0x7e: {  	v8 =	vld.idx.msk [tilespmem:v34+s22+$0x0], $0xffff;
	v45 =	vsub.f32 v35, v14;
	v4 =	vadd.f32 v5, v4;
	v5 =	vmul.f32 v41, v41  }
0x7f: {  	v46 =	vor.u32 $0x1D, v2;
	v47 =	vld.idx.msk [tilespmem:v36+s20+$0x0], $0xffff;
	v48 =	vor.u32 $0x1D, v3  }
0x80: {  	v9 =	vld.idx.msk [tilespmem:v38+s22+$0x0], $0xffff;
	v49 =	vsub.f32 v39, v11;
	v4 =	vadd.f32 v5, v4;
	v5 =	vmul.f32 v45, v45  }
0x81: {  	v50 =	vor.u32 $0x1E, v2;
	v51 =	vld.idx.msk [tilespmem:v40+s20+$0x0], $0xffff;
	v52 =	vor.u32 $0x1E, v3  }
0x82: {  	v7 =	vld.idx.msk [tilespmem:v42+s22+$0x0], $0xffff;
	v53 =	vsub.f32 v43, v10;
	v4 =	vadd.f32 v5, v4;
	v5 =	vmul.f32 v49, v49  }
0x83: {  	v2 =	vor.u32 $0x1F, v2;
	v3 =	vor.u32 $0x1F, v3;
	v54 =	vld.idx.msk [tilespmem:v44+s20+$0x0], $0xffff  }
0x84: {  	v55 =	vld.idx.msk [tilespmem:v46+s22+$0x0], $0xffff;
	v56 =	vsub.f32 v47, v8;
	v4 =	vadd.f32 v5, v4;
	v5 =	vmul.f32 v53, v53  }
0x85: {  	v57 =	vld.idx.msk [tilespmem:v48+s20+$0x0], $0xffff  }
0x86: {  	v11 =	vld.idx.msk [tilespmem:v50+s22+$0x0], $0xffff;
	v58 =	vsub.f32 v51, v9;
	v4 =	vadd.f32 v5, v4;
	v5 =	vmul.f32 v56, v56  }
0x87: {  	v59 =	vld.idx.msk [tilespmem:v52+s20+$0x0], $0xffff  }
0x88: {  	v2 =	vld.idx.msk [tilespmem:v2+s22+$0x0], $0xffff;
	v60 =	vsub.f32 v54, v7;
	v4 =	vadd.f32 v5, v4;
	v5 =	vmul.f32 v58, v58  }
0x89: {  	v3 =	vld.idx.msk [tilespmem:v3+s20+$0x0], $0xffff  }
0x8a: {  	v61 =	vsub.f32 v57, v55;
	v4 =	vadd.f32 v5, v4;
	v5 =	vmul.f32 v60, v60;
	_ =	sdelay $0x1  }
0x8b: {  	v62 =	vsub.f32 v59, v11;
	v4 =	vadd.f32 v5, v4;
	v5 =	vmul.f32 v61, v61;
	_ =	sdelay $0x1  }
0x8c: {  	v2 =	vsub.f32 v3, v2;
	v4 =	vadd.f32 v5, v4;
	v5 =	vmul.f32 v62, v62;
	_ =	sdelay $0x1  }
0x8d: {  	v2 =	vmul.f32 v2, v2;
	v3 =	vadd.f32 v5, v4;
	_ =	sdelay $0x1  }
0x8e: {  	v2 =	vadd.f32 v2, v3;
	_ =	sdelay $0x1  }
0x8f: {  	v3 =	vmax.f32 v2, $1.000000000e-30  }
0x90: {  	v4 =	vshrl.u32 v3, $0x1;
	v3 =	vmul.f32 $5.000000000e-01, v3  }
0x91: {  	v4 =	vsub.s32 $0x5F3759DF, v4  }
0x92: {  	v5 =	vmul.f32 v4, v3;
	_ =	sdelay $0x1  }
0x93: {  	v5 =	vmul.f32 v4, v5;
	_ =	sdelay $0x1  }
0x94: {  	v5 =	vsub.f32 $1.500000000e+00, v5;
	_ =	sdelay $0x1  }
0x95: {  	v4 =	vmul.f32 v4, v5;
	_ =	sdelay $0x1  }
0x96: {  	v5 =	vmul.f32 v4, v3;
	_ =	sdelay $0x1  }
0x97: {  	v5 =	vmul.f32 v5, v4;
	_ =	sdelay $0x1  }
0x98: {  	v5 =	vsub.f32 $1.500000000e+00, v5;
	_ =	sdelay $0x1  }
0x99: {  	v4 =	vmul.f32 v5, v4;
	_ =	sdelay $0x1  }
0x9a: {  	s14 =	simm.s32 $0x10800;
	v3 =	vmul.f32 v4, v3  }
0x9b: {  	v5 =	vld [tilespmem:s14+$0x0]  }
0x9c: {  	s15 =	simm.s32 $0x10A00;
	v3 =	vmul.f32 v3, v4  }
0x9d: {  	v63 =	vld [tilespmem:s15+$0x0]  }
0x9e: {  	v3 =	vsub.f32 $1.500000000e+00, v3;
	_ =	sdelay $0x1  }
0x9f: {  	v3 =	vmul.f32 v3, v4;
	v4 =	vadd.f32 v5, v1;
	_ =	sdelay $0x1  }
0xa0: {  	v2 =	vmul.f32 v3, v2;
	v3 =	vadd.f32 v63, v4;
	_ =	sdelay $0x1  }
0xa1: {  	v2 =	vsub.f32 v2, v3;
	_ =	sdelay $0x1  }
0xa2: {  	v2 =	vadd.f32 $0.0e+00, v2;
	_ =	sdelay $0x1  }
0xa3: {  	v2 =	vmul.f32 $1.442695020e+00, v2;
	_ =	sdelay $0x1  }
0xa4: {  	(erf) = vpow2.f32 v2;
	_ =	sdelay $0x8  }
0xa5: {  	v2 =	vpop (erf)  }
0xa6: {  	v2 =	vadd.f32 $1.000000000e+00, v2;
	_ =	sdelay $0x1  }
0xa7: {  	(erf) = vrcp.f32 v2;
	_ =	sdelay $0x8  }
0xa8: {  	s16 =	simm.s32 $0x10C80;
	v2 =	vpop (erf)  }
0xa9: {  	s19 =	simm.s32 $0x210;
	[tilespmem:s16+$0x0] =	vst v2  }
0xaa: {  	v3 =	vld [tilespmem:s19+$0x0]  }
0xab: {  	s21 =	simm.s32 $0x10  }
0xac: {  	s23 =	simm.s32 $0x20;
	s25 =	simm.s32 $0x10;
	v2 =	vld [tilespmem:s21+$0x0]  }
.LBB2_4:
0xad: {  	p0 =	sne.s32 s23, $0x70  }
0xae: {  	v4 =	vmov s21;
	s21 =	smov.u32 s23  }
0xaf: {  	v4 =	vshll.u32 v4, $0x7;
	v3 =	vshll.u32 v3, $0x5  }
0xb0: {  	v4 =	vor.u32 v0, v4;
	v3 =	vand.u32 $0x60, v3  }
0xb1: {  	v2 =	vshll.u32 v2, $0x5;
	v3 =	vor.u32 v4, v3  }
0xb2: {  	v2 =	vand.u32 $0x60, v2;
	v5 =	vor.u32 $0x1, v3  }
0xb3: {  	v2 =	vor.u32 v4, v2  }
0xb4: {  	v4 =	vor.u32 $0x1, v2  }
0xb5: {  	v6 =	vor.u32 $0x2, v3  }
0xb6: {  	v8 =	vor.u32 $0x2, v2;
	v7 =	vld.idx.msk [tilespmem:v3+s22+$0x0], $0xffff  }
0xb7: {  	v9 =	vor.u32 $0x3, v3;
	v5 =	vld.idx.msk [tilespmem:v5+s22+$0x0], $0xffff  }
0xb8: {  	v11 =	vor.u32 $0x3, v2;
	v10 =	vld.idx.msk [tilespmem:v2+s20+$0x0], $0xffff  }
0xb9: {  	v12 =	vor.u32 $0x4, v3;
	v4 =	vld.idx.msk [tilespmem:v4+s20+$0x0], $0xffff  }
0xba: {  	v13 =	vor.u32 $0x4, v2;
	v6 =	vld.idx.msk [tilespmem:v6+s22+$0x0], $0xffff  }
0xbb: {  	v14 =	vor.u32 $0x5, v3;
	v8 =	vld.idx.msk [tilespmem:v8+s20+$0x0], $0xffff  }
0xbc: {  	v15 =	vor.u32 $0x5, v2;
	v9 =	vld.idx.msk [tilespmem:v9+s22+$0x0], $0xffff  }
0xbd: {  	v16 =	vor.u32 $0x6, v3;
	v11 =	vld.idx.msk [tilespmem:v11+s20+$0x0], $0xffff  }
0xbe: {  	v17 =	vor.u32 $0x6, v2;
	v12 =	vld.idx.msk [tilespmem:v12+s22+$0x0], $0xffff  }
0xbf: {  	v7 =	vsub.f32 v10, v7;
	v10 =	vor.u32 $0x7, v3;
	v4 =	vsub.f32 v4, v5;
	v5 =	vld.idx.msk [tilespmem:v13+s20+$0x0], $0xffff  }
0xc0: {  	v18 =	vor.u32 $0x8, v3;
	v13 =	vld.idx.msk [tilespmem:v14+s22+$0x0], $0xffff;
	v14 =	vor.u32 $0x7, v2  }
0xc1: {  	v7 =	vmul.f32 v7, v7;
	v4 =	vmul.f32 v4, v4;
	v6 =	vsub.f32 v8, v6;
	v8 =	vld.idx.msk [tilespmem:v15+s20+$0x0], $0xffff  }
0xc2: {  	v19 =	vor.u32 $0x9, v3;
	v15 =	vld.idx.msk [tilespmem:v16+s22+$0x0], $0xffff;
	v16 =	vor.u32 $0x8, v2  }
0xc3: {  	v4 =	vadd.f32 v4, v7;
	v6 =	vmul.f32 v6, v6;
	v7 =	vsub.f32 v11, v9;
	v9 =	vld.idx.msk [tilespmem:v17+s20+$0x0], $0xffff  }
0xc4: {  	v11 =	vor.u32 $0x9, v2;
	v17 =	vor.u32 $0xA, v3;
	v10 =	vld.idx.msk [tilespmem:v10+s22+$0x0], $0xffff  }
0xc5: {  	v4 =	vadd.f32 v6, v4;
	v6 =	vmul.f32 v7, v7;
	v5 =	vsub.f32 v5, v12;
	v7 =	vld.idx.msk [tilespmem:v14+s20+$0x0], $0xffff  }
0xc6: {  	v14 =	vor.u32 $0xA, v2;
	v12 =	vld.idx.msk [tilespmem:v18+s22+$0x0], $0xffff;
	v18 =	vor.u32 $0xB, v3  }
0xc7: {  	v4 =	vadd.f32 v6, v4;
	v5 =	vmul.f32 v5, v5;
	v6 =	vsub.f32 v8, v13;
	v8 =	vld.idx.msk [tilespmem:v16+s20+$0x0], $0xffff  }
0xc8: {  	v16 =	vor.u32 $0xB, v2;
	v13 =	vld.idx.msk [tilespmem:v19+s22+$0x0], $0xffff;
	v19 =	vor.u32 $0xC, v3  }
0xc9: {  	v4 =	vadd.f32 v5, v4;
	v5 =	vmul.f32 v6, v6;
	v6 =	vsub.f32 v9, v15;
	v9 =	vld.idx.msk [tilespmem:v11+s20+$0x0], $0xffff  }
0xca: {  	v15 =	vor.u32 $0xC, v2;
	v11 =	vld.idx.msk [tilespmem:v17+s22+$0x0], $0xffff;
	v17 =	vor.u32 $0xD, v3  }
0xcb: {  	v4 =	vadd.f32 v5, v4;
	v5 =	vmul.f32 v6, v6;
	v6 =	vsub.f32 v7, v10;
	v7 =	vld.idx.msk [tilespmem:v14+s20+$0x0], $0xffff  }
0xcc: {  	v14 =	vor.u32 $0xD, v2;
	v10 =	vld.idx.msk [tilespmem:v18+s22+$0x0], $0xffff;
	v18 =	vor.u32 $0xE, v3  }
0xcd: {  	v4 =	vadd.f32 v5, v4;
	v5 =	vmul.f32 v6, v6;
	v6 =	vsub.f32 v8, v12;
	v8 =	vld.idx.msk [tilespmem:v16+s20+$0x0], $0xffff  }
0xce: {  	v16 =	vor.u32 $0xE, v2;
	v12 =	vld.idx.msk [tilespmem:v19+s22+$0x0], $0xffff;
	v19 =	vor.u32 $0xF, v3  }
0xcf: {  	v4 =	vadd.f32 v5, v4;
	v5 =	vmul.f32 v6, v6;
	v6 =	vsub.f32 v9, v13;
	v9 =	vld.idx.msk [tilespmem:v15+s20+$0x0], $0xffff  }
0xd0: {  	v15 =	vor.u32 $0xF, v2;
	v13 =	vld.idx.msk [tilespmem:v17+s22+$0x0], $0xffff;
	v17 =	vor.u32 $0x10, v3  }
0xd1: {  	v4 =	vadd.f32 v5, v4;
	v5 =	vmul.f32 v6, v6;
	v6 =	vsub.f32 v7, v11;
	v7 =	vld.idx.msk [tilespmem:v14+s20+$0x0], $0xffff  }
0xd2: {  	v14 =	vor.u32 $0x10, v2;
	v11 =	vld.idx.msk [tilespmem:v18+s22+$0x0], $0xffff;
	v18 =	vor.u32 $0x11, v3  }
0xd3: {  	v4 =	vadd.f32 v5, v4;
	v5 =	vmul.f32 v6, v6;
	v6 =	vsub.f32 v8, v10;
	v8 =	vld.idx.msk [tilespmem:v16+s20+$0x0], $0xffff  }
0xd4: {  	v16 =	vor.u32 $0x11, v2;
	v10 =	vld.idx.msk [tilespmem:v19+s22+$0x0], $0xffff;
	v19 =	vor.u32 $0x12, v3  }
0xd5: {  	v4 =	vadd.f32 v5, v4;
	v5 =	vmul.f32 v6, v6;
	v6 =	vsub.f32 v9, v12;
	v9 =	vld.idx.msk [tilespmem:v15+s20+$0x0], $0xffff  }
0xd6: {  	v15 =	vor.u32 $0x12, v2;
	v12 =	vld.idx.msk [tilespmem:v17+s22+$0x0], $0xffff;
	v17 =	vor.u32 $0x13, v3  }
0xd7: {  	v4 =	vadd.f32 v5, v4;
	v5 =	vmul.f32 v6, v6;
	v6 =	vsub.f32 v7, v13;
	v7 =	vld.idx.msk [tilespmem:v14+s20+$0x0], $0xffff  }
0xd8: {  	v14 =	vor.u32 $0x13, v2;
	v13 =	vld.idx.msk [tilespmem:v18+s22+$0x0], $0xffff;
	v18 =	vor.u32 $0x14, v3  }
0xd9: {  	v4 =	vadd.f32 v5, v4;
	v5 =	vmul.f32 v6, v6;
	v6 =	vsub.f32 v8, v11;
	v8 =	vld.idx.msk [tilespmem:v16+s20+$0x0], $0xffff  }
0xda: {  	v16 =	vor.u32 $0x14, v2;
	v11 =	vld.idx.msk [tilespmem:v19+s22+$0x0], $0xffff;
	v19 =	vor.u32 $0x15, v3  }
0xdb: {  	v4 =	vadd.f32 v5, v4;
	v5 =	vmul.f32 v6, v6;
	v6 =	vsub.f32 v9, v10;
	v9 =	vld.idx.msk [tilespmem:v15+s20+$0x0], $0xffff  }
0xdc: {  	v15 =	vor.u32 $0x15, v2;
	v10 =	vld.idx.msk [tilespmem:v17+s22+$0x0], $0xffff;
	v17 =	vor.u32 $0x16, v3  }
0xdd: {  	v4 =	vadd.f32 v5, v4;
	v5 =	vmul.f32 v6, v6;
	v6 =	vsub.f32 v7, v12;
	v7 =	vld.idx.msk [tilespmem:v14+s20+$0x0], $0xffff  }
0xde: {  	v14 =	vor.u32 $0x16, v2;
	v12 =	vld.idx.msk [tilespmem:v18+s22+$0x0], $0xffff;
	v18 =	vor.u32 $0x17, v3  }
0xdf: {  	v4 =	vadd.f32 v5, v4;
	v5 =	vmul.f32 v6, v6;
	v6 =	vsub.f32 v8, v13;
	v8 =	vld.idx.msk [tilespmem:v16+s20+$0x0], $0xffff  }
0xe0: {  	v16 =	vor.u32 $0x17, v2;
	v13 =	vld.idx.msk [tilespmem:v19+s22+$0x0], $0xffff;
	v19 =	vor.u32 $0x18, v3  }
0xe1: {  	v4 =	vadd.f32 v5, v4;
	v5 =	vmul.f32 v6, v6;
	v6 =	vsub.f32 v9, v11;
	v9 =	vld.idx.msk [tilespmem:v15+s20+$0x0], $0xffff  }
0xe2: {  	v15 =	vor.u32 $0x18, v2;
	v11 =	vld.idx.msk [tilespmem:v17+s22+$0x0], $0xffff;
	v17 =	vor.u32 $0x19, v3  }
0xe3: {  	v4 =	vadd.f32 v5, v4;
	v5 =	vmul.f32 v6, v6;
	v6 =	vsub.f32 v7, v10;
	v7 =	vld.idx.msk [tilespmem:v14+s20+$0x0], $0xffff  }
0xe4: {  	v14 =	vor.u32 $0x19, v2;
	v10 =	vld.idx.msk [tilespmem:v18+s22+$0x0], $0xffff;
	v18 =	vor.u32 $0x1A, v3  }
0xe5: {  	v4 =	vadd.f32 v5, v4;
	v5 =	vmul.f32 v6, v6;
	v6 =	vsub.f32 v8, v12;
	v8 =	vld.idx.msk [tilespmem:v16+s20+$0x0], $0xffff  }
0xe6: {  	v16 =	vor.u32 $0x1A, v2;
	v12 =	vld.idx.msk [tilespmem:v19+s22+$0x0], $0xffff;
	v19 =	vor.u32 $0x1B, v3  }
0xe7: {  	v4 =	vadd.f32 v5, v4;
	v5 =	vmul.f32 v6, v6;
	v6 =	vsub.f32 v9, v13;
	v9 =	vld.idx.msk [tilespmem:v15+s20+$0x0], $0xffff  }
0xe8: {  	v15 =	vor.u32 $0x1B, v2;
	v13 =	vld.idx.msk [tilespmem:v17+s22+$0x0], $0xffff;
	v17 =	vor.u32 $0x1C, v3  }
0xe9: {  	v4 =	vadd.f32 v5, v4;
	v5 =	vmul.f32 v6, v6;
	v6 =	vsub.f32 v7, v11;
	v7 =	vld.idx.msk [tilespmem:v14+s20+$0x0], $0xffff  }
0xea: {  	v14 =	vor.u32 $0x1C, v2;
	v11 =	vld.idx.msk [tilespmem:v18+s22+$0x0], $0xffff;
	v18 =	vor.u32 $0x1D, v3  }
0xeb: {  	v4 =	vadd.f32 v5, v4;
	v5 =	vmul.f32 v6, v6;
	v6 =	vsub.f32 v8, v10;
	v8 =	vld.idx.msk [tilespmem:v16+s20+$0x0], $0xffff  }
0xec: {  	v16 =	vor.u32 $0x1D, v2;
	v10 =	vld.idx.msk [tilespmem:v19+s22+$0x0], $0xffff;
	v19 =	vor.u32 $0x1E, v3  }
0xed: {  	v4 =	vadd.f32 v5, v4;
	v5 =	vmul.f32 v6, v6;
	v6 =	vsub.f32 v9, v12;
	v9 =	vld.idx.msk [tilespmem:v15+s20+$0x0], $0xffff  }
0xee: {  	v3 =	vor.u32 $0x1F, v3;
	v15 =	vor.u32 $0x1E, v2;
	v12 =	vld.idx.msk [tilespmem:v17+s22+$0x0], $0xffff  }
0xef: {  	v4 =	vadd.f32 v5, v4;
	v5 =	vmul.f32 v6, v6;
	v6 =	vsub.f32 v7, v13;
	v7 =	vld.idx.msk [tilespmem:v14+s20+$0x0], $0xffff  }
0xf0: {  	v2 =	vor.u32 $0x1F, v2;
	v13 =	vld.idx.msk [tilespmem:v18+s22+$0x0], $0xffff  }
0xf1: {  	v4 =	vadd.f32 v5, v4;
	v5 =	vmul.f32 v6, v6;
	v6 =	vsub.f32 v8, v11;
	v8 =	vld.idx.msk [tilespmem:v16+s20+$0x0], $0xffff  }
0xf2: {  	v11 =	vld.idx.msk [tilespmem:v19+s22+$0x0], $0xffff  }
0xf3: {  	v4 =	vadd.f32 v5, v4;
	v5 =	vmul.f32 v6, v6;
	v6 =	vsub.f32 v9, v10;
	v9 =	vld.idx.msk [tilespmem:v15+s20+$0x0], $0xffff  }
0xf4: {  	v3 =	vld.idx.msk [tilespmem:v3+s22+$0x0], $0xffff  }
0xf5: {  	v4 =	vadd.f32 v5, v4;
	v5 =	vmul.f32 v6, v6;
	v6 =	vsub.f32 v7, v12;
	v2 =	vld.idx.msk [tilespmem:v2+s20+$0x0], $0xffff;
	_ =	sdelay $0x1  }
0xf6: {  	v4 =	vadd.f32 v5, v4;
	v5 =	vmul.f32 v6, v6;
	v6 =	vsub.f32 v8, v13;
	_ =	sdelay $0x1  }
0xf7: {  	v4 =	vadd.f32 v5, v4;
	v5 =	vmul.f32 v6, v6;
	v6 =	vsub.f32 v9, v11;
	_ =	sdelay $0x1  }
0xf8: {  	v4 =	vadd.f32 v5, v4;
	v5 =	vmul.f32 v6, v6;
	v2 =	vsub.f32 v2, v3;
	_ =	sdelay $0x1  }
0xf9: {  	v3 =	vadd.f32 v5, v4;
	v2 =	vmul.f32 v2, v2;
	_ =	sdelay $0x1  }
0xfa: {  	v2 =	vadd.f32 v2, v3;
	_ =	sdelay $0x1  }
0xfb: {  	v3 =	vmax.f32 v2, $1.000000000e-30  }
0xfc: {  	v4 =	vshrl.u32 v3, $0x1;
	v3 =	vmul.f32 $5.000000000e-01, v3  }
0xfd: {  	v4 =	vsub.s32 $0x5F3759DF, v4  }
0xfe: {  	v5 =	vmul.f32 v4, v3;
	_ =	sdelay $0x1  }
0xff: {  	v5 =	vmul.f32 v4, v5;
	_ =	sdelay $0x1  }
0x100: {  	v5 =	vsub.f32 $1.500000000e+00, v5;
	_ =	sdelay $0x1  }
0x101: {  	v4 =	vmul.f32 v4, v5;
	_ =	sdelay $0x1  }
0x102: {  	v5 =	vmul.f32 v4, v3;
	_ =	sdelay $0x1  }
0x103: {  	v5 =	vmul.f32 v5, v4;
	_ =	sdelay $0x1  }
0x104: {  	v5 =	vsub.f32 $1.500000000e+00, v5;
	_ =	sdelay $0x1  }
0x105: {  	v4 =	vmul.f32 v5, v4;
	_ =	sdelay $0x1  }
0x106: {  	s14 =	sadd.s32 $0x10, s14;
	v3 =	vmul.f32 v4, v3  }
0x107: {  	v5 =	vld [tilespmem:s14+$0x0]  }
0x108: {  	s15 =	sadd.s32 $0x10, s15;
	v3 =	vmul.f32 v3, v4  }
0x109: {  	v6 =	vld [tilespmem:s15+$0x0]  }
0x10a: {  	v3 =	vsub.f32 $1.500000000e+00, v3;
	_ =	sdelay $0x1  }
0x10b: {  	v3 =	vmul.f32 v3, v4;
	v4 =	vadd.f32 v5, v1;
	_ =	sdelay $0x1  }
0x10c: {  	v2 =	vmul.f32 v3, v2;
	v3 =	vadd.f32 v6, v4;
	_ =	sdelay $0x1  }
0x10d: {  	v2 =	vsub.f32 v2, v3;
	_ =	sdelay $0x1  }
0x10e: {  	v2 =	vadd.f32 $0.0e+00, v2;
	_ =	sdelay $0x1  }
0x10f: {  	v2 =	vmul.f32 $1.442695020e+00, v2;
	_ =	sdelay $0x1  }
0x110: {  	(erf) = vpow2.f32 v2;
	_ =	sdelay $0x8  }
0x111: {  	v2 =	vpop (erf)  }
0x112: {  	v2 =	vadd.f32 $1.000000000e+00, v2;
	_ =	sdelay $0x1  }
0x113: {  	(erf) = vrcp.f32 v2;
	_ =	sdelay $0x8  }
.Ltmp1:
0x114: {  	s16 =	sadd.s32 $0x10, s16;
	v2 =	vpop (erf);
	(pc) =	sbr.rel @p0 .LBB2_4-.Ltmp1, $4  }
0x115: {  	s19 =	sadd.s32 $0x10, s19;
	[tilespmem:s16+$0x0] =	vst v2  }
0x116: {  	v3 =	vld [tilespmem:s19+$0x0]  }
0x117: {  	s25 =	sadd.s32 $0x10, s25  }
0x118: {  	s23 =	sadd.s32 $0x10, s23;
	v2 =	vld [tilespmem:s25+$0x0]  }
0x119: {  	_ = 	snop  }
0x11a: {  	v4 =	vmov s21  }
0x11b: {  	v4 =	vshll.u32 v4, $0x7;
	v3 =	vshll.u32 v3, $0x5  }
0x11c: {  	v4 =	vor.u32 v0, v4;
	v3 =	vand.u32 $0x60, v3  }
0x11d: {  	v5 =	vshll.u32 v2, $0x5;
	v2 =	vor.u32 v4, v3  }
0x11e: {  	v3 =	vand.u32 $0x60, v5;
	v5 =	vor.u32 $0x1, v2  }
0x11f: {  	v6 =	vor.u32 $0x2, v2  }
0x120: {  	v3 =	vor.u32 v4, v3  }
0x121: {  	v4 =	vor.u32 $0x1, v3  }
0x122: {  	v9 =	vor.u32 $0x3, v2;
	v7 =	vld.idx.msk [tilespmem:v2+s22+$0x0], $0xffff  }
0x123: {  	v8 =	vor.u32 $0x2, v3;
	v5 =	vld.idx.msk [tilespmem:v5+s22+$0x0], $0xffff  }
0x124: {  	v12 =	vor.u32 $0x4, v2;
	v6 =	vld.idx.msk [tilespmem:v6+s22+$0x0], $0xffff  }
0x125: {  	v11 =	vor.u32 $0x3, v3;
	v10 =	vld.idx.msk [tilespmem:v3+s20+$0x0], $0xffff  }
0x126: {  	v14 =	vor.u32 $0x5, v2;
	v4 =	vld.idx.msk [tilespmem:v4+s20+$0x0], $0xffff  }
0x127: {  	v13 =	vor.u32 $0x4, v3;
	v9 =	vld.idx.msk [tilespmem:v9+s22+$0x0], $0xffff  }
0x128: {  	v16 =	vor.u32 $0x6, v2;
	v8 =	vld.idx.msk [tilespmem:v8+s20+$0x0], $0xffff  }
0x129: {  	v15 =	vor.u32 $0x5, v3;
	v12 =	vld.idx.msk [tilespmem:v12+s22+$0x0], $0xffff  }
0x12a: {  	v17 =	vor.u32 $0x6, v3;
	v11 =	vld.idx.msk [tilespmem:v11+s20+$0x0], $0xffff  }
0x12b: {  	v22 =	vor.u32 $0x7, v3;
	v14 =	vld.idx.msk [tilespmem:v14+s22+$0x0], $0xffff;
	v7 =	vsub.f32 v10, v7;
	v4 =	vsub.f32 v4, v5  }
0x12c: {  	v21 =	vor.u32 $0x7, v2;
	v18 =	vor.u32 $0x8, v3;
	v5 =	vld.idx.msk [tilespmem:v13+s20+$0x0], $0xffff  }
0x12d: {  	v16 =	vld.idx.msk [tilespmem:v16+s22+$0x0], $0xffff;
	v6 =	vsub.f32 v8, v6;
	v7 =	vmul.f32 v7, v7;
	v4 =	vmul.f32 v4, v4  }
0x12e: {  	v23 =	vor.u32 $0x8, v2;
	v27 =	vor.u32 $0x9, v3;
	v15 =	vld.idx.msk [tilespmem:v15+s20+$0x0], $0xffff  }
0x12f: {  	v26 =	vld.idx.msk [tilespmem:v17+s20+$0x0], $0xffff;
	v24 =	vsub.f32 v11, v9;
	v6 =	vmul.f32 v6, v6;
	v4 =	vadd.f32 v4, v7  }
0x130: {  	v25 =	vor.u32 $0x9, v2;
	v31 =	vor.u32 $0xA, v3;
	v30 =	vld.idx.msk [tilespmem:v22+s20+$0x0], $0xffff  }
0x131: {  	v34 =	vld.idx.msk [tilespmem:v18+s20+$0x0], $0xffff;
	v28 =	vmul.f32 v24, v24;
	v5 =	vsub.f32 v5, v12;
	v4 =	vadd.f32 v6, v4  }
0x132: {  	v29 =	vor.u32 $0xA, v2;
	v35 =	vor.u32 $0xB, v3;
	v10 =	vld.idx.msk [tilespmem:v21+s22+$0x0], $0xffff  }
0x133: {  	v38 =	vld.idx.msk [tilespmem:v27+s20+$0x0], $0xffff;
	v32 =	vsub.f32 v15, v14;
	v5 =	vmul.f32 v5, v5;
	v4 =	vadd.f32 v28, v4  }
0x134: {  	v33 =	vor.u32 $0xB, v2;
	v39 =	vor.u32 $0xC, v3;
	v8 =	vld.idx.msk [tilespmem:v23+s22+$0x0], $0xffff  }
0x135: {  	v42 =	vld.idx.msk [tilespmem:v31+s20+$0x0], $0xffff;
	v36 =	vsub.f32 v26, v16;
	v4 =	vadd.f32 v5, v4;
	v5 =	vmul.f32 v32, v32  }
0x136: {  	v37 =	vor.u32 $0xC, v2;
	v43 =	vor.u32 $0xD, v3;
	v9 =	vld.idx.msk [tilespmem:v25+s22+$0x0], $0xffff  }
0x137: {  	v46 =	vld.idx.msk [tilespmem:v35+s20+$0x0], $0xffff;
	v40 =	vsub.f32 v30, v10;
	v4 =	vadd.f32 v5, v4;
	v5 =	vmul.f32 v36, v36  }
0x138: {  	v41 =	vor.u32 $0xD, v2;
	v47 =	vor.u32 $0xE, v3;
	v7 =	vld.idx.msk [tilespmem:v29+s22+$0x0], $0xffff  }
0x139: {  	v50 =	vld.idx.msk [tilespmem:v39+s20+$0x0], $0xffff;
	v44 =	vsub.f32 v34, v8;
	v4 =	vadd.f32 v5, v4;
	v5 =	vmul.f32 v40, v40  }
0x13a: {  	v45 =	vor.u32 $0xE, v2;
	v51 =	vor.u32 $0xF, v3;
	v14 =	vld.idx.msk [tilespmem:v33+s22+$0x0], $0xffff  }
0x13b: {  	v54 =	vld.idx.msk [tilespmem:v43+s20+$0x0], $0xffff;
	v48 =	vsub.f32 v38, v9;
	v4 =	vadd.f32 v5, v4;
	v5 =	vmul.f32 v44, v44  }
0x13c: {  	v49 =	vor.u32 $0xF, v2;
	v55 =	vor.u32 $0x10, v3;
	v11 =	vld.idx.msk [tilespmem:v37+s22+$0x0], $0xffff  }
0x13d: {  	v58 =	vld.idx.msk [tilespmem:v47+s20+$0x0], $0xffff;
	v52 =	vsub.f32 v42, v7;
	v4 =	vadd.f32 v5, v4;
	v5 =	vmul.f32 v48, v48  }
0x13e: {  	v53 =	vor.u32 $0x10, v2;
	v59 =	vor.u32 $0x11, v3;
	v10 =	vld.idx.msk [tilespmem:v41+s22+$0x0], $0xffff  }
0x13f: {  	v62 =	vld.idx.msk [tilespmem:v51+s20+$0x0], $0xffff;
	v56 =	vsub.f32 v46, v14;
	v4 =	vadd.f32 v5, v4;
	v5 =	vmul.f32 v52, v52  }
0x140: {  	v57 =	vor.u32 $0x11, v2;
	v63 =	vor.u32 $0x12, v3;
	v8 =	vld.idx.msk [tilespmem:v45+s22+$0x0], $0xffff  }
0x141: {  	v22 =	vld.idx.msk [tilespmem:v55+s20+$0x0], $0xffff;
	v60 =	vsub.f32 v50, v11;
	v4 =	vadd.f32 v5, v4;
	v5 =	vmul.f32 v56, v56  }
0x142: {  	v61 =	vor.u32 $0x12, v2;
	v23 =	vor.u32 $0x13, v3;
	v9 =	vld.idx.msk [tilespmem:v49+s22+$0x0], $0xffff  }
0x143: {  	v26 =	vld.idx.msk [tilespmem:v59+s20+$0x0], $0xffff;
	v20 =	vsub.f32 v54, v10;
	v4 =	vadd.f32 v5, v4;
	v5 =	vmul.f32 v60, v60  }
0x144: {  	v27 =	vor.u32 $0x14, v3;
	v21 =	vor.u32 $0x13, v2;
	v7 =	vld.idx.msk [tilespmem:v53+s22+$0x0], $0xffff  }
0x145: {  	v30 =	vld.idx.msk [tilespmem:v63+s20+$0x0], $0xffff;
	v24 =	vsub.f32 v58, v8;
	v4 =	vadd.f32 v5, v4;
	v5 =	vmul.f32 v20, v20  }
0x146: {  	v35 =	vor.u32 $0x16, v3;
	v25 =	vor.u32 $0x14, v2;
	v14 =	vld.idx.msk [tilespmem:v57+s22+$0x0], $0xffff  }
0x147: {  	v11 =	vld.idx.msk [tilespmem:v61+s22+$0x0], $0xffff;
	v28 =	vsub.f32 v62, v9;
	v4 =	vadd.f32 v5, v4;
	v5 =	vmul.f32 v24, v24  }
0x148: {  	v31 =	vor.u32 $0x15, v3;
	v29 =	vor.u32 $0x15, v2;
	v34 =	vld.idx.msk [tilespmem:v23+s20+$0x0], $0xffff  }
0x149: {  	v38 =	vld.idx.msk [tilespmem:v27+s20+$0x0], $0xffff;
	v32 =	vsub.f32 v22, v7;
	v4 =	vadd.f32 v5, v4;
	v5 =	vmul.f32 v28, v28  }
0x14a: {  	v39 =	vor.u32 $0x17, v3;
	v33 =	vor.u32 $0x16, v2;
	v10 =	vld.idx.msk [tilespmem:v21+s22+$0x0], $0xffff  }
0x14b: {  	v46 =	vld.idx.msk [tilespmem:v35+s20+$0x0], $0xffff;
	v36 =	vsub.f32 v26, v14;
	v4 =	vadd.f32 v5, v4;
	v5 =	vmul.f32 v32, v32  }
0x14c: {  	v43 =	vor.u32 $0x18, v3;
	v37 =	vor.u32 $0x17, v2;
	v8 =	vld.idx.msk [tilespmem:v25+s22+$0x0], $0xffff  }
0x14d: {  	v42 =	vld.idx.msk [tilespmem:v31+s20+$0x0], $0xffff;
	v40 =	vsub.f32 v30, v11;
	v4 =	vadd.f32 v5, v4;
	v5 =	vmul.f32 v36, v36  }
0x14e: {  	v47 =	vor.u32 $0x19, v3;
	v41 =	vor.u32 $0x18, v2;
	v9 =	vld.idx.msk [tilespmem:v29+s22+$0x0], $0xffff  }
0x14f: {  	v50 =	vld.idx.msk [tilespmem:v39+s20+$0x0], $0xffff;
	v44 =	vsub.f32 v34, v10;
	v4 =	vadd.f32 v5, v4;
	v5 =	vmul.f32 v40, v40  }
0x150: {  	v45 =	vor.u32 $0x19, v2;
	v7 =	vld.idx.msk [tilespmem:v33+s22+$0x0], $0xffff  }
0x151: {  	v54 =	vld.idx.msk [tilespmem:v43+s20+$0x0], $0xffff;
	v48 =	vsub.f32 v38, v8;
	v4 =	vadd.f32 v5, v4;
	v5 =	vmul.f32 v44, v44  }
0x152: {  	v51 =	vor.u32 $0x1A, v3;
	v49 =	vor.u32 $0x1A, v2;
	v14 =	vld.idx.msk [tilespmem:v37+s22+$0x0], $0xffff  }
0x153: {  	v58 =	vld.idx.msk [tilespmem:v47+s20+$0x0], $0xffff;
	v52 =	vsub.f32 v42, v9;
	v4 =	vadd.f32 v5, v4;
	v5 =	vmul.f32 v48, v48  }
0x154: {  	v55 =	vor.u32 $0x1B, v3;
	v53 =	vor.u32 $0x1B, v2;
	v11 =	vld.idx.msk [tilespmem:v41+s22+$0x0], $0xffff  }
0x155: {  	v10 =	vld.idx.msk [tilespmem:v45+s22+$0x0], $0xffff;
	v56 =	vsub.f32 v46, v7;
	v4 =	vadd.f32 v5, v4;
	v5 =	vmul.f32 v52, v52  }
0x156: {  	v59 =	vor.u32 $0x1C, v3;
	v57 =	vor.u32 $0x1C, v2  }
0x157: {  	v62 =	vld.idx.msk [tilespmem:v51+s20+$0x0], $0xffff;
	v60 =	vsub.f32 v50, v14;
	v4 =	vadd.f32 v5, v4;
	v5 =	vmul.f32 v56, v56  }
0x158: {  	v63 =	vor.u32 $0x1D, v3;
	v61 =	vor.u32 $0x1D, v2;
	v8 =	vld.idx.msk [tilespmem:v49+s22+$0x0], $0xffff  }
0x159: {  	v23 =	vld.idx.msk [tilespmem:v55+s20+$0x0], $0xffff;
	v21 =	vsub.f32 v54, v11;
	v4 =	vadd.f32 v5, v4;
	v5 =	vmul.f32 v60, v60  }
0x15a: {  	v22 =	vor.u32 $0x1E, v2;
	v9 =	vld.idx.msk [tilespmem:v53+s22+$0x0], $0xffff;
	v25 =	vsub.f32 v58, v10  }
0x15b: {  	v26 =	vld.idx.msk [tilespmem:v59+s20+$0x0], $0xffff;
	v24 =	vor.u32 $0x1E, v3;
	v4 =	vadd.f32 v5, v4;
	v5 =	vmul.f32 v21, v21  }
0x15c: {  	v2 =	vor.u32 $0x1F, v2;
	v7 =	vld.idx.msk [tilespmem:v57+s22+$0x0], $0xffff;
	v3 =	vor.u32 $0x1F, v3  }
0x15d: {  	v27 =	vld.idx.msk [tilespmem:v61+s22+$0x0], $0xffff;
	v28 =	vsub.f32 v62, v8;
	v4 =	vadd.f32 v5, v4;
	v5 =	vmul.f32 v25, v25  }
0x15e: {  	v29 =	vld.idx.msk [tilespmem:v63+s20+$0x0], $0xffff  }
0x15f: {  	v11 =	vld.idx.msk [tilespmem:v22+s22+$0x0], $0xffff;
	v30 =	vsub.f32 v23, v9;
	v4 =	vadd.f32 v5, v4;
	v5 =	vmul.f32 v28, v28  }
0x160: {  	v31 =	vld.idx.msk [tilespmem:v24+s20+$0x0], $0xffff  }
0x161: {  	v2 =	vld.idx.msk [tilespmem:v2+s22+$0x0], $0xffff;
	v32 =	vsub.f32 v26, v7;
	v4 =	vadd.f32 v5, v4;
	v5 =	vmul.f32 v30, v30  }
0x162: {  	v3 =	vld.idx.msk [tilespmem:v3+s20+$0x0], $0xffff  }
0x163: {  	v33 =	vsub.f32 v29, v27;
	v4 =	vadd.f32 v5, v4;
	v5 =	vmul.f32 v32, v32;
	_ =	sdelay $0x1  }
0x164: {  	v34 =	vsub.f32 v31, v11;
	v4 =	vadd.f32 v5, v4;
	v5 =	vmul.f32 v33, v33;
	_ =	sdelay $0x1  }
0x165: {  	v2 =	vsub.f32 v3, v2;
	v4 =	vadd.f32 v5, v4;
	v5 =	vmul.f32 v34, v34;
	_ =	sdelay $0x1  }
0x166: {  	v2 =	vmul.f32 v2, v2;
	v3 =	vadd.f32 v5, v4;
	_ =	sdelay $0x1  }
0x167: {  	v2 =	vadd.f32 v2, v3;
	_ =	sdelay $0x1  }
0x168: {  	v3 =	vmax.f32 v2, $1.000000000e-30  }
0x169: {  	v4 =	vshrl.u32 v3, $0x1;
	v3 =	vmul.f32 $5.000000000e-01, v3  }
0x16a: {  	v4 =	vsub.s32 $0x5F3759DF, v4  }
0x16b: {  	v5 =	vmul.f32 v4, v3;
	_ =	sdelay $0x1  }
0x16c: {  	v5 =	vmul.f32 v4, v5;
	_ =	sdelay $0x1  }
0x16d: {  	v5 =	vsub.f32 $1.500000000e+00, v5;
	_ =	sdelay $0x1  }
0x16e: {  	v4 =	vmul.f32 v4, v5;
	_ =	sdelay $0x1  }
0x16f: {  	v5 =	vmul.f32 v4, v3;
	_ =	sdelay $0x1  }
0x170: {  	v5 =	vmul.f32 v5, v4;
	_ =	sdelay $0x1  }
0x171: {  	v5 =	vsub.f32 $1.500000000e+00, v5;
	_ =	sdelay $0x1  }
0x172: {  	v4 =	vmul.f32 v5, v4;
	_ =	sdelay $0x1  }
0x173: {  	s14 =	sadd.s32 $0x10, s14;
	v3 =	vmul.f32 v4, v3  }
0x174: {  	v5 =	vld [tilespmem:s14+$0x0]  }
0x175: {  	s15 =	sadd.s32 $0x10, s15;
	v3 =	vmul.f32 v3, v4  }
0x176: {  	v35 =	vld [tilespmem:s15+$0x0]  }
0x177: {  	v3 =	vsub.f32 $1.500000000e+00, v3;
	_ =	sdelay $0x1  }
0x178: {  	v3 =	vmul.f32 v3, v4;
	v4 =	vadd.f32 v5, v1;
	_ =	sdelay $0x1  }
0x179: {  	v2 =	vmul.f32 v3, v2;
	v3 =	vadd.f32 v35, v4;
	_ =	sdelay $0x1  }
0x17a: {  	v2 =	vsub.f32 v2, v3;
	_ =	sdelay $0x1  }
0x17b: {  	v2 =	vadd.f32 $0.0e+00, v2;
	_ =	sdelay $0x1  }
0x17c: {  	v2 =	vmul.f32 $1.442695020e+00, v2;
	_ =	sdelay $0x1  }
0x17d: {  	(erf) = vpow2.f32 v2;
	_ =	sdelay $0x8  }
0x17e: {  	v2 =	vpop (erf)  }
0x17f: {  	v2 =	vadd.f32 $1.000000000e+00, v2;
	_ =	sdelay $0x1  }
0x180: {  	(erf) = vrcp.f32 v2;
	_ =	sdelay $0x8  }
0x181: {  	s19 =	sadd.s32 $0x10, s16;
	v2 =	vpop (erf)  }
0x182: {  	s21 =	simm.s32 $0x80;
	[tilespmem:s19+$0x0] =	vst v2  }
0x183: {  	[tilespmem:s20], [sflag:$0x2] =	stream.indirect.gather [hbm4b:s5+s21], $0x80, s29, s21, $0xb8;
	[tilespmem:$0x10E80] =	vst v63  }
0x184: {  	_ = 	snop  }
0x185: {  	[tilespmem:s22], [sflag:$0x2] =	stream.indirect.gather [hbm4b:s6+s21], $0x80, s30, s21, $0xb8;
	[tilespmem:$0x10E80] =	vst v63  }
0x186: {  	_ =	swait.ge [sflag:s31], $0x4000  }
0x187: {  	[sflag:s31] =	ssyncset.done $0x0  }
0x188: {  	[sflag:s31] =	ssyncadd.s32 $0xFFFFC000  }
0x189: {  	_ =	swait.ge [sflag:s31], $0x4000  }
0x18a: {  	[sflag:s31] =	ssyncset.done $0x0  }
0x18b: {  	s23 =	simm.s32 $0x280;
	[sflag:s31] =	ssyncadd.s32 $0xFFFFC000  }
0x18c: {  	v2 =	vld [tilespmem:s23+$0x0]  }
0x18d: {  	v3 =	vld [tilespmem:s21+$0x0];
	_ =	sdelay $0x1  }
0x18e: {  	s25 =	simm.s32 $0x0  }
0x18f: {  	v4 =	vmov s25  }
0x190: {  	v4 =	vshll.u32 v4, $0x7;
	v2 =	vshll.u32 v2, $0x5  }
0x191: {  	v4 =	vor.u32 v0, v4;
	v3 =	vshll.u32 v3, $0x5;
	v2 =	vand.u32 $0x60, v2  }
0x192: {  	v3 =	vand.u32 $0x60, v3;
	v2 =	vor.u32 v4, v2  }
0x193: {  	v3 =	vor.u32 v4, v3  }
0x194: {  	v5 =	vor.u32 $0x1, v2  }
0x195: {  	v4 =	vor.u32 $0x1, v3  }
0x196: {  	v36 =	vor.u32 $0x2, v2  }
0x197: {  	v38 =	vor.u32 $0x2, v3;
	v37 =	vld.idx.msk [tilespmem:v2+s26+$0x0], $0xffff  }
0x198: {  	v39 =	vor.u32 $0x3, v2;
	v40 =	vld.idx.msk [tilespmem:v3+s24+$0x0], $0xffff  }
0x199: {  	v41 =	vor.u32 $0x3, v3;
	v5 =	vld.idx.msk [tilespmem:v5+s26+$0x0], $0xffff  }
0x19a: {  	v42 =	vor.u32 $0x4, v2;
	v4 =	vld.idx.msk [tilespmem:v4+s24+$0x0], $0xffff  }
0x19b: {  	v44 =	vor.u32 $0x5, v2;
	v6 =	vld.idx.msk [tilespmem:v36+s26+$0x0], $0xffff  }
0x19c: {  	v43 =	vor.u32 $0x4, v3;
	v8 =	vld.idx.msk [tilespmem:v38+s24+$0x0], $0xffff  }
0x19d: {  	v45 =	vor.u32 $0x5, v3;
	v9 =	vld.idx.msk [tilespmem:v39+s26+$0x0], $0xffff  }
0x19e: {  	v46 =	vor.u32 $0x6, v2;
	v11 =	vld.idx.msk [tilespmem:v41+s24+$0x0], $0xffff  }
0x19f: {  	v47 =	vor.u32 $0x6, v3;
	v12 =	vld.idx.msk [tilespmem:v42+s26+$0x0], $0xffff  }
0x1a0: {  	v48 =	vor.u32 $0x7, v2;
	v14 =	vld.idx.msk [tilespmem:v44+s26+$0x0], $0xffff;
	v7 =	vsub.f32 v40, v37;
	v4 =	vsub.f32 v4, v5  }
0x1a1: {  	v49 =	vor.u32 $0x7, v3;
	v51 =	vor.u32 $0x8, v3;
	v5 =	vld.idx.msk [tilespmem:v43+s24+$0x0], $0xffff  }
0x1a2: {  	v15 =	vld.idx.msk [tilespmem:v45+s24+$0x0], $0xffff;
	v6 =	vsub.f32 v8, v6;
	v7 =	vmul.f32 v7, v7;
	v4 =	vmul.f32 v4, v4  }
0x1a3: {  	v50 =	vor.u32 $0x8, v2;
	v55 =	vor.u32 $0x9, v3;
	v16 =	vld.idx.msk [tilespmem:v46+s26+$0x0], $0xffff  }
0x1a4: {  	v54 =	vld.idx.msk [tilespmem:v47+s24+$0x0], $0xffff;
	v52 =	vsub.f32 v11, v9;
	v6 =	vmul.f32 v6, v6;
	v4 =	vadd.f32 v4, v7  }
0x1a5: {  	v53 =	vor.u32 $0x9, v2;
	v59 =	vor.u32 $0xA, v3;
	v10 =	vld.idx.msk [tilespmem:v48+s26+$0x0], $0xffff  }
0x1a6: {  	v58 =	vld.idx.msk [tilespmem:v49+s24+$0x0], $0xffff;
	v56 =	vmul.f32 v52, v52;
	v5 =	vsub.f32 v5, v12;
	v4 =	vadd.f32 v6, v4  }
0x1a7: {  	v57 =	vor.u32 $0xA, v2;
	v63 =	vor.u32 $0xB, v3;
	v62 =	vld.idx.msk [tilespmem:v51+s24+$0x0], $0xffff  }
0x1a8: {  	v22 =	vld.idx.msk [tilespmem:v55+s24+$0x0], $0xffff;
	v60 =	vsub.f32 v15, v14;
	v5 =	vmul.f32 v5, v5;
	v4 =	vadd.f32 v56, v4  }
0x1a9: {  	v61 =	vor.u32 $0xB, v2;
	v23 =	vor.u32 $0xC, v3;
	v8 =	vld.idx.msk [tilespmem:v50+s26+$0x0], $0xffff  }
0x1aa: {  	v26 =	vld.idx.msk [tilespmem:v59+s24+$0x0], $0xffff;
	v20 =	vsub.f32 v54, v16;
	v4 =	vadd.f32 v5, v4;
	v5 =	vmul.f32 v60, v60  }
0x1ab: {  	v21 =	vor.u32 $0xC, v2;
	v27 =	vor.u32 $0xD, v3;
	v9 =	vld.idx.msk [tilespmem:v53+s26+$0x0], $0xffff  }
0x1ac: {  	v30 =	vld.idx.msk [tilespmem:v63+s24+$0x0], $0xffff;
	v24 =	vsub.f32 v58, v10;
	v4 =	vadd.f32 v5, v4;
	v5 =	vmul.f32 v20, v20  }
0x1ad: {  	v25 =	vor.u32 $0xD, v2;
	v31 =	vor.u32 $0xE, v3;
	v7 =	vld.idx.msk [tilespmem:v57+s26+$0x0], $0xffff  }
0x1ae: {  	v34 =	vld.idx.msk [tilespmem:v23+s24+$0x0], $0xffff;
	v28 =	vsub.f32 v62, v8;
	v4 =	vadd.f32 v5, v4;
	v5 =	vmul.f32 v24, v24  }
0x1af: {  	v29 =	vor.u32 $0xE, v2;
	v35 =	vor.u32 $0xF, v3;
	v14 =	vld.idx.msk [tilespmem:v61+s26+$0x0], $0xffff  }
0x1b0: {  	v38 =	vld.idx.msk [tilespmem:v27+s24+$0x0], $0xffff;
	v32 =	vsub.f32 v22, v9;
	v4 =	vadd.f32 v5, v4;
	v5 =	vmul.f32 v28, v28  }
0x1b1: {  	v33 =	vor.u32 $0xF, v2;
	v39 =	vor.u32 $0x10, v3;
	v11 =	vld.idx.msk [tilespmem:v21+s26+$0x0], $0xffff  }
0x1b2: {  	v42 =	vld.idx.msk [tilespmem:v31+s24+$0x0], $0xffff;
	v36 =	vsub.f32 v26, v7;
	v4 =	vadd.f32 v5, v4;
	v5 =	vmul.f32 v32, v32  }
0x1b3: {  	v47 =	vor.u32 $0x12, v3;
	v37 =	vor.u32 $0x10, v2;
	v10 =	vld.idx.msk [tilespmem:v25+s26+$0x0], $0xffff  }
0x1b4: {  	v46 =	vld.idx.msk [tilespmem:v35+s24+$0x0], $0xffff;
	v40 =	vsub.f32 v30, v14;
	v4 =	vadd.f32 v5, v4;
	v5 =	vmul.f32 v36, v36  }
0x1b5: {  	v41 =	vor.u32 $0x11, v2;
	v43 =	vor.u32 $0x11, v3;
	v8 =	vld.idx.msk [tilespmem:v29+s26+$0x0], $0xffff  }
0x1b6: {  	v50 =	vld.idx.msk [tilespmem:v39+s24+$0x0], $0xffff;
	v44 =	vsub.f32 v34, v11;
	v4 =	vadd.f32 v5, v4;
	v5 =	vmul.f32 v40, v40  }
0x1b7: {  	v45 =	vor.u32 $0x12, v2;
	v49 =	vor.u32 $0x13, v2;
	v9 =	vld.idx.msk [tilespmem:v33+s26+$0x0], $0xffff  }
0x1b8: {  	v58 =	vld.idx.msk [tilespmem:v47+s24+$0x0], $0xffff;
	v48 =	vsub.f32 v38, v10;
	v4 =	vadd.f32 v5, v4;
	v5 =	vmul.f32 v44, v44  }
0x1b9: {  	v51 =	vor.u32 $0x13, v3;
	v55 =	vor.u32 $0x14, v3;
	v7 =	vld.idx.msk [tilespmem:v37+s26+$0x0], $0xffff  }
0x1ba: {  	v14 =	vld.idx.msk [tilespmem:v41+s26+$0x0], $0xffff;
	v52 =	vsub.f32 v42, v8;
	v4 =	vadd.f32 v5, v4;
	v5 =	vmul.f32 v48, v48  }
0x1bb: {  	v59 =	vor.u32 $0x15, v3;
	v53 =	vor.u32 $0x14, v2;
	v54 =	vld.idx.msk [tilespmem:v43+s24+$0x0], $0xffff  }
0x1bc: {  	v11 =	vld.idx.msk [tilespmem:v45+s26+$0x0], $0xffff;
	v56 =	vsub.f32 v46, v9;
	v4 =	vadd.f32 v5, v4;
	v5 =	vmul.f32 v52, v52  }
0x1bd: {  	v63 =	vor.u32 $0x16, v3;
	v57 =	vor.u32 $0x15, v2;
	v10 =	vld.idx.msk [tilespmem:v49+s26+$0x0], $0xffff  }
0x1be: {  	v62 =	vld.idx.msk [tilespmem:v51+s24+$0x0], $0xffff;
	v60 =	vsub.f32 v50, v7;
	v4 =	vadd.f32 v5, v4;
	v5 =	vmul.f32 v56, v56  }
0x1bf: {  	v61 =	vor.u32 $0x16, v2;
	v23 =	vld.idx.msk [tilespmem:v55+s24+$0x0], $0xffff  }
0x1c0: {  	v8 =	vld.idx.msk [tilespmem:v53+s26+$0x0], $0xffff;
	v21 =	vsub.f32 v54, v14;
	v4 =	vadd.f32 v5, v4;
	v5 =	vmul.f32 v60, v60  }
0x1c1: {  	v27 =	vld.idx.msk [tilespmem:v59+s24+$0x0], $0xffff;
	v22 =	vor.u32 $0x17, v2;
	v25 =	vsub.f32 v58, v11  }
0x1c2: {  	v9 =	vld.idx.msk [tilespmem:v57+s26+$0x0], $0xffff;
	v24 =	vor.u32 $0x17, v3;
	v4 =	vadd.f32 v5, v4;
	v5 =	vmul.f32 v21, v21  }
0x1c3: {  	v31 =	vld.idx.msk [tilespmem:v63+s24+$0x0], $0xffff;
	v26 =	vor.u32 $0x18, v2;
	v29 =	vsub.f32 v62, v10  }
0x1c4: {  	v7 =	vld.idx.msk [tilespmem:v61+s26+$0x0], $0xffff;
	v28 =	vor.u32 $0x18, v3;
	v4 =	vadd.f32 v5, v4;
	v5 =	vmul.f32 v25, v25  }
0x1c5: {  	v30 =	vor.u32 $0x19, v2;
	v33 =	vsub.f32 v23, v8  }
0x1c6: {  	v14 =	vld.idx.msk [tilespmem:v22+s26+$0x0], $0xffff;
	v32 =	vor.u32 $0x19, v3;
	v4 =	vadd.f32 v5, v4;
	v5 =	vmul.f32 v29, v29  }
0x1c7: {  	v34 =	vor.u32 $0x1A, v2;
	v37 =	vsub.f32 v27, v9;
	v35 =	vld.idx.msk [tilespmem:v24+s24+$0x0], $0xffff  }
0x1c8: {  	v11 =	vld.idx.msk [tilespmem:v26+s26+$0x0], $0xffff;
	v36 =	vor.u32 $0x1A, v3;
	v4 =	vadd.f32 v5, v4;
	v5 =	vmul.f32 v33, v33  }
0x1c9: {  	v38 =	vor.u32 $0x1B, v2;
	v41 =	vsub.f32 v31, v7;
	v39 =	vld.idx.msk [tilespmem:v28+s24+$0x0], $0xffff  }
0x1ca: {  	v10 =	vld.idx.msk [tilespmem:v30+s26+$0x0], $0xffff;
	v40 =	vor.u32 $0x1B, v3;
	v4 =	vadd.f32 v5, v4;
	v5 =	vmul.f32 v37, v37  }
0x1cb: {  	v42 =	vor.u32 $0x1C, v2;
	v43 =	vld.idx.msk [tilespmem:v32+s24+$0x0], $0xffff;
	v44 =	vor.u32 $0x1C, v3  }
0x1cc: {  	v8 =	vld.idx.msk [tilespmem:v34+s26+$0x0], $0xffff;
	v45 =	vsub.f32 v35, v14;
	v4 =	vadd.f32 v5, v4;
	v5 =	vmul.f32 v41, v41  }
0x1cd: {  	v46 =	vor.u32 $0x1D, v2;
	v47 =	vld.idx.msk [tilespmem:v36+s24+$0x0], $0xffff;
	v48 =	vor.u32 $0x1D, v3  }
0x1ce: {  	v9 =	vld.idx.msk [tilespmem:v38+s26+$0x0], $0xffff;
	v49 =	vsub.f32 v39, v11;
	v4 =	vadd.f32 v5, v4;
	v5 =	vmul.f32 v45, v45  }
0x1cf: {  	v50 =	vor.u32 $0x1E, v2;
	v51 =	vld.idx.msk [tilespmem:v40+s24+$0x0], $0xffff;
	v52 =	vor.u32 $0x1E, v3  }
0x1d0: {  	v7 =	vld.idx.msk [tilespmem:v42+s26+$0x0], $0xffff;
	v53 =	vsub.f32 v43, v10;
	v4 =	vadd.f32 v5, v4;
	v5 =	vmul.f32 v49, v49  }
0x1d1: {  	v2 =	vor.u32 $0x1F, v2;
	v3 =	vor.u32 $0x1F, v3;
	v54 =	vld.idx.msk [tilespmem:v44+s24+$0x0], $0xffff  }
0x1d2: {  	v55 =	vld.idx.msk [tilespmem:v46+s26+$0x0], $0xffff;
	v56 =	vsub.f32 v47, v8;
	v4 =	vadd.f32 v5, v4;
	v5 =	vmul.f32 v53, v53  }
0x1d3: {  	v57 =	vld.idx.msk [tilespmem:v48+s24+$0x0], $0xffff  }
0x1d4: {  	v11 =	vld.idx.msk [tilespmem:v50+s26+$0x0], $0xffff;
	v58 =	vsub.f32 v51, v9;
	v4 =	vadd.f32 v5, v4;
	v5 =	vmul.f32 v56, v56  }
0x1d5: {  	v59 =	vld.idx.msk [tilespmem:v52+s24+$0x0], $0xffff  }
0x1d6: {  	v2 =	vld.idx.msk [tilespmem:v2+s26+$0x0], $0xffff;
	v60 =	vsub.f32 v54, v7;
	v4 =	vadd.f32 v5, v4;
	v5 =	vmul.f32 v58, v58  }
0x1d7: {  	v3 =	vld.idx.msk [tilespmem:v3+s24+$0x0], $0xffff  }
0x1d8: {  	v61 =	vsub.f32 v57, v55;
	v4 =	vadd.f32 v5, v4;
	v5 =	vmul.f32 v60, v60;
	_ =	sdelay $0x1  }
0x1d9: {  	v62 =	vsub.f32 v59, v11;
	v4 =	vadd.f32 v5, v4;
	v5 =	vmul.f32 v61, v61;
	_ =	sdelay $0x1  }
0x1da: {  	v2 =	vsub.f32 v3, v2;
	v4 =	vadd.f32 v5, v4;
	v5 =	vmul.f32 v62, v62;
	_ =	sdelay $0x1  }
0x1db: {  	v2 =	vmul.f32 v2, v2;
	v3 =	vadd.f32 v5, v4;
	_ =	sdelay $0x1  }
0x1dc: {  	v2 =	vadd.f32 v2, v3;
	_ =	sdelay $0x1  }
0x1dd: {  	v3 =	vmax.f32 v2, $1.000000000e-30  }
0x1de: {  	v4 =	vshrl.u32 v3, $0x1;
	v3 =	vmul.f32 $5.000000000e-01, v3  }
0x1df: {  	v4 =	vsub.s32 $0x5F3759DF, v4  }
0x1e0: {  	v5 =	vmul.f32 v4, v3;
	_ =	sdelay $0x1  }
0x1e1: {  	v5 =	vmul.f32 v4, v5;
	_ =	sdelay $0x1  }
0x1e2: {  	v5 =	vsub.f32 $1.500000000e+00, v5;
	_ =	sdelay $0x1  }
0x1e3: {  	v4 =	vmul.f32 v4, v5;
	_ =	sdelay $0x1  }
0x1e4: {  	v5 =	vmul.f32 v4, v3;
	_ =	sdelay $0x1  }
0x1e5: {  	v5 =	vmul.f32 v5, v4;
	_ =	sdelay $0x1  }
0x1e6: {  	v5 =	vsub.f32 $1.500000000e+00, v5;
	_ =	sdelay $0x1  }
0x1e7: {  	v4 =	vmul.f32 v5, v4;
	_ =	sdelay $0x1  }
0x1e8: {  	s14 =	simm.s32 $0x10880;
	v3 =	vmul.f32 v4, v3  }
0x1e9: {  	v5 =	vld [tilespmem:s14+$0x0]  }
0x1ea: {  	s15 =	simm.s32 $0x10A80;
	v3 =	vmul.f32 v3, v4  }
0x1eb: {  	v63 =	vld [tilespmem:s15+$0x0]  }
0x1ec: {  	v3 =	vsub.f32 $1.500000000e+00, v3;
	_ =	sdelay $0x1  }
0x1ed: {  	v3 =	vmul.f32 v3, v4;
	v4 =	vadd.f32 v5, v1;
	_ =	sdelay $0x1  }
0x1ee: {  	v2 =	vmul.f32 v3, v2;
	v3 =	vadd.f32 v63, v4;
	_ =	sdelay $0x1  }
0x1ef: {  	v2 =	vsub.f32 v2, v3;
	_ =	sdelay $0x1  }
0x1f0: {  	v2 =	vadd.f32 $0.0e+00, v2;
	_ =	sdelay $0x1  }
0x1f1: {  	v2 =	vmul.f32 $1.442695020e+00, v2;
	_ =	sdelay $0x1  }
0x1f2: {  	(erf) = vpow2.f32 v2;
	_ =	sdelay $0x8  }
0x1f3: {  	v2 =	vpop (erf)  }
0x1f4: {  	v2 =	vadd.f32 $1.000000000e+00, v2;
	_ =	sdelay $0x1  }
0x1f5: {  	(erf) = vrcp.f32 v2;
	_ =	sdelay $0x8  }
0x1f6: {  	s16 =	simm.s32 $0x10D00;
	v2 =	vpop (erf)  }
0x1f7: {  	s19 =	simm.s32 $0x290;
	[tilespmem:s16+$0x0] =	vst v2  }
0x1f8: {  	v3 =	vld [tilespmem:s19+$0x0]  }
0x1f9: {  	s21 =	simm.s32 $0x90  }
0x1fa: {  	s25 =	simm.s32 $0x20;
	s23 =	simm.s32 $0x10;
	v2 =	vld [tilespmem:s21+$0x0]  }
.LBB2_6:
0x1fb: {  	p0 =	sne.s32 s25, $0x70  }
0x1fc: {  	v4 =	vmov s23;
	s23 =	smov.u32 s25  }
0x1fd: {  	v4 =	vshll.u32 v4, $0x7;
	v3 =	vshll.u32 v3, $0x5  }
0x1fe: {  	v4 =	vor.u32 v0, v4;
	v3 =	vand.u32 $0x60, v3  }
0x1ff: {  	v2 =	vshll.u32 v2, $0x5;
	v3 =	vor.u32 v4, v3  }
0x200: {  	v2 =	vand.u32 $0x60, v2;
	v5 =	vor.u32 $0x1, v3  }
0x201: {  	v2 =	vor.u32 v4, v2  }
0x202: {  	v4 =	vor.u32 $0x1, v2  }
0x203: {  	v6 =	vor.u32 $0x2, v3  }
0x204: {  	v8 =	vor.u32 $0x2, v2;
	v7 =	vld.idx.msk [tilespmem:v3+s26+$0x0], $0xffff  }
0x205: {  	v9 =	vor.u32 $0x3, v3;
	v5 =	vld.idx.msk [tilespmem:v5+s26+$0x0], $0xffff  }
0x206: {  	v11 =	vor.u32 $0x3, v2;
	v10 =	vld.idx.msk [tilespmem:v2+s24+$0x0], $0xffff  }
0x207: {  	v12 =	vor.u32 $0x4, v3;
	v4 =	vld.idx.msk [tilespmem:v4+s24+$0x0], $0xffff  }
0x208: {  	v13 =	vor.u32 $0x4, v2;
	v6 =	vld.idx.msk [tilespmem:v6+s26+$0x0], $0xffff  }
0x209: {  	v14 =	vor.u32 $0x5, v3;
	v8 =	vld.idx.msk [tilespmem:v8+s24+$0x0], $0xffff  }
0x20a: {  	v15 =	vor.u32 $0x5, v2;
	v9 =	vld.idx.msk [tilespmem:v9+s26+$0x0], $0xffff  }
0x20b: {  	v16 =	vor.u32 $0x6, v3;
	v11 =	vld.idx.msk [tilespmem:v11+s24+$0x0], $0xffff  }
0x20c: {  	v17 =	vor.u32 $0x6, v2;
	v12 =	vld.idx.msk [tilespmem:v12+s26+$0x0], $0xffff  }
0x20d: {  	v7 =	vsub.f32 v10, v7;
	v10 =	vor.u32 $0x7, v3;
	v4 =	vsub.f32 v4, v5;
	v5 =	vld.idx.msk [tilespmem:v13+s24+$0x0], $0xffff  }
0x20e: {  	v18 =	vor.u32 $0x8, v3;
	v13 =	vld.idx.msk [tilespmem:v14+s26+$0x0], $0xffff;
	v14 =	vor.u32 $0x7, v2  }
0x20f: {  	v7 =	vmul.f32 v7, v7;
	v4 =	vmul.f32 v4, v4;
	v6 =	vsub.f32 v8, v6;
	v8 =	vld.idx.msk [tilespmem:v15+s24+$0x0], $0xffff  }
0x210: {  	v19 =	vor.u32 $0x9, v3;
	v15 =	vld.idx.msk [tilespmem:v16+s26+$0x0], $0xffff;
	v16 =	vor.u32 $0x8, v2  }
0x211: {  	v4 =	vadd.f32 v4, v7;
	v6 =	vmul.f32 v6, v6;
	v7 =	vsub.f32 v11, v9;
	v9 =	vld.idx.msk [tilespmem:v17+s24+$0x0], $0xffff  }
0x212: {  	v11 =	vor.u32 $0x9, v2;
	v17 =	vor.u32 $0xA, v3;
	v10 =	vld.idx.msk [tilespmem:v10+s26+$0x0], $0xffff  }
0x213: {  	v4 =	vadd.f32 v6, v4;
	v6 =	vmul.f32 v7, v7;
	v5 =	vsub.f32 v5, v12;
	v7 =	vld.idx.msk [tilespmem:v14+s24+$0x0], $0xffff  }
0x214: {  	v14 =	vor.u32 $0xA, v2;
	v12 =	vld.idx.msk [tilespmem:v18+s26+$0x0], $0xffff;
	v18 =	vor.u32 $0xB, v3  }
0x215: {  	v4 =	vadd.f32 v6, v4;
	v5 =	vmul.f32 v5, v5;
	v6 =	vsub.f32 v8, v13;
	v8 =	vld.idx.msk [tilespmem:v16+s24+$0x0], $0xffff  }
0x216: {  	v16 =	vor.u32 $0xB, v2;
	v13 =	vld.idx.msk [tilespmem:v19+s26+$0x0], $0xffff;
	v19 =	vor.u32 $0xC, v3  }
0x217: {  	v4 =	vadd.f32 v5, v4;
	v5 =	vmul.f32 v6, v6;
	v6 =	vsub.f32 v9, v15;
	v9 =	vld.idx.msk [tilespmem:v11+s24+$0x0], $0xffff  }
0x218: {  	v15 =	vor.u32 $0xC, v2;
	v11 =	vld.idx.msk [tilespmem:v17+s26+$0x0], $0xffff;
	v17 =	vor.u32 $0xD, v3  }
0x219: {  	v4 =	vadd.f32 v5, v4;
	v5 =	vmul.f32 v6, v6;
	v6 =	vsub.f32 v7, v10;
	v7 =	vld.idx.msk [tilespmem:v14+s24+$0x0], $0xffff  }
0x21a: {  	v14 =	vor.u32 $0xD, v2;
	v10 =	vld.idx.msk [tilespmem:v18+s26+$0x0], $0xffff;
	v18 =	vor.u32 $0xE, v3  }
0x21b: {  	v4 =	vadd.f32 v5, v4;
	v5 =	vmul.f32 v6, v6;
	v6 =	vsub.f32 v8, v12;
	v8 =	vld.idx.msk [tilespmem:v16+s24+$0x0], $0xffff  }
0x21c: {  	v16 =	vor.u32 $0xE, v2;
	v12 =	vld.idx.msk [tilespmem:v19+s26+$0x0], $0xffff;
	v19 =	vor.u32 $0xF, v3  }
0x21d: {  	v4 =	vadd.f32 v5, v4;
	v5 =	vmul.f32 v6, v6;
	v6 =	vsub.f32 v9, v13;
	v9 =	vld.idx.msk [tilespmem:v15+s24+$0x0], $0xffff  }
0x21e: {  	v15 =	vor.u32 $0xF, v2;
	v13 =	vld.idx.msk [tilespmem:v17+s26+$0x0], $0xffff;
	v17 =	vor.u32 $0x10, v3  }
0x21f: {  	v4 =	vadd.f32 v5, v4;
	v5 =	vmul.f32 v6, v6;
	v6 =	vsub.f32 v7, v11;
	v7 =	vld.idx.msk [tilespmem:v14+s24+$0x0], $0xffff  }
0x220: {  	v14 =	vor.u32 $0x10, v2;
	v11 =	vld.idx.msk [tilespmem:v18+s26+$0x0], $0xffff;
	v18 =	vor.u32 $0x11, v3  }
0x221: {  	v4 =	vadd.f32 v5, v4;
	v5 =	vmul.f32 v6, v6;
	v6 =	vsub.f32 v8, v10;
	v8 =	vld.idx.msk [tilespmem:v16+s24+$0x0], $0xffff  }
0x222: {  	v16 =	vor.u32 $0x11, v2;
	v10 =	vld.idx.msk [tilespmem:v19+s26+$0x0], $0xffff;
	v19 =	vor.u32 $0x12, v3  }
0x223: {  	v4 =	vadd.f32 v5, v4;
	v5 =	vmul.f32 v6, v6;
	v6 =	vsub.f32 v9, v12;
	v9 =	vld.idx.msk [tilespmem:v15+s24+$0x0], $0xffff  }
0x224: {  	v15 =	vor.u32 $0x12, v2;
	v12 =	vld.idx.msk [tilespmem:v17+s26+$0x0], $0xffff;
	v17 =	vor.u32 $0x13, v3  }
0x225: {  	v4 =	vadd.f32 v5, v4;
	v5 =	vmul.f32 v6, v6;
	v6 =	vsub.f32 v7, v13;
	v7 =	vld.idx.msk [tilespmem:v14+s24+$0x0], $0xffff  }
0x226: {  	v14 =	vor.u32 $0x13, v2;
	v13 =	vld.idx.msk [tilespmem:v18+s26+$0x0], $0xffff;
	v18 =	vor.u32 $0x14, v3  }
0x227: {  	v4 =	vadd.f32 v5, v4;
	v5 =	vmul.f32 v6, v6;
	v6 =	vsub.f32 v8, v11;
	v8 =	vld.idx.msk [tilespmem:v16+s24+$0x0], $0xffff  }
0x228: {  	v16 =	vor.u32 $0x14, v2;
	v11 =	vld.idx.msk [tilespmem:v19+s26+$0x0], $0xffff;
	v19 =	vor.u32 $0x15, v3  }
0x229: {  	v4 =	vadd.f32 v5, v4;
	v5 =	vmul.f32 v6, v6;
	v6 =	vsub.f32 v9, v10;
	v9 =	vld.idx.msk [tilespmem:v15+s24+$0x0], $0xffff  }
0x22a: {  	v15 =	vor.u32 $0x15, v2;
	v10 =	vld.idx.msk [tilespmem:v17+s26+$0x0], $0xffff;
	v17 =	vor.u32 $0x16, v3  }
0x22b: {  	v4 =	vadd.f32 v5, v4;
	v5 =	vmul.f32 v6, v6;
	v6 =	vsub.f32 v7, v12;
	v7 =	vld.idx.msk [tilespmem:v14+s24+$0x0], $0xffff  }
0x22c: {  	v14 =	vor.u32 $0x16, v2;
	v12 =	vld.idx.msk [tilespmem:v18+s26+$0x0], $0xffff;
	v18 =	vor.u32 $0x17, v3  }
0x22d: {  	v4 =	vadd.f32 v5, v4;
	v5 =	vmul.f32 v6, v6;
	v6 =	vsub.f32 v8, v13;
	v8 =	vld.idx.msk [tilespmem:v16+s24+$0x0], $0xffff  }
0x22e: {  	v16 =	vor.u32 $0x17, v2;
	v13 =	vld.idx.msk [tilespmem:v19+s26+$0x0], $0xffff;
	v19 =	vor.u32 $0x18, v3  }
0x22f: {  	v4 =	vadd.f32 v5, v4;
	v5 =	vmul.f32 v6, v6;
	v6 =	vsub.f32 v9, v11;
	v9 =	vld.idx.msk [tilespmem:v15+s24+$0x0], $0xffff  }
0x230: {  	v15 =	vor.u32 $0x18, v2;
	v11 =	vld.idx.msk [tilespmem:v17+s26+$0x0], $0xffff;
	v17 =	vor.u32 $0x19, v3  }
0x231: {  	v4 =	vadd.f32 v5, v4;
	v5 =	vmul.f32 v6, v6;
	v6 =	vsub.f32 v7, v10;
	v7 =	vld.idx.msk [tilespmem:v14+s24+$0x0], $0xffff  }
0x232: {  	v14 =	vor.u32 $0x19, v2;
	v10 =	vld.idx.msk [tilespmem:v18+s26+$0x0], $0xffff;
	v18 =	vor.u32 $0x1A, v3  }
0x233: {  	v4 =	vadd.f32 v5, v4;
	v5 =	vmul.f32 v6, v6;
	v6 =	vsub.f32 v8, v12;
	v8 =	vld.idx.msk [tilespmem:v16+s24+$0x0], $0xffff  }
0x234: {  	v16 =	vor.u32 $0x1A, v2;
	v12 =	vld.idx.msk [tilespmem:v19+s26+$0x0], $0xffff;
	v19 =	vor.u32 $0x1B, v3  }
0x235: {  	v4 =	vadd.f32 v5, v4;
	v5 =	vmul.f32 v6, v6;
	v6 =	vsub.f32 v9, v13;
	v9 =	vld.idx.msk [tilespmem:v15+s24+$0x0], $0xffff  }
0x236: {  	v15 =	vor.u32 $0x1B, v2;
	v13 =	vld.idx.msk [tilespmem:v17+s26+$0x0], $0xffff;
	v17 =	vor.u32 $0x1C, v3  }
0x237: {  	v4 =	vadd.f32 v5, v4;
	v5 =	vmul.f32 v6, v6;
	v6 =	vsub.f32 v7, v11;
	v7 =	vld.idx.msk [tilespmem:v14+s24+$0x0], $0xffff  }
0x238: {  	v14 =	vor.u32 $0x1C, v2;
	v11 =	vld.idx.msk [tilespmem:v18+s26+$0x0], $0xffff;
	v18 =	vor.u32 $0x1D, v3  }
0x239: {  	v4 =	vadd.f32 v5, v4;
	v5 =	vmul.f32 v6, v6;
	v6 =	vsub.f32 v8, v10;
	v8 =	vld.idx.msk [tilespmem:v16+s24+$0x0], $0xffff  }
0x23a: {  	v16 =	vor.u32 $0x1D, v2;
	v10 =	vld.idx.msk [tilespmem:v19+s26+$0x0], $0xffff;
	v19 =	vor.u32 $0x1E, v3  }
0x23b: {  	v4 =	vadd.f32 v5, v4;
	v5 =	vmul.f32 v6, v6;
	v6 =	vsub.f32 v9, v12;
	v9 =	vld.idx.msk [tilespmem:v15+s24+$0x0], $0xffff  }
0x23c: {  	v3 =	vor.u32 $0x1F, v3;
	v15 =	vor.u32 $0x1E, v2;
	v12 =	vld.idx.msk [tilespmem:v17+s26+$0x0], $0xffff  }
0x23d: {  	v4 =	vadd.f32 v5, v4;
	v5 =	vmul.f32 v6, v6;
	v6 =	vsub.f32 v7, v13;
	v7 =	vld.idx.msk [tilespmem:v14+s24+$0x0], $0xffff  }
0x23e: {  	v2 =	vor.u32 $0x1F, v2;
	v13 =	vld.idx.msk [tilespmem:v18+s26+$0x0], $0xffff  }
0x23f: {  	v4 =	vadd.f32 v5, v4;
	v5 =	vmul.f32 v6, v6;
	v6 =	vsub.f32 v8, v11;
	v8 =	vld.idx.msk [tilespmem:v16+s24+$0x0], $0xffff  }
0x240: {  	v11 =	vld.idx.msk [tilespmem:v19+s26+$0x0], $0xffff  }
0x241: {  	v4 =	vadd.f32 v5, v4;
	v5 =	vmul.f32 v6, v6;
	v6 =	vsub.f32 v9, v10;
	v9 =	vld.idx.msk [tilespmem:v15+s24+$0x0], $0xffff  }
0x242: {  	v3 =	vld.idx.msk [tilespmem:v3+s26+$0x0], $0xffff  }
0x243: {  	v4 =	vadd.f32 v5, v4;
	v5 =	vmul.f32 v6, v6;
	v6 =	vsub.f32 v7, v12;
	v2 =	vld.idx.msk [tilespmem:v2+s24+$0x0], $0xffff;
	_ =	sdelay $0x1  }
0x244: {  	v4 =	vadd.f32 v5, v4;
	v5 =	vmul.f32 v6, v6;
	v6 =	vsub.f32 v8, v13;
	_ =	sdelay $0x1  }
0x245: {  	v4 =	vadd.f32 v5, v4;
	v5 =	vmul.f32 v6, v6;
	v6 =	vsub.f32 v9, v11;
	_ =	sdelay $0x1  }
0x246: {  	v4 =	vadd.f32 v5, v4;
	v5 =	vmul.f32 v6, v6;
	v2 =	vsub.f32 v2, v3;
	_ =	sdelay $0x1  }
0x247: {  	v3 =	vadd.f32 v5, v4;
	v2 =	vmul.f32 v2, v2;
	_ =	sdelay $0x1  }
0x248: {  	v2 =	vadd.f32 v2, v3;
	_ =	sdelay $0x1  }
0x249: {  	v3 =	vmax.f32 v2, $1.000000000e-30  }
0x24a: {  	v4 =	vshrl.u32 v3, $0x1;
	v3 =	vmul.f32 $5.000000000e-01, v3  }
0x24b: {  	v4 =	vsub.s32 $0x5F3759DF, v4  }
0x24c: {  	v5 =	vmul.f32 v4, v3;
	_ =	sdelay $0x1  }
0x24d: {  	v5 =	vmul.f32 v4, v5;
	_ =	sdelay $0x1  }
0x24e: {  	v5 =	vsub.f32 $1.500000000e+00, v5;
	_ =	sdelay $0x1  }
0x24f: {  	v4 =	vmul.f32 v4, v5;
	_ =	sdelay $0x1  }
0x250: {  	v5 =	vmul.f32 v4, v3;
	_ =	sdelay $0x1  }
0x251: {  	v5 =	vmul.f32 v5, v4;
	_ =	sdelay $0x1  }
0x252: {  	v5 =	vsub.f32 $1.500000000e+00, v5;
	_ =	sdelay $0x1  }
0x253: {  	v4 =	vmul.f32 v5, v4;
	_ =	sdelay $0x1  }
0x254: {  	s14 =	sadd.s32 $0x10, s14;
	v3 =	vmul.f32 v4, v3  }
0x255: {  	v5 =	vld [tilespmem:s14+$0x0]  }
0x256: {  	s15 =	sadd.s32 $0x10, s15;
	v3 =	vmul.f32 v3, v4  }
0x257: {  	v6 =	vld [tilespmem:s15+$0x0]  }
0x258: {  	v3 =	vsub.f32 $1.500000000e+00, v3;
	_ =	sdelay $0x1  }
0x259: {  	v3 =	vmul.f32 v3, v4;
	v4 =	vadd.f32 v5, v1;
	_ =	sdelay $0x1  }
0x25a: {  	v2 =	vmul.f32 v3, v2;
	v3 =	vadd.f32 v6, v4;
	_ =	sdelay $0x1  }
0x25b: {  	v2 =	vsub.f32 v2, v3;
	_ =	sdelay $0x1  }
0x25c: {  	v2 =	vadd.f32 $0.0e+00, v2;
	_ =	sdelay $0x1  }
0x25d: {  	v2 =	vmul.f32 $1.442695020e+00, v2;
	_ =	sdelay $0x1  }
0x25e: {  	(erf) = vpow2.f32 v2;
	_ =	sdelay $0x8  }
0x25f: {  	v2 =	vpop (erf)  }
0x260: {  	v2 =	vadd.f32 $1.000000000e+00, v2;
	_ =	sdelay $0x1  }
0x261: {  	(erf) = vrcp.f32 v2;
	_ =	sdelay $0x8  }
.Ltmp2:
0x262: {  	s16 =	sadd.s32 $0x10, s16;
	v2 =	vpop (erf);
	(pc) =	sbr.rel @p0 .LBB2_6-.Ltmp2, $4  }
0x263: {  	s19 =	sadd.s32 $0x10, s19;
	[tilespmem:s16+$0x0] =	vst v2  }
0x264: {  	v3 =	vld [tilespmem:s19+$0x0]  }
0x265: {  	s21 =	sadd.s32 $0x10, s21  }
0x266: {  	s25 =	sadd.s32 $0x10, s25;
	v2 =	vld [tilespmem:s21+$0x0]  }
0x267: {  	_ = 	snop  }
0x268: {  	v4 =	vmov s23  }
0x269: {  	v4 =	vshll.u32 v4, $0x7;
	v3 =	vshll.u32 v3, $0x5  }
0x26a: {  	v4 =	vor.u32 v0, v4;
	v3 =	vand.u32 $0x60, v3  }
0x26b: {  	v5 =	vshll.u32 v2, $0x5;
	v2 =	vor.u32 v4, v3  }
0x26c: {  	v3 =	vand.u32 $0x60, v5;
	v5 =	vor.u32 $0x1, v2  }
0x26d: {  	v6 =	vor.u32 $0x2, v2  }
0x26e: {  	v3 =	vor.u32 v4, v3  }
0x26f: {  	v4 =	vor.u32 $0x1, v3  }
0x270: {  	v9 =	vor.u32 $0x3, v2;
	v7 =	vld.idx.msk [tilespmem:v2+s26+$0x0], $0xffff  }
0x271: {  	v8 =	vor.u32 $0x2, v3;
	v5 =	vld.idx.msk [tilespmem:v5+s26+$0x0], $0xffff  }
0x272: {  	v12 =	vor.u32 $0x4, v2;
	v6 =	vld.idx.msk [tilespmem:v6+s26+$0x0], $0xffff  }
0x273: {  	v11 =	vor.u32 $0x3, v3;
	v10 =	vld.idx.msk [tilespmem:v3+s24+$0x0], $0xffff  }
0x274: {  	v14 =	vor.u32 $0x5, v2;
	v4 =	vld.idx.msk [tilespmem:v4+s24+$0x0], $0xffff  }
0x275: {  	v13 =	vor.u32 $0x4, v3;
	v9 =	vld.idx.msk [tilespmem:v9+s26+$0x0], $0xffff  }
0x276: {  	v16 =	vor.u32 $0x6, v2;
	v8 =	vld.idx.msk [tilespmem:v8+s24+$0x0], $0xffff  }
0x277: {  	v15 =	vor.u32 $0x5, v3;
	v12 =	vld.idx.msk [tilespmem:v12+s26+$0x0], $0xffff  }
0x278: {  	v17 =	vor.u32 $0x6, v3;
	v11 =	vld.idx.msk [tilespmem:v11+s24+$0x0], $0xffff  }
0x279: {  	v22 =	vor.u32 $0x7, v3;
	v14 =	vld.idx.msk [tilespmem:v14+s26+$0x0], $0xffff;
	v7 =	vsub.f32 v10, v7;
	v4 =	vsub.f32 v4, v5  }
0x27a: {  	v21 =	vor.u32 $0x7, v2;
	v18 =	vor.u32 $0x8, v3;
	v5 =	vld.idx.msk [tilespmem:v13+s24+$0x0], $0xffff  }
0x27b: {  	v16 =	vld.idx.msk [tilespmem:v16+s26+$0x0], $0xffff;
	v6 =	vsub.f32 v8, v6;
	v7 =	vmul.f32 v7, v7;
	v4 =	vmul.f32 v4, v4  }
0x27c: {  	v23 =	vor.u32 $0x8, v2;
	v27 =	vor.u32 $0x9, v3;
	v15 =	vld.idx.msk [tilespmem:v15+s24+$0x0], $0xffff  }
0x27d: {  	v26 =	vld.idx.msk [tilespmem:v17+s24+$0x0], $0xffff;
	v24 =	vsub.f32 v11, v9;
	v6 =	vmul.f32 v6, v6;
	v4 =	vadd.f32 v4, v7  }
0x27e: {  	v25 =	vor.u32 $0x9, v2;
	v31 =	vor.u32 $0xA, v3;
	v30 =	vld.idx.msk [tilespmem:v22+s24+$0x0], $0xffff  }
0x27f: {  	v34 =	vld.idx.msk [tilespmem:v18+s24+$0x0], $0xffff;
	v28 =	vmul.f32 v24, v24;
	v5 =	vsub.f32 v5, v12;
	v4 =	vadd.f32 v6, v4  }
0x280: {  	v29 =	vor.u32 $0xA, v2;
	v35 =	vor.u32 $0xB, v3;
	v10 =	vld.idx.msk [tilespmem:v21+s26+$0x0], $0xffff  }
0x281: {  	v38 =	vld.idx.msk [tilespmem:v27+s24+$0x0], $0xffff;
	v32 =	vsub.f32 v15, v14;
	v5 =	vmul.f32 v5, v5;
	v4 =	vadd.f32 v28, v4  }
0x282: {  	v33 =	vor.u32 $0xB, v2;
	v39 =	vor.u32 $0xC, v3;
	v8 =	vld.idx.msk [tilespmem:v23+s26+$0x0], $0xffff  }
0x283: {  	v42 =	vld.idx.msk [tilespmem:v31+s24+$0x0], $0xffff;
	v36 =	vsub.f32 v26, v16;
	v4 =	vadd.f32 v5, v4;
	v5 =	vmul.f32 v32, v32  }
0x284: {  	v37 =	vor.u32 $0xC, v2;
	v43 =	vor.u32 $0xD, v3;
	v9 =	vld.idx.msk [tilespmem:v25+s26+$0x0], $0xffff  }
0x285: {  	v46 =	vld.idx.msk [tilespmem:v35+s24+$0x0], $0xffff;
	v40 =	vsub.f32 v30, v10;
	v4 =	vadd.f32 v5, v4;
	v5 =	vmul.f32 v36, v36  }
0x286: {  	v41 =	vor.u32 $0xD, v2;
	v47 =	vor.u32 $0xE, v3;
	v7 =	vld.idx.msk [tilespmem:v29+s26+$0x0], $0xffff  }
0x287: {  	v50 =	vld.idx.msk [tilespmem:v39+s24+$0x0], $0xffff;
	v44 =	vsub.f32 v34, v8;
	v4 =	vadd.f32 v5, v4;
	v5 =	vmul.f32 v40, v40  }
0x288: {  	v45 =	vor.u32 $0xE, v2;
	v51 =	vor.u32 $0xF, v3;
	v14 =	vld.idx.msk [tilespmem:v33+s26+$0x0], $0xffff  }
0x289: {  	v54 =	vld.idx.msk [tilespmem:v43+s24+$0x0], $0xffff;
	v48 =	vsub.f32 v38, v9;
	v4 =	vadd.f32 v5, v4;
	v5 =	vmul.f32 v44, v44  }
0x28a: {  	v49 =	vor.u32 $0xF, v2;
	v55 =	vor.u32 $0x10, v3;
	v11 =	vld.idx.msk [tilespmem:v37+s26+$0x0], $0xffff  }
0x28b: {  	v58 =	vld.idx.msk [tilespmem:v47+s24+$0x0], $0xffff;
	v52 =	vsub.f32 v42, v7;
	v4 =	vadd.f32 v5, v4;
	v5 =	vmul.f32 v48, v48  }
0x28c: {  	v53 =	vor.u32 $0x10, v2;
	v59 =	vor.u32 $0x11, v3;
	v10 =	vld.idx.msk [tilespmem:v41+s26+$0x0], $0xffff  }
0x28d: {  	v62 =	vld.idx.msk [tilespmem:v51+s24+$0x0], $0xffff;
	v56 =	vsub.f32 v46, v14;
	v4 =	vadd.f32 v5, v4;
	v5 =	vmul.f32 v52, v52  }
0x28e: {  	v57 =	vor.u32 $0x11, v2;
	v63 =	vor.u32 $0x12, v3;
	v8 =	vld.idx.msk [tilespmem:v45+s26+$0x0], $0xffff  }
0x28f: {  	v22 =	vld.idx.msk [tilespmem:v55+s24+$0x0], $0xffff;
	v60 =	vsub.f32 v50, v11;
	v4 =	vadd.f32 v5, v4;
	v5 =	vmul.f32 v56, v56  }
0x290: {  	v61 =	vor.u32 $0x12, v2;
	v23 =	vor.u32 $0x13, v3;
	v9 =	vld.idx.msk [tilespmem:v49+s26+$0x0], $0xffff  }
0x291: {  	v26 =	vld.idx.msk [tilespmem:v59+s24+$0x0], $0xffff;
	v20 =	vsub.f32 v54, v10;
	v4 =	vadd.f32 v5, v4;
	v5 =	vmul.f32 v60, v60  }
0x292: {  	v27 =	vor.u32 $0x14, v3;
	v21 =	vor.u32 $0x13, v2;
	v7 =	vld.idx.msk [tilespmem:v53+s26+$0x0], $0xffff  }
0x293: {  	v30 =	vld.idx.msk [tilespmem:v63+s24+$0x0], $0xffff;
	v24 =	vsub.f32 v58, v8;
	v4 =	vadd.f32 v5, v4;
	v5 =	vmul.f32 v20, v20  }
0x294: {  	v35 =	vor.u32 $0x16, v3;
	v25 =	vor.u32 $0x14, v2;
	v14 =	vld.idx.msk [tilespmem:v57+s26+$0x0], $0xffff  }
0x295: {  	v11 =	vld.idx.msk [tilespmem:v61+s26+$0x0], $0xffff;
	v28 =	vsub.f32 v62, v9;
	v4 =	vadd.f32 v5, v4;
	v5 =	vmul.f32 v24, v24  }
0x296: {  	v31 =	vor.u32 $0x15, v3;
	v29 =	vor.u32 $0x15, v2;
	v34 =	vld.idx.msk [tilespmem:v23+s24+$0x0], $0xffff  }
0x297: {  	v38 =	vld.idx.msk [tilespmem:v27+s24+$0x0], $0xffff;
	v32 =	vsub.f32 v22, v7;
	v4 =	vadd.f32 v5, v4;
	v5 =	vmul.f32 v28, v28  }
0x298: {  	v39 =	vor.u32 $0x17, v3;
	v33 =	vor.u32 $0x16, v2;
	v10 =	vld.idx.msk [tilespmem:v21+s26+$0x0], $0xffff  }
0x299: {  	v46 =	vld.idx.msk [tilespmem:v35+s24+$0x0], $0xffff;
	v36 =	vsub.f32 v26, v14;
	v4 =	vadd.f32 v5, v4;
	v5 =	vmul.f32 v32, v32  }
0x29a: {  	v43 =	vor.u32 $0x18, v3;
	v37 =	vor.u32 $0x17, v2;
	v8 =	vld.idx.msk [tilespmem:v25+s26+$0x0], $0xffff  }
0x29b: {  	v42 =	vld.idx.msk [tilespmem:v31+s24+$0x0], $0xffff;
	v40 =	vsub.f32 v30, v11;
	v4 =	vadd.f32 v5, v4;
	v5 =	vmul.f32 v36, v36  }
0x29c: {  	v47 =	vor.u32 $0x19, v3;
	v41 =	vor.u32 $0x18, v2;
	v9 =	vld.idx.msk [tilespmem:v29+s26+$0x0], $0xffff  }
0x29d: {  	v50 =	vld.idx.msk [tilespmem:v39+s24+$0x0], $0xffff;
	v44 =	vsub.f32 v34, v10;
	v4 =	vadd.f32 v5, v4;
	v5 =	vmul.f32 v40, v40  }
0x29e: {  	v45 =	vor.u32 $0x19, v2;
	v7 =	vld.idx.msk [tilespmem:v33+s26+$0x0], $0xffff  }
0x29f: {  	v54 =	vld.idx.msk [tilespmem:v43+s24+$0x0], $0xffff;
	v48 =	vsub.f32 v38, v8;
	v4 =	vadd.f32 v5, v4;
	v5 =	vmul.f32 v44, v44  }
0x2a0: {  	v51 =	vor.u32 $0x1A, v3;
	v49 =	vor.u32 $0x1A, v2;
	v14 =	vld.idx.msk [tilespmem:v37+s26+$0x0], $0xffff  }
0x2a1: {  	v58 =	vld.idx.msk [tilespmem:v47+s24+$0x0], $0xffff;
	v52 =	vsub.f32 v42, v9;
	v4 =	vadd.f32 v5, v4;
	v5 =	vmul.f32 v48, v48  }
0x2a2: {  	v55 =	vor.u32 $0x1B, v3;
	v53 =	vor.u32 $0x1B, v2;
	v11 =	vld.idx.msk [tilespmem:v41+s26+$0x0], $0xffff  }
0x2a3: {  	v10 =	vld.idx.msk [tilespmem:v45+s26+$0x0], $0xffff;
	v56 =	vsub.f32 v46, v7;
	v4 =	vadd.f32 v5, v4;
	v5 =	vmul.f32 v52, v52  }
0x2a4: {  	v59 =	vor.u32 $0x1C, v3;
	v57 =	vor.u32 $0x1C, v2  }
0x2a5: {  	v62 =	vld.idx.msk [tilespmem:v51+s24+$0x0], $0xffff;
	v60 =	vsub.f32 v50, v14;
	v4 =	vadd.f32 v5, v4;
	v5 =	vmul.f32 v56, v56  }
0x2a6: {  	v63 =	vor.u32 $0x1D, v3;
	v61 =	vor.u32 $0x1D, v2;
	v8 =	vld.idx.msk [tilespmem:v49+s26+$0x0], $0xffff  }
0x2a7: {  	v23 =	vld.idx.msk [tilespmem:v55+s24+$0x0], $0xffff;
	v21 =	vsub.f32 v54, v11;
	v4 =	vadd.f32 v5, v4;
	v5 =	vmul.f32 v60, v60  }
0x2a8: {  	v22 =	vor.u32 $0x1E, v2;
	v9 =	vld.idx.msk [tilespmem:v53+s26+$0x0], $0xffff;
	v25 =	vsub.f32 v58, v10  }
0x2a9: {  	v26 =	vld.idx.msk [tilespmem:v59+s24+$0x0], $0xffff;
	v24 =	vor.u32 $0x1E, v3;
	v4 =	vadd.f32 v5, v4;
	v5 =	vmul.f32 v21, v21  }
0x2aa: {  	v2 =	vor.u32 $0x1F, v2;
	v7 =	vld.idx.msk [tilespmem:v57+s26+$0x0], $0xffff;
	v3 =	vor.u32 $0x1F, v3  }
0x2ab: {  	v27 =	vld.idx.msk [tilespmem:v61+s26+$0x0], $0xffff;
	v28 =	vsub.f32 v62, v8;
	v4 =	vadd.f32 v5, v4;
	v5 =	vmul.f32 v25, v25  }
0x2ac: {  	v29 =	vld.idx.msk [tilespmem:v63+s24+$0x0], $0xffff  }
0x2ad: {  	v11 =	vld.idx.msk [tilespmem:v22+s26+$0x0], $0xffff;
	v30 =	vsub.f32 v23, v9;
	v4 =	vadd.f32 v5, v4;
	v5 =	vmul.f32 v28, v28  }
0x2ae: {  	v31 =	vld.idx.msk [tilespmem:v24+s24+$0x0], $0xffff  }
0x2af: {  	v2 =	vld.idx.msk [tilespmem:v2+s26+$0x0], $0xffff;
	v32 =	vsub.f32 v26, v7;
	v4 =	vadd.f32 v5, v4;
	v5 =	vmul.f32 v30, v30  }
0x2b0: {  	v3 =	vld.idx.msk [tilespmem:v3+s24+$0x0], $0xffff  }
0x2b1: {  	v33 =	vsub.f32 v29, v27;
	v4 =	vadd.f32 v5, v4;
	v5 =	vmul.f32 v32, v32;
	_ =	sdelay $0x1  }
0x2b2: {  	v34 =	vsub.f32 v31, v11;
	v4 =	vadd.f32 v5, v4;
	v5 =	vmul.f32 v33, v33;
	_ =	sdelay $0x1  }
0x2b3: {  	v2 =	vsub.f32 v3, v2;
	v4 =	vadd.f32 v5, v4;
	v5 =	vmul.f32 v34, v34;
	_ =	sdelay $0x1  }
0x2b4: {  	v2 =	vmul.f32 v2, v2;
	v3 =	vadd.f32 v5, v4;
	_ =	sdelay $0x1  }
0x2b5: {  	v2 =	vadd.f32 v2, v3;
	_ =	sdelay $0x1  }
0x2b6: {  	v3 =	vmax.f32 v2, $1.000000000e-30  }
0x2b7: {  	v4 =	vshrl.u32 v3, $0x1;
	v3 =	vmul.f32 $5.000000000e-01, v3  }
0x2b8: {  	v4 =	vsub.s32 $0x5F3759DF, v4  }
0x2b9: {  	v5 =	vmul.f32 v4, v3;
	_ =	sdelay $0x1  }
0x2ba: {  	v5 =	vmul.f32 v4, v5;
	_ =	sdelay $0x1  }
0x2bb: {  	v5 =	vsub.f32 $1.500000000e+00, v5;
	_ =	sdelay $0x1  }
0x2bc: {  	v4 =	vmul.f32 v4, v5;
	_ =	sdelay $0x1  }
0x2bd: {  	v5 =	vmul.f32 v4, v3;
	_ =	sdelay $0x1  }
0x2be: {  	v5 =	vmul.f32 v5, v4;
	_ =	sdelay $0x1  }
0x2bf: {  	v5 =	vsub.f32 $1.500000000e+00, v5;
	_ =	sdelay $0x1  }
0x2c0: {  	v4 =	vmul.f32 v5, v4;
	_ =	sdelay $0x1  }
0x2c1: {  	s14 =	sadd.s32 $0x10, s14;
	v3 =	vmul.f32 v4, v3  }
0x2c2: {  	v5 =	vld [tilespmem:s14+$0x0]  }
0x2c3: {  	s15 =	sadd.s32 $0x10, s15;
	v3 =	vmul.f32 v3, v4  }
0x2c4: {  	v35 =	vld [tilespmem:s15+$0x0]  }
0x2c5: {  	v3 =	vsub.f32 $1.500000000e+00, v3;
	_ =	sdelay $0x1  }
0x2c6: {  	v3 =	vmul.f32 v3, v4;
	v4 =	vadd.f32 v5, v1;
	_ =	sdelay $0x1  }
0x2c7: {  	v2 =	vmul.f32 v3, v2;
	v3 =	vadd.f32 v35, v4;
	_ =	sdelay $0x1  }
0x2c8: {  	v2 =	vsub.f32 v2, v3;
	_ =	sdelay $0x1  }
0x2c9: {  	v2 =	vadd.f32 $0.0e+00, v2;
	_ =	sdelay $0x1  }
0x2ca: {  	v2 =	vmul.f32 $1.442695020e+00, v2;
	_ =	sdelay $0x1  }
0x2cb: {  	(erf) = vpow2.f32 v2;
	_ =	sdelay $0x8  }
0x2cc: {  	v2 =	vpop (erf)  }
0x2cd: {  	v2 =	vadd.f32 $1.000000000e+00, v2;
	_ =	sdelay $0x1  }
0x2ce: {  	(erf) = vrcp.f32 v2;
	_ =	sdelay $0x8  }
0x2cf: {  	s19 =	sadd.s32 $0x10, s16;
	v2 =	vpop (erf)  }
0x2d0: {  	[tilespmem:s19+$0x0] =	vst v2  }
0x2d1: {  	[tilespmem:s24], [sflag:$0x3] =	stream.indirect.gather [hbm4b:s5+s18], $0x80, s0, s18, $0xb8;
	[tilespmem:$0x10E80] =	vst v63  }
0x2d2: {  	_ = 	snop  }
0x2d3: {  	[tilespmem:s26], [sflag:$0x3] =	stream.indirect.gather [hbm4b:s6+s18], $0x80, s4, s18, $0xb8;
	[tilespmem:$0x10E80] =	vst v63  }
0x2d4: {  	_ =	swait.ge [sflag:s28], $0x4000  }
0x2d5: {  	[sflag:s28] =	ssyncset.done $0x0  }
0x2d6: {  	[sflag:s28] =	ssyncadd.s32 $0xFFFFC000  }
0x2d7: {  	_ =	swait.ge [sflag:s28], $0x4000  }
0x2d8: {  	[sflag:s28] =	ssyncset.done $0x0  }
0x2d9: {  	s21 =	simm.s32 $0x300;
	[sflag:s28] =	ssyncadd.s32 $0xFFFFC000  }
0x2da: {  	s23 =	simm.s32 $0x100;
	v2 =	vld [tilespmem:s21+$0x0]  }
0x2db: {  	v3 =	vld [tilespmem:s23+$0x0];
	_ =	sdelay $0x1  }
0x2dc: {  	s25 =	simm.s32 $0x0  }
0x2dd: {  	v4 =	vmov s25  }
0x2de: {  	v4 =	vshll.u32 v4, $0x7;
	v2 =	vshll.u32 v2, $0x5  }
0x2df: {  	v4 =	vor.u32 v0, v4;
	v3 =	vshll.u32 v3, $0x5;
	v2 =	vand.u32 $0x60, v2  }
0x2e0: {  	v3 =	vand.u32 $0x60, v3;
	v2 =	vor.u32 v4, v2  }
0x2e1: {  	v3 =	vor.u32 v4, v3  }
0x2e2: {  	v5 =	vor.u32 $0x1, v2  }
0x2e3: {  	v4 =	vor.u32 $0x1, v3  }
0x2e4: {  	v36 =	vor.u32 $0x2, v2  }
0x2e5: {  	v38 =	vor.u32 $0x2, v3;
	v37 =	vld.idx.msk [tilespmem:v2+s22+$0x0], $0xffff  }
0x2e6: {  	v39 =	vor.u32 $0x3, v2;
	v40 =	vld.idx.msk [tilespmem:v3+s20+$0x0], $0xffff  }
0x2e7: {  	v41 =	vor.u32 $0x3, v3;
	v5 =	vld.idx.msk [tilespmem:v5+s22+$0x0], $0xffff  }
0x2e8: {  	v42 =	vor.u32 $0x4, v2;
	v4 =	vld.idx.msk [tilespmem:v4+s20+$0x0], $0xffff  }
0x2e9: {  	v44 =	vor.u32 $0x5, v2;
	v6 =	vld.idx.msk [tilespmem:v36+s22+$0x0], $0xffff  }
0x2ea: {  	v43 =	vor.u32 $0x4, v3;
	v8 =	vld.idx.msk [tilespmem:v38+s20+$0x0], $0xffff  }
0x2eb: {  	v45 =	vor.u32 $0x5, v3;
	v9 =	vld.idx.msk [tilespmem:v39+s22+$0x0], $0xffff  }
0x2ec: {  	v46 =	vor.u32 $0x6, v2;
	v11 =	vld.idx.msk [tilespmem:v41+s20+$0x0], $0xffff  }
0x2ed: {  	v47 =	vor.u32 $0x6, v3;
	v12 =	vld.idx.msk [tilespmem:v42+s22+$0x0], $0xffff  }
0x2ee: {  	v48 =	vor.u32 $0x7, v2;
	v14 =	vld.idx.msk [tilespmem:v44+s22+$0x0], $0xffff;
	v7 =	vsub.f32 v40, v37;
	v4 =	vsub.f32 v4, v5  }
0x2ef: {  	v49 =	vor.u32 $0x7, v3;
	v51 =	vor.u32 $0x8, v3;
	v5 =	vld.idx.msk [tilespmem:v43+s20+$0x0], $0xffff  }
0x2f0: {  	v15 =	vld.idx.msk [tilespmem:v45+s20+$0x0], $0xffff;
	v6 =	vsub.f32 v8, v6;
	v7 =	vmul.f32 v7, v7;
	v4 =	vmul.f32 v4, v4  }
0x2f1: {  	v50 =	vor.u32 $0x8, v2;
	v55 =	vor.u32 $0x9, v3;
	v16 =	vld.idx.msk [tilespmem:v46+s22+$0x0], $0xffff  }
0x2f2: {  	v54 =	vld.idx.msk [tilespmem:v47+s20+$0x0], $0xffff;
	v52 =	vsub.f32 v11, v9;
	v6 =	vmul.f32 v6, v6;
	v4 =	vadd.f32 v4, v7  }
0x2f3: {  	v53 =	vor.u32 $0x9, v2;
	v59 =	vor.u32 $0xA, v3;
	v10 =	vld.idx.msk [tilespmem:v48+s22+$0x0], $0xffff  }
0x2f4: {  	v58 =	vld.idx.msk [tilespmem:v49+s20+$0x0], $0xffff;
	v56 =	vmul.f32 v52, v52;
	v5 =	vsub.f32 v5, v12;
	v4 =	vadd.f32 v6, v4  }
0x2f5: {  	v57 =	vor.u32 $0xA, v2;
	v63 =	vor.u32 $0xB, v3;
	v62 =	vld.idx.msk [tilespmem:v51+s20+$0x0], $0xffff  }
0x2f6: {  	v22 =	vld.idx.msk [tilespmem:v55+s20+$0x0], $0xffff;
	v60 =	vsub.f32 v15, v14;
	v5 =	vmul.f32 v5, v5;
	v4 =	vadd.f32 v56, v4  }
0x2f7: {  	v61 =	vor.u32 $0xB, v2;
	v23 =	vor.u32 $0xC, v3;
	v8 =	vld.idx.msk [tilespmem:v50+s22+$0x0], $0xffff  }
0x2f8: {  	v26 =	vld.idx.msk [tilespmem:v59+s20+$0x0], $0xffff;
	v20 =	vsub.f32 v54, v16;
	v4 =	vadd.f32 v5, v4;
	v5 =	vmul.f32 v60, v60  }
0x2f9: {  	v21 =	vor.u32 $0xC, v2;
	v27 =	vor.u32 $0xD, v3;
	v9 =	vld.idx.msk [tilespmem:v53+s22+$0x0], $0xffff  }
0x2fa: {  	v30 =	vld.idx.msk [tilespmem:v63+s20+$0x0], $0xffff;
	v24 =	vsub.f32 v58, v10;
	v4 =	vadd.f32 v5, v4;
	v5 =	vmul.f32 v20, v20  }
0x2fb: {  	v25 =	vor.u32 $0xD, v2;
	v31 =	vor.u32 $0xE, v3;
	v7 =	vld.idx.msk [tilespmem:v57+s22+$0x0], $0xffff  }
0x2fc: {  	v34 =	vld.idx.msk [tilespmem:v23+s20+$0x0], $0xffff;
	v28 =	vsub.f32 v62, v8;
	v4 =	vadd.f32 v5, v4;
	v5 =	vmul.f32 v24, v24  }
0x2fd: {  	v29 =	vor.u32 $0xE, v2;
	v35 =	vor.u32 $0xF, v3;
	v14 =	vld.idx.msk [tilespmem:v61+s22+$0x0], $0xffff  }
0x2fe: {  	v38 =	vld.idx.msk [tilespmem:v27+s20+$0x0], $0xffff;
	v32 =	vsub.f32 v22, v9;
	v4 =	vadd.f32 v5, v4;
	v5 =	vmul.f32 v28, v28  }
0x2ff: {  	v33 =	vor.u32 $0xF, v2;
	v39 =	vor.u32 $0x10, v3;
	v11 =	vld.idx.msk [tilespmem:v21+s22+$0x0], $0xffff  }
0x300: {  	v42 =	vld.idx.msk [tilespmem:v31+s20+$0x0], $0xffff;
	v36 =	vsub.f32 v26, v7;
	v4 =	vadd.f32 v5, v4;
	v5 =	vmul.f32 v32, v32  }
0x301: {  	v47 =	vor.u32 $0x12, v3;
	v37 =	vor.u32 $0x10, v2;
	v10 =	vld.idx.msk [tilespmem:v25+s22+$0x0], $0xffff  }
0x302: {  	v46 =	vld.idx.msk [tilespmem:v35+s20+$0x0], $0xffff;
	v40 =	vsub.f32 v30, v14;
	v4 =	vadd.f32 v5, v4;
	v5 =	vmul.f32 v36, v36  }
0x303: {  	v41 =	vor.u32 $0x11, v2;
	v43 =	vor.u32 $0x11, v3;
	v8 =	vld.idx.msk [tilespmem:v29+s22+$0x0], $0xffff  }
0x304: {  	v50 =	vld.idx.msk [tilespmem:v39+s20+$0x0], $0xffff;
	v44 =	vsub.f32 v34, v11;
	v4 =	vadd.f32 v5, v4;
	v5 =	vmul.f32 v40, v40  }
0x305: {  	v45 =	vor.u32 $0x12, v2;
	v49 =	vor.u32 $0x13, v2;
	v9 =	vld.idx.msk [tilespmem:v33+s22+$0x0], $0xffff  }
0x306: {  	v58 =	vld.idx.msk [tilespmem:v47+s20+$0x0], $0xffff;
	v48 =	vsub.f32 v38, v10;
	v4 =	vadd.f32 v5, v4;
	v5 =	vmul.f32 v44, v44  }
0x307: {  	v51 =	vor.u32 $0x13, v3;
	v55 =	vor.u32 $0x14, v3;
	v7 =	vld.idx.msk [tilespmem:v37+s22+$0x0], $0xffff  }
0x308: {  	v14 =	vld.idx.msk [tilespmem:v41+s22+$0x0], $0xffff;
	v52 =	vsub.f32 v42, v8;
	v4 =	vadd.f32 v5, v4;
	v5 =	vmul.f32 v48, v48  }
0x309: {  	v59 =	vor.u32 $0x15, v3;
	v53 =	vor.u32 $0x14, v2;
	v54 =	vld.idx.msk [tilespmem:v43+s20+$0x0], $0xffff  }
0x30a: {  	v11 =	vld.idx.msk [tilespmem:v45+s22+$0x0], $0xffff;
	v56 =	vsub.f32 v46, v9;
	v4 =	vadd.f32 v5, v4;
	v5 =	vmul.f32 v52, v52  }
0x30b: {  	v63 =	vor.u32 $0x16, v3;
	v57 =	vor.u32 $0x15, v2;
	v10 =	vld.idx.msk [tilespmem:v49+s22+$0x0], $0xffff  }
0x30c: {  	v62 =	vld.idx.msk [tilespmem:v51+s20+$0x0], $0xffff;
	v60 =	vsub.f32 v50, v7;
	v4 =	vadd.f32 v5, v4;
	v5 =	vmul.f32 v56, v56  }
0x30d: {  	v61 =	vor.u32 $0x16, v2;
	v23 =	vld.idx.msk [tilespmem:v55+s20+$0x0], $0xffff  }
0x30e: {  	v8 =	vld.idx.msk [tilespmem:v53+s22+$0x0], $0xffff;
	v21 =	vsub.f32 v54, v14;
	v4 =	vadd.f32 v5, v4;
	v5 =	vmul.f32 v60, v60  }
0x30f: {  	v27 =	vld.idx.msk [tilespmem:v59+s20+$0x0], $0xffff;
	v22 =	vor.u32 $0x17, v2;
	v25 =	vsub.f32 v58, v11  }
0x310: {  	v9 =	vld.idx.msk [tilespmem:v57+s22+$0x0], $0xffff;
	v24 =	vor.u32 $0x17, v3;
	v4 =	vadd.f32 v5, v4;
	v5 =	vmul.f32 v21, v21  }
0x311: {  	v31 =	vld.idx.msk [tilespmem:v63+s20+$0x0], $0xffff;
	v26 =	vor.u32 $0x18, v2;
	v29 =	vsub.f32 v62, v10  }
0x312: {  	v7 =	vld.idx.msk [tilespmem:v61+s22+$0x0], $0xffff;
	v28 =	vor.u32 $0x18, v3;
	v4 =	vadd.f32 v5, v4;
	v5 =	vmul.f32 v25, v25  }
0x313: {  	v30 =	vor.u32 $0x19, v2;
	v33 =	vsub.f32 v23, v8  }
0x314: {  	v14 =	vld.idx.msk [tilespmem:v22+s22+$0x0], $0xffff;
	v32 =	vor.u32 $0x19, v3;
	v4 =	vadd.f32 v5, v4;
	v5 =	vmul.f32 v29, v29  }
0x315: {  	v34 =	vor.u32 $0x1A, v2;
	v37 =	vsub.f32 v27, v9;
	v35 =	vld.idx.msk [tilespmem:v24+s20+$0x0], $0xffff  }
0x316: {  	v11 =	vld.idx.msk [tilespmem:v26+s22+$0x0], $0xffff;
	v36 =	vor.u32 $0x1A, v3;
	v4 =	vadd.f32 v5, v4;
	v5 =	vmul.f32 v33, v33  }
0x317: {  	v38 =	vor.u32 $0x1B, v2;
	v41 =	vsub.f32 v31, v7;
	v39 =	vld.idx.msk [tilespmem:v28+s20+$0x0], $0xffff  }
0x318: {  	v10 =	vld.idx.msk [tilespmem:v30+s22+$0x0], $0xffff;
	v40 =	vor.u32 $0x1B, v3;
	v4 =	vadd.f32 v5, v4;
	v5 =	vmul.f32 v37, v37  }
0x319: {  	v42 =	vor.u32 $0x1C, v2;
	v43 =	vld.idx.msk [tilespmem:v32+s20+$0x0], $0xffff;
	v44 =	vor.u32 $0x1C, v3  }
0x31a: {  	v8 =	vld.idx.msk [tilespmem:v34+s22+$0x0], $0xffff;
	v45 =	vsub.f32 v35, v14;
	v4 =	vadd.f32 v5, v4;
	v5 =	vmul.f32 v41, v41  }
0x31b: {  	v46 =	vor.u32 $0x1D, v2;
	v47 =	vld.idx.msk [tilespmem:v36+s20+$0x0], $0xffff;
	v48 =	vor.u32 $0x1D, v3  }
0x31c: {  	v9 =	vld.idx.msk [tilespmem:v38+s22+$0x0], $0xffff;
	v49 =	vsub.f32 v39, v11;
	v4 =	vadd.f32 v5, v4;
	v5 =	vmul.f32 v45, v45  }
0x31d: {  	v50 =	vor.u32 $0x1E, v2;
	v51 =	vld.idx.msk [tilespmem:v40+s20+$0x0], $0xffff;
	v52 =	vor.u32 $0x1E, v3  }
0x31e: {  	v7 =	vld.idx.msk [tilespmem:v42+s22+$0x0], $0xffff;
	v53 =	vsub.f32 v43, v10;
	v4 =	vadd.f32 v5, v4;
	v5 =	vmul.f32 v49, v49  }
0x31f: {  	v2 =	vor.u32 $0x1F, v2;
	v3 =	vor.u32 $0x1F, v3;
	v54 =	vld.idx.msk [tilespmem:v44+s20+$0x0], $0xffff  }
0x320: {  	v55 =	vld.idx.msk [tilespmem:v46+s22+$0x0], $0xffff;
	v56 =	vsub.f32 v47, v8;
	v4 =	vadd.f32 v5, v4;
	v5 =	vmul.f32 v53, v53  }
0x321: {  	v57 =	vld.idx.msk [tilespmem:v48+s20+$0x0], $0xffff  }
0x322: {  	v11 =	vld.idx.msk [tilespmem:v50+s22+$0x0], $0xffff;
	v58 =	vsub.f32 v51, v9;
	v4 =	vadd.f32 v5, v4;
	v5 =	vmul.f32 v56, v56  }
0x323: {  	v59 =	vld.idx.msk [tilespmem:v52+s20+$0x0], $0xffff  }
0x324: {  	v2 =	vld.idx.msk [tilespmem:v2+s22+$0x0], $0xffff;
	v60 =	vsub.f32 v54, v7;
	v4 =	vadd.f32 v5, v4;
	v5 =	vmul.f32 v58, v58  }
0x325: {  	v3 =	vld.idx.msk [tilespmem:v3+s20+$0x0], $0xffff  }
0x326: {  	v61 =	vsub.f32 v57, v55;
	v4 =	vadd.f32 v5, v4;
	v5 =	vmul.f32 v60, v60;
	_ =	sdelay $0x1  }
0x327: {  	v62 =	vsub.f32 v59, v11;
	v4 =	vadd.f32 v5, v4;
	v5 =	vmul.f32 v61, v61;
	_ =	sdelay $0x1  }
0x328: {  	v2 =	vsub.f32 v3, v2;
	v4 =	vadd.f32 v5, v4;
	v5 =	vmul.f32 v62, v62;
	_ =	sdelay $0x1  }
0x329: {  	v2 =	vmul.f32 v2, v2;
	v3 =	vadd.f32 v5, v4;
	_ =	sdelay $0x1  }
0x32a: {  	v2 =	vadd.f32 v2, v3;
	_ =	sdelay $0x1  }
0x32b: {  	v3 =	vmax.f32 v2, $1.000000000e-30  }
0x32c: {  	v4 =	vshrl.u32 v3, $0x1;
	v3 =	vmul.f32 $5.000000000e-01, v3  }
0x32d: {  	v4 =	vsub.s32 $0x5F3759DF, v4  }
0x32e: {  	v5 =	vmul.f32 v4, v3;
	_ =	sdelay $0x1  }
0x32f: {  	v5 =	vmul.f32 v4, v5;
	_ =	sdelay $0x1  }
0x330: {  	v5 =	vsub.f32 $1.500000000e+00, v5;
	_ =	sdelay $0x1  }
0x331: {  	v4 =	vmul.f32 v4, v5;
	_ =	sdelay $0x1  }
0x332: {  	v5 =	vmul.f32 v4, v3;
	_ =	sdelay $0x1  }
0x333: {  	v5 =	vmul.f32 v5, v4;
	_ =	sdelay $0x1  }
0x334: {  	v5 =	vsub.f32 $1.500000000e+00, v5;
	_ =	sdelay $0x1  }
0x335: {  	v4 =	vmul.f32 v5, v4;
	_ =	sdelay $0x1  }
0x336: {  	s14 =	simm.s32 $0x10900;
	v3 =	vmul.f32 v4, v3  }
0x337: {  	v5 =	vld [tilespmem:s14+$0x0]  }
0x338: {  	s15 =	simm.s32 $0x10B00;
	v3 =	vmul.f32 v3, v4  }
0x339: {  	v63 =	vld [tilespmem:s15+$0x0]  }
0x33a: {  	v3 =	vsub.f32 $1.500000000e+00, v3;
	_ =	sdelay $0x1  }
0x33b: {  	v3 =	vmul.f32 v3, v4;
	v4 =	vadd.f32 v5, v1;
	_ =	sdelay $0x1  }
0x33c: {  	v2 =	vmul.f32 v3, v2;
	v3 =	vadd.f32 v63, v4;
	_ =	sdelay $0x1  }
0x33d: {  	v2 =	vsub.f32 v2, v3;
	_ =	sdelay $0x1  }
0x33e: {  	v2 =	vadd.f32 $0.0e+00, v2;
	_ =	sdelay $0x1  }
0x33f: {  	v2 =	vmul.f32 $1.442695020e+00, v2;
	_ =	sdelay $0x1  }
0x340: {  	(erf) = vpow2.f32 v2;
	_ =	sdelay $0x8  }
0x341: {  	v2 =	vpop (erf)  }
0x342: {  	v2 =	vadd.f32 $1.000000000e+00, v2;
	_ =	sdelay $0x1  }
0x343: {  	(erf) = vrcp.f32 v2;
	_ =	sdelay $0x8  }
0x344: {  	s16 =	simm.s32 $0x10D80;
	v2 =	vpop (erf)  }
0x345: {  	s19 =	simm.s32 $0x310;
	[tilespmem:s16+$0x0] =	vst v2  }
0x346: {  	v3 =	vld [tilespmem:s19+$0x0]  }
0x347: {  	s21 =	simm.s32 $0x110  }
0x348: {  	s25 =	simm.s32 $0x20;
	s23 =	simm.s32 $0x10;
	v2 =	vld [tilespmem:s21+$0x0]  }
.LBB2_8:
0x349: {  	p0 =	sne.s32 s25, $0x70  }
0x34a: {  	v4 =	vmov s23;
	s23 =	smov.u32 s25  }
0x34b: {  	v4 =	vshll.u32 v4, $0x7;
	v3 =	vshll.u32 v3, $0x5  }
0x34c: {  	v4 =	vor.u32 v0, v4;
	v3 =	vand.u32 $0x60, v3  }
0x34d: {  	v2 =	vshll.u32 v2, $0x5;
	v3 =	vor.u32 v4, v3  }
0x34e: {  	v2 =	vand.u32 $0x60, v2;
	v5 =	vor.u32 $0x1, v3  }
0x34f: {  	v2 =	vor.u32 v4, v2  }
0x350: {  	v4 =	vor.u32 $0x1, v2  }
0x351: {  	v6 =	vor.u32 $0x2, v3  }
0x352: {  	v8 =	vor.u32 $0x2, v2;
	v7 =	vld.idx.msk [tilespmem:v3+s22+$0x0], $0xffff  }
0x353: {  	v9 =	vor.u32 $0x3, v3;
	v5 =	vld.idx.msk [tilespmem:v5+s22+$0x0], $0xffff  }
0x354: {  	v11 =	vor.u32 $0x3, v2;
	v10 =	vld.idx.msk [tilespmem:v2+s20+$0x0], $0xffff  }
0x355: {  	v12 =	vor.u32 $0x4, v3;
	v4 =	vld.idx.msk [tilespmem:v4+s20+$0x0], $0xffff  }
0x356: {  	v13 =	vor.u32 $0x4, v2;
	v6 =	vld.idx.msk [tilespmem:v6+s22+$0x0], $0xffff  }
0x357: {  	v14 =	vor.u32 $0x5, v3;
	v8 =	vld.idx.msk [tilespmem:v8+s20+$0x0], $0xffff  }
0x358: {  	v15 =	vor.u32 $0x5, v2;
	v9 =	vld.idx.msk [tilespmem:v9+s22+$0x0], $0xffff  }
0x359: {  	v16 =	vor.u32 $0x6, v3;
	v11 =	vld.idx.msk [tilespmem:v11+s20+$0x0], $0xffff  }
0x35a: {  	v17 =	vor.u32 $0x6, v2;
	v12 =	vld.idx.msk [tilespmem:v12+s22+$0x0], $0xffff  }
0x35b: {  	v7 =	vsub.f32 v10, v7;
	v10 =	vor.u32 $0x7, v3;
	v4 =	vsub.f32 v4, v5;
	v5 =	vld.idx.msk [tilespmem:v13+s20+$0x0], $0xffff  }
0x35c: {  	v18 =	vor.u32 $0x8, v3;
	v13 =	vld.idx.msk [tilespmem:v14+s22+$0x0], $0xffff;
	v14 =	vor.u32 $0x7, v2  }
0x35d: {  	v7 =	vmul.f32 v7, v7;
	v4 =	vmul.f32 v4, v4;
	v6 =	vsub.f32 v8, v6;
	v8 =	vld.idx.msk [tilespmem:v15+s20+$0x0], $0xffff  }
0x35e: {  	v19 =	vor.u32 $0x9, v3;
	v15 =	vld.idx.msk [tilespmem:v16+s22+$0x0], $0xffff;
	v16 =	vor.u32 $0x8, v2  }
0x35f: {  	v4 =	vadd.f32 v4, v7;
	v6 =	vmul.f32 v6, v6;
	v7 =	vsub.f32 v11, v9;
	v9 =	vld.idx.msk [tilespmem:v17+s20+$0x0], $0xffff  }
0x360: {  	v11 =	vor.u32 $0x9, v2;
	v17 =	vor.u32 $0xA, v3;
	v10 =	vld.idx.msk [tilespmem:v10+s22+$0x0], $0xffff  }
0x361: {  	v4 =	vadd.f32 v6, v4;
	v6 =	vmul.f32 v7, v7;
	v5 =	vsub.f32 v5, v12;
	v7 =	vld.idx.msk [tilespmem:v14+s20+$0x0], $0xffff  }
0x362: {  	v14 =	vor.u32 $0xA, v2;
	v12 =	vld.idx.msk [tilespmem:v18+s22+$0x0], $0xffff;
	v18 =	vor.u32 $0xB, v3  }
0x363: {  	v4 =	vadd.f32 v6, v4;
	v5 =	vmul.f32 v5, v5;
	v6 =	vsub.f32 v8, v13;
	v8 =	vld.idx.msk [tilespmem:v16+s20+$0x0], $0xffff  }
0x364: {  	v16 =	vor.u32 $0xB, v2;
	v13 =	vld.idx.msk [tilespmem:v19+s22+$0x0], $0xffff;
	v19 =	vor.u32 $0xC, v3  }
0x365: {  	v4 =	vadd.f32 v5, v4;
	v5 =	vmul.f32 v6, v6;
	v6 =	vsub.f32 v9, v15;
	v9 =	vld.idx.msk [tilespmem:v11+s20+$0x0], $0xffff  }
0x366: {  	v15 =	vor.u32 $0xC, v2;
	v11 =	vld.idx.msk [tilespmem:v17+s22+$0x0], $0xffff;
	v17 =	vor.u32 $0xD, v3  }
0x367: {  	v4 =	vadd.f32 v5, v4;
	v5 =	vmul.f32 v6, v6;
	v6 =	vsub.f32 v7, v10;
	v7 =	vld.idx.msk [tilespmem:v14+s20+$0x0], $0xffff  }
0x368: {  	v14 =	vor.u32 $0xD, v2;
	v10 =	vld.idx.msk [tilespmem:v18+s22+$0x0], $0xffff;
	v18 =	vor.u32 $0xE, v3  }
0x369: {  	v4 =	vadd.f32 v5, v4;
	v5 =	vmul.f32 v6, v6;
	v6 =	vsub.f32 v8, v12;
	v8 =	vld.idx.msk [tilespmem:v16+s20+$0x0], $0xffff  }
0x36a: {  	v16 =	vor.u32 $0xE, v2;
	v12 =	vld.idx.msk [tilespmem:v19+s22+$0x0], $0xffff;
	v19 =	vor.u32 $0xF, v3  }
0x36b: {  	v4 =	vadd.f32 v5, v4;
	v5 =	vmul.f32 v6, v6;
	v6 =	vsub.f32 v9, v13;
	v9 =	vld.idx.msk [tilespmem:v15+s20+$0x0], $0xffff  }
0x36c: {  	v15 =	vor.u32 $0xF, v2;
	v13 =	vld.idx.msk [tilespmem:v17+s22+$0x0], $0xffff;
	v17 =	vor.u32 $0x10, v3  }
0x36d: {  	v4 =	vadd.f32 v5, v4;
	v5 =	vmul.f32 v6, v6;
	v6 =	vsub.f32 v7, v11;
	v7 =	vld.idx.msk [tilespmem:v14+s20+$0x0], $0xffff  }
0x36e: {  	v14 =	vor.u32 $0x10, v2;
	v11 =	vld.idx.msk [tilespmem:v18+s22+$0x0], $0xffff;
	v18 =	vor.u32 $0x11, v3  }
0x36f: {  	v4 =	vadd.f32 v5, v4;
	v5 =	vmul.f32 v6, v6;
	v6 =	vsub.f32 v8, v10;
	v8 =	vld.idx.msk [tilespmem:v16+s20+$0x0], $0xffff  }
0x370: {  	v16 =	vor.u32 $0x11, v2;
	v10 =	vld.idx.msk [tilespmem:v19+s22+$0x0], $0xffff;
	v19 =	vor.u32 $0x12, v3  }
0x371: {  	v4 =	vadd.f32 v5, v4;
	v5 =	vmul.f32 v6, v6;
	v6 =	vsub.f32 v9, v12;
	v9 =	vld.idx.msk [tilespmem:v15+s20+$0x0], $0xffff  }
0x372: {  	v15 =	vor.u32 $0x12, v2;
	v12 =	vld.idx.msk [tilespmem:v17+s22+$0x0], $0xffff;
	v17 =	vor.u32 $0x13, v3  }
0x373: {  	v4 =	vadd.f32 v5, v4;
	v5 =	vmul.f32 v6, v6;
	v6 =	vsub.f32 v7, v13;
	v7 =	vld.idx.msk [tilespmem:v14+s20+$0x0], $0xffff  }
0x374: {  	v14 =	vor.u32 $0x13, v2;
	v13 =	vld.idx.msk [tilespmem:v18+s22+$0x0], $0xffff;
	v18 =	vor.u32 $0x14, v3  }
0x375: {  	v4 =	vadd.f32 v5, v4;
	v5 =	vmul.f32 v6, v6;
	v6 =	vsub.f32 v8, v11;
	v8 =	vld.idx.msk [tilespmem:v16+s20+$0x0], $0xffff  }
0x376: {  	v16 =	vor.u32 $0x14, v2;
	v11 =	vld.idx.msk [tilespmem:v19+s22+$0x0], $0xffff;
	v19 =	vor.u32 $0x15, v3  }
0x377: {  	v4 =	vadd.f32 v5, v4;
	v5 =	vmul.f32 v6, v6;
	v6 =	vsub.f32 v9, v10;
	v9 =	vld.idx.msk [tilespmem:v15+s20+$0x0], $0xffff  }
0x378: {  	v15 =	vor.u32 $0x15, v2;
	v10 =	vld.idx.msk [tilespmem:v17+s22+$0x0], $0xffff;
	v17 =	vor.u32 $0x16, v3  }
0x379: {  	v4 =	vadd.f32 v5, v4;
	v5 =	vmul.f32 v6, v6;
	v6 =	vsub.f32 v7, v12;
	v7 =	vld.idx.msk [tilespmem:v14+s20+$0x0], $0xffff  }
0x37a: {  	v14 =	vor.u32 $0x16, v2;
	v12 =	vld.idx.msk [tilespmem:v18+s22+$0x0], $0xffff;
	v18 =	vor.u32 $0x17, v3  }
0x37b: {  	v4 =	vadd.f32 v5, v4;
	v5 =	vmul.f32 v6, v6;
	v6 =	vsub.f32 v8, v13;
	v8 =	vld.idx.msk [tilespmem:v16+s20+$0x0], $0xffff  }
0x37c: {  	v16 =	vor.u32 $0x17, v2;
	v13 =	vld.idx.msk [tilespmem:v19+s22+$0x0], $0xffff;
	v19 =	vor.u32 $0x18, v3  }
0x37d: {  	v4 =	vadd.f32 v5, v4;
	v5 =	vmul.f32 v6, v6;
	v6 =	vsub.f32 v9, v11;
	v9 =	vld.idx.msk [tilespmem:v15+s20+$0x0], $0xffff  }
0x37e: {  	v15 =	vor.u32 $0x18, v2;
	v11 =	vld.idx.msk [tilespmem:v17+s22+$0x0], $0xffff;
	v17 =	vor.u32 $0x19, v3  }
0x37f: {  	v4 =	vadd.f32 v5, v4;
	v5 =	vmul.f32 v6, v6;
	v6 =	vsub.f32 v7, v10;
	v7 =	vld.idx.msk [tilespmem:v14+s20+$0x0], $0xffff  }
0x380: {  	v14 =	vor.u32 $0x19, v2;
	v10 =	vld.idx.msk [tilespmem:v18+s22+$0x0], $0xffff;
	v18 =	vor.u32 $0x1A, v3  }
0x381: {  	v4 =	vadd.f32 v5, v4;
	v5 =	vmul.f32 v6, v6;
	v6 =	vsub.f32 v8, v12;
	v8 =	vld.idx.msk [tilespmem:v16+s20+$0x0], $0xffff  }
0x382: {  	v16 =	vor.u32 $0x1A, v2;
	v12 =	vld.idx.msk [tilespmem:v19+s22+$0x0], $0xffff;
	v19 =	vor.u32 $0x1B, v3  }
0x383: {  	v4 =	vadd.f32 v5, v4;
	v5 =	vmul.f32 v6, v6;
	v6 =	vsub.f32 v9, v13;
	v9 =	vld.idx.msk [tilespmem:v15+s20+$0x0], $0xffff  }
0x384: {  	v15 =	vor.u32 $0x1B, v2;
	v13 =	vld.idx.msk [tilespmem:v17+s22+$0x0], $0xffff;
	v17 =	vor.u32 $0x1C, v3  }
0x385: {  	v4 =	vadd.f32 v5, v4;
	v5 =	vmul.f32 v6, v6;
	v6 =	vsub.f32 v7, v11;
	v7 =	vld.idx.msk [tilespmem:v14+s20+$0x0], $0xffff  }
0x386: {  	v14 =	vor.u32 $0x1C, v2;
	v11 =	vld.idx.msk [tilespmem:v18+s22+$0x0], $0xffff;
	v18 =	vor.u32 $0x1D, v3  }
0x387: {  	v4 =	vadd.f32 v5, v4;
	v5 =	vmul.f32 v6, v6;
	v6 =	vsub.f32 v8, v10;
	v8 =	vld.idx.msk [tilespmem:v16+s20+$0x0], $0xffff  }
0x388: {  	v16 =	vor.u32 $0x1D, v2;
	v10 =	vld.idx.msk [tilespmem:v19+s22+$0x0], $0xffff;
	v19 =	vor.u32 $0x1E, v3  }
0x389: {  	v4 =	vadd.f32 v5, v4;
	v5 =	vmul.f32 v6, v6;
	v6 =	vsub.f32 v9, v12;
	v9 =	vld.idx.msk [tilespmem:v15+s20+$0x0], $0xffff  }
0x38a: {  	v3 =	vor.u32 $0x1F, v3;
	v15 =	vor.u32 $0x1E, v2;
	v12 =	vld.idx.msk [tilespmem:v17+s22+$0x0], $0xffff  }
0x38b: {  	v4 =	vadd.f32 v5, v4;
	v5 =	vmul.f32 v6, v6;
	v6 =	vsub.f32 v7, v13;
	v7 =	vld.idx.msk [tilespmem:v14+s20+$0x0], $0xffff  }
0x38c: {  	v2 =	vor.u32 $0x1F, v2;
	v13 =	vld.idx.msk [tilespmem:v18+s22+$0x0], $0xffff  }
0x38d: {  	v4 =	vadd.f32 v5, v4;
	v5 =	vmul.f32 v6, v6;
	v6 =	vsub.f32 v8, v11;
	v8 =	vld.idx.msk [tilespmem:v16+s20+$0x0], $0xffff  }
0x38e: {  	v11 =	vld.idx.msk [tilespmem:v19+s22+$0x0], $0xffff  }
0x38f: {  	v4 =	vadd.f32 v5, v4;
	v5 =	vmul.f32 v6, v6;
	v6 =	vsub.f32 v9, v10;
	v9 =	vld.idx.msk [tilespmem:v15+s20+$0x0], $0xffff  }
0x390: {  	v3 =	vld.idx.msk [tilespmem:v3+s22+$0x0], $0xffff  }
0x391: {  	v4 =	vadd.f32 v5, v4;
	v5 =	vmul.f32 v6, v6;
	v6 =	vsub.f32 v7, v12;
	v2 =	vld.idx.msk [tilespmem:v2+s20+$0x0], $0xffff;
	_ =	sdelay $0x1  }
0x392: {  	v4 =	vadd.f32 v5, v4;
	v5 =	vmul.f32 v6, v6;
	v6 =	vsub.f32 v8, v13;
	_ =	sdelay $0x1  }
0x393: {  	v4 =	vadd.f32 v5, v4;
	v5 =	vmul.f32 v6, v6;
	v6 =	vsub.f32 v9, v11;
	_ =	sdelay $0x1  }
0x394: {  	v4 =	vadd.f32 v5, v4;
	v5 =	vmul.f32 v6, v6;
	v2 =	vsub.f32 v2, v3;
	_ =	sdelay $0x1  }
0x395: {  	v3 =	vadd.f32 v5, v4;
	v2 =	vmul.f32 v2, v2;
	_ =	sdelay $0x1  }
0x396: {  	v2 =	vadd.f32 v2, v3;
	_ =	sdelay $0x1  }
0x397: {  	v3 =	vmax.f32 v2, $1.000000000e-30  }
0x398: {  	v4 =	vshrl.u32 v3, $0x1;
	v3 =	vmul.f32 $5.000000000e-01, v3  }
0x399: {  	v4 =	vsub.s32 $0x5F3759DF, v4  }
0x39a: {  	v5 =	vmul.f32 v4, v3;
	_ =	sdelay $0x1  }
0x39b: {  	v5 =	vmul.f32 v4, v5;
	_ =	sdelay $0x1  }
0x39c: {  	v5 =	vsub.f32 $1.500000000e+00, v5;
	_ =	sdelay $0x1  }
0x39d: {  	v4 =	vmul.f32 v4, v5;
	_ =	sdelay $0x1  }
0x39e: {  	v5 =	vmul.f32 v4, v3;
	_ =	sdelay $0x1  }
0x39f: {  	v5 =	vmul.f32 v5, v4;
	_ =	sdelay $0x1  }
0x3a0: {  	v5 =	vsub.f32 $1.500000000e+00, v5;
	_ =	sdelay $0x1  }
0x3a1: {  	v4 =	vmul.f32 v5, v4;
	_ =	sdelay $0x1  }
0x3a2: {  	s14 =	sadd.s32 $0x10, s14;
	v3 =	vmul.f32 v4, v3  }
0x3a3: {  	v5 =	vld [tilespmem:s14+$0x0]  }
0x3a4: {  	s15 =	sadd.s32 $0x10, s15;
	v3 =	vmul.f32 v3, v4  }
0x3a5: {  	v6 =	vld [tilespmem:s15+$0x0]  }
0x3a6: {  	v3 =	vsub.f32 $1.500000000e+00, v3;
	_ =	sdelay $0x1  }
0x3a7: {  	v3 =	vmul.f32 v3, v4;
	v4 =	vadd.f32 v5, v1;
	_ =	sdelay $0x1  }
0x3a8: {  	v2 =	vmul.f32 v3, v2;
	v3 =	vadd.f32 v6, v4;
	_ =	sdelay $0x1  }
0x3a9: {  	v2 =	vsub.f32 v2, v3;
	_ =	sdelay $0x1  }
0x3aa: {  	v2 =	vadd.f32 $0.0e+00, v2;
	_ =	sdelay $0x1  }
0x3ab: {  	v2 =	vmul.f32 $1.442695020e+00, v2;
	_ =	sdelay $0x1  }
0x3ac: {  	(erf) = vpow2.f32 v2;
	_ =	sdelay $0x8  }
0x3ad: {  	v2 =	vpop (erf)  }
0x3ae: {  	v2 =	vadd.f32 $1.000000000e+00, v2;
	_ =	sdelay $0x1  }
0x3af: {  	(erf) = vrcp.f32 v2;
	_ =	sdelay $0x8  }
.Ltmp3:
0x3b0: {  	s16 =	sadd.s32 $0x10, s16;
	v2 =	vpop (erf);
	(pc) =	sbr.rel @p0 .LBB2_8-.Ltmp3, $4  }
0x3b1: {  	s19 =	sadd.s32 $0x10, s19;
	[tilespmem:s16+$0x0] =	vst v2  }
0x3b2: {  	v3 =	vld [tilespmem:s19+$0x0]  }
0x3b3: {  	s21 =	sadd.s32 $0x10, s21  }
0x3b4: {  	s25 =	sadd.s32 $0x10, s25;
	v2 =	vld [tilespmem:s21+$0x0]  }
0x3b5: {  	_ = 	snop  }
0x3b6: {  	v4 =	vmov s23  }
0x3b7: {  	v4 =	vshll.u32 v4, $0x7;
	v3 =	vshll.u32 v3, $0x5  }
0x3b8: {  	v4 =	vor.u32 v0, v4;
	v3 =	vand.u32 $0x60, v3  }
0x3b9: {  	v5 =	vshll.u32 v2, $0x5;
	v2 =	vor.u32 v4, v3  }
0x3ba: {  	v3 =	vand.u32 $0x60, v5;
	v5 =	vor.u32 $0x1, v2  }
0x3bb: {  	v6 =	vor.u32 $0x2, v2  }
0x3bc: {  	v3 =	vor.u32 v4, v3  }
0x3bd: {  	v4 =	vor.u32 $0x1, v3  }
0x3be: {  	v9 =	vor.u32 $0x3, v2;
	v7 =	vld.idx.msk [tilespmem:v2+s22+$0x0], $0xffff  }
0x3bf: {  	v8 =	vor.u32 $0x2, v3;
	v5 =	vld.idx.msk [tilespmem:v5+s22+$0x0], $0xffff  }
0x3c0: {  	v12 =	vor.u32 $0x4, v2;
	v6 =	vld.idx.msk [tilespmem:v6+s22+$0x0], $0xffff  }
0x3c1: {  	v11 =	vor.u32 $0x3, v3;
	v10 =	vld.idx.msk [tilespmem:v3+s20+$0x0], $0xffff  }
0x3c2: {  	v14 =	vor.u32 $0x5, v2;
	v4 =	vld.idx.msk [tilespmem:v4+s20+$0x0], $0xffff  }
0x3c3: {  	v13 =	vor.u32 $0x4, v3;
	v9 =	vld.idx.msk [tilespmem:v9+s22+$0x0], $0xffff  }
0x3c4: {  	v16 =	vor.u32 $0x6, v2;
	v8 =	vld.idx.msk [tilespmem:v8+s20+$0x0], $0xffff  }
0x3c5: {  	v15 =	vor.u32 $0x5, v3;
	v12 =	vld.idx.msk [tilespmem:v12+s22+$0x0], $0xffff  }
0x3c6: {  	v17 =	vor.u32 $0x6, v3;
	v11 =	vld.idx.msk [tilespmem:v11+s20+$0x0], $0xffff  }
0x3c7: {  	v22 =	vor.u32 $0x7, v3;
	v14 =	vld.idx.msk [tilespmem:v14+s22+$0x0], $0xffff;
	v7 =	vsub.f32 v10, v7;
	v4 =	vsub.f32 v4, v5  }
0x3c8: {  	v21 =	vor.u32 $0x7, v2;
	v18 =	vor.u32 $0x8, v3;
	v5 =	vld.idx.msk [tilespmem:v13+s20+$0x0], $0xffff  }
0x3c9: {  	v16 =	vld.idx.msk [tilespmem:v16+s22+$0x0], $0xffff;
	v6 =	vsub.f32 v8, v6;
	v7 =	vmul.f32 v7, v7;
	v4 =	vmul.f32 v4, v4  }
0x3ca: {  	v23 =	vor.u32 $0x8, v2;
	v27 =	vor.u32 $0x9, v3;
	v15 =	vld.idx.msk [tilespmem:v15+s20+$0x0], $0xffff  }
0x3cb: {  	v26 =	vld.idx.msk [tilespmem:v17+s20+$0x0], $0xffff;
	v24 =	vsub.f32 v11, v9;
	v6 =	vmul.f32 v6, v6;
	v4 =	vadd.f32 v4, v7  }
0x3cc: {  	v25 =	vor.u32 $0x9, v2;
	v31 =	vor.u32 $0xA, v3;
	v30 =	vld.idx.msk [tilespmem:v22+s20+$0x0], $0xffff  }
0x3cd: {  	v34 =	vld.idx.msk [tilespmem:v18+s20+$0x0], $0xffff;
	v28 =	vmul.f32 v24, v24;
	v5 =	vsub.f32 v5, v12;
	v4 =	vadd.f32 v6, v4  }
0x3ce: {  	v29 =	vor.u32 $0xA, v2;
	v35 =	vor.u32 $0xB, v3;
	v10 =	vld.idx.msk [tilespmem:v21+s22+$0x0], $0xffff  }
0x3cf: {  	v38 =	vld.idx.msk [tilespmem:v27+s20+$0x0], $0xffff;
	v32 =	vsub.f32 v15, v14;
	v5 =	vmul.f32 v5, v5;
	v4 =	vadd.f32 v28, v4  }
0x3d0: {  	v33 =	vor.u32 $0xB, v2;
	v39 =	vor.u32 $0xC, v3;
	v8 =	vld.idx.msk [tilespmem:v23+s22+$0x0], $0xffff  }
0x3d1: {  	v42 =	vld.idx.msk [tilespmem:v31+s20+$0x0], $0xffff;
	v36 =	vsub.f32 v26, v16;
	v4 =	vadd.f32 v5, v4;
	v5 =	vmul.f32 v32, v32  }
0x3d2: {  	v37 =	vor.u32 $0xC, v2;
	v43 =	vor.u32 $0xD, v3;
	v9 =	vld.idx.msk [tilespmem:v25+s22+$0x0], $0xffff  }
0x3d3: {  	v46 =	vld.idx.msk [tilespmem:v35+s20+$0x0], $0xffff;
	v40 =	vsub.f32 v30, v10;
	v4 =	vadd.f32 v5, v4;
	v5 =	vmul.f32 v36, v36  }
0x3d4: {  	v41 =	vor.u32 $0xD, v2;
	v47 =	vor.u32 $0xE, v3;
	v7 =	vld.idx.msk [tilespmem:v29+s22+$0x0], $0xffff  }
0x3d5: {  	v50 =	vld.idx.msk [tilespmem:v39+s20+$0x0], $0xffff;
	v44 =	vsub.f32 v34, v8;
	v4 =	vadd.f32 v5, v4;
	v5 =	vmul.f32 v40, v40  }
0x3d6: {  	v45 =	vor.u32 $0xE, v2;
	v51 =	vor.u32 $0xF, v3;
	v14 =	vld.idx.msk [tilespmem:v33+s22+$0x0], $0xffff  }
0x3d7: {  	v54 =	vld.idx.msk [tilespmem:v43+s20+$0x0], $0xffff;
	v48 =	vsub.f32 v38, v9;
	v4 =	vadd.f32 v5, v4;
	v5 =	vmul.f32 v44, v44  }
0x3d8: {  	v49 =	vor.u32 $0xF, v2;
	v55 =	vor.u32 $0x10, v3;
	v11 =	vld.idx.msk [tilespmem:v37+s22+$0x0], $0xffff  }
0x3d9: {  	v58 =	vld.idx.msk [tilespmem:v47+s20+$0x0], $0xffff;
	v52 =	vsub.f32 v42, v7;
	v4 =	vadd.f32 v5, v4;
	v5 =	vmul.f32 v48, v48  }
0x3da: {  	v53 =	vor.u32 $0x10, v2;
	v59 =	vor.u32 $0x11, v3;
	v10 =	vld.idx.msk [tilespmem:v41+s22+$0x0], $0xffff  }
0x3db: {  	v62 =	vld.idx.msk [tilespmem:v51+s20+$0x0], $0xffff;
	v56 =	vsub.f32 v46, v14;
	v4 =	vadd.f32 v5, v4;
	v5 =	vmul.f32 v52, v52  }
0x3dc: {  	v57 =	vor.u32 $0x11, v2;
	v63 =	vor.u32 $0x12, v3;
	v8 =	vld.idx.msk [tilespmem:v45+s22+$0x0], $0xffff  }
0x3dd: {  	v22 =	vld.idx.msk [tilespmem:v55+s20+$0x0], $0xffff;
	v60 =	vsub.f32 v50, v11;
	v4 =	vadd.f32 v5, v4;
	v5 =	vmul.f32 v56, v56  }
0x3de: {  	v61 =	vor.u32 $0x12, v2;
	v23 =	vor.u32 $0x13, v3;
	v9 =	vld.idx.msk [tilespmem:v49+s22+$0x0], $0xffff  }
0x3df: {  	v26 =	vld.idx.msk [tilespmem:v59+s20+$0x0], $0xffff;
	v20 =	vsub.f32 v54, v10;
	v4 =	vadd.f32 v5, v4;
	v5 =	vmul.f32 v60, v60  }
0x3e0: {  	v27 =	vor.u32 $0x14, v3;
	v21 =	vor.u32 $0x13, v2;
	v7 =	vld.idx.msk [tilespmem:v53+s22+$0x0], $0xffff  }
0x3e1: {  	v30 =	vld.idx.msk [tilespmem:v63+s20+$0x0], $0xffff;
	v24 =	vsub.f32 v58, v8;
	v4 =	vadd.f32 v5, v4;
	v5 =	vmul.f32 v20, v20  }
0x3e2: {  	v35 =	vor.u32 $0x16, v3;
	v25 =	vor.u32 $0x14, v2;
	v14 =	vld.idx.msk [tilespmem:v57+s22+$0x0], $0xffff  }
0x3e3: {  	v11 =	vld.idx.msk [tilespmem:v61+s22+$0x0], $0xffff;
	v28 =	vsub.f32 v62, v9;
	v4 =	vadd.f32 v5, v4;
	v5 =	vmul.f32 v24, v24  }
0x3e4: {  	v31 =	vor.u32 $0x15, v3;
	v29 =	vor.u32 $0x15, v2;
	v34 =	vld.idx.msk [tilespmem:v23+s20+$0x0], $0xffff  }
0x3e5: {  	v38 =	vld.idx.msk [tilespmem:v27+s20+$0x0], $0xffff;
	v32 =	vsub.f32 v22, v7;
	v4 =	vadd.f32 v5, v4;
	v5 =	vmul.f32 v28, v28  }
0x3e6: {  	v39 =	vor.u32 $0x17, v3;
	v33 =	vor.u32 $0x16, v2;
	v10 =	vld.idx.msk [tilespmem:v21+s22+$0x0], $0xffff  }
0x3e7: {  	v46 =	vld.idx.msk [tilespmem:v35+s20+$0x0], $0xffff;
	v36 =	vsub.f32 v26, v14;
	v4 =	vadd.f32 v5, v4;
	v5 =	vmul.f32 v32, v32  }
0x3e8: {  	v43 =	vor.u32 $0x18, v3;
	v37 =	vor.u32 $0x17, v2;
	v8 =	vld.idx.msk [tilespmem:v25+s22+$0x0], $0xffff  }
0x3e9: {  	v42 =	vld.idx.msk [tilespmem:v31+s20+$0x0], $0xffff;
	v40 =	vsub.f32 v30, v11;
	v4 =	vadd.f32 v5, v4;
	v5 =	vmul.f32 v36, v36  }
0x3ea: {  	v47 =	vor.u32 $0x19, v3;
	v41 =	vor.u32 $0x18, v2;
	v9 =	vld.idx.msk [tilespmem:v29+s22+$0x0], $0xffff  }
0x3eb: {  	v50 =	vld.idx.msk [tilespmem:v39+s20+$0x0], $0xffff;
	v44 =	vsub.f32 v34, v10;
	v4 =	vadd.f32 v5, v4;
	v5 =	vmul.f32 v40, v40  }
0x3ec: {  	v45 =	vor.u32 $0x19, v2;
	v7 =	vld.idx.msk [tilespmem:v33+s22+$0x0], $0xffff  }
0x3ed: {  	v54 =	vld.idx.msk [tilespmem:v43+s20+$0x0], $0xffff;
	v48 =	vsub.f32 v38, v8;
	v4 =	vadd.f32 v5, v4;
	v5 =	vmul.f32 v44, v44  }
0x3ee: {  	v51 =	vor.u32 $0x1A, v3;
	v49 =	vor.u32 $0x1A, v2;
	v14 =	vld.idx.msk [tilespmem:v37+s22+$0x0], $0xffff  }
0x3ef: {  	v58 =	vld.idx.msk [tilespmem:v47+s20+$0x0], $0xffff;
	v52 =	vsub.f32 v42, v9;
	v4 =	vadd.f32 v5, v4;
	v5 =	vmul.f32 v48, v48  }
0x3f0: {  	v55 =	vor.u32 $0x1B, v3;
	v53 =	vor.u32 $0x1B, v2;
	v11 =	vld.idx.msk [tilespmem:v41+s22+$0x0], $0xffff  }
0x3f1: {  	v10 =	vld.idx.msk [tilespmem:v45+s22+$0x0], $0xffff;
	v56 =	vsub.f32 v46, v7;
	v4 =	vadd.f32 v5, v4;
	v5 =	vmul.f32 v52, v52  }
0x3f2: {  	v59 =	vor.u32 $0x1C, v3;
	v57 =	vor.u32 $0x1C, v2  }
0x3f3: {  	v62 =	vld.idx.msk [tilespmem:v51+s20+$0x0], $0xffff;
	v60 =	vsub.f32 v50, v14;
	v4 =	vadd.f32 v5, v4;
	v5 =	vmul.f32 v56, v56  }
0x3f4: {  	v63 =	vor.u32 $0x1D, v3;
	v61 =	vor.u32 $0x1D, v2;
	v8 =	vld.idx.msk [tilespmem:v49+s22+$0x0], $0xffff  }
0x3f5: {  	v23 =	vld.idx.msk [tilespmem:v55+s20+$0x0], $0xffff;
	v21 =	vsub.f32 v54, v11;
	v4 =	vadd.f32 v5, v4;
	v5 =	vmul.f32 v60, v60  }
0x3f6: {  	v22 =	vor.u32 $0x1E, v2;
	v9 =	vld.idx.msk [tilespmem:v53+s22+$0x0], $0xffff;
	v25 =	vsub.f32 v58, v10  }
0x3f7: {  	v26 =	vld.idx.msk [tilespmem:v59+s20+$0x0], $0xffff;
	v24 =	vor.u32 $0x1E, v3;
	v4 =	vadd.f32 v5, v4;
	v5 =	vmul.f32 v21, v21  }
0x3f8: {  	v2 =	vor.u32 $0x1F, v2;
	v7 =	vld.idx.msk [tilespmem:v57+s22+$0x0], $0xffff;
	v3 =	vor.u32 $0x1F, v3  }
0x3f9: {  	v27 =	vld.idx.msk [tilespmem:v61+s22+$0x0], $0xffff;
	v28 =	vsub.f32 v62, v8;
	v4 =	vadd.f32 v5, v4;
	v5 =	vmul.f32 v25, v25  }
0x3fa: {  	v29 =	vld.idx.msk [tilespmem:v63+s20+$0x0], $0xffff  }
0x3fb: {  	v11 =	vld.idx.msk [tilespmem:v22+s22+$0x0], $0xffff;
	v30 =	vsub.f32 v23, v9;
	v4 =	vadd.f32 v5, v4;
	v5 =	vmul.f32 v28, v28  }
0x3fc: {  	v31 =	vld.idx.msk [tilespmem:v24+s20+$0x0], $0xffff  }
0x3fd: {  	v2 =	vld.idx.msk [tilespmem:v2+s22+$0x0], $0xffff;
	v32 =	vsub.f32 v26, v7;
	v4 =	vadd.f32 v5, v4;
	v5 =	vmul.f32 v30, v30  }
0x3fe: {  	v3 =	vld.idx.msk [tilespmem:v3+s20+$0x0], $0xffff  }
0x3ff: {  	v33 =	vsub.f32 v29, v27;
	v4 =	vadd.f32 v5, v4;
	v5 =	vmul.f32 v32, v32;
	_ =	sdelay $0x1  }
0x400: {  	v34 =	vsub.f32 v31, v11;
	v4 =	vadd.f32 v5, v4;
	v5 =	vmul.f32 v33, v33;
	_ =	sdelay $0x1  }
0x401: {  	v2 =	vsub.f32 v3, v2;
	v4 =	vadd.f32 v5, v4;
	v5 =	vmul.f32 v34, v34;
	_ =	sdelay $0x1  }
0x402: {  	v2 =	vmul.f32 v2, v2;
	v3 =	vadd.f32 v5, v4;
	_ =	sdelay $0x1  }
0x403: {  	v2 =	vadd.f32 v2, v3;
	_ =	sdelay $0x1  }
0x404: {  	v3 =	vmax.f32 v2, $1.000000000e-30  }
0x405: {  	v4 =	vshrl.u32 v3, $0x1;
	v3 =	vmul.f32 $5.000000000e-01, v3  }
0x406: {  	v4 =	vsub.s32 $0x5F3759DF, v4  }
0x407: {  	v5 =	vmul.f32 v4, v3;
	_ =	sdelay $0x1  }
0x408: {  	v5 =	vmul.f32 v4, v5;
	_ =	sdelay $0x1  }
0x409: {  	v5 =	vsub.f32 $1.500000000e+00, v5;
	_ =	sdelay $0x1  }
0x40a: {  	v4 =	vmul.f32 v4, v5;
	_ =	sdelay $0x1  }
0x40b: {  	v5 =	vmul.f32 v4, v3;
	_ =	sdelay $0x1  }
0x40c: {  	v5 =	vmul.f32 v5, v4;
	_ =	sdelay $0x1  }
0x40d: {  	v5 =	vsub.f32 $1.500000000e+00, v5;
	_ =	sdelay $0x1  }
0x40e: {  	v4 =	vmul.f32 v5, v4;
	_ =	sdelay $0x1  }
0x40f: {  	s14 =	sadd.s32 $0x10, s14;
	v3 =	vmul.f32 v4, v3  }
0x410: {  	v5 =	vld [tilespmem:s14+$0x0]  }
0x411: {  	s15 =	sadd.s32 $0x10, s15;
	v3 =	vmul.f32 v3, v4  }
0x412: {  	v35 =	vld [tilespmem:s15+$0x0]  }
0x413: {  	v3 =	vsub.f32 $1.500000000e+00, v3;
	_ =	sdelay $0x1  }
0x414: {  	v3 =	vmul.f32 v3, v4;
	v4 =	vadd.f32 v5, v1;
	_ =	sdelay $0x1  }
0x415: {  	v2 =	vmul.f32 v3, v2;
	v3 =	vadd.f32 v35, v4;
	_ =	sdelay $0x1  }
0x416: {  	v2 =	vsub.f32 v2, v3;
	_ =	sdelay $0x1  }
0x417: {  	v2 =	vadd.f32 $0.0e+00, v2;
	_ =	sdelay $0x1  }
0x418: {  	v2 =	vmul.f32 $1.442695020e+00, v2;
	_ =	sdelay $0x1  }
0x419: {  	(erf) = vpow2.f32 v2;
	_ =	sdelay $0x8  }
0x41a: {  	v2 =	vpop (erf)  }
0x41b: {  	v2 =	vadd.f32 $1.000000000e+00, v2;
	_ =	sdelay $0x1  }
0x41c: {  	(erf) = vrcp.f32 v2;
	_ =	sdelay $0x8  }
0x41d: {  	s19 =	sadd.s32 $0x10, s16;
	v2 =	vpop (erf)  }
0x41e: {  	[tilespmem:s19+$0x0] =	vst v2  }
0x41f: {  	_ =	swait.ge [sflag:s31], $0x4000  }
0x420: {  	[sflag:s31] =	ssyncset.done $0x0  }
0x421: {  	[sflag:s31] =	ssyncadd.s32 $0xFFFFC000  }
0x422: {  	_ =	swait.ge [sflag:s31], $0x4000  }
0x423: {  	[sflag:s31] =	ssyncset.done $0x0  }
0x424: {  	s21 =	simm.s32 $0x380;
	[sflag:s31] =	ssyncadd.s32 $0xFFFFC000  }
0x425: {  	s23 =	simm.s32 $0x180;
	v2 =	vld [tilespmem:s21+$0x0]  }
0x426: {  	v3 =	vld [tilespmem:s23+$0x0];
	_ =	sdelay $0x1  }
0x427: {  	s25 =	simm.s32 $0x0  }
0x428: {  	v4 =	vmov s25  }
0x429: {  	v4 =	vshll.u32 v4, $0x7;
	v2 =	vshll.u32 v2, $0x5  }
0x42a: {  	v4 =	vor.u32 v0, v4;
	v3 =	vshll.u32 v3, $0x5;
	v2 =	vand.u32 $0x60, v2  }
0x42b: {  	v3 =	vand.u32 $0x60, v3;
	v2 =	vor.u32 v4, v2  }
0x42c: {  	v3 =	vor.u32 v4, v3  }
0x42d: {  	v5 =	vor.u32 $0x1, v2  }
0x42e: {  	v4 =	vor.u32 $0x1, v3  }
0x42f: {  	v36 =	vor.u32 $0x2, v2  }
0x430: {  	v38 =	vor.u32 $0x2, v3;
	v37 =	vld.idx.msk [tilespmem:v2+s26+$0x0], $0xffff  }
0x431: {  	v39 =	vor.u32 $0x3, v2;
	v40 =	vld.idx.msk [tilespmem:v3+s24+$0x0], $0xffff  }
0x432: {  	v41 =	vor.u32 $0x3, v3;
	v5 =	vld.idx.msk [tilespmem:v5+s26+$0x0], $0xffff  }
0x433: {  	v42 =	vor.u32 $0x4, v2;
	v4 =	vld.idx.msk [tilespmem:v4+s24+$0x0], $0xffff  }
0x434: {  	v44 =	vor.u32 $0x5, v2;
	v6 =	vld.idx.msk [tilespmem:v36+s26+$0x0], $0xffff  }
0x435: {  	v43 =	vor.u32 $0x4, v3;
	v8 =	vld.idx.msk [tilespmem:v38+s24+$0x0], $0xffff  }
0x436: {  	v45 =	vor.u32 $0x5, v3;
	v9 =	vld.idx.msk [tilespmem:v39+s26+$0x0], $0xffff  }
0x437: {  	v46 =	vor.u32 $0x6, v2;
	v11 =	vld.idx.msk [tilespmem:v41+s24+$0x0], $0xffff  }
0x438: {  	v47 =	vor.u32 $0x6, v3;
	v12 =	vld.idx.msk [tilespmem:v42+s26+$0x0], $0xffff  }
0x439: {  	v48 =	vor.u32 $0x7, v2;
	v14 =	vld.idx.msk [tilespmem:v44+s26+$0x0], $0xffff;
	v7 =	vsub.f32 v40, v37;
	v4 =	vsub.f32 v4, v5  }
0x43a: {  	v49 =	vor.u32 $0x7, v3;
	v51 =	vor.u32 $0x8, v3;
	v5 =	vld.idx.msk [tilespmem:v43+s24+$0x0], $0xffff  }
0x43b: {  	v15 =	vld.idx.msk [tilespmem:v45+s24+$0x0], $0xffff;
	v6 =	vsub.f32 v8, v6;
	v7 =	vmul.f32 v7, v7;
	v4 =	vmul.f32 v4, v4  }
0x43c: {  	v50 =	vor.u32 $0x8, v2;
	v55 =	vor.u32 $0x9, v3;
	v16 =	vld.idx.msk [tilespmem:v46+s26+$0x0], $0xffff  }
0x43d: {  	v54 =	vld.idx.msk [tilespmem:v47+s24+$0x0], $0xffff;
	v52 =	vsub.f32 v11, v9;
	v6 =	vmul.f32 v6, v6;
	v4 =	vadd.f32 v4, v7  }
0x43e: {  	v53 =	vor.u32 $0x9, v2;
	v59 =	vor.u32 $0xA, v3;
	v10 =	vld.idx.msk [tilespmem:v48+s26+$0x0], $0xffff  }
0x43f: {  	v58 =	vld.idx.msk [tilespmem:v49+s24+$0x0], $0xffff;
	v56 =	vmul.f32 v52, v52;
	v5 =	vsub.f32 v5, v12;
	v4 =	vadd.f32 v6, v4  }
0x440: {  	v57 =	vor.u32 $0xA, v2;
	v63 =	vor.u32 $0xB, v3;
	v62 =	vld.idx.msk [tilespmem:v51+s24+$0x0], $0xffff  }
0x441: {  	v22 =	vld.idx.msk [tilespmem:v55+s24+$0x0], $0xffff;
	v60 =	vsub.f32 v15, v14;
	v5 =	vmul.f32 v5, v5;
	v4 =	vadd.f32 v56, v4  }
0x442: {  	v61 =	vor.u32 $0xB, v2;
	v23 =	vor.u32 $0xC, v3;
	v8 =	vld.idx.msk [tilespmem:v50+s26+$0x0], $0xffff  }
0x443: {  	v26 =	vld.idx.msk [tilespmem:v59+s24+$0x0], $0xffff;
	v20 =	vsub.f32 v54, v16;
	v4 =	vadd.f32 v5, v4;
	v5 =	vmul.f32 v60, v60  }
0x444: {  	v21 =	vor.u32 $0xC, v2;
	v27 =	vor.u32 $0xD, v3;
	v9 =	vld.idx.msk [tilespmem:v53+s26+$0x0], $0xffff  }
0x445: {  	v30 =	vld.idx.msk [tilespmem:v63+s24+$0x0], $0xffff;
	v24 =	vsub.f32 v58, v10;
	v4 =	vadd.f32 v5, v4;
	v5 =	vmul.f32 v20, v20  }
0x446: {  	v25 =	vor.u32 $0xD, v2;
	v31 =	vor.u32 $0xE, v3;
	v7 =	vld.idx.msk [tilespmem:v57+s26+$0x0], $0xffff  }
0x447: {  	v34 =	vld.idx.msk [tilespmem:v23+s24+$0x0], $0xffff;
	v28 =	vsub.f32 v62, v8;
	v4 =	vadd.f32 v5, v4;
	v5 =	vmul.f32 v24, v24  }
0x448: {  	v29 =	vor.u32 $0xE, v2;
	v35 =	vor.u32 $0xF, v3;
	v14 =	vld.idx.msk [tilespmem:v61+s26+$0x0], $0xffff  }
0x449: {  	v38 =	vld.idx.msk [tilespmem:v27+s24+$0x0], $0xffff;
	v32 =	vsub.f32 v22, v9;
	v4 =	vadd.f32 v5, v4;
	v5 =	vmul.f32 v28, v28  }
0x44a: {  	v33 =	vor.u32 $0xF, v2;
	v39 =	vor.u32 $0x10, v3;
	v11 =	vld.idx.msk [tilespmem:v21+s26+$0x0], $0xffff  }
0x44b: {  	v42 =	vld.idx.msk [tilespmem:v31+s24+$0x0], $0xffff;
	v36 =	vsub.f32 v26, v7;
	v4 =	vadd.f32 v5, v4;
	v5 =	vmul.f32 v32, v32  }
0x44c: {  	v47 =	vor.u32 $0x12, v3;
	v37 =	vor.u32 $0x10, v2;
	v10 =	vld.idx.msk [tilespmem:v25+s26+$0x0], $0xffff  }
0x44d: {  	v46 =	vld.idx.msk [tilespmem:v35+s24+$0x0], $0xffff;
	v40 =	vsub.f32 v30, v14;
	v4 =	vadd.f32 v5, v4;
	v5 =	vmul.f32 v36, v36  }
0x44e: {  	v41 =	vor.u32 $0x11, v2;
	v43 =	vor.u32 $0x11, v3;
	v8 =	vld.idx.msk [tilespmem:v29+s26+$0x0], $0xffff  }
0x44f: {  	v50 =	vld.idx.msk [tilespmem:v39+s24+$0x0], $0xffff;
	v44 =	vsub.f32 v34, v11;
	v4 =	vadd.f32 v5, v4;
	v5 =	vmul.f32 v40, v40  }
0x450: {  	v45 =	vor.u32 $0x12, v2;
	v49 =	vor.u32 $0x13, v2;
	v9 =	vld.idx.msk [tilespmem:v33+s26+$0x0], $0xffff  }
0x451: {  	v58 =	vld.idx.msk [tilespmem:v47+s24+$0x0], $0xffff;
	v48 =	vsub.f32 v38, v10;
	v4 =	vadd.f32 v5, v4;
	v5 =	vmul.f32 v44, v44  }
0x452: {  	v51 =	vor.u32 $0x13, v3;
	v55 =	vor.u32 $0x14, v3;
	v7 =	vld.idx.msk [tilespmem:v37+s26+$0x0], $0xffff  }
0x453: {  	v14 =	vld.idx.msk [tilespmem:v41+s26+$0x0], $0xffff;
	v52 =	vsub.f32 v42, v8;
	v4 =	vadd.f32 v5, v4;
	v5 =	vmul.f32 v48, v48  }
0x454: {  	v59 =	vor.u32 $0x15, v3;
	v53 =	vor.u32 $0x14, v2;
	v54 =	vld.idx.msk [tilespmem:v43+s24+$0x0], $0xffff  }
0x455: {  	v11 =	vld.idx.msk [tilespmem:v45+s26+$0x0], $0xffff;
	v56 =	vsub.f32 v46, v9;
	v4 =	vadd.f32 v5, v4;
	v5 =	vmul.f32 v52, v52  }
0x456: {  	v63 =	vor.u32 $0x16, v3;
	v57 =	vor.u32 $0x15, v2;
	v10 =	vld.idx.msk [tilespmem:v49+s26+$0x0], $0xffff  }
0x457: {  	v62 =	vld.idx.msk [tilespmem:v51+s24+$0x0], $0xffff;
	v60 =	vsub.f32 v50, v7;
	v4 =	vadd.f32 v5, v4;
	v5 =	vmul.f32 v56, v56  }
0x458: {  	v61 =	vor.u32 $0x16, v2;
	v23 =	vld.idx.msk [tilespmem:v55+s24+$0x0], $0xffff  }
0x459: {  	v8 =	vld.idx.msk [tilespmem:v53+s26+$0x0], $0xffff;
	v21 =	vsub.f32 v54, v14;
	v4 =	vadd.f32 v5, v4;
	v5 =	vmul.f32 v60, v60  }
0x45a: {  	v27 =	vld.idx.msk [tilespmem:v59+s24+$0x0], $0xffff;
	v22 =	vor.u32 $0x17, v2;
	v25 =	vsub.f32 v58, v11  }
0x45b: {  	v9 =	vld.idx.msk [tilespmem:v57+s26+$0x0], $0xffff;
	v24 =	vor.u32 $0x17, v3;
	v4 =	vadd.f32 v5, v4;
	v5 =	vmul.f32 v21, v21  }
0x45c: {  	v31 =	vld.idx.msk [tilespmem:v63+s24+$0x0], $0xffff;
	v26 =	vor.u32 $0x18, v2;
	v29 =	vsub.f32 v62, v10  }
0x45d: {  	v7 =	vld.idx.msk [tilespmem:v61+s26+$0x0], $0xffff;
	v28 =	vor.u32 $0x18, v3;
	v4 =	vadd.f32 v5, v4;
	v5 =	vmul.f32 v25, v25  }
0x45e: {  	v30 =	vor.u32 $0x19, v2;
	v33 =	vsub.f32 v23, v8  }
0x45f: {  	v14 =	vld.idx.msk [tilespmem:v22+s26+$0x0], $0xffff;
	v32 =	vor.u32 $0x19, v3;
	v4 =	vadd.f32 v5, v4;
	v5 =	vmul.f32 v29, v29  }
0x460: {  	v34 =	vor.u32 $0x1A, v2;
	v37 =	vsub.f32 v27, v9;
	v35 =	vld.idx.msk [tilespmem:v24+s24+$0x0], $0xffff  }
0x461: {  	v11 =	vld.idx.msk [tilespmem:v26+s26+$0x0], $0xffff;
	v36 =	vor.u32 $0x1A, v3;
	v4 =	vadd.f32 v5, v4;
	v5 =	vmul.f32 v33, v33  }
0x462: {  	v38 =	vor.u32 $0x1B, v2;
	v41 =	vsub.f32 v31, v7;
	v39 =	vld.idx.msk [tilespmem:v28+s24+$0x0], $0xffff  }
0x463: {  	v10 =	vld.idx.msk [tilespmem:v30+s26+$0x0], $0xffff;
	v40 =	vor.u32 $0x1B, v3;
	v4 =	vadd.f32 v5, v4;
	v5 =	vmul.f32 v37, v37  }
0x464: {  	v42 =	vor.u32 $0x1C, v2;
	v43 =	vld.idx.msk [tilespmem:v32+s24+$0x0], $0xffff;
	v44 =	vor.u32 $0x1C, v3  }
0x465: {  	v8 =	vld.idx.msk [tilespmem:v34+s26+$0x0], $0xffff;
	v45 =	vsub.f32 v35, v14;
	v4 =	vadd.f32 v5, v4;
	v5 =	vmul.f32 v41, v41  }
0x466: {  	v46 =	vor.u32 $0x1D, v2;
	v47 =	vld.idx.msk [tilespmem:v36+s24+$0x0], $0xffff;
	v48 =	vor.u32 $0x1D, v3  }
0x467: {  	v9 =	vld.idx.msk [tilespmem:v38+s26+$0x0], $0xffff;
	v49 =	vsub.f32 v39, v11;
	v4 =	vadd.f32 v5, v4;
	v5 =	vmul.f32 v45, v45  }
0x468: {  	v50 =	vor.u32 $0x1E, v2;
	v51 =	vld.idx.msk [tilespmem:v40+s24+$0x0], $0xffff;
	v52 =	vor.u32 $0x1E, v3  }
0x469: {  	v7 =	vld.idx.msk [tilespmem:v42+s26+$0x0], $0xffff;
	v53 =	vsub.f32 v43, v10;
	v4 =	vadd.f32 v5, v4;
	v5 =	vmul.f32 v49, v49  }
0x46a: {  	v2 =	vor.u32 $0x1F, v2;
	v3 =	vor.u32 $0x1F, v3;
	v54 =	vld.idx.msk [tilespmem:v44+s24+$0x0], $0xffff  }
0x46b: {  	v55 =	vld.idx.msk [tilespmem:v46+s26+$0x0], $0xffff;
	v56 =	vsub.f32 v47, v8;
	v4 =	vadd.f32 v5, v4;
	v5 =	vmul.f32 v53, v53  }
0x46c: {  	v57 =	vld.idx.msk [tilespmem:v48+s24+$0x0], $0xffff  }
0x46d: {  	v11 =	vld.idx.msk [tilespmem:v50+s26+$0x0], $0xffff;
	v58 =	vsub.f32 v51, v9;
	v4 =	vadd.f32 v5, v4;
	v5 =	vmul.f32 v56, v56  }
0x46e: {  	v59 =	vld.idx.msk [tilespmem:v52+s24+$0x0], $0xffff  }
0x46f: {  	v2 =	vld.idx.msk [tilespmem:v2+s26+$0x0], $0xffff;
	v60 =	vsub.f32 v54, v7;
	v4 =	vadd.f32 v5, v4;
	v5 =	vmul.f32 v58, v58  }
0x470: {  	v3 =	vld.idx.msk [tilespmem:v3+s24+$0x0], $0xffff  }
0x471: {  	v61 =	vsub.f32 v57, v55;
	v4 =	vadd.f32 v5, v4;
	v5 =	vmul.f32 v60, v60;
	_ =	sdelay $0x1  }
0x472: {  	v62 =	vsub.f32 v59, v11;
	v4 =	vadd.f32 v5, v4;
	v5 =	vmul.f32 v61, v61;
	_ =	sdelay $0x1  }
0x473: {  	v2 =	vsub.f32 v3, v2;
	v4 =	vadd.f32 v5, v4;
	v5 =	vmul.f32 v62, v62;
	_ =	sdelay $0x1  }
0x474: {  	v2 =	vmul.f32 v2, v2;
	v3 =	vadd.f32 v5, v4;
	_ =	sdelay $0x1  }
0x475: {  	v2 =	vadd.f32 v2, v3;
	_ =	sdelay $0x1  }
0x476: {  	v3 =	vmax.f32 v2, $1.000000000e-30  }
0x477: {  	v4 =	vshrl.u32 v3, $0x1;
	v3 =	vmul.f32 $5.000000000e-01, v3  }
0x478: {  	v4 =	vsub.s32 $0x5F3759DF, v4  }
0x479: {  	v5 =	vmul.f32 v4, v3;
	_ =	sdelay $0x1  }
0x47a: {  	v5 =	vmul.f32 v4, v5;
	_ =	sdelay $0x1  }
0x47b: {  	v5 =	vsub.f32 $1.500000000e+00, v5;
	_ =	sdelay $0x1  }
0x47c: {  	v4 =	vmul.f32 v4, v5;
	_ =	sdelay $0x1  }
0x47d: {  	v5 =	vmul.f32 v4, v3;
	_ =	sdelay $0x1  }
0x47e: {  	v5 =	vmul.f32 v5, v4;
	_ =	sdelay $0x1  }
0x47f: {  	v5 =	vsub.f32 $1.500000000e+00, v5;
	_ =	sdelay $0x1  }
0x480: {  	v4 =	vmul.f32 v5, v4;
	_ =	sdelay $0x1  }
0x481: {  	s14 =	simm.s32 $0x10980;
	v3 =	vmul.f32 v4, v3  }
0x482: {  	v5 =	vld [tilespmem:s14+$0x0]  }
0x483: {  	s15 =	simm.s32 $0x10B80;
	v3 =	vmul.f32 v3, v4  }
0x484: {  	v63 =	vld [tilespmem:s15+$0x0]  }
0x485: {  	v3 =	vsub.f32 $1.500000000e+00, v3;
	_ =	sdelay $0x1  }
0x486: {  	v3 =	vmul.f32 v3, v4;
	v4 =	vadd.f32 v5, v1;
	_ =	sdelay $0x1  }
0x487: {  	v2 =	vmul.f32 v3, v2;
	v3 =	vadd.f32 v63, v4;
	_ =	sdelay $0x1  }
0x488: {  	v2 =	vsub.f32 v2, v3;
	_ =	sdelay $0x1  }
0x489: {  	v2 =	vadd.f32 $0.0e+00, v2;
	_ =	sdelay $0x1  }
0x48a: {  	v2 =	vmul.f32 $1.442695020e+00, v2;
	_ =	sdelay $0x1  }
0x48b: {  	(erf) = vpow2.f32 v2;
	_ =	sdelay $0x8  }
0x48c: {  	v2 =	vpop (erf)  }
0x48d: {  	v2 =	vadd.f32 $1.000000000e+00, v2;
	_ =	sdelay $0x1  }
0x48e: {  	(erf) = vrcp.f32 v2;
	_ =	sdelay $0x8  }
0x48f: {  	s16 =	simm.s32 $0x10E00;
	v2 =	vpop (erf)  }
0x490: {  	s19 =	simm.s32 $0x390;
	[tilespmem:s16+$0x0] =	vst v2  }
0x491: {  	v3 =	vld [tilespmem:s19+$0x0]  }
0x492: {  	s21 =	simm.s32 $0x190  }
0x493: {  	s25 =	simm.s32 $0x20;
	s23 =	simm.s32 $0x10;
	v2 =	vld [tilespmem:s21+$0x0]  }
.LBB2_10:
0x494: {  	p0 =	sne.s32 s25, $0x70  }
0x495: {  	v4 =	vmov s23;
	s23 =	smov.u32 s25  }
0x496: {  	v4 =	vshll.u32 v4, $0x7;
	v3 =	vshll.u32 v3, $0x5  }
0x497: {  	v4 =	vor.u32 v0, v4;
	v3 =	vand.u32 $0x60, v3  }
0x498: {  	v2 =	vshll.u32 v2, $0x5;
	v3 =	vor.u32 v4, v3  }
0x499: {  	v2 =	vand.u32 $0x60, v2;
	v5 =	vor.u32 $0x1, v3  }
0x49a: {  	v2 =	vor.u32 v4, v2  }
0x49b: {  	v4 =	vor.u32 $0x1, v2  }
0x49c: {  	v6 =	vor.u32 $0x2, v3  }
0x49d: {  	v8 =	vor.u32 $0x2, v2;
	v7 =	vld.idx.msk [tilespmem:v3+s26+$0x0], $0xffff  }
0x49e: {  	v9 =	vor.u32 $0x3, v3;
	v5 =	vld.idx.msk [tilespmem:v5+s26+$0x0], $0xffff  }
0x49f: {  	v11 =	vor.u32 $0x3, v2;
	v10 =	vld.idx.msk [tilespmem:v2+s24+$0x0], $0xffff  }
0x4a0: {  	v12 =	vor.u32 $0x4, v3;
	v4 =	vld.idx.msk [tilespmem:v4+s24+$0x0], $0xffff  }
0x4a1: {  	v13 =	vor.u32 $0x4, v2;
	v6 =	vld.idx.msk [tilespmem:v6+s26+$0x0], $0xffff  }
0x4a2: {  	v14 =	vor.u32 $0x5, v3;
	v8 =	vld.idx.msk [tilespmem:v8+s24+$0x0], $0xffff  }
0x4a3: {  	v15 =	vor.u32 $0x5, v2;
	v9 =	vld.idx.msk [tilespmem:v9+s26+$0x0], $0xffff  }
0x4a4: {  	v16 =	vor.u32 $0x6, v3;
	v11 =	vld.idx.msk [tilespmem:v11+s24+$0x0], $0xffff  }
0x4a5: {  	v17 =	vor.u32 $0x6, v2;
	v12 =	vld.idx.msk [tilespmem:v12+s26+$0x0], $0xffff  }
0x4a6: {  	v7 =	vsub.f32 v10, v7;
	v10 =	vor.u32 $0x7, v3;
	v4 =	vsub.f32 v4, v5;
	v5 =	vld.idx.msk [tilespmem:v13+s24+$0x0], $0xffff  }
0x4a7: {  	v18 =	vor.u32 $0x8, v3;
	v13 =	vld.idx.msk [tilespmem:v14+s26+$0x0], $0xffff;
	v14 =	vor.u32 $0x7, v2  }
0x4a8: {  	v7 =	vmul.f32 v7, v7;
	v4 =	vmul.f32 v4, v4;
	v6 =	vsub.f32 v8, v6;
	v8 =	vld.idx.msk [tilespmem:v15+s24+$0x0], $0xffff  }
0x4a9: {  	v19 =	vor.u32 $0x9, v3;
	v15 =	vld.idx.msk [tilespmem:v16+s26+$0x0], $0xffff;
	v16 =	vor.u32 $0x8, v2  }
0x4aa: {  	v4 =	vadd.f32 v4, v7;
	v6 =	vmul.f32 v6, v6;
	v7 =	vsub.f32 v11, v9;
	v9 =	vld.idx.msk [tilespmem:v17+s24+$0x0], $0xffff  }
0x4ab: {  	v11 =	vor.u32 $0x9, v2;
	v17 =	vor.u32 $0xA, v3;
	v10 =	vld.idx.msk [tilespmem:v10+s26+$0x0], $0xffff  }
0x4ac: {  	v4 =	vadd.f32 v6, v4;
	v6 =	vmul.f32 v7, v7;
	v5 =	vsub.f32 v5, v12;
	v7 =	vld.idx.msk [tilespmem:v14+s24+$0x0], $0xffff  }
0x4ad: {  	v14 =	vor.u32 $0xA, v2;
	v12 =	vld.idx.msk [tilespmem:v18+s26+$0x0], $0xffff;
	v18 =	vor.u32 $0xB, v3  }
0x4ae: {  	v4 =	vadd.f32 v6, v4;
	v5 =	vmul.f32 v5, v5;
	v6 =	vsub.f32 v8, v13;
	v8 =	vld.idx.msk [tilespmem:v16+s24+$0x0], $0xffff  }
0x4af: {  	v16 =	vor.u32 $0xB, v2;
	v13 =	vld.idx.msk [tilespmem:v19+s26+$0x0], $0xffff;
	v19 =	vor.u32 $0xC, v3  }
0x4b0: {  	v4 =	vadd.f32 v5, v4;
	v5 =	vmul.f32 v6, v6;
	v6 =	vsub.f32 v9, v15;
	v9 =	vld.idx.msk [tilespmem:v11+s24+$0x0], $0xffff  }
0x4b1: {  	v15 =	vor.u32 $0xC, v2;
	v11 =	vld.idx.msk [tilespmem:v17+s26+$0x0], $0xffff;
	v17 =	vor.u32 $0xD, v3  }
0x4b2: {  	v4 =	vadd.f32 v5, v4;
	v5 =	vmul.f32 v6, v6;
	v6 =	vsub.f32 v7, v10;
	v7 =	vld.idx.msk [tilespmem:v14+s24+$0x0], $0xffff  }
0x4b3: {  	v14 =	vor.u32 $0xD, v2;
	v10 =	vld.idx.msk [tilespmem:v18+s26+$0x0], $0xffff;
	v18 =	vor.u32 $0xE, v3  }
0x4b4: {  	v4 =	vadd.f32 v5, v4;
	v5 =	vmul.f32 v6, v6;
	v6 =	vsub.f32 v8, v12;
	v8 =	vld.idx.msk [tilespmem:v16+s24+$0x0], $0xffff  }
0x4b5: {  	v16 =	vor.u32 $0xE, v2;
	v12 =	vld.idx.msk [tilespmem:v19+s26+$0x0], $0xffff;
	v19 =	vor.u32 $0xF, v3  }
0x4b6: {  	v4 =	vadd.f32 v5, v4;
	v5 =	vmul.f32 v6, v6;
	v6 =	vsub.f32 v9, v13;
	v9 =	vld.idx.msk [tilespmem:v15+s24+$0x0], $0xffff  }
0x4b7: {  	v15 =	vor.u32 $0xF, v2;
	v13 =	vld.idx.msk [tilespmem:v17+s26+$0x0], $0xffff;
	v17 =	vor.u32 $0x10, v3  }
0x4b8: {  	v4 =	vadd.f32 v5, v4;
	v5 =	vmul.f32 v6, v6;
	v6 =	vsub.f32 v7, v11;
	v7 =	vld.idx.msk [tilespmem:v14+s24+$0x0], $0xffff  }
0x4b9: {  	v14 =	vor.u32 $0x10, v2;
	v11 =	vld.idx.msk [tilespmem:v18+s26+$0x0], $0xffff;
	v18 =	vor.u32 $0x11, v3  }
0x4ba: {  	v4 =	vadd.f32 v5, v4;
	v5 =	vmul.f32 v6, v6;
	v6 =	vsub.f32 v8, v10;
	v8 =	vld.idx.msk [tilespmem:v16+s24+$0x0], $0xffff  }
0x4bb: {  	v16 =	vor.u32 $0x11, v2;
	v10 =	vld.idx.msk [tilespmem:v19+s26+$0x0], $0xffff;
	v19 =	vor.u32 $0x12, v3  }
0x4bc: {  	v4 =	vadd.f32 v5, v4;
	v5 =	vmul.f32 v6, v6;
	v6 =	vsub.f32 v9, v12;
	v9 =	vld.idx.msk [tilespmem:v15+s24+$0x0], $0xffff  }
0x4bd: {  	v15 =	vor.u32 $0x12, v2;
	v12 =	vld.idx.msk [tilespmem:v17+s26+$0x0], $0xffff;
	v17 =	vor.u32 $0x13, v3  }
0x4be: {  	v4 =	vadd.f32 v5, v4;
	v5 =	vmul.f32 v6, v6;
	v6 =	vsub.f32 v7, v13;
	v7 =	vld.idx.msk [tilespmem:v14+s24+$0x0], $0xffff  }
0x4bf: {  	v14 =	vor.u32 $0x13, v2;
	v13 =	vld.idx.msk [tilespmem:v18+s26+$0x0], $0xffff;
	v18 =	vor.u32 $0x14, v3  }
0x4c0: {  	v4 =	vadd.f32 v5, v4;
	v5 =	vmul.f32 v6, v6;
	v6 =	vsub.f32 v8, v11;
	v8 =	vld.idx.msk [tilespmem:v16+s24+$0x0], $0xffff  }
0x4c1: {  	v16 =	vor.u32 $0x14, v2;
	v11 =	vld.idx.msk [tilespmem:v19+s26+$0x0], $0xffff;
	v19 =	vor.u32 $0x15, v3  }
0x4c2: {  	v4 =	vadd.f32 v5, v4;
	v5 =	vmul.f32 v6, v6;
	v6 =	vsub.f32 v9, v10;
	v9 =	vld.idx.msk [tilespmem:v15+s24+$0x0], $0xffff  }
0x4c3: {  	v15 =	vor.u32 $0x15, v2;
	v10 =	vld.idx.msk [tilespmem:v17+s26+$0x0], $0xffff;
	v17 =	vor.u32 $0x16, v3  }
0x4c4: {  	v4 =	vadd.f32 v5, v4;
	v5 =	vmul.f32 v6, v6;
	v6 =	vsub.f32 v7, v12;
	v7 =	vld.idx.msk [tilespmem:v14+s24+$0x0], $0xffff  }
0x4c5: {  	v14 =	vor.u32 $0x16, v2;
	v12 =	vld.idx.msk [tilespmem:v18+s26+$0x0], $0xffff;
	v18 =	vor.u32 $0x17, v3  }
0x4c6: {  	v4 =	vadd.f32 v5, v4;
	v5 =	vmul.f32 v6, v6;
	v6 =	vsub.f32 v8, v13;
	v8 =	vld.idx.msk [tilespmem:v16+s24+$0x0], $0xffff  }
0x4c7: {  	v16 =	vor.u32 $0x17, v2;
	v13 =	vld.idx.msk [tilespmem:v19+s26+$0x0], $0xffff;
	v19 =	vor.u32 $0x18, v3  }
0x4c8: {  	v4 =	vadd.f32 v5, v4;
	v5 =	vmul.f32 v6, v6;
	v6 =	vsub.f32 v9, v11;
	v9 =	vld.idx.msk [tilespmem:v15+s24+$0x0], $0xffff  }
0x4c9: {  	v15 =	vor.u32 $0x18, v2;
	v11 =	vld.idx.msk [tilespmem:v17+s26+$0x0], $0xffff;
	v17 =	vor.u32 $0x19, v3  }
0x4ca: {  	v4 =	vadd.f32 v5, v4;
	v5 =	vmul.f32 v6, v6;
	v6 =	vsub.f32 v7, v10;
	v7 =	vld.idx.msk [tilespmem:v14+s24+$0x0], $0xffff  }
0x4cb: {  	v14 =	vor.u32 $0x19, v2;
	v10 =	vld.idx.msk [tilespmem:v18+s26+$0x0], $0xffff;
	v18 =	vor.u32 $0x1A, v3  }
0x4cc: {  	v4 =	vadd.f32 v5, v4;
	v5 =	vmul.f32 v6, v6;
	v6 =	vsub.f32 v8, v12;
	v8 =	vld.idx.msk [tilespmem:v16+s24+$0x0], $0xffff  }
0x4cd: {  	v16 =	vor.u32 $0x1A, v2;
	v12 =	vld.idx.msk [tilespmem:v19+s26+$0x0], $0xffff;
	v19 =	vor.u32 $0x1B, v3  }
0x4ce: {  	v4 =	vadd.f32 v5, v4;
	v5 =	vmul.f32 v6, v6;
	v6 =	vsub.f32 v9, v13;
	v9 =	vld.idx.msk [tilespmem:v15+s24+$0x0], $0xffff  }
0x4cf: {  	v15 =	vor.u32 $0x1B, v2;
	v13 =	vld.idx.msk [tilespmem:v17+s26+$0x0], $0xffff;
	v17 =	vor.u32 $0x1C, v3  }
0x4d0: {  	v4 =	vadd.f32 v5, v4;
	v5 =	vmul.f32 v6, v6;
	v6 =	vsub.f32 v7, v11;
	v7 =	vld.idx.msk [tilespmem:v14+s24+$0x0], $0xffff  }
0x4d1: {  	v14 =	vor.u32 $0x1C, v2;
	v11 =	vld.idx.msk [tilespmem:v18+s26+$0x0], $0xffff;
	v18 =	vor.u32 $0x1D, v3  }
0x4d2: {  	v4 =	vadd.f32 v5, v4;
	v5 =	vmul.f32 v6, v6;
	v6 =	vsub.f32 v8, v10;
	v8 =	vld.idx.msk [tilespmem:v16+s24+$0x0], $0xffff  }
0x4d3: {  	v16 =	vor.u32 $0x1D, v2;
	v10 =	vld.idx.msk [tilespmem:v19+s26+$0x0], $0xffff;
	v19 =	vor.u32 $0x1E, v3  }
0x4d4: {  	v4 =	vadd.f32 v5, v4;
	v5 =	vmul.f32 v6, v6;
	v6 =	vsub.f32 v9, v12;
	v9 =	vld.idx.msk [tilespmem:v15+s24+$0x0], $0xffff  }
0x4d5: {  	v3 =	vor.u32 $0x1F, v3;
	v15 =	vor.u32 $0x1E, v2;
	v12 =	vld.idx.msk [tilespmem:v17+s26+$0x0], $0xffff  }
0x4d6: {  	v4 =	vadd.f32 v5, v4;
	v5 =	vmul.f32 v6, v6;
	v6 =	vsub.f32 v7, v13;
	v7 =	vld.idx.msk [tilespmem:v14+s24+$0x0], $0xffff  }
0x4d7: {  	v2 =	vor.u32 $0x1F, v2;
	v13 =	vld.idx.msk [tilespmem:v18+s26+$0x0], $0xffff  }
0x4d8: {  	v4 =	vadd.f32 v5, v4;
	v5 =	vmul.f32 v6, v6;
	v6 =	vsub.f32 v8, v11;
	v8 =	vld.idx.msk [tilespmem:v16+s24+$0x0], $0xffff  }
0x4d9: {  	v11 =	vld.idx.msk [tilespmem:v19+s26+$0x0], $0xffff  }
0x4da: {  	v4 =	vadd.f32 v5, v4;
	v5 =	vmul.f32 v6, v6;
	v6 =	vsub.f32 v9, v10;
	v9 =	vld.idx.msk [tilespmem:v15+s24+$0x0], $0xffff  }
0x4db: {  	v3 =	vld.idx.msk [tilespmem:v3+s26+$0x0], $0xffff  }
0x4dc: {  	v4 =	vadd.f32 v5, v4;
	v5 =	vmul.f32 v6, v6;
	v6 =	vsub.f32 v7, v12;
	v2 =	vld.idx.msk [tilespmem:v2+s24+$0x0], $0xffff;
	_ =	sdelay $0x1  }
0x4dd: {  	v4 =	vadd.f32 v5, v4;
	v5 =	vmul.f32 v6, v6;
	v6 =	vsub.f32 v8, v13;
	_ =	sdelay $0x1  }
0x4de: {  	v4 =	vadd.f32 v5, v4;
	v5 =	vmul.f32 v6, v6;
	v6 =	vsub.f32 v9, v11;
	_ =	sdelay $0x1  }
0x4df: {  	v4 =	vadd.f32 v5, v4;
	v5 =	vmul.f32 v6, v6;
	v2 =	vsub.f32 v2, v3;
	_ =	sdelay $0x1  }
0x4e0: {  	v3 =	vadd.f32 v5, v4;
	v2 =	vmul.f32 v2, v2;
	_ =	sdelay $0x1  }
0x4e1: {  	v2 =	vadd.f32 v2, v3;
	_ =	sdelay $0x1  }
0x4e2: {  	v3 =	vmax.f32 v2, $1.000000000e-30  }
0x4e3: {  	v4 =	vshrl.u32 v3, $0x1;
	v3 =	vmul.f32 $5.000000000e-01, v3  }
0x4e4: {  	v4 =	vsub.s32 $0x5F3759DF, v4  }
0x4e5: {  	v5 =	vmul.f32 v4, v3;
	_ =	sdelay $0x1  }
0x4e6: {  	v5 =	vmul.f32 v4, v5;
	_ =	sdelay $0x1  }
0x4e7: {  	v5 =	vsub.f32 $1.500000000e+00, v5;
	_ =	sdelay $0x1  }
0x4e8: {  	v4 =	vmul.f32 v4, v5;
	_ =	sdelay $0x1  }
0x4e9: {  	v5 =	vmul.f32 v4, v3;
	_ =	sdelay $0x1  }
0x4ea: {  	v5 =	vmul.f32 v5, v4;
	_ =	sdelay $0x1  }
0x4eb: {  	v5 =	vsub.f32 $1.500000000e+00, v5;
	_ =	sdelay $0x1  }
0x4ec: {  	v4 =	vmul.f32 v5, v4;
	_ =	sdelay $0x1  }
0x4ed: {  	s14 =	sadd.s32 $0x10, s14;
	v3 =	vmul.f32 v4, v3  }
0x4ee: {  	v5 =	vld [tilespmem:s14+$0x0]  }
0x4ef: {  	s15 =	sadd.s32 $0x10, s15;
	v3 =	vmul.f32 v3, v4  }
0x4f0: {  	v6 =	vld [tilespmem:s15+$0x0]  }
0x4f1: {  	v3 =	vsub.f32 $1.500000000e+00, v3;
	_ =	sdelay $0x1  }
0x4f2: {  	v3 =	vmul.f32 v3, v4;
	v4 =	vadd.f32 v5, v1;
	_ =	sdelay $0x1  }
0x4f3: {  	v2 =	vmul.f32 v3, v2;
	v3 =	vadd.f32 v6, v4;
	_ =	sdelay $0x1  }
0x4f4: {  	v2 =	vsub.f32 v2, v3;
	_ =	sdelay $0x1  }
0x4f5: {  	v2 =	vadd.f32 $0.0e+00, v2;
	_ =	sdelay $0x1  }
0x4f6: {  	v2 =	vmul.f32 $1.442695020e+00, v2;
	_ =	sdelay $0x1  }
0x4f7: {  	(erf) = vpow2.f32 v2;
	_ =	sdelay $0x8  }
0x4f8: {  	v2 =	vpop (erf)  }
0x4f9: {  	v2 =	vadd.f32 $1.000000000e+00, v2;
	_ =	sdelay $0x1  }
0x4fa: {  	(erf) = vrcp.f32 v2;
	_ =	sdelay $0x8  }
.Ltmp4:
0x4fb: {  	s16 =	sadd.s32 $0x10, s16;
	v2 =	vpop (erf);
	(pc) =	sbr.rel @p0 .LBB2_10-.Ltmp4, $4  }
0x4fc: {  	s19 =	sadd.s32 $0x10, s19;
	[tilespmem:s16+$0x0] =	vst v2  }
0x4fd: {  	v3 =	vld [tilespmem:s19+$0x0]  }
0x4fe: {  	s21 =	sadd.s32 $0x10, s21  }
0x4ff: {  	s25 =	sadd.s32 $0x10, s25;
	v2 =	vld [tilespmem:s21+$0x0]  }
0x500: {  	_ = 	snop  }
0x501: {  	v4 =	vmov s23  }
0x502: {  	v4 =	vshll.u32 v4, $0x7;
	v3 =	vshll.u32 v3, $0x5  }
0x503: {  	v4 =	vor.u32 v0, v4;
	v3 =	vand.u32 $0x60, v3  }
0x504: {  	v5 =	vshll.u32 v2, $0x5;
	v2 =	vor.u32 v4, v3  }
0x505: {  	v3 =	vand.u32 $0x60, v5;
	v60 =	vor.u32 $0x1, v2  }
0x506: {  	v3 =	vor.u32 v4, v3  }
0x507: {  	v4 =	vor.u32 $0x1, v3  }
0x508: {  	v6 =	vor.u32 $0x2, v2  }
0x509: {  	v8 =	vor.u32 $0x2, v3;
	v7 =	vld.idx.msk [tilespmem:v2+s26+$0x0], $0xffff  }
0x50a: {  	v9 =	vor.u32 $0x3, v2;
	v5 =	vld.idx.msk [tilespmem:v60+s26+$0x0], $0xffff  }
0x50b: {  	v11 =	vor.u32 $0x3, v3;
	v10 =	vld.idx.msk [tilespmem:v3+s24+$0x0], $0xffff  }
0x50c: {  	v12 =	vor.u32 $0x4, v2;
	v4 =	vld.idx.msk [tilespmem:v4+s24+$0x0], $0xffff  }
0x50d: {  	v13 =	vor.u32 $0x4, v3;
	v6 =	vld.idx.msk [tilespmem:v6+s26+$0x0], $0xffff  }
0x50e: {  	v14 =	vor.u32 $0x5, v2;
	v8 =	vld.idx.msk [tilespmem:v8+s24+$0x0], $0xffff  }
0x50f: {  	v15 =	vor.u32 $0x5, v3;
	v9 =	vld.idx.msk [tilespmem:v9+s26+$0x0], $0xffff  }
0x510: {  	v16 =	vor.u32 $0x6, v2;
	v11 =	vld.idx.msk [tilespmem:v11+s24+$0x0], $0xffff  }
0x511: {  	v17 =	vor.u32 $0x6, v3;
	v12 =	vld.idx.msk [tilespmem:v12+s26+$0x0], $0xffff;
	v7 =	vsub.f32 v10, v7;
	v4 =	vsub.f32 v4, v5  }
0x512: {  	v62 =	vor.u32 $0x7, v2;
	v63 =	vor.u32 $0x7, v3;
	v61 =	vld.idx.msk [tilespmem:v13+s24+$0x0], $0xffff  }
0x513: {  	v14 =	vld.idx.msk [tilespmem:v14+s26+$0x0], $0xffff;
	v6 =	vsub.f32 v8, v6;
	v7 =	vmul.f32 v7, v7;
	v4 =	vmul.f32 v4, v4  }
0x514: {  	v21 =	vor.u32 $0x8, v2;
	v18 =	vor.u32 $0x8, v3;
	v15 =	vld.idx.msk [tilespmem:v15+s24+$0x0], $0xffff  }
0x515: {  	v16 =	vld.idx.msk [tilespmem:v16+s26+$0x0], $0xffff;
	v22 =	vsub.f32 v11, v9;
	v6 =	vmul.f32 v6, v6;
	v4 =	vadd.f32 v4, v7  }
0x516: {  	v23 =	vor.u32 $0x9, v2;
	v25 =	vor.u32 $0x9, v3;
	v24 =	vld.idx.msk [tilespmem:v17+s24+$0x0], $0xffff  }
0x517: {  	v28 =	vld.idx.msk [tilespmem:v63+s24+$0x0], $0xffff;
	v5 =	vsub.f32 v61, v12;
	v26 =	vmul.f32 v22, v22;
	v4 =	vadd.f32 v6, v4  }
0x518: {  	v27 =	vor.u32 $0xA, v2;
	v29 =	vor.u32 $0xA, v3;
	v10 =	vld.idx.msk [tilespmem:v62+s26+$0x0], $0xffff  }
0x519: {  	v32 =	vld.idx.msk [tilespmem:v18+s24+$0x0], $0xffff;
	v30 =	vsub.f32 v15, v14;
	v5 =	vmul.f32 v5, v5;
	v4 =	vadd.f32 v26, v4  }
0x51a: {  	v31 =	vor.u32 $0xB, v2;
	v33 =	vor.u32 $0xB, v3;
	v8 =	vld.idx.msk [tilespmem:v21+s26+$0x0], $0xffff  }
0x51b: {  	v37 =	vld.idx.msk [tilespmem:v25+s24+$0x0], $0xffff;
	v35 =	vsub.f32 v24, v16;
	v34 =	vmul.f32 v30, v30;
	v4 =	vadd.f32 v5, v4  }
0x51c: {  	v36 =	vor.u32 $0xC, v2;
	v38 =	vor.u32 $0xC, v3;
	v9 =	vld.idx.msk [tilespmem:v23+s26+$0x0], $0xffff  }
0x51d: {  	v42 =	vld.idx.msk [tilespmem:v29+s24+$0x0], $0xffff;
	v39 =	vmul.f32 v35, v35;
	v40 =	vsub.f32 v28, v10;
	v4 =	vadd.f32 v34, v4  }
0x51e: {  	v41 =	vor.u32 $0xD, v2;
	v43 =	vor.u32 $0xD, v3;
	v7 =	vld.idx.msk [tilespmem:v27+s26+$0x0], $0xffff  }
0x51f: {  	v47 =	vld.idx.msk [tilespmem:v33+s24+$0x0], $0xffff;
	v45 =	vsub.f32 v32, v8;
	v44 =	vmul.f32 v40, v40;
	v4 =	vadd.f32 v39, v4  }
0x520: {  	v46 =	vor.u32 $0xE, v2;
	v48 =	vor.u32 $0xE, v3;
	v14 =	vld.idx.msk [tilespmem:v31+s26+$0x0], $0xffff  }
0x521: {  	v52 =	vld.idx.msk [tilespmem:v38+s24+$0x0], $0xffff;
	v50 =	vsub.f32 v37, v9;
	v49 =	vmul.f32 v45, v45;
	v4 =	vadd.f32 v44, v4  }
0x522: {  	v51 =	vor.u32 $0xF, v2;
	v53 =	vor.u32 $0xF, v3;
	v11 =	vld.idx.msk [tilespmem:v36+s26+$0x0], $0xffff  }
0x523: {  	v57 =	vld.idx.msk [tilespmem:v43+s24+$0x0], $0xffff;
	v54 =	vmul.f32 v50, v50;
	v55 =	vsub.f32 v42, v7;
	v4 =	vadd.f32 v49, v4  }
0x524: {  	v56 =	vor.u32 $0x10, v2;
	v58 =	vor.u32 $0x10, v3;
	v10 =	vld.idx.msk [tilespmem:v41+s26+$0x0], $0xffff  }
0x525: {  	v62 =	vld.idx.msk [tilespmem:v48+s24+$0x0], $0xffff;
	v60 =	vsub.f32 v47, v14;
	v59 =	vmul.f32 v55, v55;
	v4 =	vadd.f32 v54, v4  }
0x526: {  	v63 =	vor.u32 $0x11, v3;
	v61 =	vor.u32 $0x11, v2;
	v8 =	vld.idx.msk [tilespmem:v46+s26+$0x0], $0xffff  }
0x527: {  	v24 =	vld.idx.msk [tilespmem:v53+s24+$0x0], $0xffff;
	v22 =	vsub.f32 v52, v11;
	v21 =	vmul.f32 v60, v60;
	v4 =	vadd.f32 v59, v4  }
0x528: {  	v25 =	vor.u32 $0x12, v3;
	v23 =	vor.u32 $0x12, v2;
	v9 =	vld.idx.msk [tilespmem:v51+s26+$0x0], $0xffff  }
0x529: {  	v29 =	vld.idx.msk [tilespmem:v58+s24+$0x0], $0xffff;
	v26 =	vmul.f32 v22, v22;
	v27 =	vsub.f32 v57, v10;
	v4 =	vadd.f32 v21, v4  }
0x52a: {  	v30 =	vor.u32 $0x13, v3;
	v28 =	vor.u32 $0x13, v2;
	v7 =	vld.idx.msk [tilespmem:v56+s26+$0x0], $0xffff  }
0x52b: {  	v14 =	vld.idx.msk [tilespmem:v61+s26+$0x0], $0xffff;
	v32 =	vsub.f32 v62, v8;
	v31 =	vmul.f32 v27, v27;
	v4 =	vadd.f32 v26, v4  }
0x52c: {  	v33 =	vor.u32 $0x14, v2;
	v35 =	vor.u32 $0x14, v3;
	v34 =	vld.idx.msk [tilespmem:v63+s24+$0x0], $0xffff  }
0x52d: {  	v11 =	vld.idx.msk [tilespmem:v23+s26+$0x0], $0xffff;
	v37 =	vsub.f32 v24, v9;
	v36 =	vmul.f32 v32, v32;
	v4 =	vadd.f32 v31, v4  }
0x52e: {  	v38 =	vor.u32 $0x15, v2;
	v40 =	vor.u32 $0x15, v3;
	v39 =	vld.idx.msk [tilespmem:v25+s24+$0x0], $0xffff  }
0x52f: {  	v10 =	vld.idx.msk [tilespmem:v28+s26+$0x0], $0xffff;
	v41 =	vmul.f32 v37, v37;
	v42 =	vsub.f32 v29, v7;
	v4 =	vadd.f32 v36, v4  }
0x530: {  	v43 =	vor.u32 $0x16, v2;
	v45 =	vor.u32 $0x16, v3;
	v44 =	vld.idx.msk [tilespmem:v30+s24+$0x0], $0xffff  }
0x531: {  	v8 =	vld.idx.msk [tilespmem:v33+s26+$0x0], $0xffff;
	v46 =	vmul.f32 v42, v42;
	v47 =	vsub.f32 v34, v14;
	v4 =	vadd.f32 v41, v4  }
0x532: {  	v48 =	vor.u32 $0x17, v2;
	v50 =	vor.u32 $0x17, v3;
	v49 =	vld.idx.msk [tilespmem:v35+s24+$0x0], $0xffff  }
0x533: {  	v9 =	vld.idx.msk [tilespmem:v38+s26+$0x0], $0xffff;
	v51 =	vmul.f32 v47, v47;
	v52 =	vsub.f32 v39, v11;
	v4 =	vadd.f32 v46, v4  }
0x534: {  	v53 =	vor.u32 $0x18, v2;
	v55 =	vor.u32 $0x18, v3;
	v54 =	vld.idx.msk [tilespmem:v40+s24+$0x0], $0xffff  }
0x535: {  	v7 =	vld.idx.msk [tilespmem:v43+s26+$0x0], $0xffff;
	v56 =	vmul.f32 v52, v52;
	v57 =	vsub.f32 v44, v10;
	v4 =	vadd.f32 v51, v4  }
0x536: {  	v58 =	vor.u32 $0x19, v2;
	v60 =	vor.u32 $0x19, v3;
	v59 =	vld.idx.msk [tilespmem:v45+s24+$0x0], $0xffff  }
0x537: {  	v14 =	vld.idx.msk [tilespmem:v48+s26+$0x0], $0xffff;
	v61 =	vmul.f32 v57, v57;
	v62 =	vsub.f32 v49, v8;
	v4 =	vadd.f32 v56, v4  }
0x538: {  	v22 =	vor.u32 $0x1A, v3;
	v63 =	vor.u32 $0x1A, v2;
	v21 =	vld.idx.msk [tilespmem:v50+s24+$0x0], $0xffff  }
0x539: {  	v11 =	vld.idx.msk [tilespmem:v53+s26+$0x0], $0xffff;
	v23 =	vmul.f32 v62, v62;
	v24 =	vsub.f32 v54, v9;
	v4 =	vadd.f32 v61, v4  }
0x53a: {  	v27 =	vor.u32 $0x1B, v3;
	v25 =	vor.u32 $0x1B, v2;
	v26 =	vld.idx.msk [tilespmem:v55+s24+$0x0], $0xffff  }
0x53b: {  	v10 =	vld.idx.msk [tilespmem:v58+s26+$0x0], $0xffff;
	v28 =	vmul.f32 v24, v24;
	v29 =	vsub.f32 v59, v7;
	v4 =	vadd.f32 v23, v4  }
0x53c: {  	v32 =	vor.u32 $0x1C, v3;
	v30 =	vor.u32 $0x1C, v2;
	v31 =	vld.idx.msk [tilespmem:v60+s24+$0x0], $0xffff  }
0x53d: {  	v8 =	vld.idx.msk [tilespmem:v63+s26+$0x0], $0xffff;
	v33 =	vmul.f32 v29, v29;
	v34 =	vsub.f32 v21, v14;
	v4 =	vadd.f32 v28, v4  }
0x53e: {  	v37 =	vor.u32 $0x1D, v3;
	v35 =	vor.u32 $0x1D, v2;
	v36 =	vld.idx.msk [tilespmem:v22+s24+$0x0], $0xffff  }
0x53f: {  	v9 =	vld.idx.msk [tilespmem:v25+s26+$0x0], $0xffff;
	v38 =	vmul.f32 v34, v34;
	v39 =	vsub.f32 v26, v11;
	v4 =	vadd.f32 v33, v4  }
0x540: {  	v42 =	vor.u32 $0x1E, v3;
	v40 =	vor.u32 $0x1E, v2;
	v41 =	vld.idx.msk [tilespmem:v27+s24+$0x0], $0xffff  }
0x541: {  	v45 =	vld.idx.msk [tilespmem:v32+s24+$0x0], $0xffff;
	v43 =	vmul.f32 v39, v39;
	v44 =	vsub.f32 v31, v10;
	v4 =	vadd.f32 v38, v4  }
0x542: {  	v3 =	vor.u32 $0x1F, v3;
	v2 =	vor.u32 $0x1F, v2;
	v7 =	vld.idx.msk [tilespmem:v30+s26+$0x0], $0xffff  }
0x543: {  	v49 =	vld.idx.msk [tilespmem:v37+s24+$0x0], $0xffff;
	v47 =	vmul.f32 v44, v44;
	v48 =	vsub.f32 v36, v8;
	v4 =	vadd.f32 v43, v4  }
0x544: {  	v46 =	vld.idx.msk [tilespmem:v35+s26+$0x0], $0xffff  }
0x545: {  	v52 =	vld.idx.msk [tilespmem:v42+s24+$0x0], $0xffff;
	v50 =	vmul.f32 v48, v48;
	v51 =	vsub.f32 v41, v9;
	v4 =	vadd.f32 v47, v4  }
0x546: {  	v11 =	vld.idx.msk [tilespmem:v40+s26+$0x0], $0xffff  }
0x547: {  	v3 =	vld.idx.msk [tilespmem:v3+s24+$0x0], $0xffff;
	v54 =	vsub.f32 v45, v7;
	v53 =	vmul.f32 v51, v51;
	v4 =	vadd.f32 v50, v4  }
0x548: {  	v2 =	vld.idx.msk [tilespmem:v2+s26+$0x0], $0xffff  }
0x549: {  	v55 =	vmul.f32 v54, v54;
	v56 =	vsub.f32 v49, v46;
	v4 =	vadd.f32 v53, v4;
	_ =	sdelay $0x1  }
0x54a: {  	v58 =	vsub.f32 v52, v11;
	v57 =	vmul.f32 v56, v56;
	v4 =	vadd.f32 v55, v4;
	_ =	sdelay $0x1  }
0x54b: {  	v2 =	vsub.f32 v3, v2;
	v59 =	vmul.f32 v58, v58;
	v4 =	vadd.f32 v57, v4;
	_ =	sdelay $0x1  }
0x54c: {  	v2 =	vmul.f32 v2, v2;
	v3 =	vadd.f32 v59, v4;
	_ =	sdelay $0x1  }
0x54d: {  	v2 =	vadd.f32 v2, v3;
	_ =	sdelay $0x1  }
0x54e: {  	v3 =	vmax.f32 v2, $1.000000000e-30  }
0x54f: {  	v60 =	vshrl.u32 v3, $0x1;
	v3 =	vmul.f32 $5.000000000e-01, v3  }
0x550: {  	v4 =	vsub.s32 $0x5F3759DF, v60  }
0x551: {  	v61 =	vmul.f32 v4, v3;
	_ =	sdelay $0x1  }
0x552: {  	v5 =	vmul.f32 v4, v61;
	_ =	sdelay $0x1  }
0x553: {  	v5 =	vsub.f32 $1.500000000e+00, v5;
	_ =	sdelay $0x1  }
0x554: {  	v4 =	vmul.f32 v4, v5;
	_ =	sdelay $0x1  }
0x555: {  	v5 =	vmul.f32 v4, v3;
	_ =	sdelay $0x1  }
0x556: {  	v5 =	vmul.f32 v5, v4;
	_ =	sdelay $0x1  }
0x557: {  	v5 =	vsub.f32 $1.500000000e+00, v5;
	_ =	sdelay $0x1  }
0x558: {  	v4 =	vmul.f32 v5, v4;
	_ =	sdelay $0x1  }
0x559: {  	s14 =	sadd.s32 $0x10, s14;
	v3 =	vmul.f32 v4, v3  }
0x55a: {  	v62 =	vld [tilespmem:s14+$0x0]  }
0x55b: {  	s23 =	sadd.s32 $0x10, s15;
	v3 =	vmul.f32 v3, v4  }
0x55c: {  	v63 =	vld [tilespmem:s23+$0x0]  }
0x55d: {  	v3 =	vsub.f32 $1.500000000e+00, v3;
	_ =	sdelay $0x1  }
0x55e: {  	v1 =	vadd.f32 v62, v1;
	v3 =	vmul.f32 v3, v4;
	_ =	sdelay $0x1  }
0x55f: {  	v1 =	vadd.f32 v63, v1;
	v2 =	vmul.f32 v3, v2;
	_ =	sdelay $0x1  }
0x560: {  	v1 =	vsub.f32 v2, v1;
	_ =	sdelay $0x1  }
0x561: {  	v1 =	vadd.f32 $0.0e+00, v1;
	_ =	sdelay $0x1  }
0x562: {  	v1 =	vmul.f32 $1.442695020e+00, v1;
	_ =	sdelay $0x1  }
0x563: {  	(erf) = vpow2.f32 v1;
	_ =	sdelay $0x8  }
0x564: {  	v1 =	vpop (erf)  }
0x565: {  	v1 =	vadd.f32 $1.000000000e+00, v1;
	_ =	sdelay $0x1  }
0x566: {  	(erf) = vrcp.f32 v1;
	_ =	sdelay $0x7  }
0x567: {  	s2 =	sadd.s32 $0x1, s2  }
0x568: {  	s25 =	sadd.s32 $0x10, s16;
	p0 =	sne.s32 s2, s11;
	v1 =	vpop (erf)  }
.Ltmp5:
0x569: {  	[tilespmem:s25+$0x0] =	vst v1;
	(pc) =	sbr.rel @p0 .LBB2_1-.Ltmp5, $4  }
0x56a: {  	[hbm4b:s10+s3] =	stream.linear.scatter [tilespmem:s1], [sflag:$0x4], $0x200, $0x38;
	[tilespmem:$0x10E80] =	vst v63  }
0x56b: {  	_ =	swait.ge [sflag:s12], $0x200  }
0x56c: {  	[sflag:s12] =	ssyncset.done $0x0  }
0x56d: {  	[sflag:s12] =	ssyncadd.s32 $0xFFFFFE00  }
0x56e: {  	_ =	sfence.sel $0x180000  }
0x56f: {  	[bflag:$0x0] =	sbarrier.arrive $0xFFFF  }
0x570: {  	_ =	strace $0x90000047  }
0x571: {  	s0 =	stileid.u32;
	[bflag:$0x2] =	sbarrier.arrive $0xFFFF  }
0x572: {  	p0 =	sne.s32 s0, $0x0;
	s0 =	rddreg [dreg:$0x6]  }
0x573: {  	s0 =	sadd.s32 @!p0 $0x100000, s0  }
0x574: {  	[sflag:s0] =	ssyncadd.tile.s32 @!p0 $0x1;
	_ =	shalt  }
.Lfunc_end2:
_tile_overlayer_lowered:
.L_overlay_start_2:
0x575: {  	(tag) =	ssettag $0x2  }
0x576: {  	s0 =	rddreg [dreg:$0x0];
	s2 =	stileid.u32  }
0x577: {  	s1 =	rddreg [dreg:$0x1];
	p0 =	sne.s32 s2, $0x0  }
0x578: {  	s3 =	rddreg [dreg:$0x2];
	[bflag:$0x3] =	sbarrier.arrive $0xFFFF;
	s2 =	simm.s32 @!p0 $0x1C04  }
0x579: {  	[timem:s3], [sflag:s2] =	dma.local @!p0 [hbm:s0], s1  }
0x57a: {  	s0 =	simm.s32 @!p0 $0x4  }
0x57b: {  	_ =	swait.ge @!p0 [sflag:s0], s1  }
0x57c: {  	s1 =	ssub.s32 @!p0 $0x0, s1;
	[sflag:s0] =	ssyncset.done @!p0 $0x0  }
0x57d: {  	[sflag:s0] =	ssyncadd.s32 @!p0 s1  }
0x57e: {  	[bflag:$0x3] =	sbarrier.arrive $0xFFFF  }
0x57f: {  	_ =	shalt  }

</sc_bundles>
